<compile_context>
chip_gen: v7x
topology: tpu7x:2x2x1
jax: 0.10.2.dev20260603
libtpu: 0.0.44.dev20260713+nightly
codegen_flags: <defaults>
</compile_context>

<pallas_src>
import functools

import jax
import jax.numpy as jnp
from jax import lax
from jax.experimental import pallas as pl
from jax.experimental.pallas import tpu as pltpu, tpu_sc as plsc

B, N, KNN = 4, 2048, 30
NT = 8
T = N // NT
TK = T * KNN
EPS = 1e-5
CNT_EDGE = float(B * N * KNN)
CNT_PT = float(B * N)
NEG_INF = float("-inf")


def _bmm(a, b):
    return jnp.dot(a.astype(jnp.bfloat16), b.astype(jnp.bfloat16),
                   preferred_element_type=jnp.float32)


def _knn_body(xt_t_ref, xt_f_ref, idx_ref):
    a = xt_t_ref[0]
    f = xt_f_ref[0]
    xxa = jnp.sum(a * a, axis=-1)
    xxf = jnp.sum(f * f, axis=-1)
    nd = (2.0 * lax.dot_general(a.astype(jnp.bfloat16), f.astype(jnp.bfloat16),
                                (((1,), (1,)), ((), ())),
                                preferred_element_type=jnp.float32)
          - xxa[:, None] - xxf[None, :])
    iota = lax.broadcasted_iota(jnp.int32, (T, N), 1)
    bofs = pl.program_id(0) * N
    idx_ref[0] = jnp.zeros((T, 32), jnp.int32)
    for j in range(KNN):
        v = jnp.max(nd, axis=1, keepdims=True)
        pos = jnp.min(jnp.where(nd == v, iota, N), axis=1, keepdims=True)
        idx_ref[0, :, j] = pos[:, 0] + bofs
        nd = jnp.where(iota == pos, NEG_INF, nd)


def _knn(xt):
    c = xt.shape[-1]
    return pl.pallas_call(
        _knn_body,
        grid=(B, NT),
        in_specs=[
            pl.BlockSpec((1, T, c), lambda b, t: (b, t, 0)),
            pl.BlockSpec((1, N, c), lambda b, t: (b, 0, 0)),
        ],
        out_specs=pl.BlockSpec((1, T, 32), lambda b, t: (b, t, 0)),
        out_shape=jax.ShapeDtypeStruct((B, N, 32), jnp.int32),
    )(xt, xt)


def _make_sc_gather(R, D):
    M = B * N * KNN
    info = plsc.get_sparse_core_info()
    NC, NS = info.num_cores, info.num_subcores
    b_per_w = M // (NC * NS)
    C = min(b_per_w, 393216 // (D * 4) // 8 * 8)
    while b_per_w % C:
        C -= 8
    mesh = plsc.VectorSubcoreMesh(core_axis_name="c", subcore_axis_name="s")

    @functools.partial(
        pl.kernel, mesh=mesh,
        compiler_params=pltpu.CompilerParams(use_tc_tiling_on_sc=False),
        out_type=jax.ShapeDtypeStruct((M, D), jnp.float32),
        scratch_types=[
            pltpu.VMEM((C,), jnp.int32),
            pltpu.VMEM((C, D), jnp.float32),
            pltpu.SemaphoreType.DMA,
        ],
    )
    def gather(table_hbm, idx_hbm, out_hbm, idx_v, rows_v, sem):
        wid = lax.axis_index("s") * NC + lax.axis_index("c")
        base = wid * b_per_w
        for ci in range(b_per_w // C):
            off = base + ci * C
            pltpu.sync_copy(idx_hbm.at[pl.ds(off, C)], idx_v)
            pltpu.async_copy(table_hbm.at[idx_v], rows_v, sem).wait()
            pltpu.sync_copy(rows_v, out_hbm.at[pl.ds(off, C)])

    return gather


_gather8 = _make_sc_gather(B * N, 8)
_gather64 = _make_sc_gather(B * N, 64)


def _bn_relu(y, s1, s2, cnt):
    mu = s1[...] / cnt
    var = s2[...] / cnt - mu * mu
    return jax.nn.relu((y - mu) * lax.rsqrt(var + EPS))


def _cc_body(o1, o2, pool_mean, g_ref, xc_ref, w1_ref, w2_ref,
             m_ref, s1a, s2a, s1b, s2b):
    p = pl.program_id(0)
    bi = pl.program_id(1)
    ti = pl.program_id(2)

    @pl.when((p == 0) & (bi == 0) & (ti == 0))
    def _():
        s1a[...] = jnp.zeros_like(s1a)
        s2a[...] = jnp.zeros_like(s2a)
        s1b[...] = jnp.zeros_like(s1b)
        s2b[...] = jnp.zeros_like(s2b)

    g = g_ref[0]
    xc = xc_ref[0]
    c = xc.shape[-1]
    xcr = jnp.broadcast_to(xc[:, None, :], (T, KNN, c)).reshape(TK, c)
    e = jnp.concatenate([g - xcr, xcr], axis=-1)
    y1 = _bmm(e, w1_ref[...])

    @pl.when(p == 0)
    def _():
        s1a[...] += jnp.sum(y1, axis=0).reshape(1, o1)
        s2a[...] += jnp.sum(y1 * y1, axis=0).reshape(1, o1)

    @pl.when(p > 0)
    def _():
        z1 = _bn_relu(y1, s1a, s2a, CNT_EDGE)
        y2 = _bmm(z1, w2_ref[...])

        @pl.when(p == 1)
        def _():
            s1b[...] += jnp.sum(y2, axis=0).reshape(1, o2)
            s2b[...] += jnp.sum(y2 * y2, axis=0).reshape(1, o2)

        @pl.when(p == 2)
        def _():
            z2 = _bn_relu(y2, s1b, s2b, CNT_EDGE).reshape(T, KNN, o2)
            mx = jnp.max(z2, axis=1)
            if pool_mean:
                mn = jnp.sum(z2, axis=1) / float(KNN)
                m_ref[0] = jnp.concatenate([mx, mn], axis=-1)
            else:
                m_ref[0] = mx


def _conv_conv_pool(g, xc, w1, w2, pool_mean):
    c = xc.shape[-1]
    o1 = w1.shape[-1]
    o2 = w2.shape[-1]
    mout = 2 * o2 if pool_mean else o2
    return pl.pallas_call(
        functools.partial(_cc_body, o1, o2, pool_mean),
        grid=(3, B, NT),
        compiler_params=pltpu.CompilerParams(
            dimension_semantics=("arbitrary", "arbitrary", "arbitrary")),
        in_specs=[
            pl.BlockSpec((1, TK, c), lambda p, b, t: (b * NT + t, 0, 0)),
            pl.BlockSpec((1, T, c), lambda p, b, t: (b, t, 0)),
            pl.BlockSpec((2 * c, o1), lambda p, b, t: (0, 0)),
            pl.BlockSpec((o1, o2), lambda p, b, t: (0, 0)),
        ],
        out_specs=pl.BlockSpec((1, T, mout), lambda p, b, t: (b, t, 0)),
        out_shape=jax.ShapeDtypeStruct((B, N, mout), jnp.float32),
        scratch_shapes=[pltpu.VMEM((1, o1), jnp.float32),
                        pltpu.VMEM((1, o1), jnp.float32),
                        pltpu.VMEM((1, o2), jnp.float32),
                        pltpu.VMEM((1, o2), jnp.float32)],
    )(g.reshape(B * NT, TK, c), xc, w1, w2)


def _c1_body(o1, g_ref, xc_ref, w1_ref, m_ref, s1a, s2a):
    p = pl.program_id(0)
    bi = pl.program_id(1)
    ti = pl.program_id(2)

    @pl.when((p == 0) & (bi == 0) & (ti == 0))
    def _():
        s1a[...] = jnp.zeros_like(s1a)
        s2a[...] = jnp.zeros_like(s2a)

    g = g_ref[0]
    xc = xc_ref[0]
    c = xc.shape[-1]
    xcr = jnp.broadcast_to(xc[:, None, :], (T, KNN, c)).reshape(TK, c)
    e = jnp.concatenate([g - xcr, xcr], axis=-1)
    y1 = _bmm(e, w1_ref[...])

    @pl.when(p == 0)
    def _():
        s1a[...] += jnp.sum(y1, axis=0).reshape(1, o1)
        s2a[...] += jnp.sum(y1 * y1, axis=0).reshape(1, o1)

    @pl.when(p == 1)
    def _():
        z1 = _bn_relu(y1, s1a, s2a, CNT_EDGE).reshape(T, KNN, o1)
        mx = jnp.max(z1, axis=1)
        mn = jnp.sum(z1, axis=1) / float(KNN)
        m_ref[0] = jnp.concatenate([mx, mn], axis=-1)


def _conv_pool(g, xc, w1):
    c = xc.shape[-1]
    o1 = w1.shape[-1]
    return pl.pallas_call(
        functools.partial(_c1_body, o1),
        grid=(2, B, NT),
        compiler_params=pltpu.CompilerParams(
            dimension_semantics=("arbitrary", "arbitrary", "arbitrary")),
        in_specs=[
            pl.BlockSpec((1, TK, c), lambda p, b, t: (b * NT + t, 0, 0)),
            pl.BlockSpec((1, T, c), lambda p, b, t: (b, t, 0)),
            pl.BlockSpec((2 * c, o1), lambda p, b, t: (0, 0)),
        ],
        out_specs=pl.BlockSpec((1, T, 2 * o1), lambda p, b, t: (b, t, 0)),
        out_shape=jax.ShapeDtypeStruct((B, N, 2 * o1), jnp.float32),
        scratch_shapes=[pltpu.VMEM((1, o1), jnp.float32),
                        pltpu.VMEM((1, o1), jnp.float32)],
    )(g.reshape(B * NT, TK, c), xc, w1)


def _pc_body(cout, with_out, with_max, m_ref, w_ref, *rest):
    if with_out and with_max:
        z_ref, gmax_ref, s1, s2, macc = rest
    elif with_out:
        z_ref, s1, s2 = rest
        macc = None
    else:
        gmax_ref, s1, s2, macc = rest
    p = pl.program_id(0)
    bi = pl.program_id(1)
    ti = pl.program_id(2)

    @pl.when((p == 0) & (bi == 0) & (ti == 0))
    def _():
        s1[...] = jnp.zeros_like(s1)
        s2[...] = jnp.zeros_like(s2)

    y = _bmm(m_ref[0], w_ref[...])

    @pl.when(p == 0)
    def _():
        s1[...] += jnp.sum(y, axis=0).reshape(1, cout)
        s2[...] += jnp.sum(y * y, axis=0).reshape(1, cout)

    @pl.when(p == 1)
    def _():
        z = _bn_relu(y, s1, s2, CNT_PT)
        if with_out:
            z_ref[0] = z
        if with_max:
            @pl.when(ti == 0)
            def _():
                macc[...] = jnp.full_like(macc, NEG_INF)
            macc[...] = jnp.maximum(macc[...],
                                    jnp.max(z, axis=0).reshape(1, cout))
            @pl.when(ti == NT - 1)
            def _():
                gmax_ref[0] = jnp.broadcast_to(macc[...], (8, cout))


def _point_conv(m, w, with_out=True, with_max=False):
    cin = m.shape[-1]
    cout = w.shape[-1]
    out_specs, out_shape, scratch = [], [], []
    if with_out:
        out_specs.append(pl.BlockSpec((1, T, cout), lambda p, b, t: (b, t, 0)))
        out_shape.append(jax.ShapeDtypeStruct((B, N, cout), jnp.float32))
    if with_max:
        out_specs.append(pl.BlockSpec((1, 8, cout), lambda p, b, t: (b, 0, 0)))
        out_shape.append(jax.ShapeDtypeStruct((B, 8, cout), jnp.float32))
    scratch = [pltpu.VMEM((1, cout), jnp.float32),
               pltpu.VMEM((1, cout), jnp.float32)]
    if with_max:
        scratch.append(pltpu.VMEM((1, cout), jnp.float32))
    res = pl.pallas_call(
        functools.partial(_pc_body, cout, with_out, with_max),
        grid=(2, B, NT),
        compiler_params=pltpu.CompilerParams(
            dimension_semantics=("arbitrary", "arbitrary", "arbitrary")),
        in_specs=[
            pl.BlockSpec((1, T, cin), lambda p, b, t: (b, t, 0)),
            pl.BlockSpec((cin, cout), lambda p, b, t: (0, 0)),
        ],
        out_specs=out_specs,
        out_shape=out_shape,
        scratch_shapes=scratch,
    )(m, w)
    return res if len(res) > 1 else res[0]


def _mlp_body(m1_ref, m2_ref, m3_ref, w_ref, z_ref, gmax_ref, s1, s2, macc):
    p = pl.program_id(0)
    bi = pl.program_id(1)
    ti = pl.program_id(2)

    @pl.when((p == 0) & (bi == 0) & (ti == 0))
    def _():
        s1[...] = jnp.zeros_like(s1)
        s2[...] = jnp.zeros_like(s2)

    mm = jnp.concatenate([m1_ref[0], m2_ref[0], m3_ref[0]], axis=-1)
    y = _bmm(mm, w_ref[...])

    @pl.when(p == 0)
    def _():
        s1[...] += jnp.sum(y, axis=0).reshape(1, 1024)
        s2[...] += jnp.sum(y * y, axis=0).reshape(1, 1024)

    @pl.when(p == 1)
    def _():
        z = _bn_relu(y, s1, s2, CNT_PT)
        z_ref[0] = z
        @pl.when(ti == 0)
        def _():
            macc[...] = jnp.full_like(macc, NEG_INF)
        macc[...] = jnp.maximum(macc[...], jnp.max(z, axis=0).reshape(1, 1024))
        @pl.when(ti == NT - 1)
        def _():
            gmax_ref[0] = jnp.broadcast_to(macc[...], (8, 1024))


def _mlp(o1, o2, o3, w):
    return pl.pallas_call(
        _mlp_body,
        grid=(2, B, NT),
        compiler_params=pltpu.CompilerParams(
            dimension_semantics=("arbitrary", "arbitrary", "arbitrary")),
        in_specs=[
            pl.BlockSpec((1, T, 64), lambda p, b, t: (b, t, 0)),
            pl.BlockSpec((1, T, 64), lambda p, b, t: (b, t, 0)),
            pl.BlockSpec((1, T, 64), lambda p, b, t: (b, t, 0)),
            pl.BlockSpec((192, 1024), lambda p, b, t: (0, 0)),
        ],
        out_specs=[
            pl.BlockSpec((1, T, 1024), lambda p, b, t: (b, t, 0)),
            pl.BlockSpec((1, 8, 1024), lambda p, b, t: (b, 0, 0)),
        ],
        out_shape=[
            jax.ShapeDtypeStruct((B, N, 1024), jnp.float32),
            jax.ShapeDtypeStruct((B, 8, 1024), jnp.float32),
        ],
        scratch_shapes=[pltpu.VMEM((1, 1024), jnp.float32),
                        pltpu.VMEM((1, 1024), jnp.float32),
                        pltpu.VMEM((1, 1024), jnp.float32)],
    )(o1, o2, o3, w)


def _bn_relu_rows(y):
    mu = jnp.mean(y, axis=0, keepdims=True)
    var = jnp.mean(y * y, axis=0, keepdims=True) - mu * mu
    return jax.nn.relu((y - mu) * lax.rsqrt(var + EPS))


def _fc_body(g_ref, w1_ref, w2_ref, wt_ref, tb_ref, o_ref):
    z1 = _bn_relu_rows(_bmm(g_ref[...], w1_ref[...]))
    z2 = _bn_relu_rows(_bmm(z1, w2_ref[...]))
    o_ref[...] = _bmm(z2, wt_ref[...]) + tb_ref[...]


def _fc_head(gmax, w1, w2, wt, tb):
    return pl.pallas_call(
        _fc_body,
        out_shape=jax.ShapeDtypeStruct((B, 128), jnp.float32),
    )(gmax, w1, w2, wt, tb)


def _ohe_body(cl_ref, w_ref, o_ref):
    o_ref[...] = _bn_relu_rows(_bmm(cl_ref[...], w_ref[...]))


def _ohe(cl, w):
    return pl.pallas_call(
        _ohe_body,
        out_shape=jax.ShapeDtypeStruct((B, 128), jnp.float32),
    )(cl, w)


def _applyt_body(pcp_ref, t_ref, o_ref):
    o_ref[0] = _bmm(pcp_ref[0], t_ref[0])


def _apply_t(pcp, tpad):
    return pl.pallas_call(
        _applyt_body,
        grid=(B,),
        in_specs=[
            pl.BlockSpec((1, N, 8), lambda b: (b, 0, 0)),
            pl.BlockSpec((1, 8, 8), lambda b: (b, 0, 0)),
        ],
        out_specs=pl.BlockSpec((1, N, 8), lambda b: (b, 0, 0)),
        out_shape=jax.ShapeDtypeStruct((B, N, 8), jnp.float32),
    )(pcp, tpad)


def _split_w(W, c):
    cp = 8 if c <= 8 else c
    return (jnp.zeros((2 * cp, W.shape[0]), jnp.float32)
            .at[:c].set(W[:, :c].T)
            .at[cp:cp + c].set(W[:, c:].T))


def _flat_idx(idx):
    return idx[:, :, :KNN].reshape(-1)


def kernel(pc, classes_labels, params):
    p = params
    pcp = jnp.zeros((B, N, 8), jnp.float32).at[:, :, :3].set(pc)

    idx0 = _knn(pcp)
    g0 = _gather8(pcp.reshape(B * N, 8), _flat_idx(idx0))
    w1 = _split_w(p['t1']['W'], 3)
    mt = _conv_conv_pool(g0, pcp, w1, p['t2']['W'].T, pool_mean=False)
    gmax_t = _point_conv(mt, p['t3']['W'].T, with_out=False, with_max=True)
    tout = _fc_head(
        gmax_t[:, 0, :],
        p['tfc1']['W'].T, p['tfc2']['W'].T,
        jnp.zeros((256, 128), jnp.float32).at[:, :9].set(p['ttW'].T),
        jnp.zeros((128,), jnp.float32).at[:9].set(p['ttb']),
    )
    tmat = tout[:, :9].reshape(B, 3, 3)
    tpad = jnp.zeros((B, 8, 8), jnp.float32).at[:, :3, :3].set(tmat)
    xt2 = _apply_t(pcp, tpad)

    idx1 = _knn(xt2)
    g1 = _gather8(xt2.reshape(B * N, 8), _flat_idx(idx1))
    w1 = _split_w(p['e11']['W'], 3)
    m1 = _conv_conv_pool(g1, xt2, w1, p['e12']['W'].T, pool_mean=True)
    out1 = _point_conv(m1, p['e13']['W'].T)

    idx2 = _knn(out1)
    g2 = _gather64(out1.reshape(B * N, 64), _flat_idx(idx2))
    w1 = _split_w(p['e21']['W'], 64)
    m2 = _conv_pool(g2, out1, w1)
    out2 = _point_conv(m2, p['e22']['W'].T)

    idx3 = _knn(out2)
    g3 = _gather64(out2.reshape(B * N, 64), _flat_idx(idx3))
    w1 = _split_w(p['e31']['W'], 64)
    m3 = _conv_pool(g3, out2, w1)
    out3 = _point_conv(m3, p['e32']['W'].T)

    out4, featp = _mlp(out1, out2, out3, p['mlp']['W'].T)
    feature = featp[:, 0, :]
    oh = _ohe(classes_labels, p['ohe']['W'].T)

    def cm(a):
        return jnp.transpose(a, (0, 2, 1))[:, :, :, None]

    out_max = jnp.concatenate([feature, oh], axis=-1)
    out_max_b = jnp.broadcast_to(out_max[:, :, None, None], (B, 1152, N, 1))
    concat = jnp.concatenate(
        [out_max_b, cm(m1), cm(out1), cm(m2), cm(out2),
         cm(m3), cm(out3), cm(out4)], axis=1)
    return (feature, concat)

# --- scband reference (transcript-rebuilt; emitter-appended) ---
"""Pipeline reference for scband-dgcnn-seg-feature-80513456930879 (READ-ONLY COPY).

The authoritative reference and input builder live on the scoring server;
editing this copy changes nothing except your own understanding.
"""

import jax, jax.numpy as jnp
import numpy as np

K = 30
NUM_CLASSES = 16
B, N = 4, 2048

def knn(x, k):
    inner = -2.0 * jnp.einsum('bcn,bcm->bnm', x, x)
    xx = jnp.sum(x * x, axis=1)
    neg_dist = -xx[:, :, None] - inner - xx[:, None, :]
    return jax.lax.top_k(neg_dist, k)[1]

def get_graph_feature(x, k):
    b, c, n = x.shape
    idx = knn(x, k)
    xt = jnp.transpose(x, (0, 2, 1))
    feat = jax.vmap(lambda xb, ib: xb[ib])(xt, idx)
    xc = jnp.broadcast_to(xt[:, :, None, :], (b, n, k, c))
    edge = jnp.concatenate([feat - xc, xc], axis=-1)
    return jnp.transpose(edge, (0, 3, 1, 2))

def bn(y, g, beta, axes):
    mu = jnp.mean(y, axis=axes, keepdims=True)
    var = jnp.var(y, axis=axes, keepdims=True)
    sh = [1] * y.ndim
    sh[1] = -1
    return g.reshape(sh) * (y - mu) / jnp.sqrt(var + 1e-5) + beta.reshape(sh)

def conv2d(x, p):
    y = jnp.einsum('bcnk,oc->bonk', x, p['W']) + p['b'][None, :, None, None]
    return jax.nn.relu(bn(y, p['g'], p['beta'], (0, 2, 3)))

def fc(x, p):
    y = x @ p['W'].T + p['b']
    return jax.nn.relu(bn(y, p['g'], p['beta'], (0,)))

def transform_net(x, p):
    e = get_graph_feature(x, K)
    y = conv2d(e, p['t1'])
    y = conv2d(y, p['t2'])
    y = jnp.max(y, axis=-1, keepdims=True)
    y = conv2d(y, p['t3'])
    y = jnp.max(y, axis=2)[:, :, 0]
    y = fc(y, p['tfc1'])
    y = fc(y, p['tfc2'])
    t = y @ p['ttW'].T + p['ttb']
    return t.reshape(-1, 3, 3)

def forward(pc, classes_labels, p):
    x = jnp.transpose(pc, (0, 2, 1))
    batch_size = x.shape[0]
    num_point = x.shape[2]
    transform = transform_net(x, p)
    conv_feat = jnp.transpose(jnp.einsum('bnc,bcd->bnd', jnp.transpose(x, (0, 2, 1)), transform), (0, 2, 1))
    conv_feat = conv2d(get_graph_feature(conv_feat, K), p['e11'])
    conv_feat = conv2d(conv_feat, p['e12'])
    net_max_1 = jnp.max(conv_feat, axis=-1, keepdims=True)
    net_mean_1 = jnp.mean(conv_feat, axis=-1, keepdims=True)
    conv_feat = conv2d(jnp.concatenate([net_max_1, net_mean_1], axis=1), p['e13'])
    output1 = conv_feat
    conv_feat = conv2d(get_graph_feature(conv_feat[:, :, :, 0], K), p['e21'])
    net_max_2 = jnp.max(conv_feat, axis=-1, keepdims=True)
    net_mean_2 = jnp.mean(conv_feat, axis=-1, keepdims=True)
    conv_feat = conv2d(jnp.concatenate([net_max_2, net_mean_2], axis=1), p['e22'])
    output2 = conv_feat
    conv_feat = conv2d(get_graph_feature(conv_feat[:, :, :, 0], K), p['e31'])
    net_max_3 = jnp.max(conv_feat, axis=-1, keepdims=True)
    net_mean_3 = jnp.mean(conv_feat, axis=-1, keepdims=True)
    conv_feat = conv2d(jnp.concatenate([net_max_3, net_mean_3], axis=1), p['e32'])
    output3 = conv_feat
    conv_feat = conv2d(jnp.concatenate([output1, output2, output3], axis=1), p['mlp'])
    output4 = conv_feat
    out_max = jnp.max(conv_feat, axis=2, keepdims=True)
    feature = out_max
    one_hot = classes_labels[:, :, None, None]
    one_hot = conv2d(one_hot, p['ohe'])
    out_max = jnp.concatenate([out_max, one_hot], axis=1)
    out_max = jnp.broadcast_to(out_max, (batch_size, 1152, num_point, 1))
    concat = jnp.concatenate([out_max, net_max_1, net_mean_1, output1, net_max_2, net_mean_2, output2, net_max_3, net_mean_3, output3, output4], axis=1)
    return (feature[:, :, 0, 0], concat)

def make_params(key):
    keys = jax.random.split(key, 32)
    ki = [0]
    def nk():
        k = keys[ki[0]]
        ki[0] += 1
        return k
    def conv_p(o, i):
        return {'W': jax.random.normal(nk(), (o, i), dtype=jnp.float32) / np.sqrt(i), 'b': jnp.zeros((o,), jnp.float32), 'g': jnp.ones((o,), jnp.float32), 'beta': jnp.zeros((o,), jnp.float32)}
    return {'t1': conv_p(64, 6), 't2': conv_p(128, 64), 't3': conv_p(1024, 128), 'tfc1': conv_p(512, 1024), 'tfc2': conv_p(256, 512), 'ttW': jax.random.normal(nk(), (9, 256), jnp.float32) * 0.001, 'ttb': jnp.eye(3, dtype=jnp.float32).reshape(-1), 'e11': conv_p(64, 6), 'e12': conv_p(64, 64), 'e13': conv_p(64, 128), 'e21': conv_p(64, 128), 'e22': conv_p(64, 128), 'e31': conv_p(64, 128), 'e32': conv_p(64, 128), 'mlp': conv_p(1024, 192), 'ohe': conv_p(128, 16)}

def setup_inputs(seed=0):
    key = jax.random.PRNGKey(seed)
    k1, k2, k3 = jax.random.split(key, 3)
    pc = jax.random.normal(k1, (B, N, 3), dtype=jnp.float32)
    classes_labels = jax.nn.one_hot(jax.random.randint(k2, (B,), 0, NUM_CLASSES), NUM_CLASSES, dtype=jnp.float32)
    params = make_params(k3)
    return {'pc': pc, 'classes_labels': classes_labels, 'params': params}

def reference(pc, classes_labels, params):
    return forward(pc, classes_labels, params)

if __name__ == "__main__":
    import jax
    _d = setup_inputs()
    print(jax.jit(kernel)(*tuple(_d.values())))

</pallas_src>

<mosaic_0001>
#map = affine_map<(d0, d1) -> (0, 0)>
#map1 = affine_map<(d0, d1) -> (0)>
module attributes {stable_mosaic.version = 14 : i64} {
  func.func @gather(%arg0: i32, %arg1: i32, %arg2: memref<8192x64xf32, #tpu.memory_space<hbm>>, %arg3: memref<245760xi32, #tpu.memory_space<hbm>>, %arg4: memref<245760x64xf32, #tpu.memory_space<hbm>>, %arg5: memref<1536xi32, #tpu.memory_space<vmem>>, %arg6: memref<1536x64xf32, #tpu.memory_space<vmem>>, %arg7: memref<!tpu.dma_semaphore, #tpu.memory_space<semaphore_mem>>) attributes {dimension_semantics = [#tpu.dimension_semantics<core_parallel>, #tpu.dimension_semantics<subcore_parallel>], iteration_bounds = array<i64: 2, 16>, scalar_prefetch = 0 : i64, scratch_operands = 3 : i64, tpu.core_type = #tpu.core_type<sc_vector_subcore>, window_params = [{transform_indices = #map}, {transform_indices = #map1}, {transform_indices = #map}]} {
    %mul3A = arith.constant 2 : i32
    %mul3A_0 = arith.muli %arg1, %mul3A : i32
    %add3A = arith.addi %mul3A_0, %arg0 : i32
    %mul3A_1 = arith.constant 7680 : i32
    %mul3A_2 = arith.muli %add3A, %mul3A_1 : i32
    %add3A_3 = arith.constant 0 : i32
    %add3A_4 = arith.addi %mul3A_2, %add3A_3 : i32
    "tpu.region"() ({
      %run_scoped3A = tpu.sem_alloc : memref<!tpu.dma_semaphore, #tpu.memory_space<semaphore_mem>>
      %dma_start3A_41 = tpu.memref_slice %arg3[%add3A_4] : memref<245760xi32, #tpu.memory_space<hbm>> -> memref<1536xi32, #tpu.memory_space<hbm>>
      %dma_start3A_42 = tpu.memref_slice %arg3[%add3A_4] : memref<245760xi32, #tpu.memory_space<hbm>> -> memref<1536xi32, #tpu.memory_space<hbm>>
      tpu.enqueue_dma source(%dma_start3A_42 : memref<1536xi32, #tpu.memory_space<hbm>>) target(%arg5 : memref<1536xi32, #tpu.memory_space<vmem>>) target_semaphore(%run_scoped3A : memref<!tpu.dma_semaphore, #tpu.memory_space<semaphore_mem>>)
      %dma_wait3A_43 = tpu.memref_slice %arg3[%add3A_4] : memref<245760xi32, #tpu.memory_space<hbm>> -> memref<1536xi32, #tpu.memory_space<hbm>>
      %dma_wait3A_44 = tpu.memref_slice %arg3[%add3A_4] : memref<245760xi32, #tpu.memory_space<hbm>> -> memref<1536xi32, #tpu.memory_space<hbm>>
      tpu.wait_dma2 semaphore(%run_scoped3A : memref<!tpu.dma_semaphore, #tpu.memory_space<semaphore_mem>>) src(%dma_wait3A_44 : memref<1536xi32, #tpu.memory_space<hbm>>) dst(%arg5 : memref<1536xi32, #tpu.memory_space<vmem>>)
      tpu.yield
    }) : () -> ()
    %dma_start3A = arith.constant 0 : i32
    %dma_start3A_5 = arith.constant 0 : i32
    %dma_start3A_6 = tpu.memref_slice %arg2[%dma_start3A, %dma_start3A_5] : memref<8192x64xf32, #tpu.memory_space<hbm>> -> memref<8192x64xf32, #tpu.memory_space<hbm>>
    tpu.enqueue_indirect_dma source(%dma_start3A_6 : memref<8192x64xf32, #tpu.memory_space<hbm>>) target(%arg6 : memref<1536x64xf32, #tpu.memory_space<vmem>>) offsets(%arg5 : memref<1536xi32, #tpu.memory_space<vmem>>) semaphore(%arg7 : memref<!tpu.dma_semaphore, #tpu.memory_space<semaphore_mem>>)
    %dma_wait3A = arith.constant 0 : i32
    %dma_wait3A_7 = arith.constant 0 : i32
    %dma_wait3A_8 = tpu.memref_slice %arg2[%dma_wait3A, %dma_wait3A_7] : memref<8192x64xf32, #tpu.memory_space<hbm>> -> memref<8192x64xf32, #tpu.memory_space<hbm>>
    tpu.wait_indirect_dma semaphore(%arg7 : memref<!tpu.dma_semaphore, #tpu.memory_space<semaphore_mem>>) src(%dma_wait3A_8 : memref<8192x64xf32, #tpu.memory_space<hbm>>) dst(%arg6 : memref<1536x64xf32, #tpu.memory_space<vmem>>)
    "tpu.region"() ({
      %run_scoped3A = tpu.sem_alloc : memref<!tpu.dma_semaphore, #tpu.memory_space<semaphore_mem>>
      %dma_start3A_41 = arith.constant 0 : i32
      %dma_start3A_42 = tpu.memref_slice %arg4[%add3A_4, %dma_start3A_41] : memref<245760x64xf32, #tpu.memory_space<hbm>> -> memref<1536x64xf32, #tpu.memory_space<hbm>>
      %dma_start3A_43 = arith.constant 0 : i32
      %dma_start3A_44 = tpu.memref_slice %arg4[%add3A_4, %dma_start3A_43] : memref<245760x64xf32, #tpu.memory_space<hbm>> -> memref<1536x64xf32, #tpu.memory_space<hbm>>
      tpu.enqueue_dma source(%arg6 : memref<1536x64xf32, #tpu.memory_space<vmem>>) target(%dma_start3A_44 : memref<1536x64xf32, #tpu.memory_space<hbm>>) target_semaphore(%run_scoped3A : memref<!tpu.dma_semaphore, #tpu.memory_space<semaphore_mem>>)
      %dma_wait3A_45 = arith.constant 0 : i32
      %dma_wait3A_46 = tpu.memref_slice %arg4[%add3A_4, %dma_wait3A_45] : memref<245760x64xf32, #tpu.memory_space<hbm>> -> memref<1536x64xf32, #tpu.memory_space<hbm>>
      %dma_wait3A_47 = arith.constant 0 : i32
      %dma_wait3A_48 = tpu.memref_slice %arg4[%add3A_4, %dma_wait3A_47] : memref<245760x64xf32, #tpu.memory_space<hbm>> -> memref<1536x64xf32, #tpu.memory_space<hbm>>
      tpu.wait_dma2 semaphore(%run_scoped3A : memref<!tpu.dma_semaphore, #tpu.memory_space<semaphore_mem>>) src(%arg6 : memref<1536x64xf32, #tpu.memory_space<vmem>>) dst(%dma_wait3A_48 : memref<1536x64xf32, #tpu.memory_space<hbm>>)
      tpu.yield
    }) : () -> ()
    %add3A_9 = arith.constant 1536 : i32
    %add3A_10 = arith.addi %mul3A_2, %add3A_9 : i32
    "tpu.region"() ({
      %run_scoped3A = tpu.sem_alloc : memref<!tpu.dma_semaphore, #tpu.memory_space<semaphore_mem>>
      %dma_start3A_41 = tpu.memref_slice %arg3[%add3A_10] : memref<245760xi32, #tpu.memory_space<hbm>> -> memref<1536xi32, #tpu.memory_space<hbm>>
      %dma_start3A_42 = tpu.memref_slice %arg3[%add3A_10] : memref<245760xi32, #tpu.memory_space<hbm>> -> memref<1536xi32, #tpu.memory_space<hbm>>
      tpu.enqueue_dma source(%dma_start3A_42 : memref<1536xi32, #tpu.memory_space<hbm>>) target(%arg5 : memref<1536xi32, #tpu.memory_space<vmem>>) target_semaphore(%run_scoped3A : memref<!tpu.dma_semaphore, #tpu.memory_space<semaphore_mem>>)
      %dma_wait3A_43 = tpu.memref_slice %arg3[%add3A_10] : memref<245760xi32, #tpu.memory_space<hbm>> -> memref<1536xi32, #tpu.memory_space<hbm>>
      %dma_wait3A_44 = tpu.memref_slice %arg3[%add3A_10] : memref<245760xi32, #tpu.memory_space<hbm>> -> memref<1536xi32, #tpu.memory_space<hbm>>
      tpu.wait_dma2 semaphore(%run_scoped3A : memref<!tpu.dma_semaphore, #tpu.memory_space<semaphore_mem>>) src(%dma_wait3A_44 : memref<1536xi32, #tpu.memory_space<hbm>>) dst(%arg5 : memref<1536xi32, #tpu.memory_space<vmem>>)
      tpu.yield
    }) : () -> ()
    %dma_start3A_11 = arith.constant 0 : i32
    %dma_start3A_12 = arith.constant 0 : i32
    %dma_start3A_13 = tpu.memref_slice %arg2[%dma_start3A_11, %dma_start3A_12] : memref<8192x64xf32, #tpu.memory_space<hbm>> -> memref<8192x64xf32, #tpu.memory_space<hbm>>
    tpu.enqueue_indirect_dma source(%dma_start3A_13 : memref<8192x64xf32, #tpu.memory_space<hbm>>) target(%arg6 : memref<1536x64xf32, #tpu.memory_space<vmem>>) offsets(%arg5 : memref<1536xi32, #tpu.memory_space<vmem>>) semaphore(%arg7 : memref<!tpu.dma_semaphore, #tpu.memory_space<semaphore_mem>>)
    %dma_wait3A_14 = arith.constant 0 : i32
    %dma_wait3A_15 = arith.constant 0 : i32
    %dma_wait3A_16 = tpu.memref_slice %arg2[%dma_wait3A_14, %dma_wait3A_15] : memref<8192x64xf32, #tpu.memory_space<hbm>> -> memref<8192x64xf32, #tpu.memory_space<hbm>>
    tpu.wait_indirect_dma semaphore(%arg7 : memref<!tpu.dma_semaphore, #tpu.memory_space<semaphore_mem>>) src(%dma_wait3A_16 : memref<8192x64xf32, #tpu.memory_space<hbm>>) dst(%arg6 : memref<1536x64xf32, #tpu.memory_space<vmem>>)
    "tpu.region"() ({
      %run_scoped3A = tpu.sem_alloc : memref<!tpu.dma_semaphore, #tpu.memory_space<semaphore_mem>>
      %dma_start3A_41 = arith.constant 0 : i32
      %dma_start3A_42 = tpu.memref_slice %arg4[%add3A_10, %dma_start3A_41] : memref<245760x64xf32, #tpu.memory_space<hbm>> -> memref<1536x64xf32, #tpu.memory_space<hbm>>
      %dma_start3A_43 = arith.constant 0 : i32
      %dma_start3A_44 = tpu.memref_slice %arg4[%add3A_10, %dma_start3A_43] : memref<245760x64xf32, #tpu.memory_space<hbm>> -> memref<1536x64xf32, #tpu.memory_space<hbm>>
      tpu.enqueue_dma source(%arg6 : memref<1536x64xf32, #tpu.memory_space<vmem>>) target(%dma_start3A_44 : memref<1536x64xf32, #tpu.memory_space<hbm>>) target_semaphore(%run_scoped3A : memref<!tpu.dma_semaphore, #tpu.memory_space<semaphore_mem>>)
      %dma_wait3A_45 = arith.constant 0 : i32
      %dma_wait3A_46 = tpu.memref_slice %arg4[%add3A_10, %dma_wait3A_45] : memref<245760x64xf32, #tpu.memory_space<hbm>> -> memref<1536x64xf32, #tpu.memory_space<hbm>>
      %dma_wait3A_47 = arith.constant 0 : i32
      %dma_wait3A_48 = tpu.memref_slice %arg4[%add3A_10, %dma_wait3A_47] : memref<245760x64xf32, #tpu.memory_space<hbm>> -> memref<1536x64xf32, #tpu.memory_space<hbm>>
      tpu.wait_dma2 semaphore(%run_scoped3A : memref<!tpu.dma_semaphore, #tpu.memory_space<semaphore_mem>>) src(%arg6 : memref<1536x64xf32, #tpu.memory_space<vmem>>) dst(%dma_wait3A_48 : memref<1536x64xf32, #tpu.memory_space<hbm>>)
      tpu.yield
    }) : () -> ()
    %add3A_17 = arith.constant 3072 : i32
    %add3A_18 = arith.addi %mul3A_2, %add3A_17 : i32
    "tpu.region"() ({
      %run_scoped3A = tpu.sem_alloc : memref<!tpu.dma_semaphore, #tpu.memory_space<semaphore_mem>>
      %dma_start3A_41 = tpu.memref_slice %arg3[%add3A_18] : memref<245760xi32, #tpu.memory_space<hbm>> -> memref<1536xi32, #tpu.memory_space<hbm>>
      %dma_start3A_42 = tpu.memref_slice %arg3[%add3A_18] : memref<245760xi32, #tpu.memory_space<hbm>> -> memref<1536xi32, #tpu.memory_space<hbm>>
      tpu.enqueue_dma source(%dma_start3A_42 : memref<1536xi32, #tpu.memory_space<hbm>>) target(%arg5 : memref<1536xi32, #tpu.memory_space<vmem>>) target_semaphore(%run_scoped3A : memref<!tpu.dma_semaphore, #tpu.memory_space<semaphore_mem>>)
      %dma_wait3A_43 = tpu.memref_slice %arg3[%add3A_18] : memref<245760xi32, #tpu.memory_space<hbm>> -> memref<1536xi32, #tpu.memory_space<hbm>>
      %dma_wait3A_44 = tpu.memref_slice %arg3[%add3A_18] : memref<245760xi32, #tpu.memory_space<hbm>> -> memref<1536xi32, #tpu.memory_space<hbm>>
      tpu.wait_dma2 semaphore(%run_scoped3A : memref<!tpu.dma_semaphore, #tpu.memory_space<semaphore_mem>>) src(%dma_wait3A_44 : memref<1536xi32, #tpu.memory_space<hbm>>) dst(%arg5 : memref<1536xi32, #tpu.memory_space<vmem>>)
      tpu.yield
    }) : () -> ()
    %dma_start3A_19 = arith.constant 0 : i32
    %dma_start3A_20 = arith.constant 0 : i32
    %dma_start3A_21 = tpu.memref_slice %arg2[%dma_start3A_19, %dma_start3A_20] : memref<8192x64xf32, #tpu.memory_space<hbm>> -> memref<8192x64xf32, #tpu.memory_space<hbm>>
    tpu.enqueue_indirect_dma source(%dma_start3A_21 : memref<8192x64xf32, #tpu.memory_space<hbm>>) target(%arg6 : memref<1536x64xf32, #tpu.memory_space<vmem>>) offsets(%arg5 : memref<1536xi32, #tpu.memory_space<vmem>>) semaphore(%arg7 : memref<!tpu.dma_semaphore, #tpu.memory_space<semaphore_mem>>)
    %dma_wait3A_22 = arith.constant 0 : i32
    %dma_wait3A_23 = arith.constant 0 : i32
    %dma_wait3A_24 = tpu.memref_slice %arg2[%dma_wait3A_22, %dma_wait3A_23] : memref<8192x64xf32, #tpu.memory_space<hbm>> -> memref<8192x64xf32, #tpu.memory_space<hbm>>
    tpu.wait_indirect_dma semaphore(%arg7 : memref<!tpu.dma_semaphore, #tpu.memory_space<semaphore_mem>>) src(%dma_wait3A_24 : memref<8192x64xf32, #tpu.memory_space<hbm>>) dst(%arg6 : memref<1536x64xf32, #tpu.memory_space<vmem>>)
    "tpu.region"() ({
      %run_scoped3A = tpu.sem_alloc : memref<!tpu.dma_semaphore, #tpu.memory_space<semaphore_mem>>
      %dma_start3A_41 = arith.constant 0 : i32
      %dma_start3A_42 = tpu.memref_slice %arg4[%add3A_18, %dma_start3A_41] : memref<245760x64xf32, #tpu.memory_space<hbm>> -> memref<1536x64xf32, #tpu.memory_space<hbm>>
      %dma_start3A_43 = arith.constant 0 : i32
      %dma_start3A_44 = tpu.memref_slice %arg4[%add3A_18, %dma_start3A_43] : memref<245760x64xf32, #tpu.memory_space<hbm>> -> memref<1536x64xf32, #tpu.memory_space<hbm>>
      tpu.enqueue_dma source(%arg6 : memref<1536x64xf32, #tpu.memory_space<vmem>>) target(%dma_start3A_44 : memref<1536x64xf32, #tpu.memory_space<hbm>>) target_semaphore(%run_scoped3A : memref<!tpu.dma_semaphore, #tpu.memory_space<semaphore_mem>>)
      %dma_wait3A_45 = arith.constant 0 : i32
      %dma_wait3A_46 = tpu.memref_slice %arg4[%add3A_18, %dma_wait3A_45] : memref<245760x64xf32, #tpu.memory_space<hbm>> -> memref<1536x64xf32, #tpu.memory_space<hbm>>
      %dma_wait3A_47 = arith.constant 0 : i32
      %dma_wait3A_48 = tpu.memref_slice %arg4[%add3A_18, %dma_wait3A_47] : memref<245760x64xf32, #tpu.memory_space<hbm>> -> memref<1536x64xf32, #tpu.memory_space<hbm>>
      tpu.wait_dma2 semaphore(%run_scoped3A : memref<!tpu.dma_semaphore, #tpu.memory_space<semaphore_mem>>) src(%arg6 : memref<1536x64xf32, #tpu.memory_space<vmem>>) dst(%dma_wait3A_48 : memref<1536x64xf32, #tpu.memory_space<hbm>>)
      tpu.yield
    }) : () -> ()
    %add3A_25 = arith.constant 4608 : i32
    %add3A_26 = arith.addi %mul3A_2, %add3A_25 : i32
    "tpu.region"() ({
      %run_scoped3A = tpu.sem_alloc : memref<!tpu.dma_semaphore, #tpu.memory_space<semaphore_mem>>
      %dma_start3A_41 = tpu.memref_slice %arg3[%add3A_26] : memref<245760xi32, #tpu.memory_space<hbm>> -> memref<1536xi32, #tpu.memory_space<hbm>>
      %dma_start3A_42 = tpu.memref_slice %arg3[%add3A_26] : memref<245760xi32, #tpu.memory_space<hbm>> -> memref<1536xi32, #tpu.memory_space<hbm>>
      tpu.enqueue_dma source(%dma_start3A_42 : memref<1536xi32, #tpu.memory_space<hbm>>) target(%arg5 : memref<1536xi32, #tpu.memory_space<vmem>>) target_semaphore(%run_scoped3A : memref<!tpu.dma_semaphore, #tpu.memory_space<semaphore_mem>>)
      %dma_wait3A_43 = tpu.memref_slice %arg3[%add3A_26] : memref<245760xi32, #tpu.memory_space<hbm>> -> memref<1536xi32, #tpu.memory_space<hbm>>
      %dma_wait3A_44 = tpu.memref_slice %arg3[%add3A_26] : memref<245760xi32, #tpu.memory_space<hbm>> -> memref<1536xi32, #tpu.memory_space<hbm>>
      tpu.wait_dma2 semaphore(%run_scoped3A : memref<!tpu.dma_semaphore, #tpu.memory_space<semaphore_mem>>) src(%dma_wait3A_44 : memref<1536xi32, #tpu.memory_space<hbm>>) dst(%arg5 : memref<1536xi32, #tpu.memory_space<vmem>>)
      tpu.yield
    }) : () -> ()
    %dma_start3A_27 = arith.constant 0 : i32
    %dma_start3A_28 = arith.constant 0 : i32
    %dma_start3A_29 = tpu.memref_slice %arg2[%dma_start3A_27, %dma_start3A_28] : memref<8192x64xf32, #tpu.memory_space<hbm>> -> memref<8192x64xf32, #tpu.memory_space<hbm>>
    tpu.enqueue_indirect_dma source(%dma_start3A_29 : memref<8192x64xf32, #tpu.memory_space<hbm>>) target(%arg6 : memref<1536x64xf32, #tpu.memory_space<vmem>>) offsets(%arg5 : memref<1536xi32, #tpu.memory_space<vmem>>) semaphore(%arg7 : memref<!tpu.dma_semaphore, #tpu.memory_space<semaphore_mem>>)
    %dma_wait3A_30 = arith.constant 0 : i32
    %dma_wait3A_31 = arith.constant 0 : i32
    %dma_wait3A_32 = tpu.memref_slice %arg2[%dma_wait3A_30, %dma_wait3A_31] : memref<8192x64xf32, #tpu.memory_space<hbm>> -> memref<8192x64xf32, #tpu.memory_space<hbm>>
    tpu.wait_indirect_dma semaphore(%arg7 : memref<!tpu.dma_semaphore, #tpu.memory_space<semaphore_mem>>) src(%dma_wait3A_32 : memref<8192x64xf32, #tpu.memory_space<hbm>>) dst(%arg6 : memref<1536x64xf32, #tpu.memory_space<vmem>>)
    "tpu.region"() ({
      %run_scoped3A = tpu.sem_alloc : memref<!tpu.dma_semaphore, #tpu.memory_space<semaphore_mem>>
      %dma_start3A_41 = arith.constant 0 : i32
      %dma_start3A_42 = tpu.memref_slice %arg4[%add3A_26, %dma_start3A_41] : memref<245760x64xf32, #tpu.memory_space<hbm>> -> memref<1536x64xf32, #tpu.memory_space<hbm>>
      %dma_start3A_43 = arith.constant 0 : i32
      %dma_start3A_44 = tpu.memref_slice %arg4[%add3A_26, %dma_start3A_43] : memref<245760x64xf32, #tpu.memory_space<hbm>> -> memref<1536x64xf32, #tpu.memory_space<hbm>>
      tpu.enqueue_dma source(%arg6 : memref<1536x64xf32, #tpu.memory_space<vmem>>) target(%dma_start3A_44 : memref<1536x64xf32, #tpu.memory_space<hbm>>) target_semaphore(%run_scoped3A : memref<!tpu.dma_semaphore, #tpu.memory_space<semaphore_mem>>)
      %dma_wait3A_45 = arith.constant 0 : i32
      %dma_wait3A_46 = tpu.memref_slice %arg4[%add3A_26, %dma_wait3A_45] : memref<245760x64xf32, #tpu.memory_space<hbm>> -> memref<1536x64xf32, #tpu.memory_space<hbm>>
      %dma_wait3A_47 = arith.constant 0 : i32
      %dma_wait3A_48 = tpu.memref_slice %arg4[%add3A_26, %dma_wait3A_47] : memref<245760x64xf32, #tpu.memory_space<hbm>> -> memref<1536x64xf32, #tpu.memory_space<hbm>>
      tpu.wait_dma2 semaphore(%run_scoped3A : memref<!tpu.dma_semaphore, #tpu.memory_space<semaphore_mem>>) src(%arg6 : memref<1536x64xf32, #tpu.memory_space<vmem>>) dst(%dma_wait3A_48 : memref<1536x64xf32, #tpu.memory_space<hbm>>)
      tpu.yield
    }) : () -> ()
    %add3A_33 = arith.constant 6144 : i32
    %add3A_34 = arith.addi %mul3A_2, %add3A_33 : i32
    "tpu.region"() ({
      %run_scoped3A = tpu.sem_alloc : memref<!tpu.dma_semaphore, #tpu.memory_space<semaphore_mem>>
      %dma_start3A_41 = tpu.memref_slice %arg3[%add3A_34] : memref<245760xi32, #tpu.memory_space<hbm>> -> memref<1536xi32, #tpu.memory_space<hbm>>
      %dma_start3A_42 = tpu.memref_slice %arg3[%add3A_34] : memref<245760xi32, #tpu.memory_space<hbm>> -> memref<1536xi32, #tpu.memory_space<hbm>>
      tpu.enqueue_dma source(%dma_start3A_42 : memref<1536xi32, #tpu.memory_space<hbm>>) target(%arg5 : memref<1536xi32, #tpu.memory_space<vmem>>) target_semaphore(%run_scoped3A : memref<!tpu.dma_semaphore, #tpu.memory_space<semaphore_mem>>)
      %dma_wait3A_43 = tpu.memref_slice %arg3[%add3A_34] : memref<245760xi32, #tpu.memory_space<hbm>> -> memref<1536xi32, #tpu.memory_space<hbm>>
      %dma_wait3A_44 = tpu.memref_slice %arg3[%add3A_34] : memref<245760xi32, #tpu.memory_space<hbm>> -> memref<1536xi32, #tpu.memory_space<hbm>>
      tpu.wait_dma2 semaphore(%run_scoped3A : memref<!tpu.dma_semaphore, #tpu.memory_space<semaphore_mem>>) src(%dma_wait3A_44 : memref<1536xi32, #tpu.memory_space<hbm>>) dst(%arg5 : memref<1536xi32, #tpu.memory_space<vmem>>)
      tpu.yield
    }) : () -> ()
    %dma_start3A_35 = arith.constant 0 : i32
    %dma_start3A_36 = arith.constant 0 : i32
    %dma_start3A_37 = tpu.memref_slice %arg2[%dma_start3A_35, %dma_start3A_36] : memref<8192x64xf32, #tpu.memory_space<hbm>> -> memref<8192x64xf32, #tpu.memory_space<hbm>>
    tpu.enqueue_indirect_dma source(%dma_start3A_37 : memref<8192x64xf32, #tpu.memory_space<hbm>>) target(%arg6 : memref<1536x64xf32, #tpu.memory_space<vmem>>) offsets(%arg5 : memref<1536xi32, #tpu.memory_space<vmem>>) semaphore(%arg7 : memref<!tpu.dma_semaphore, #tpu.memory_space<semaphore_mem>>)
    %dma_wait3A_38 = arith.constant 0 : i32
    %dma_wait3A_39 = arith.constant 0 : i32
    %dma_wait3A_40 = tpu.memref_slice %arg2[%dma_wait3A_38, %dma_wait3A_39] : memref<8192x64xf32, #tpu.memory_space<hbm>> -> memref<8192x64xf32, #tpu.memory_space<hbm>>
    tpu.wait_indirect_dma semaphore(%arg7 : memref<!tpu.dma_semaphore, #tpu.memory_space<semaphore_mem>>) src(%dma_wait3A_40 : memref<8192x64xf32, #tpu.memory_space<hbm>>) dst(%arg6 : memref<1536x64xf32, #tpu.memory_space<vmem>>)
    "tpu.region"() ({
      %run_scoped3A = tpu.sem_alloc : memref<!tpu.dma_semaphore, #tpu.memory_space<semaphore_mem>>
      %dma_start3A_41 = arith.constant 0 : i32
      %dma_start3A_42 = tpu.memref_slice %arg4[%add3A_34, %dma_start3A_41] : memref<245760x64xf32, #tpu.memory_space<hbm>> -> memref<1536x64xf32, #tpu.memory_space<hbm>>
      %dma_start3A_43 = arith.constant 0 : i32
      %dma_start3A_44 = tpu.memref_slice %arg4[%add3A_34, %dma_start3A_43] : memref<245760x64xf32, #tpu.memory_space<hbm>> -> memref<1536x64xf32, #tpu.memory_space<hbm>>
      tpu.enqueue_dma source(%arg6 : memref<1536x64xf32, #tpu.memory_space<vmem>>) target(%dma_start3A_44 : memref<1536x64xf32, #tpu.memory_space<hbm>>) target_semaphore(%run_scoped3A : memref<!tpu.dma_semaphore, #tpu.memory_space<semaphore_mem>>)
      %dma_wait3A_45 = arith.constant 0 : i32
      %dma_wait3A_46 = tpu.memref_slice %arg4[%add3A_34, %dma_wait3A_45] : memref<245760x64xf32, #tpu.memory_space<hbm>> -> memref<1536x64xf32, #tpu.memory_space<hbm>>
      %dma_wait3A_47 = arith.constant 0 : i32
      %dma_wait3A_48 = tpu.memref_slice %arg4[%add3A_34, %dma_wait3A_47] : memref<245760x64xf32, #tpu.memory_space<hbm>> -> memref<1536x64xf32, #tpu.memory_space<hbm>>
      tpu.wait_dma2 semaphore(%run_scoped3A : memref<!tpu.dma_semaphore, #tpu.memory_space<semaphore_mem>>) src(%arg6 : memref<1536x64xf32, #tpu.memory_space<vmem>>) dst(%dma_wait3A_48 : memref<1536x64xf32, #tpu.memory_space<hbm>>)
      tpu.yield
    }) : () -> ()
    return
  }
}

#map = affine_map<(d0, d1) -> (0, 0)>
#map1 = affine_map<(d0, d1) -> (0)>
module attributes {stable_mosaic.version = 14 : i64} {
  func.func @gather(%arg0: i32, %arg1: i32, %arg2: memref<8192x8xf32, #tpu.memory_space<hbm>>, %arg3: memref<245760xi32, #tpu.memory_space<hbm>>, %arg4: memref<245760x8xf32, #tpu.memory_space<hbm>>, %arg5: memref<7680xi32, #tpu.memory_space<vmem>>, %arg6: memref<7680x8xf32, #tpu.memory_space<vmem>>, %arg7: memref<!tpu.dma_semaphore, #tpu.memory_space<semaphore_mem>>) attributes {dimension_semantics = [#tpu.dimension_semantics<core_parallel>, #tpu.dimension_semantics<subcore_parallel>], iteration_bounds = array<i64: 2, 16>, scalar_prefetch = 0 : i64, scratch_operands = 3 : i64, tpu.core_type = #tpu.core_type<sc_vector_subcore>, window_params = [{transform_indices = #map}, {transform_indices = #map1}, {transform_indices = #map}]} {
    %mul3A = arith.constant 2 : i32
    %mul3A_0 = arith.muli %arg1, %mul3A : i32
    %add3A = arith.addi %mul3A_0, %arg0 : i32
    %mul3A_1 = arith.constant 7680 : i32
    %mul3A_2 = arith.muli %add3A, %mul3A_1 : i32
    %add3A_3 = arith.constant 0 : i32
    %add3A_4 = arith.addi %mul3A_2, %add3A_3 : i32
    "tpu.region"() ({
      %run_scoped3A = tpu.sem_alloc : memref<!tpu.dma_semaphore, #tpu.memory_space<semaphore_mem>>
      %dma_start3A_9 = tpu.memref_slice %arg3[%add3A_4] : memref<245760xi32, #tpu.memory_space<hbm>> -> memref<7680xi32, #tpu.memory_space<hbm>>
      %dma_start3A_10 = tpu.memref_slice %arg3[%add3A_4] : memref<245760xi32, #tpu.memory_space<hbm>> -> memref<7680xi32, #tpu.memory_space<hbm>>
      tpu.enqueue_dma source(%dma_start3A_10 : memref<7680xi32, #tpu.memory_space<hbm>>) target(%arg5 : memref<7680xi32, #tpu.memory_space<vmem>>) target_semaphore(%run_scoped3A : memref<!tpu.dma_semaphore, #tpu.memory_space<semaphore_mem>>)
      %dma_wait3A_11 = tpu.memref_slice %arg3[%add3A_4] : memref<245760xi32, #tpu.memory_space<hbm>> -> memref<7680xi32, #tpu.memory_space<hbm>>
      %dma_wait3A_12 = tpu.memref_slice %arg3[%add3A_4] : memref<245760xi32, #tpu.memory_space<hbm>> -> memref<7680xi32, #tpu.memory_space<hbm>>
      tpu.wait_dma2 semaphore(%run_scoped3A : memref<!tpu.dma_semaphore, #tpu.memory_space<semaphore_mem>>) src(%dma_wait3A_12 : memref<7680xi32, #tpu.memory_space<hbm>>) dst(%arg5 : memref<7680xi32, #tpu.memory_space<vmem>>)
      tpu.yield
    }) : () -> ()
    %dma_start3A = arith.constant 0 : i32
    %dma_start3A_5 = arith.constant 0 : i32
    %dma_start3A_6 = tpu.memref_slice %arg2[%dma_start3A, %dma_start3A_5] : memref<8192x8xf32, #tpu.memory_space<hbm>> -> memref<8192x8xf32, #tpu.memory_space<hbm>>
    tpu.enqueue_indirect_dma source(%dma_start3A_6 : memref<8192x8xf32, #tpu.memory_space<hbm>>) target(%arg6 : memref<7680x8xf32, #tpu.memory_space<vmem>>) offsets(%arg5 : memref<7680xi32, #tpu.memory_space<vmem>>) semaphore(%arg7 : memref<!tpu.dma_semaphore, #tpu.memory_space<semaphore_mem>>)
    %dma_wait3A = arith.constant 0 : i32
    %dma_wait3A_7 = arith.constant 0 : i32
    %dma_wait3A_8 = tpu.memref_slice %arg2[%dma_wait3A, %dma_wait3A_7] : memref<8192x8xf32, #tpu.memory_space<hbm>> -> memref<8192x8xf32, #tpu.memory_space<hbm>>
    tpu.wait_indirect_dma semaphore(%arg7 : memref<!tpu.dma_semaphore, #tpu.memory_space<semaphore_mem>>) src(%dma_wait3A_8 : memref<8192x8xf32, #tpu.memory_space<hbm>>) dst(%arg6 : memref<7680x8xf32, #tpu.memory_space<vmem>>)
    "tpu.region"() ({
      %run_scoped3A = tpu.sem_alloc : memref<!tpu.dma_semaphore, #tpu.memory_space<semaphore_mem>>
      %dma_start3A_9 = arith.constant 0 : i32
      %dma_start3A_10 = tpu.memref_slice %arg4[%add3A_4, %dma_start3A_9] : memref<245760x8xf32, #tpu.memory_space<hbm>> -> memref<7680x8xf32, #tpu.memory_space<hbm>>
      %dma_start3A_11 = arith.constant 0 : i32
      %dma_start3A_12 = tpu.memref_slice %arg4[%add3A_4, %dma_start3A_11] : memref<245760x8xf32, #tpu.memory_space<hbm>> -> memref<7680x8xf32, #tpu.memory_space<hbm>>
      tpu.enqueue_dma source(%arg6 : memref<7680x8xf32, #tpu.memory_space<vmem>>) target(%dma_start3A_12 : memref<7680x8xf32, #tpu.memory_space<hbm>>) target_semaphore(%run_scoped3A : memref<!tpu.dma_semaphore, #tpu.memory_space<semaphore_mem>>)
      %dma_wait3A_13 = arith.constant 0 : i32
      %dma_wait3A_14 = tpu.memref_slice %arg4[%add3A_4, %dma_wait3A_13] : memref<245760x8xf32, #tpu.memory_space<hbm>> -> memref<7680x8xf32, #tpu.memory_space<hbm>>
      %dma_wait3A_15 = arith.constant 0 : i32
      %dma_wait3A_16 = tpu.memref_slice %arg4[%add3A_4, %dma_wait3A_15] : memref<245760x8xf32, #tpu.memory_space<hbm>> -> memref<7680x8xf32, #tpu.memory_space<hbm>>
      tpu.wait_dma2 semaphore(%run_scoped3A : memref<!tpu.dma_semaphore, #tpu.memory_space<semaphore_mem>>) src(%arg6 : memref<7680x8xf32, #tpu.memory_space<vmem>>) dst(%dma_wait3A_16 : memref<7680x8xf32, #tpu.memory_space<hbm>>)
      tpu.yield
    }) : () -> ()
    return
  }
}

#map = affine_map<(d0, d1) -> (0, 0)>
#map1 = affine_map<(d0, d1) -> (0)>
module attributes {stable_mosaic.version = 14 : i64} {
  func.func @gather(%arg0: i32, %arg1: i32, %arg2: memref<8192x64xf32, #tpu.memory_space<hbm>>, %arg3: memref<245760xi32, #tpu.memory_space<hbm>>, %arg4: memref<245760x64xf32, #tpu.memory_space<hbm>>, %arg5: memref<1536xi32, #tpu.memory_space<vmem>>, %arg6: memref<1536x64xf32, #tpu.memory_space<vmem>>, %arg7: memref<!tpu.dma_semaphore, #tpu.memory_space<semaphore_mem>>) attributes {dimension_semantics = [#tpu.dimension_semantics<core_parallel>, #tpu.dimension_semantics<subcore_parallel>], iteration_bounds = array<i64: 2, 16>, scalar_prefetch = 0 : i64, scratch_operands = 3 : i64, tpu.core_type = #tpu.core_type<sc_vector_subcore>, window_params = [{transform_indices = #map}, {transform_indices = #map1}, {transform_indices = #map}]} {
    %mul3A = arith.constant 2 : i32
    %mul3A_0 = arith.muli %arg1, %mul3A : i32
    %add3A = arith.addi %mul3A_0, %arg0 : i32
    %mul3A_1 = arith.constant 7680 : i32
    %mul3A_2 = arith.muli %add3A, %mul3A_1 : i32
    %add3A_3 = arith.constant 0 : i32
    %add3A_4 = arith.addi %mul3A_2, %add3A_3 : i32
    "tpu.region"() ({
      %run_scoped3A = tpu.sem_alloc : memref<!tpu.dma_semaphore, #tpu.memory_space<semaphore_mem>>
      %dma_start3A_41 = tpu.memref_slice %arg3[%add3A_4] : memref<245760xi32, #tpu.memory_space<hbm>> -> memref<1536xi32, #tpu.memory_space<hbm>>
      %dma_start3A_42 = tpu.memref_slice %arg3[%add3A_4] : memref<245760xi32, #tpu.memory_space<hbm>> -> memref<1536xi32, #tpu.memory_space<hbm>>
      tpu.enqueue_dma source(%dma_start3A_42 : memref<1536xi32, #tpu.memory_space<hbm>>) target(%arg5 : memref<1536xi32, #tpu.memory_space<vmem>>) target_semaphore(%run_scoped3A : memref<!tpu.dma_semaphore, #tpu.memory_space<semaphore_mem>>)
      %dma_wait3A_43 = tpu.memref_slice %arg3[%add3A_4] : memref<245760xi32, #tpu.memory_space<hbm>> -> memref<1536xi32, #tpu.memory_space<hbm>>
      %dma_wait3A_44 = tpu.memref_slice %arg3[%add3A_4] : memref<245760xi32, #tpu.memory_space<hbm>> -> memref<1536xi32, #tpu.memory_space<hbm>>
      tpu.wait_dma2 semaphore(%run_scoped3A : memref<!tpu.dma_semaphore, #tpu.memory_space<semaphore_mem>>) src(%dma_wait3A_44 : memref<1536xi32, #tpu.memory_space<hbm>>) dst(%arg5 : memref<1536xi32, #tpu.memory_space<vmem>>)
      tpu.yield
    }) : () -> ()
    %dma_start3A = arith.constant 0 : i32
    %dma_start3A_5 = arith.constant 0 : i32
    %dma_start3A_6 = tpu.memref_slice %arg2[%dma_start3A, %dma_start3A_5] : memref<8192x64xf32, #tpu.memory_space<hbm>> -> memref<8192x64xf32, #tpu.memory_space<hbm>>
    tpu.enqueue_indirect_dma source(%dma_start3A_6 : memref<8192x64xf32, #tpu.memory_space<hbm>>) target(%arg6 : memref<1536x64xf32, #tpu.memory_space<vmem>>) offsets(%arg5 : memref<1536xi32, #tpu.memory_space<vmem>>) semaphore(%arg7 : memref<!tpu.dma_semaphore, #tpu.memory_space<semaphore_mem>>)
    %dma_wait3A = arith.constant 0 : i32
    %dma_wait3A_7 = arith.constant 0 : i32
    %dma_wait3A_8 = tpu.memref_slice %arg2[%dma_wait3A, %dma_wait3A_7] : memref<8192x64xf32, #tpu.memory_space<hbm>> -> memref<8192x64xf32, #tpu.memory_space<hbm>>
    tpu.wait_indirect_dma semaphore(%arg7 : memref<!tpu.dma_semaphore, #tpu.memory_space<semaphore_mem>>) src(%dma_wait3A_8 : memref<8192x64xf32, #tpu.memory_space<hbm>>) dst(%arg6 : memref<1536x64xf32, #tpu.memory_space<vmem>>)
    "tpu.region"() ({
      %run_scoped3A = tpu.sem_alloc : memref<!tpu.dma_semaphore, #tpu.memory_space<semaphore_mem>>
      %dma_start3A_41 = arith.constant 0 : i32
      %dma_start3A_42 = tpu.memref_slice %arg4[%add3A_4, %dma_start3A_41] : memref<245760x64xf32, #tpu.memory_space<hbm>> -> memref<1536x64xf32, #tpu.memory_space<hbm>>
      %dma_start3A_43 = arith.constant 0 : i32
      %dma_start3A_44 = tpu.memref_slice %arg4[%add3A_4, %dma_start3A_43] : memref<245760x64xf32, #tpu.memory_space<hbm>> -> memref<1536x64xf32, #tpu.memory_space<hbm>>
      tpu.enqueue_dma source(%arg6 : memref<1536x64xf32, #tpu.memory_space<vmem>>) target(%dma_start3A_44 : memref<1536x64xf32, #tpu.memory_space<hbm>>) target_semaphore(%run_scoped3A : memref<!tpu.dma_semaphore, #tpu.memory_space<semaphore_mem>>)
      %dma_wait3A_45 = arith.constant 0 : i32
      %dma_wait3A_46 = tpu.memref_slice %arg4[%add3A_4, %dma_wait3A_45] : memref<245760x64xf32, #tpu.memory_space<hbm>> -> memref<1536x64xf32, #tpu.memory_space<hbm>>
      %dma_wait3A_47 = arith.constant 0 : i32
      %dma_wait3A_48 = tpu.memref_slice %arg4[%add3A_4, %dma_wait3A_47] : memref<245760x64xf32, #tpu.memory_space<hbm>> -> memref<1536x64xf32, #tpu.memory_space<hbm>>
      tpu.wait_dma2 semaphore(%run_scoped3A : memref<!tpu.dma_semaphore, #tpu.memory_space<semaphore_mem>>) src(%arg6 : memref<1536x64xf32, #tpu.memory_space<vmem>>) dst(%dma_wait3A_48 : memref<1536x64xf32, #tpu.memory_space<hbm>>)
      tpu.yield
    }) : () -> ()
    %add3A_9 = arith.constant 1536 : i32
    %add3A_10 = arith.addi %mul3A_2, %add3A_9 : i32
    "tpu.region"() ({
      %run_scoped3A = tpu.sem_alloc : memref<!tpu.dma_semaphore, #tpu.memory_space<semaphore_mem>>
      %dma_start3A_41 = tpu.memref_slice %arg3[%add3A_10] : memref<245760xi32, #tpu.memory_space<hbm>> -> memref<1536xi32, #tpu.memory_space<hbm>>
      %dma_start3A_42 = tpu.memref_slice %arg3[%add3A_10] : memref<245760xi32, #tpu.memory_space<hbm>> -> memref<1536xi32, #tpu.memory_space<hbm>>
      tpu.enqueue_dma source(%dma_start3A_42 : memref<1536xi32, #tpu.memory_space<hbm>>) target(%arg5 : memref<1536xi32, #tpu.memory_space<vmem>>) target_semaphore(%run_scoped3A : memref<!tpu.dma_semaphore, #tpu.memory_space<semaphore_mem>>)
      %dma_wait3A_43 = tpu.memref_slice %arg3[%add3A_10] : memref<245760xi32, #tpu.memory_space<hbm>> -> memref<1536xi32, #tpu.memory_space<hbm>>
      %dma_wait3A_44 = tpu.memref_slice %arg3[%add3A_10] : memref<245760xi32, #tpu.memory_space<hbm>> -> memref<1536xi32, #tpu.memory_space<hbm>>
      tpu.wait_dma2 semaphore(%run_scoped3A : memref<!tpu.dma_semaphore, #tpu.memory_space<semaphore_mem>>) src(%dma_wait3A_44 : memref<1536xi32, #tpu.memory_space<hbm>>) dst(%arg5 : memref<1536xi32, #tpu.memory_space<vmem>>)
      tpu.yield
    }) : () -> ()
    %dma_start3A_11 = arith.constant 0 : i32
    %dma_start3A_12 = arith.constant 0 : i32
    %dma_start3A_13 = tpu.memref_slice %arg2[%dma_start3A_11, %dma_start3A_12] : memref<8192x64xf32, #tpu.memory_space<hbm>> -> memref<8192x64xf32, #tpu.memory_space<hbm>>
    tpu.enqueue_indirect_dma source(%dma_start3A_13 : memref<8192x64xf32, #tpu.memory_space<hbm>>) target(%arg6 : memref<1536x64xf32, #tpu.memory_space<vmem>>) offsets(%arg5 : memref<1536xi32, #tpu.memory_space<vmem>>) semaphore(%arg7 : memref<!tpu.dma_semaphore, #tpu.memory_space<semaphore_mem>>)
    %dma_wait3A_14 = arith.constant 0 : i32
    %dma_wait3A_15 = arith.constant 0 : i32
    %dma_wait3A_16 = tpu.memref_slice %arg2[%dma_wait3A_14, %dma_wait3A_15] : memref<8192x64xf32, #tpu.memory_space<hbm>> -> memref<8192x64xf32, #tpu.memory_space<hbm>>
    tpu.wait_indirect_dma semaphore(%arg7 : memref<!tpu.dma_semaphore, #tpu.memory_space<semaphore_mem>>) src(%dma_wait3A_16 : memref<8192x64xf32, #tpu.memory_space<hbm>>) dst(%arg6 : memref<1536x64xf32, #tpu.memory_space<vmem>>)
    "tpu.region"() ({
      %run_scoped3A = tpu.sem_alloc : memref<!tpu.dma_semaphore, #tpu.memory_space<semaphore_mem>>
      %dma_start3A_41 = arith.constant 0 : i32
      %dma_start3A_42 = tpu.memref_slice %arg4[%add3A_10, %dma_start3A_41] : memref<245760x64xf32, #tpu.memory_space<hbm>> -> memref<1536x64xf32, #tpu.memory_space<hbm>>
      %dma_start3A_43 = arith.constant 0 : i32
      %dma_start3A_44 = tpu.memref_slice %arg4[%add3A_10, %dma_start3A_43] : memref<245760x64xf32, #tpu.memory_space<hbm>> -> memref<1536x64xf32, #tpu.memory_space<hbm>>
      tpu.enqueue_dma source(%arg6 : memref<1536x64xf32, #tpu.memory_space<vmem>>) target(%dma_start3A_44 : memref<1536x64xf32, #tpu.memory_space<hbm>>) target_semaphore(%run_scoped3A : memref<!tpu.dma_semaphore, #tpu.memory_space<semaphore_mem>>)
      %dma_wait3A_45 = arith.constant 0 : i32
      %dma_wait3A_46 = tpu.memref_slice %arg4[%add3A_10, %dma_wait3A_45] : memref<245760x64xf32, #tpu.memory_space<hbm>> -> memref<1536x64xf32, #tpu.memory_space<hbm>>
      %dma_wait3A_47 = arith.constant 0 : i32
      %dma_wait3A_48 = tpu.memref_slice %arg4[%add3A_10, %dma_wait3A_47] : memref<245760x64xf32, #tpu.memory_space<hbm>> -> memref<1536x64xf32, #tpu.memory_space<hbm>>
      tpu.wait_dma2 semaphore(%run_scoped3A : memref<!tpu.dma_semaphore, #tpu.memory_space<semaphore_mem>>) src(%arg6 : memref<1536x64xf32, #tpu.memory_space<vmem>>) dst(%dma_wait3A_48 : memref<1536x64xf32, #tpu.memory_space<hbm>>)
      tpu.yield
    }) : () -> ()
    %add3A_17 = arith.constant 3072 : i32
    %add3A_18 = arith.addi %mul3A_2, %add3A_17 : i32
    "tpu.region"() ({
      %run_scoped3A = tpu.sem_alloc : memref<!tpu.dma_semaphore, #tpu.memory_space<semaphore_mem>>
      %dma_start3A_41 = tpu.memref_slice %arg3[%add3A_18] : memref<245760xi32, #tpu.memory_space<hbm>> -> memref<1536xi32, #tpu.memory_space<hbm>>
      %dma_start3A_42 = tpu.memref_slice %arg3[%add3A_18] : memref<245760xi32, #tpu.memory_space<hbm>> -> memref<1536xi32, #tpu.memory_space<hbm>>
      tpu.enqueue_dma source(%dma_start3A_42 : memref<1536xi32, #tpu.memory_space<hbm>>) target(%arg5 : memref<1536xi32, #tpu.memory_space<vmem>>) target_semaphore(%run_scoped3A : memref<!tpu.dma_semaphore, #tpu.memory_space<semaphore_mem>>)
      %dma_wait3A_43 = tpu.memref_slice %arg3[%add3A_18] : memref<245760xi32, #tpu.memory_space<hbm>> -> memref<1536xi32, #tpu.memory_space<hbm>>
      %dma_wait3A_44 = tpu.memref_slice %arg3[%add3A_18] : memref<245760xi32, #tpu.memory_space<hbm>> -> memref<1536xi32, #tpu.memory_space<hbm>>
      tpu.wait_dma2 semaphore(%run_scoped3A : memref<!tpu.dma_semaphore, #tpu.memory_space<semaphore_mem>>) src(%dma_wait3A_44 : memref<1536xi32, #tpu.memory_space<hbm>>) dst(%arg5 : memref<1536xi32, #tpu.memory_space<vmem>>)
      tpu.yield
    }) : () -> ()
    %dma_start3A_19 = arith.constant 0 : i32
    %dma_start3A_20 = arith.constant 0 : i32
    %dma_start3A_21 = tpu.memref_slice %arg2[%dma_start3A_19, %dma_start3A_20] : memref<8192x64xf32, #tpu.memory_space<hbm>> -> memref<8192x64xf32, #tpu.memory_space<hbm>>
    tpu.enqueue_indirect_dma source(%dma_start3A_21 : memref<8192x64xf32, #tpu.memory_space<hbm>>) target(%arg6 : memref<1536x64xf32, #tpu.memory_space<vmem>>) offsets(%arg5 : memref<1536xi32, #tpu.memory_space<vmem>>) semaphore(%arg7 : memref<!tpu.dma_semaphore, #tpu.memory_space<semaphore_mem>>)
    %dma_wait3A_22 = arith.constant 0 : i32
    %dma_wait3A_23 = arith.constant 0 : i32
    %dma_wait3A_24 = tpu.memref_slice %arg2[%dma_wait3A_22, %dma_wait3A_23] : memref<8192x64xf32, #tpu.memory_space<hbm>> -> memref<8192x64xf32, #tpu.memory_space<hbm>>
    tpu.wait_indirect_dma semaphore(%arg7 : memref<!tpu.dma_semaphore, #tpu.memory_space<semaphore_mem>>) src(%dma_wait3A_24 : memref<8192x64xf32, #tpu.memory_space<hbm>>) dst(%arg6 : memref<1536x64xf32, #tpu.memory_space<vmem>>)
    "tpu.region"() ({
      %run_scoped3A = tpu.sem_alloc : memref<!tpu.dma_semaphore, #tpu.memory_space<semaphore_mem>>
      %dma_start3A_41 = arith.constant 0 : i32
      %dma_start3A_42 = tpu.memref_slice %arg4[%add3A_18, %dma_start3A_41] : memref<245760x64xf32, #tpu.memory_space<hbm>> -> memref<1536x64xf32, #tpu.memory_space<hbm>>
      %dma_start3A_43 = arith.constant 0 : i32
      %dma_start3A_44 = tpu.memref_slice %arg4[%add3A_18, %dma_start3A_43] : memref<245760x64xf32, #tpu.memory_space<hbm>> -> memref<1536x64xf32, #tpu.memory_space<hbm>>
      tpu.enqueue_dma source(%arg6 : memref<1536x64xf32, #tpu.memory_space<vmem>>) target(%dma_start3A_44 : memref<1536x64xf32, #tpu.memory_space<hbm>>) target_semaphore(%run_scoped3A : memref<!tpu.dma_semaphore, #tpu.memory_space<semaphore_mem>>)
      %dma_wait3A_45 = arith.constant 0 : i32
      %dma_wait3A_46 = tpu.memref_slice %arg4[%add3A_18, %dma_wait3A_45] : memref<245760x64xf32, #tpu.memory_space<hbm>> -> memref<1536x64xf32, #tpu.memory_space<hbm>>
      %dma_wait3A_47 = arith.constant 0 : i32
      %dma_wait3A_48 = tpu.memref_slice %arg4[%add3A_18, %dma_wait3A_47] : memref<245760x64xf32, #tpu.memory_space<hbm>> -> memref<1536x64xf32, #tpu.memory_space<hbm>>
      tpu.wait_dma2 semaphore(%run_scoped3A : memref<!tpu.dma_semaphore, #tpu.memory_space<semaphore_mem>>) src(%arg6 : memref<1536x64xf32, #tpu.memory_space<vmem>>) dst(%dma_wait3A_48 : memref<1536x64xf32, #tpu.memory_space<hbm>>)
      tpu.yield
    }) : () -> ()
    %add3A_25 = arith.constant 4608 : i32
    %add3A_26 = arith.addi %mul3A_2, %add3A_25 : i32
    "tpu.region"() ({
      %run_scoped3A = tpu.sem_alloc : memref<!tpu.dma_semaphore, #tpu.memory_space<semaphore_mem>>
      %dma_start3A_41 = tpu.memref_slice %arg3[%add3A_26] : memref<245760xi32, #tpu.memory_space<hbm>> -> memref<1536xi32, #tpu.memory_space<hbm>>
      %dma_start3A_42 = tpu.memref_slice %arg3[%add3A_26] : memref<245760xi32, #tpu.memory_space<hbm>> -> memref<1536xi32, #tpu.memory_space<hbm>>
      tpu.enqueue_dma source(%dma_start3A_42 : memref<1536xi32, #tpu.memory_space<hbm>>) target(%arg5 : memref<1536xi32, #tpu.memory_space<vmem>>) target_semaphore(%run_scoped3A : memref<!tpu.dma_semaphore, #tpu.memory_space<semaphore_mem>>)
      %dma_wait3A_43 = tpu.memref_slice %arg3[%add3A_26] : memref<245760xi32, #tpu.memory_space<hbm>> -> memref<1536xi32, #tpu.memory_space<hbm>>
      %dma_wait3A_44 = tpu.memref_slice %arg3[%add3A_26] : memref<245760xi32, #tpu.memory_space<hbm>> -> memref<1536xi32, #tpu.memory_space<hbm>>
      tpu.wait_dma2 semaphore(%run_scoped3A : memref<!tpu.dma_semaphore, #tpu.memory_space<semaphore_mem>>) src(%dma_wait3A_44 : memref<1536xi32, #tpu.memory_space<hbm>>) dst(%arg5 : memref<1536xi32, #tpu.memory_space<vmem>>)
      tpu.yield
    }) : () -> ()
    %dma_start3A_27 = arith.constant 0 : i32
    %dma_start3A_28 = arith.constant 0 : i32
    %dma_start3A_29 = tpu.memref_slice %arg2[%dma_start3A_27, %dma_start3A_28] : memref<8192x64xf32, #tpu.memory_space<hbm>> -> memref<8192x64xf32, #tpu.memory_space<hbm>>
    tpu.enqueue_indirect_dma source(%dma_start3A_29 : memref<8192x64xf32, #tpu.memory_space<hbm>>) target(%arg6 : memref<1536x64xf32, #tpu.memory_space<vmem>>) offsets(%arg5 : memref<1536xi32, #tpu.memory_space<vmem>>) semaphore(%arg7 : memref<!tpu.dma_semaphore, #tpu.memory_space<semaphore_mem>>)
    %dma_wait3A_30 = arith.constant 0 : i32
    %dma_wait3A_31 = arith.constant 0 : i32
    %dma_wait3A_32 = tpu.memref_slice %arg2[%dma_wait3A_30, %dma_wait3A_31] : memref<8192x64xf32, #tpu.memory_space<hbm>> -> memref<8192x64xf32, #tpu.memory_space<hbm>>
    tpu.wait_indirect_dma semaphore(%arg7 : memref<!tpu.dma_semaphore, #tpu.memory_space<semaphore_mem>>) src(%dma_wait3A_32 : memref<8192x64xf32, #tpu.memory_space<hbm>>) dst(%arg6 : memref<1536x64xf32, #tpu.memory_space<vmem>>)
    "tpu.region"() ({
      %run_scoped3A = tpu.sem_alloc : memref<!tpu.dma_semaphore, #tpu.memory_space<semaphore_mem>>
      %dma_start3A_41 = arith.constant 0 : i32
      %dma_start3A_42 = tpu.memref_slice %arg4[%add3A_26, %dma_start3A_41] : memref<245760x64xf32, #tpu.memory_space<hbm>> -> memref<1536x64xf32, #tpu.memory_space<hbm>>
      %dma_start3A_43 = arith.constant 0 : i32
      %dma_start3A_44 = tpu.memref_slice %arg4[%add3A_26, %dma_start3A_43] : memref<245760x64xf32, #tpu.memory_space<hbm>> -> memref<1536x64xf32, #tpu.memory_space<hbm>>
      tpu.enqueue_dma source(%arg6 : memref<1536x64xf32, #tpu.memory_space<vmem>>) target(%dma_start3A_44 : memref<1536x64xf32, #tpu.memory_space<hbm>>) target_semaphore(%run_scoped3A : memref<!tpu.dma_semaphore, #tpu.memory_space<semaphore_mem>>)
      %dma_wait3A_45 = arith.constant 0 : i32
      %dma_wait3A_46 = tpu.memref_slice %arg4[%add3A_26, %dma_wait3A_45] : memref<245760x64xf32, #tpu.memory_space<hbm>> -> memref<1536x64xf32, #tpu.memory_space<hbm>>
      %dma_wait3A_47 = arith.constant 0 : i32
      %dma_wait3A_48 = tpu.memref_slice %arg4[%add3A_26, %dma_wait3A_47] : memref<245760x64xf32, #tpu.memory_space<hbm>> -> memref<1536x64xf32, #tpu.memory_space<hbm>>
      tpu.wait_dma2 semaphore(%run_scoped3A : memref<!tpu.dma_semaphore, #tpu.memory_space<semaphore_mem>>) src(%arg6 : memref<1536x64xf32, #tpu.memory_space<vmem>>) dst(%dma_wait3A_48 : memref<1536x64xf32, #tpu.memory_space<hbm>>)
      tpu.yield
    }) : () -> ()
    %add3A_33 = arith.constant 6144 : i32
    %add3A_34 = arith.addi %mul3A_2, %add3A_33 : i32
    "tpu.region"() ({
      %run_scoped3A = tpu.sem_alloc : memref<!tpu.dma_semaphore, #tpu.memory_space<semaphore_mem>>
      %dma_start3A_41 = tpu.memref_slice %arg3[%add3A_34] : memref<245760xi32, #tpu.memory_space<hbm>> -> memref<1536xi32, #tpu.memory_space<hbm>>
      %dma_start3A_42 = tpu.memref_slice %arg3[%add3A_34] : memref<245760xi32, #tpu.memory_space<hbm>> -> memref<1536xi32, #tpu.memory_space<hbm>>
      tpu.enqueue_dma source(%dma_start3A_42 : memref<1536xi32, #tpu.memory_space<hbm>>) target(%arg5 : memref<1536xi32, #tpu.memory_space<vmem>>) target_semaphore(%run_scoped3A : memref<!tpu.dma_semaphore, #tpu.memory_space<semaphore_mem>>)
      %dma_wait3A_43 = tpu.memref_slice %arg3[%add3A_34] : memref<245760xi32, #tpu.memory_space<hbm>> -> memref<1536xi32, #tpu.memory_space<hbm>>
      %dma_wait3A_44 = tpu.memref_slice %arg3[%add3A_34] : memref<245760xi32, #tpu.memory_space<hbm>> -> memref<1536xi32, #tpu.memory_space<hbm>>
      tpu.wait_dma2 semaphore(%run_scoped3A : memref<!tpu.dma_semaphore, #tpu.memory_space<semaphore_mem>>) src(%dma_wait3A_44 : memref<1536xi32, #tpu.memory_space<hbm>>) dst(%arg5 : memref<1536xi32, #tpu.memory_space<vmem>>)
      tpu.yield
    }) : () -> ()
    %dma_start3A_35 = arith.constant 0 : i32
    %dma_start3A_36 = arith.constant 0 : i32
    %dma_start3A_37 = tpu.memref_slice %arg2[%dma_start3A_35, %dma_start3A_36] : memref<8192x64xf32, #tpu.memory_space<hbm>> -> memref<8192x64xf32, #tpu.memory_space<hbm>>
    tpu.enqueue_indirect_dma source(%dma_start3A_37 : memref<8192x64xf32, #tpu.memory_space<hbm>>) target(%arg6 : memref<1536x64xf32, #tpu.memory_space<vmem>>) offsets(%arg5 : memref<1536xi32, #tpu.memory_space<vmem>>) semaphore(%arg7 : memref<!tpu.dma_semaphore, #tpu.memory_space<semaphore_mem>>)
    %dma_wait3A_38 = arith.constant 0 : i32
    %dma_wait3A_39 = arith.constant 0 : i32
    %dma_wait3A_40 = tpu.memref_slice %arg2[%dma_wait3A_38, %dma_wait3A_39] : memref<8192x64xf32, #tpu.memory_space<hbm>> -> memref<8192x64xf32, #tpu.memory_space<hbm>>
    tpu.wait_indirect_dma semaphore(%arg7 : memref<!tpu.dma_semaphore, #tpu.memory_space<semaphore_mem>>) src(%dma_wait3A_40 : memref<8192x64xf32, #tpu.memory_space<hbm>>) dst(%arg6 : memref<1536x64xf32, #tpu.memory_space<vmem>>)
    "tpu.region"() ({
      %run_scoped3A = tpu.sem_alloc : memref<!tpu.dma_semaphore, #tpu.memory_space<semaphore_mem>>
      %dma_start3A_41 = arith.constant 0 : i32
      %dma_start3A_42 = tpu.memref_slice %arg4[%add3A_34, %dma_start3A_41] : memref<245760x64xf32, #tpu.memory_space<hbm>> -> memref<1536x64xf32, #tpu.memory_space<hbm>>
      %dma_start3A_43 = arith.constant 0 : i32
      %dma_start3A_44 = tpu.memref_slice %arg4[%add3A_34, %dma_start3A_43] : memref<245760x64xf32, #tpu.memory_space<hbm>> -> memref<1536x64xf32, #tpu.memory_space<hbm>>
      tpu.enqueue_dma source(%arg6 : memref<1536x64xf32, #tpu.memory_space<vmem>>) target(%dma_start3A_44 : memref<1536x64xf32, #tpu.memory_space<hbm>>) target_semaphore(%run_scoped3A : memref<!tpu.dma_semaphore, #tpu.memory_space<semaphore_mem>>)
      %dma_wait3A_45 = arith.constant 0 : i32
      %dma_wait3A_46 = tpu.memref_slice %arg4[%add3A_34, %dma_wait3A_45] : memref<245760x64xf32, #tpu.memory_space<hbm>> -> memref<1536x64xf32, #tpu.memory_space<hbm>>
      %dma_wait3A_47 = arith.constant 0 : i32
      %dma_wait3A_48 = tpu.memref_slice %arg4[%add3A_34, %dma_wait3A_47] : memref<245760x64xf32, #tpu.memory_space<hbm>> -> memref<1536x64xf32, #tpu.memory_space<hbm>>
      tpu.wait_dma2 semaphore(%run_scoped3A : memref<!tpu.dma_semaphore, #tpu.memory_space<semaphore_mem>>) src(%arg6 : memref<1536x64xf32, #tpu.memory_space<vmem>>) dst(%dma_wait3A_48 : memref<1536x64xf32, #tpu.memory_space<hbm>>)
      tpu.yield
    }) : () -> ()
    return
  }
}

#map = affine_map<(d0, d1) -> (0, 0)>
#map1 = affine_map<(d0, d1) -> (0)>
module attributes {stable_mosaic.version = 14 : i64} {
  func.func @gather(%arg0: i32, %arg1: i32, %arg2: memref<8192x8xf32, #tpu.memory_space<hbm>>, %arg3: memref<245760xi32, #tpu.memory_space<hbm>>, %arg4: memref<245760x8xf32, #tpu.memory_space<hbm>>, %arg5: memref<7680xi32, #tpu.memory_space<vmem>>, %arg6: memref<7680x8xf32, #tpu.memory_space<vmem>>, %arg7: memref<!tpu.dma_semaphore, #tpu.memory_space<semaphore_mem>>) attributes {dimension_semantics = [#tpu.dimension_semantics<core_parallel>, #tpu.dimension_semantics<subcore_parallel>], iteration_bounds = array<i64: 2, 16>, scalar_prefetch = 0 : i64, scratch_operands = 3 : i64, tpu.core_type = #tpu.core_type<sc_vector_subcore>, window_params = [{transform_indices = #map}, {transform_indices = #map1}, {transform_indices = #map}]} {
    %mul3A = arith.constant 2 : i32
    %mul3A_0 = arith.muli %arg1, %mul3A : i32
    %add3A = arith.addi %mul3A_0, %arg0 : i32
    %mul3A_1 = arith.constant 7680 : i32
    %mul3A_2 = arith.muli %add3A, %mul3A_1 : i32
    %add3A_3 = arith.constant 0 : i32
    %add3A_4 = arith.addi %mul3A_2, %add3A_3 : i32
    "tpu.region"() ({
      %run_scoped3A = tpu.sem_alloc : memref<!tpu.dma_semaphore, #tpu.memory_space<semaphore_mem>>
      %dma_start3A_9 = tpu.memref_slice %arg3[%add3A_4] : memref<245760xi32, #tpu.memory_space<hbm>> -> memref<7680xi32, #tpu.memory_space<hbm>>
      %dma_start3A_10 = tpu.memref_slice %arg3[%add3A_4] : memref<245760xi32, #tpu.memory_space<hbm>> -> memref<7680xi32, #tpu.memory_space<hbm>>
      tpu.enqueue_dma source(%dma_start3A_10 : memref<7680xi32, #tpu.memory_space<hbm>>) target(%arg5 : memref<7680xi32, #tpu.memory_space<vmem>>) target_semaphore(%run_scoped3A : memref<!tpu.dma_semaphore, #tpu.memory_space<semaphore_mem>>)
      %dma_wait3A_11 = tpu.memref_slice %arg3[%add3A_4] : memref<245760xi32, #tpu.memory_space<hbm>> -> memref<7680xi32, #tpu.memory_space<hbm>>
      %dma_wait3A_12 = tpu.memref_slice %arg3[%add3A_4] : memref<245760xi32, #tpu.memory_space<hbm>> -> memref<7680xi32, #tpu.memory_space<hbm>>
      tpu.wait_dma2 semaphore(%run_scoped3A : memref<!tpu.dma_semaphore, #tpu.memory_space<semaphore_mem>>) src(%dma_wait3A_12 : memref<7680xi32, #tpu.memory_space<hbm>>) dst(%arg5 : memref<7680xi32, #tpu.memory_space<vmem>>)
      tpu.yield
    }) : () -> ()
    %dma_start3A = arith.constant 0 : i32
    %dma_start3A_5 = arith.constant 0 : i32
    %dma_start3A_6 = tpu.memref_slice %arg2[%dma_start3A, %dma_start3A_5] : memref<8192x8xf32, #tpu.memory_space<hbm>> -> memref<8192x8xf32, #tpu.memory_space<hbm>>
    tpu.enqueue_indirect_dma source(%dma_start3A_6 : memref<8192x8xf32, #tpu.memory_space<hbm>>) target(%arg6 : memref<7680x8xf32, #tpu.memory_space<vmem>>) offsets(%arg5 : memref<7680xi32, #tpu.memory_space<vmem>>) semaphore(%arg7 : memref<!tpu.dma_semaphore, #tpu.memory_space<semaphore_mem>>)
    %dma_wait3A = arith.constant 0 : i32
    %dma_wait3A_7 = arith.constant 0 : i32
    %dma_wait3A_8 = tpu.memref_slice %arg2[%dma_wait3A, %dma_wait3A_7] : memref<8192x8xf32, #tpu.memory_space<hbm>> -> memref<8192x8xf32, #tpu.memory_space<hbm>>
    tpu.wait_indirect_dma semaphore(%arg7 : memref<!tpu.dma_semaphore, #tpu.memory_space<semaphore_mem>>) src(%dma_wait3A_8 : memref<8192x8xf32, #tpu.memory_space<hbm>>) dst(%arg6 : memref<7680x8xf32, #tpu.memory_space<vmem>>)
    "tpu.region"() ({
      %run_scoped3A = tpu.sem_alloc : memref<!tpu.dma_semaphore, #tpu.memory_space<semaphore_mem>>
      %dma_start3A_9 = arith.constant 0 : i32
      %dma_start3A_10 = tpu.memref_slice %arg4[%add3A_4, %dma_start3A_9] : memref<245760x8xf32, #tpu.memory_space<hbm>> -> memref<7680x8xf32, #tpu.memory_space<hbm>>
      %dma_start3A_11 = arith.constant 0 : i32
      %dma_start3A_12 = tpu.memref_slice %arg4[%add3A_4, %dma_start3A_11] : memref<245760x8xf32, #tpu.memory_space<hbm>> -> memref<7680x8xf32, #tpu.memory_space<hbm>>
      tpu.enqueue_dma source(%arg6 : memref<7680x8xf32, #tpu.memory_space<vmem>>) target(%dma_start3A_12 : memref<7680x8xf32, #tpu.memory_space<hbm>>) target_semaphore(%run_scoped3A : memref<!tpu.dma_semaphore, #tpu.memory_space<semaphore_mem>>)
      %dma_wait3A_13 = arith.constant 0 : i32
      %dma_wait3A_14 = tpu.memref_slice %arg4[%add3A_4, %dma_wait3A_13] : memref<245760x8xf32, #tpu.memory_space<hbm>> -> memref<7680x8xf32, #tpu.memory_space<hbm>>
      %dma_wait3A_15 = arith.constant 0 : i32
      %dma_wait3A_16 = tpu.memref_slice %arg4[%add3A_4, %dma_wait3A_15] : memref<245760x8xf32, #tpu.memory_space<hbm>> -> memref<7680x8xf32, #tpu.memory_space<hbm>>
      tpu.wait_dma2 semaphore(%run_scoped3A : memref<!tpu.dma_semaphore, #tpu.memory_space<semaphore_mem>>) src(%arg6 : memref<7680x8xf32, #tpu.memory_space<vmem>>) dst(%dma_wait3A_16 : memref<7680x8xf32, #tpu.memory_space<hbm>>)
      tpu.yield
    }) : () -> ()
    return
  }
}

module attributes {stable_mosaic.version = 14 : i64} {
  func.func @_knn_body(%arg0: i32, %arg1: i32, %arg2: memref<1x256x8xf32, #tpu.memory_space<vmem>>, %arg3: memref<1x2048x8xf32, #tpu.memory_space<vmem>>, %arg4: memref<1x256x32xi32, #tpu.memory_space<vmem>>) attributes {dimension_semantics = [#tpu.dimension_semantics<arbitrary>, #tpu.dimension_semantics<arbitrary>], iteration_bounds = array<i64: 4, 8>, scalar_prefetch = 0 : i64, scratch_operands = 0 : i64, tpu.core_type = #tpu.core_type<tc>, window_params = [{transform_indices = @transform_0, window_bounds = array<i64: 1, 256, 8>}, {transform_indices = @transform_1, window_bounds = array<i64: 1, 2048, 8>}, {transform_indices = @transform_2, window_bounds = array<i64: 1, 256, 32>}]} {
    %get3A = arith.constant 0 : index
    %get3A_0 = arith.constant 0 : index
    %get3A_1 = arith.constant 0 : index
    %get3A_2 = vector.load %arg2[%get3A, %get3A_0, %get3A_1] : memref<1x256x8xf32, #tpu.memory_space<vmem>>, vector<1x256x8xf32>
    %get3A_3 = vector.shape_cast %get3A_2 : vector<1x256x8xf32> to vector<256x8xf32>
    %get3A_4 = arith.constant 0 : index
    %get3A_5 = arith.constant 0 : index
    %get3A_6 = arith.constant 0 : index
    %get3A_7 = vector.load %arg3[%get3A_4, %get3A_5, %get3A_6] : memref<1x2048x8xf32, #tpu.memory_space<vmem>>, vector<1x2048x8xf32>
    %get3A_8 = vector.shape_cast %get3A_7 : vector<1x2048x8xf32> to vector<2048x8xf32>
    %mul3A = arith.mulf %get3A_3, %get3A_3 : vector<256x8xf32>
    %reduce_sum3A = arith.constant dense<0.000000e+00> : vector<256xf32>
    %reduce_sum3A_9 = vector.multi_reduction <add>, %mul3A, %reduce_sum3A [1] : vector<256x8xf32> to vector<256xf32>
    %mul3A_10 = arith.mulf %get3A_8, %get3A_8 : vector<2048x8xf32>
    %reduce_sum3A_11 = arith.constant dense<0.000000e+00> : vector<2048xf32>
    %reduce_sum3A_12 = vector.multi_reduction <add>, %mul3A_10, %reduce_sum3A_11 [1] : vector<2048x8xf32> to vector<2048xf32>
    %convert_element_type3A = arith.truncf %get3A_3 : vector<256x8xf32> to vector<256x8xbf16>
    %convert_element_type3A_13 = arith.truncf %get3A_8 : vector<2048x8xf32> to vector<2048x8xbf16>
    %dot_general3A = arith.constant dense<0.000000e+00> : vector<256x2048xf32>
    %dot_general3A_14 = tpu.matmul %convert_element_type3A, %convert_element_type3A_13, %dot_general3A {dimension_numbers = #tpu.dot_dimension_numbers<[1], [1], [0], [0], [0, 0, 1, 0], [], []>, transpose_lhs_hint = false} : vector<256x8xbf16>, vector<2048x8xbf16>, vector<256x2048xf32> -> vector<256x2048xf32>
    %mul3A_15 = arith.constant 2.000000e+00 : f32
    %mul3A_16 = vector.broadcast %mul3A_15 : f32 to vector<256x2048xf32>
    %mul3A_17 = arith.mulf %mul3A_16, %dot_general3A_14 : vector<256x2048xf32>
    %broadcast_in_dim3A = vector.shape_cast %reduce_sum3A_9 : vector<256xf32> to vector<256x1xf32>
    %sub3A = vector.broadcast %broadcast_in_dim3A : vector<256x1xf32> to vector<256x2048xf32>
    %sub3A_18 = arith.subf %mul3A_17, %sub3A : vector<256x2048xf32>
    %broadcast_in_dim3A_19 = vector.shape_cast %reduce_sum3A_12 : vector<2048xf32> to vector<1x2048xf32>
    %sub3A_20 = vector.broadcast %broadcast_in_dim3A_19 : vector<1x2048xf32> to vector<256x2048xf32>
    %sub3A_21 = arith.subf %sub3A_18, %sub3A_20 : vector<256x2048xf32>
    %iota3A = tpu.iota {dimensions = array<i32: 1>} : vector<256x2048xi32>
    %mul3A_22 = arith.constant 2048 : i32
    %mul3A_23 = arith.muli %arg0, %mul3A_22 : i32
    %broadcast_in_dim3A_24 = arith.constant 0 : i32
    %broadcast_in_dim3A_25 = vector.broadcast %broadcast_in_dim3A_24 : i32 to vector<256x32xi32>
    %swap3A = arith.constant 0 : index
    %swap3A_26 = arith.constant 0 : index
    %swap3A_27 = arith.constant 0 : index
    %swap3A_28 = vector.load %arg4[%swap3A, %swap3A_26, %swap3A_27] : memref<1x256x32xi32, #tpu.memory_space<vmem>>, vector<1x256x32xi32>
    %swap3A_29 = vector.shape_cast %swap3A_28 : vector<1x256x32xi32> to vector<256x32xi32>
    %swap3A_30 = vector.shape_cast %broadcast_in_dim3A_25 : vector<256x32xi32> to vector<1x256x32xi32>
    tpu.vector_store %arg4[%swap3A, %swap3A_26, %swap3A_27], %swap3A_30 {strides = array<i32>} : memref<1x256x32xi32, #tpu.memory_space<vmem>>, vector<1x256x32xi32>,
    %reduce_max3A = arith.constant dense<0xFF800000> : vector<256xf32>
    %reduce_max3A_31 = vector.multi_reduction <maximumf>, %sub3A_21, %reduce_max3A [1] : vector<256x2048xf32> to vector<256xf32>
    %broadcast_in_dim3A_32 = vector.shape_cast %reduce_max3A_31 : vector<256xf32> to vector<256x1xf32>
    %eq3A = vector.broadcast %broadcast_in_dim3A_32 : vector<256x1xf32> to vector<256x2048xf32>
    %eq3A_33 = arith.cmpf oeq, %sub3A_21, %eq3A : vector<256x2048xf32>
    %jit3A = arith.constant 2048 : i32
    %broadcast_in_dim3A_34 = vector.broadcast %jit3A : i32 to vector<256x2048xi32>
    %select_n3A = arith.select %eq3A_33, %iota3A, %broadcast_in_dim3A_34 : vector<256x2048xi1>, vector<256x2048xi32>
    %reduce_min3A = arith.constant dense<2147483647> : vector<256xi32>
    %reduce_min3A_35 = vector.multi_reduction <minsi>, %select_n3A, %reduce_min3A [1] : vector<256x2048xi32> to vector<256xi32>
    %broadcast_in_dim3A_36 = vector.shape_cast %reduce_min3A_35 : vector<256xi32> to vector<256x1xi32>
    %squeeze3A = vector.shape_cast %broadcast_in_dim3A_36 : vector<256x1xi32> to vector<256xi32>
    %add3A = vector.broadcast %mul3A_23 : i32 to vector<256xi32>
    %add3A_37 = arith.addi %squeeze3A, %add3A : vector<256xi32>
    %swap3A_38 = arith.constant 0 : index
    %swap3A_39 = arith.constant 0 : index
    %swap3A_40 = arith.constant 0 : index
    %swap3A_41 = vector.load %arg4[%swap3A_38, %swap3A_39, %swap3A_40] : memref<1x256x32xi32, #tpu.memory_space<vmem>>, vector<1x256x1xi32>
    %swap3A_42 = vector.shape_cast %swap3A_41 : vector<1x256x1xi32> to vector<256xi32>
    %swap3A_43 = vector.shape_cast %add3A_37 : vector<256xi32> to vector<1x256x1xi32>
    tpu.vector_store %arg4[%swap3A_38, %swap3A_39, %swap3A_40], %swap3A_43 {strides = array<i32>} : memref<1x256x32xi32, #tpu.memory_space<vmem>>, vector<1x256x1xi32>,
    %eq3A_44 = vector.broadcast %broadcast_in_dim3A_36 : vector<256x1xi32> to vector<256x2048xi32>
    %eq3A_45 = arith.cmpi eq, %iota3A, %eq3A_44 : vector<256x2048xi32>
    %jit3A_46 = arith.constant 0xFF800000 : f32
    %broadcast_in_dim3A_47 = vector.broadcast %jit3A_46 : f32 to vector<256x2048xf32>
    %select_n3A_48 = arith.select %eq3A_45, %broadcast_in_dim3A_47, %sub3A_21 : vector<256x2048xi1>, vector<256x2048xf32>
    %reduce_max3A_49 = arith.constant dense<0xFF800000> : vector<256xf32>
    %reduce_max3A_50 = vector.multi_reduction <maximumf>, %select_n3A_48, %reduce_max3A_49 [1] : vector<256x2048xf32> to vector<256xf32>
    %broadcast_in_dim3A_51 = vector.shape_cast %reduce_max3A_50 : vector<256xf32> to vector<256x1xf32>
    %eq3A_52 = vector.broadcast %broadcast_in_dim3A_51 : vector<256x1xf32> to vector<256x2048xf32>
    %eq3A_53 = arith.cmpf oeq, %select_n3A_48, %eq3A_52 : vector<256x2048xf32>
    %jit3A_54 = arith.constant 2048 : i32
    %broadcast_in_dim3A_55 = vector.broadcast %jit3A_54 : i32 to vector<256x2048xi32>
    %select_n3A_56 = arith.select %eq3A_53, %iota3A, %broadcast_in_dim3A_55 : vector<256x2048xi1>, vector<256x2048xi32>
    %reduce_min3A_57 = arith.constant dense<2147483647> : vector<256xi32>
    %reduce_min3A_58 = vector.multi_reduction <minsi>, %select_n3A_56, %reduce_min3A_57 [1] : vector<256x2048xi32> to vector<256xi32>
    %broadcast_in_dim3A_59 = vector.shape_cast %reduce_min3A_58 : vector<256xi32> to vector<256x1xi32>
    %squeeze3A_60 = vector.shape_cast %broadcast_in_dim3A_59 : vector<256x1xi32> to vector<256xi32>
    %add3A_61 = vector.broadcast %mul3A_23 : i32 to vector<256xi32>
    %add3A_62 = arith.addi %squeeze3A_60, %add3A_61 : vector<256xi32>
    %swap3A_63 = arith.constant 0 : index
    %swap3A_64 = arith.constant 0 : index
    %swap3A_65 = arith.constant 1 : index
    %swap3A_66 = vector.load %arg4[%swap3A_63, %swap3A_64, %swap3A_65] : memref<1x256x32xi32, #tpu.memory_space<vmem>>, vector<1x256x1xi32>
    %swap3A_67 = vector.shape_cast %swap3A_66 : vector<1x256x1xi32> to vector<256xi32>
    %swap3A_68 = vector.shape_cast %add3A_62 : vector<256xi32> to vector<1x256x1xi32>
    tpu.vector_store %arg4[%swap3A_63, %swap3A_64, %swap3A_65], %swap3A_68 {strides = array<i32>} : memref<1x256x32xi32, #tpu.memory_space<vmem>>, vector<1x256x1xi32>,
    %eq3A_69 = vector.broadcast %broadcast_in_dim3A_59 : vector<256x1xi32> to vector<256x2048xi32>
    %eq3A_70 = arith.cmpi eq, %iota3A, %eq3A_69 : vector<256x2048xi32>
    %jit3A_71 = arith.constant 0xFF800000 : f32
    %broadcast_in_dim3A_72 = vector.broadcast %jit3A_71 : f32 to vector<256x2048xf32>
    %select_n3A_73 = arith.select %eq3A_70, %broadcast_in_dim3A_72, %select_n3A_48 : vector<256x2048xi1>, vector<256x2048xf32>
    %reduce_max3A_74 = arith.constant dense<0xFF800000> : vector<256xf32>
    %reduce_max3A_75 = vector.multi_reduction <maximumf>, %select_n3A_73, %reduce_max3A_74 [1] : vector<256x2048xf32> to vector<256xf32>
    %broadcast_in_dim3A_76 = vector.shape_cast %reduce_max3A_75 : vector<256xf32> to vector<256x1xf32>
    %eq3A_77 = vector.broadcast %broadcast_in_dim3A_76 : vector<256x1xf32> to vector<256x2048xf32>
    %eq3A_78 = arith.cmpf oeq, %select_n3A_73, %eq3A_77 : vector<256x2048xf32>
    %jit3A_79 = arith.constant 2048 : i32
    %broadcast_in_dim3A_80 = vector.broadcast %jit3A_79 : i32 to vector<256x2048xi32>
    %select_n3A_81 = arith.select %eq3A_78, %iota3A, %broadcast_in_dim3A_80 : vector<256x2048xi1>, vector<256x2048xi32>
    %reduce_min3A_82 = arith.constant dense<2147483647> : vector<256xi32>
    %reduce_min3A_83 = vector.multi_reduction <minsi>, %select_n3A_81, %reduce_min3A_82 [1] : vector<256x2048xi32> to vector<256xi32>
    %broadcast_in_dim3A_84 = vector.shape_cast %reduce_min3A_83 : vector<256xi32> to vector<256x1xi32>
    %squeeze3A_85 = vector.shape_cast %broadcast_in_dim3A_84 : vector<256x1xi32> to vector<256xi32>
    %add3A_86 = vector.broadcast %mul3A_23 : i32 to vector<256xi32>
    %add3A_87 = arith.addi %squeeze3A_85, %add3A_86 : vector<256xi32>
    %swap3A_88 = arith.constant 0 : index
    %swap3A_89 = arith.constant 0 : index
    %swap3A_90 = arith.constant 2 : index
    %swap3A_91 = vector.load %arg4[%swap3A_88, %swap3A_89, %swap3A_90] : memref<1x256x32xi32, #tpu.memory_space<vmem>>, vector<1x256x1xi32>
    %swap3A_92 = vector.shape_cast %swap3A_91 : vector<1x256x1xi32> to vector<256xi32>
    %swap3A_93 = vector.shape_cast %add3A_87 : vector<256xi32> to vector<1x256x1xi32>
    tpu.vector_store %arg4[%swap3A_88, %swap3A_89, %swap3A_90], %swap3A_93 {strides = array<i32>} : memref<1x256x32xi32, #tpu.memory_space<vmem>>, vector<1x256x1xi32>,
    %eq3A_94 = vector.broadcast %broadcast_in_dim3A_84 : vector<256x1xi32> to vector<256x2048xi32>
    %eq3A_95 = arith.cmpi eq, %iota3A, %eq3A_94 : vector<256x2048xi32>
    %jit3A_96 = arith.constant 0xFF800000 : f32
    %broadcast_in_dim3A_97 = vector.broadcast %jit3A_96 : f32 to vector<256x2048xf32>
    %select_n3A_98 = arith.select %eq3A_95, %broadcast_in_dim3A_97, %select_n3A_73 : vector<256x2048xi1>, vector<256x2048xf32>
    %reduce_max3A_99 = arith.constant dense<0xFF800000> : vector<256xf32>
    %reduce_max3A_100 = vector.multi_reduction <maximumf>, %select_n3A_98, %reduce_max3A_99 [1] : vector<256x2048xf32> to vector<256xf32>
    %broadcast_in_dim3A_101 = vector.shape_cast %reduce_max3A_100 : vector<256xf32> to vector<256x1xf32>
    %eq3A_102 = vector.broadcast %broadcast_in_dim3A_101 : vector<256x1xf32> to vector<256x2048xf32>
    %eq3A_103 = arith.cmpf oeq, %select_n3A_98, %eq3A_102 : vector<256x2048xf32>
    %jit3A_104 = arith.constant 2048 : i32
    %broadcast_in_dim3A_105 = vector.broadcast %jit3A_104 : i32 to vector<256x2048xi32>
    %select_n3A_106 = arith.select %eq3A_103, %iota3A, %broadcast_in_dim3A_105 : vector<256x2048xi1>, vector<256x2048xi32>
    %reduce_min3A_107 = arith.constant dense<2147483647> : vector<256xi32>
    %reduce_min3A_108 = vector.multi_reduction <minsi>, %select_n3A_106, %reduce_min3A_107 [1] : vector<256x2048xi32> to vector<256xi32>
    %broadcast_in_dim3A_109 = vector.shape_cast %reduce_min3A_108 : vector<256xi32> to vector<256x1xi32>
    %squeeze3A_110 = vector.shape_cast %broadcast_in_dim3A_109 : vector<256x1xi32> to vector<256xi32>
    %add3A_111 = vector.broadcast %mul3A_23 : i32 to vector<256xi32>
    %add3A_112 = arith.addi %squeeze3A_110, %add3A_111 : vector<256xi32>
    %swap3A_113 = arith.constant 0 : index
    %swap3A_114 = arith.constant 0 : index
    %swap3A_115 = arith.constant 3 : index
    %swap3A_116 = vector.load %arg4[%swap3A_113, %swap3A_114, %swap3A_115] : memref<1x256x32xi32, #tpu.memory_space<vmem>>, vector<1x256x1xi32>
    %swap3A_117 = vector.shape_cast %swap3A_116 : vector<1x256x1xi32> to vector<256xi32>
    %swap3A_118 = vector.shape_cast %add3A_112 : vector<256xi32> to vector<1x256x1xi32>
    tpu.vector_store %arg4[%swap3A_113, %swap3A_114, %swap3A_115], %swap3A_118 {strides = array<i32>} : memref<1x256x32xi32, #tpu.memory_space<vmem>>, vector<1x256x1xi32>,
    %eq3A_119 = vector.broadcast %broadcast_in_dim3A_109 : vector<256x1xi32> to vector<256x2048xi32>
    %eq3A_120 = arith.cmpi eq, %iota3A, %eq3A_119 : vector<256x2048xi32>
    %jit3A_121 = arith.constant 0xFF800000 : f32
    %broadcast_in_dim3A_122 = vector.broadcast %jit3A_121 : f32 to vector<256x2048xf32>
    %select_n3A_123 = arith.select %eq3A_120, %broadcast_in_dim3A_122, %select_n3A_98 : vector<256x2048xi1>, vector<256x2048xf32>
    %reduce_max3A_124 = arith.constant dense<0xFF800000> : vector<256xf32>
    %reduce_max3A_125 = vector.multi_reduction <maximumf>, %select_n3A_123, %reduce_max3A_124 [1] : vector<256x2048xf32> to vector<256xf32>
    %broadcast_in_dim3A_126 = vector.shape_cast %reduce_max3A_125 : vector<256xf32> to vector<256x1xf32>
    %eq3A_127 = vector.broadcast %broadcast_in_dim3A_126 : vector<256x1xf32> to vector<256x2048xf32>
    %eq3A_128 = arith.cmpf oeq, %select_n3A_123, %eq3A_127 : vector<256x2048xf32>
    %jit3A_129 = arith.constant 2048 : i32
    %broadcast_in_dim3A_130 = vector.broadcast %jit3A_129 : i32 to vector<256x2048xi32>
    %select_n3A_131 = arith.select %eq3A_128, %iota3A, %broadcast_in_dim3A_130 : vector<256x2048xi1>, vector<256x2048xi32>
    %reduce_min3A_132 = arith.constant dense<2147483647> : vector<256xi32>
    %reduce_min3A_133 = vector.multi_reduction <minsi>, %select_n3A_131, %reduce_min3A_132 [1] : vector<256x2048xi32> to vector<256xi32>
    %broadcast_in_dim3A_134 = vector.shape_cast %reduce_min3A_133 : vector<256xi32> to vector<256x1xi32>
    %squeeze3A_135 = vector.shape_cast %broadcast_in_dim3A_134 : vector<256x1xi32> to vector<256xi32>
    %add3A_136 = vector.broadcast %mul3A_23 : i32 to vector<256xi32>
    %add3A_137 = arith.addi %squeeze3A_135, %add3A_136 : vector<256xi32>
    %swap3A_138 = arith.constant 0 : index
    %swap3A_139 = arith.constant 0 : index
    %swap3A_140 = arith.constant 4 : index
    %swap3A_141 = vector.load %arg4[%swap3A_138, %swap3A_139, %swap3A_140] : memref<1x256x32xi32, #tpu.memory_space<vmem>>, vector<1x256x1xi32>
    %swap3A_142 = vector.shape_cast %swap3A_141 : vector<1x256x1xi32> to vector<256xi32>
    %swap3A_143 = vector.shape_cast %add3A_137 : vector<256xi32> to vector<1x256x1xi32>
    tpu.vector_store %arg4[%swap3A_138, %swap3A_139, %swap3A_140], %swap3A_143 {strides = array<i32>} : memref<1x256x32xi32, #tpu.memory_space<vmem>>, vector<1x256x1xi32>,
    %eq3A_144 = vector.broadcast %broadcast_in_dim3A_134 : vector<256x1xi32> to vector<256x2048xi32>
    %eq3A_145 = arith.cmpi eq, %iota3A, %eq3A_144 : vector<256x2048xi32>
    %jit3A_146 = arith.constant 0xFF800000 : f32
    %broadcast_in_dim3A_147 = vector.broadcast %jit3A_146 : f32 to vector<256x2048xf32>
    %select_n3A_148 = arith.select %eq3A_145, %broadcast_in_dim3A_147, %select_n3A_123 : vector<256x2048xi1>, vector<256x2048xf32>
    %reduce_max3A_149 = arith.constant dense<0xFF800000> : vector<256xf32>
    %reduce_max3A_150 = vector.multi_reduction <maximumf>, %select_n3A_148, %reduce_max3A_149 [1] : vector<256x2048xf32> to vector<256xf32>
    %broadcast_in_dim3A_151 = vector.shape_cast %reduce_max3A_150 : vector<256xf32> to vector<256x1xf32>
    %eq3A_152 = vector.broadcast %broadcast_in_dim3A_151 : vector<256x1xf32> to vector<256x2048xf32>
    %eq3A_153 = arith.cmpf oeq, %select_n3A_148, %eq3A_152 : vector<256x2048xf32>
    %jit3A_154 = arith.constant 2048 : i32
    %broadcast_in_dim3A_155 = vector.broadcast %jit3A_154 : i32 to vector<256x2048xi32>
    %select_n3A_156 = arith.select %eq3A_153, %iota3A, %broadcast_in_dim3A_155 : vector<256x2048xi1>, vector<256x2048xi32>
    %reduce_min3A_157 = arith.constant dense<2147483647> : vector<256xi32>
    %reduce_min3A_158 = vector.multi_reduction <minsi>, %select_n3A_156, %reduce_min3A_157 [1] : vector<256x2048xi32> to vector<256xi32>
    %broadcast_in_dim3A_159 = vector.shape_cast %reduce_min3A_158 : vector<256xi32> to vector<256x1xi32>
    %squeeze3A_160 = vector.shape_cast %broadcast_in_dim3A_159 : vector<256x1xi32> to vector<256xi32>
    %add3A_161 = vector.broadcast %mul3A_23 : i32 to vector<256xi32>
    %add3A_162 = arith.addi %squeeze3A_160, %add3A_161 : vector<256xi32>
    %swap3A_163 = arith.constant 0 : index
    %swap3A_164 = arith.constant 0 : index
    %swap3A_165 = arith.constant 5 : index
    %swap3A_166 = vector.load %arg4[%swap3A_163, %swap3A_164, %swap3A_165] : memref<1x256x32xi32, #tpu.memory_space<vmem>>, vector<1x256x1xi32>
    %swap3A_167 = vector.shape_cast %swap3A_166 : vector<1x256x1xi32> to vector<256xi32>
    %swap3A_168 = vector.shape_cast %add3A_162 : vector<256xi32> to vector<1x256x1xi32>
    tpu.vector_store %arg4[%swap3A_163, %swap3A_164, %swap3A_165], %swap3A_168 {strides = array<i32>} : memref<1x256x32xi32, #tpu.memory_space<vmem>>, vector<1x256x1xi32>,
    %eq3A_169 = vector.broadcast %broadcast_in_dim3A_159 : vector<256x1xi32> to vector<256x2048xi32>
    %eq3A_170 = arith.cmpi eq, %iota3A, %eq3A_169 : vector<256x2048xi32>
    %jit3A_171 = arith.constant 0xFF800000 : f32
    %broadcast_in_dim3A_172 = vector.broadcast %jit3A_171 : f32 to vector<256x2048xf32>
    %select_n3A_173 = arith.select %eq3A_170, %broadcast_in_dim3A_172, %select_n3A_148 : vector<256x2048xi1>, vector<256x2048xf32>
    %reduce_max3A_174 = arith.constant dense<0xFF800000> : vector<256xf32>
    %reduce_max3A_175 = vector.multi_reduction <maximumf>, %select_n3A_173, %reduce_max3A_174 [1] : vector<256x2048xf32> to vector<256xf32>
    %broadcast_in_dim3A_176 = vector.shape_cast %reduce_max3A_175 : vector<256xf32> to vector<256x1xf32>
    %eq3A_177 = vector.broadcast %broadcast_in_dim3A_176 : vector<256x1xf32> to vector<256x2048xf32>
    %eq3A_178 = arith.cmpf oeq, %select_n3A_173, %eq3A_177 : vector<256x2048xf32>
    %jit3A_179 = arith.constant 2048 : i32
    %broadcast_in_dim3A_180 = vector.broadcast %jit3A_179 : i32 to vector<256x2048xi32>
    %select_n3A_181 = arith.select %eq3A_178, %iota3A, %broadcast_in_dim3A_180 : vector<256x2048xi1>, vector<256x2048xi32>
    %reduce_min3A_182 = arith.constant dense<2147483647> : vector<256xi32>
    %reduce_min3A_183 = vector.multi_reduction <minsi>, %select_n3A_181, %reduce_min3A_182 [1] : vector<256x2048xi32> to vector<256xi32>
    %broadcast_in_dim3A_184 = vector.shape_cast %reduce_min3A_183 : vector<256xi32> to vector<256x1xi32>
    %squeeze3A_185 = vector.shape_cast %broadcast_in_dim3A_184 : vector<256x1xi32> to vector<256xi32>
    %add3A_186 = vector.broadcast %mul3A_23 : i32 to vector<256xi32>
    %add3A_187 = arith.addi %squeeze3A_185, %add3A_186 : vector<256xi32>
    %swap3A_188 = arith.constant 0 : index
    %swap3A_189 = arith.constant 0 : index
    %swap3A_190 = arith.constant 6 : index
    %swap3A_191 = vector.load %arg4[%swap3A_188, %swap3A_189, %swap3A_190] : memref<1x256x32xi32, #tpu.memory_space<vmem>>, vector<1x256x1xi32>
    %swap3A_192 = vector.shape_cast %swap3A_191 : vector<1x256x1xi32> to vector<256xi32>
    %swap3A_193 = vector.shape_cast %add3A_187 : vector<256xi32> to vector<1x256x1xi32>
    tpu.vector_store %arg4[%swap3A_188, %swap3A_189, %swap3A_190], %swap3A_193 {strides = array<i32>} : memref<1x256x32xi32, #tpu.memory_space<vmem>>, vector<1x256x1xi32>,
    %eq3A_194 = vector.broadcast %broadcast_in_dim3A_184 : vector<256x1xi32> to vector<256x2048xi32>
    %eq3A_195 = arith.cmpi eq, %iota3A, %eq3A_194 : vector<256x2048xi32>
    %jit3A_196 = arith.constant 0xFF800000 : f32
    %broadcast_in_dim3A_197 = vector.broadcast %jit3A_196 : f32 to vector<256x2048xf32>
    %select_n3A_198 = arith.select %eq3A_195, %broadcast_in_dim3A_197, %select_n3A_173 : vector<256x2048xi1>, vector<256x2048xf32>
    %reduce_max3A_199 = arith.constant dense<0xFF800000> : vector<256xf32>
    %reduce_max3A_200 = vector.multi_reduction <maximumf>, %select_n3A_198, %reduce_max3A_199 [1] : vector<256x2048xf32> to vector<256xf32>
    %broadcast_in_dim3A_201 = vector.shape_cast %reduce_max3A_200 : vector<256xf32> to vector<256x1xf32>
    %eq3A_202 = vector.broadcast %broadcast_in_dim3A_201 : vector<256x1xf32> to vector<256x2048xf32>
    %eq3A_203 = arith.cmpf oeq, %select_n3A_198, %eq3A_202 : vector<256x2048xf32>
    %jit3A_204 = arith.constant 2048 : i32
    %broadcast_in_dim3A_205 = vector.broadcast %jit3A_204 : i32 to vector<256x2048xi32>
    %select_n3A_206 = arith.select %eq3A_203, %iota3A, %broadcast_in_dim3A_205 : vector<256x2048xi1>, vector<256x2048xi32>
    %reduce_min3A_207 = arith.constant dense<2147483647> : vector<256xi32>
    %reduce_min3A_208 = vector.multi_reduction <minsi>, %select_n3A_206, %reduce_min3A_207 [1] : vector<256x2048xi32> to vector<256xi32>
    %broadcast_in_dim3A_209 = vector.shape_cast %reduce_min3A_208 : vector<256xi32> to vector<256x1xi32>
    %squeeze3A_210 = vector.shape_cast %broadcast_in_dim3A_209 : vector<256x1xi32> to vector<256xi32>
    %add3A_211 = vector.broadcast %mul3A_23 : i32 to vector<256xi32>
    %add3A_212 = arith.addi %squeeze3A_210, %add3A_211 : vector<256xi32>
    %swap3A_213 = arith.constant 0 : index
    %swap3A_214 = arith.constant 0 : index
    %swap3A_215 = arith.constant 7 : index
    %swap3A_216 = vector.load %arg4[%swap3A_213, %swap3A_214, %swap3A_215] : memref<1x256x32xi32, #tpu.memory_space<vmem>>, vector<1x256x1xi32>
    %swap3A_217 = vector.shape_cast %swap3A_216 : vector<1x256x1xi32> to vector<256xi32>
    %swap3A_218 = vector.shape_cast %add3A_212 : vector<256xi32> to vector<1x256x1xi32>
    tpu.vector_store %arg4[%swap3A_213, %swap3A_214, %swap3A_215], %swap3A_218 {strides = array<i32>} : memref<1x256x32xi32, #tpu.memory_space<vmem>>, vector<1x256x1xi32>,
    %eq3A_219 = vector.broadcast %broadcast_in_dim3A_209 : vector<256x1xi32> to vector<256x2048xi32>
    %eq3A_220 = arith.cmpi eq, %iota3A, %eq3A_219 : vector<256x2048xi32>
    %jit3A_221 = arith.constant 0xFF800000 : f32
    %broadcast_in_dim3A_222 = vector.broadcast %jit3A_221 : f32 to vector<256x2048xf32>
    %select_n3A_223 = arith.select %eq3A_220, %broadcast_in_dim3A_222, %select_n3A_198 : vector<256x2048xi1>, vector<256x2048xf32>
    %reduce_max3A_224 = arith.constant dense<0xFF800000> : vector<256xf32>
    %reduce_max3A_225 = vector.multi_reduction <maximumf>, %select_n3A_223, %reduce_max3A_224 [1] : vector<256x2048xf32> to vector<256xf32>
    %broadcast_in_dim3A_226 = vector.shape_cast %reduce_max3A_225 : vector<256xf32> to vector<256x1xf32>
    %eq3A_227 = vector.broadcast %broadcast_in_dim3A_226 : vector<256x1xf32> to vector<256x2048xf32>
    %eq3A_228 = arith.cmpf oeq, %select_n3A_223, %eq3A_227 : vector<256x2048xf32>
    %jit3A_229 = arith.constant 2048 : i32
    %broadcast_in_dim3A_230 = vector.broadcast %jit3A_229 : i32 to vector<256x2048xi32>
    %select_n3A_231 = arith.select %eq3A_228, %iota3A, %broadcast_in_dim3A_230 : vector<256x2048xi1>, vector<256x2048xi32>
    %reduce_min3A_232 = arith.constant dense<2147483647> : vector<256xi32>
    %reduce_min3A_233 = vector.multi_reduction <minsi>, %select_n3A_231, %reduce_min3A_232 [1] : vector<256x2048xi32> to vector<256xi32>
    %broadcast_in_dim3A_234 = vector.shape_cast %reduce_min3A_233 : vector<256xi32> to vector<256x1xi32>
    %squeeze3A_235 = vector.shape_cast %broadcast_in_dim3A_234 : vector<256x1xi32> to vector<256xi32>
    %add3A_236 = vector.broadcast %mul3A_23 : i32 to vector<256xi32>
    %add3A_237 = arith.addi %squeeze3A_235, %add3A_236 : vector<256xi32>
    %swap3A_238 = arith.constant 0 : index
    %swap3A_239 = arith.constant 0 : index
    %swap3A_240 = arith.constant 8 : index
    %swap3A_241 = vector.load %arg4[%swap3A_238, %swap3A_239, %swap3A_240] : memref<1x256x32xi32, #tpu.memory_space<vmem>>, vector<1x256x1xi32>
    %swap3A_242 = vector.shape_cast %swap3A_241 : vector<1x256x1xi32> to vector<256xi32>
    %swap3A_243 = vector.shape_cast %add3A_237 : vector<256xi32> to vector<1x256x1xi32>
    tpu.vector_store %arg4[%swap3A_238, %swap3A_239, %swap3A_240], %swap3A_243 {strides = array<i32>} : memref<1x256x32xi32, #tpu.memory_space<vmem>>, vector<1x256x1xi32>,
    %eq3A_244 = vector.broadcast %broadcast_in_dim3A_234 : vector<256x1xi32> to vector<256x2048xi32>
    %eq3A_245 = arith.cmpi eq, %iota3A, %eq3A_244 : vector<256x2048xi32>
    %jit3A_246 = arith.constant 0xFF800000 : f32
    %broadcast_in_dim3A_247 = vector.broadcast %jit3A_246 : f32 to vector<256x2048xf32>
    %select_n3A_248 = arith.select %eq3A_245, %broadcast_in_dim3A_247, %select_n3A_223 : vector<256x2048xi1>, vector<256x2048xf32>
    %reduce_max3A_249 = arith.constant dense<0xFF800000> : vector<256xf32>
    %reduce_max3A_250 = vector.multi_reduction <maximumf>, %select_n3A_248, %reduce_max3A_249 [1] : vector<256x2048xf32> to vector<256xf32>
    %broadcast_in_dim3A_251 = vector.shape_cast %reduce_max3A_250 : vector<256xf32> to vector<256x1xf32>
    %eq3A_252 = vector.broadcast %broadcast_in_dim3A_251 : vector<256x1xf32> to vector<256x2048xf32>
    %eq3A_253 = arith.cmpf oeq, %select_n3A_248, %eq3A_252 : vector<256x2048xf32>
    %jit3A_254 = arith.constant 2048 : i32
    %broadcast_in_dim3A_255 = vector.broadcast %jit3A_254 : i32 to vector<256x2048xi32>
    %select_n3A_256 = arith.select %eq3A_253, %iota3A, %broadcast_in_dim3A_255 : vector<256x2048xi1>, vector<256x2048xi32>
    %reduce_min3A_257 = arith.constant dense<2147483647> : vector<256xi32>
    %reduce_min3A_258 = vector.multi_reduction <minsi>, %select_n3A_256, %reduce_min3A_257 [1] : vector<256x2048xi32> to vector<256xi32>
    %broadcast_in_dim3A_259 = vector.shape_cast %reduce_min3A_258 : vector<256xi32> to vector<256x1xi32>
    %squeeze3A_260 = vector.shape_cast %broadcast_in_dim3A_259 : vector<256x1xi32> to vector<256xi32>
    %add3A_261 = vector.broadcast %mul3A_23 : i32 to vector<256xi32>
    %add3A_262 = arith.addi %squeeze3A_260, %add3A_261 : vector<256xi32>
    %swap3A_263 = arith.constant 0 : index
    %swap3A_264 = arith.constant 0 : index
    %swap3A_265 = arith.constant 9 : index
    %swap3A_266 = vector.load %arg4[%swap3A_263, %swap3A_264, %swap3A_265] : memref<1x256x32xi32, #tpu.memory_space<vmem>>, vector<1x256x1xi32>
    %swap3A_267 = vector.shape_cast %swap3A_266 : vector<1x256x1xi32> to vector<256xi32>
    %swap3A_268 = vector.shape_cast %add3A_262 : vector<256xi32> to vector<1x256x1xi32>
    tpu.vector_store %arg4[%swap3A_263, %swap3A_264, %swap3A_265], %swap3A_268 {strides = array<i32>} : memref<1x256x32xi32, #tpu.memory_space<vmem>>, vector<1x256x1xi32>,
    %eq3A_269 = vector.broadcast %broadcast_in_dim3A_259 : vector<256x1xi32> to vector<256x2048xi32>
    %eq3A_270 = arith.cmpi eq, %iota3A, %eq3A_269 : vector<256x2048xi32>
    %jit3A_271 = arith.constant 0xFF800000 : f32
    %broadcast_in_dim3A_272 = vector.broadcast %jit3A_271 : f32 to vector<256x2048xf32>
    %select_n3A_273 = arith.select %eq3A_270, %broadcast_in_dim3A_272, %select_n3A_248 : vector<256x2048xi1>, vector<256x2048xf32>
    %reduce_max3A_274 = arith.constant dense<0xFF800000> : vector<256xf32>
    %reduce_max3A_275 = vector.multi_reduction <maximumf>, %select_n3A_273, %reduce_max3A_274 [1] : vector<256x2048xf32> to vector<256xf32>
    %broadcast_in_dim3A_276 = vector.shape_cast %reduce_max3A_275 : vector<256xf32> to vector<256x1xf32>
    %eq3A_277 = vector.broadcast %broadcast_in_dim3A_276 : vector<256x1xf32> to vector<256x2048xf32>
    %eq3A_278 = arith.cmpf oeq, %select_n3A_273, %eq3A_277 : vector<256x2048xf32>
    %jit3A_279 = arith.constant 2048 : i32
    %broadcast_in_dim3A_280 = vector.broadcast %jit3A_279 : i32 to vector<256x2048xi32>
    %select_n3A_281 = arith.select %eq3A_278, %iota3A, %broadcast_in_dim3A_280 : vector<256x2048xi1>, vector<256x2048xi32>
    %reduce_min3A_282 = arith.constant dense<2147483647> : vector<256xi32>
    %reduce_min3A_283 = vector.multi_reduction <minsi>, %select_n3A_281, %reduce_min3A_282 [1] : vector<256x2048xi32> to vector<256xi32>
    %broadcast_in_dim3A_284 = vector.shape_cast %reduce_min3A_283 : vector<256xi32> to vector<256x1xi32>
    %squeeze3A_285 = vector.shape_cast %broadcast_in_dim3A_284 : vector<256x1xi32> to vector<256xi32>
    %add3A_286 = vector.broadcast %mul3A_23 : i32 to vector<256xi32>
    %add3A_287 = arith.addi %squeeze3A_285, %add3A_286 : vector<256xi32>
    %swap3A_288 = arith.constant 0 : index
    %swap3A_289 = arith.constant 0 : index
    %swap3A_290 = arith.constant 10 : index
    %swap3A_291 = vector.load %arg4[%swap3A_288, %swap3A_289, %swap3A_290] : memref<1x256x32xi32, #tpu.memory_space<vmem>>, vector<1x256x1xi32>
    %swap3A_292 = vector.shape_cast %swap3A_291 : vector<1x256x1xi32> to vector<256xi32>
    %swap3A_293 = vector.shape_cast %add3A_287 : vector<256xi32> to vector<1x256x1xi32>
    tpu.vector_store %arg4[%swap3A_288, %swap3A_289, %swap3A_290], %swap3A_293 {strides = array<i32>} : memref<1x256x32xi32, #tpu.memory_space<vmem>>, vector<1x256x1xi32>,
    %eq3A_294 = vector.broadcast %broadcast_in_dim3A_284 : vector<256x1xi32> to vector<256x2048xi32>
    %eq3A_295 = arith.cmpi eq, %iota3A, %eq3A_294 : vector<256x2048xi32>
    %jit3A_296 = arith.constant 0xFF800000 : f32
    %broadcast_in_dim3A_297 = vector.broadcast %jit3A_296 : f32 to vector<256x2048xf32>
    %select_n3A_298 = arith.select %eq3A_295, %broadcast_in_dim3A_297, %select_n3A_273 : vector<256x2048xi1>, vector<256x2048xf32>
    %reduce_max3A_299 = arith.constant dense<0xFF800000> : vector<256xf32>
    %reduce_max3A_300 = vector.multi_reduction <maximumf>, %select_n3A_298, %reduce_max3A_299 [1] : vector<256x2048xf32> to vector<256xf32>
    %broadcast_in_dim3A_301 = vector.shape_cast %reduce_max3A_300 : vector<256xf32> to vector<256x1xf32>
    %eq3A_302 = vector.broadcast %broadcast_in_dim3A_301 : vector<256x1xf32> to vector<256x2048xf32>
    %eq3A_303 = arith.cmpf oeq, %select_n3A_298, %eq3A_302 : vector<256x2048xf32>
    %jit3A_304 = arith.constant 2048 : i32
    %broadcast_in_dim3A_305 = vector.broadcast %jit3A_304 : i32 to vector<256x2048xi32>
    %select_n3A_306 = arith.select %eq3A_303, %iota3A, %broadcast_in_dim3A_305 : vector<256x2048xi1>, vector<256x2048xi32>
    %reduce_min3A_307 = arith.constant dense<2147483647> : vector<256xi32>
    %reduce_min3A_308 = vector.multi_reduction <minsi>, %select_n3A_306, %reduce_min3A_307 [1] : vector<256x2048xi32> to vector<256xi32>
    %broadcast_in_dim3A_309 = vector.shape_cast %reduce_min3A_308 : vector<256xi32> to vector<256x1xi32>
    %squeeze3A_310 = vector.shape_cast %broadcast_in_dim3A_309 : vector<256x1xi32> to vector<256xi32>
    %add3A_311 = vector.broadcast %mul3A_23 : i32 to vector<256xi32>
    %add3A_312 = arith.addi %squeeze3A_310, %add3A_311 : vector<256xi32>
    %swap3A_313 = arith.constant 0 : index
    %swap3A_314 = arith.constant 0 : index
    %swap3A_315 = arith.constant 11 : index
    %swap3A_316 = vector.load %arg4[%swap3A_313, %swap3A_314, %swap3A_315] : memref<1x256x32xi32, #tpu.memory_space<vmem>>, vector<1x256x1xi32>
    %swap3A_317 = vector.shape_cast %swap3A_316 : vector<1x256x1xi32> to vector<256xi32>
    %swap3A_318 = vector.shape_cast %add3A_312 : vector<256xi32> to vector<1x256x1xi32>
    tpu.vector_store %arg4[%swap3A_313, %swap3A_314, %swap3A_315], %swap3A_318 {strides = array<i32>} : memref<1x256x32xi32, #tpu.memory_space<vmem>>, vector<1x256x1xi32>,
    %eq3A_319 = vector.broadcast %broadcast_in_dim3A_309 : vector<256x1xi32> to vector<256x2048xi32>
    %eq3A_320 = arith.cmpi eq, %iota3A, %eq3A_319 : vector<256x2048xi32>
    %jit3A_321 = arith.constant 0xFF800000 : f32
    %broadcast_in_dim3A_322 = vector.broadcast %jit3A_321 : f32 to vector<256x2048xf32>
    %select_n3A_323 = arith.select %eq3A_320, %broadcast_in_dim3A_322, %select_n3A_298 : vector<256x2048xi1>, vector<256x2048xf32>
    %reduce_max3A_324 = arith.constant dense<0xFF800000> : vector<256xf32>
    %reduce_max3A_325 = vector.multi_reduction <maximumf>, %select_n3A_323, %reduce_max3A_324 [1] : vector<256x2048xf32> to vector<256xf32>
    %broadcast_in_dim3A_326 = vector.shape_cast %reduce_max3A_325 : vector<256xf32> to vector<256x1xf32>
    %eq3A_327 = vector.broadcast %broadcast_in_dim3A_326 : vector<256x1xf32> to vector<256x2048xf32>
    %eq3A_328 = arith.cmpf oeq, %select_n3A_323, %eq3A_327 : vector<256x2048xf32>
    %jit3A_329 = arith.constant 2048 : i32
    %broadcast_in_dim3A_330 = vector.broadcast %jit3A_329 : i32 to vector<256x2048xi32>
    %select_n3A_331 = arith.select %eq3A_328, %iota3A, %broadcast_in_dim3A_330 : vector<256x2048xi1>, vector<256x2048xi32>
    %reduce_min3A_332 = arith.constant dense<2147483647> : vector<256xi32>
    %reduce_min3A_333 = vector.multi_reduction <minsi>, %select_n3A_331, %reduce_min3A_332 [1] : vector<256x2048xi32> to vector<256xi32>
    %broadcast_in_dim3A_334 = vector.shape_cast %reduce_min3A_333 : vector<256xi32> to vector<256x1xi32>
    %squeeze3A_335 = vector.shape_cast %broadcast_in_dim3A_334 : vector<256x1xi32> to vector<256xi32>
    %add3A_336 = vector.broadcast %mul3A_23 : i32 to vector<256xi32>
    %add3A_337 = arith.addi %squeeze3A_335, %add3A_336 : vector<256xi32>
    %swap3A_338 = arith.constant 0 : index
    %swap3A_339 = arith.constant 0 : index
    %swap3A_340 = arith.constant 12 : index
    %swap3A_341 = vector.load %arg4[%swap3A_338, %swap3A_339, %swap3A_340] : memref<1x256x32xi32, #tpu.memory_space<vmem>>, vector<1x256x1xi32>
    %swap3A_342 = vector.shape_cast %swap3A_341 : vector<1x256x1xi32> to vector<256xi32>
    %swap3A_343 = vector.shape_cast %add3A_337 : vector<256xi32> to vector<1x256x1xi32>
    tpu.vector_store %arg4[%swap3A_338, %swap3A_339, %swap3A_340], %swap3A_343 {strides = array<i32>} : memref<1x256x32xi32, #tpu.memory_space<vmem>>, vector<1x256x1xi32>,
    %eq3A_344 = vector.broadcast %broadcast_in_dim3A_334 : vector<256x1xi32> to vector<256x2048xi32>
    %eq3A_345 = arith.cmpi eq, %iota3A, %eq3A_344 : vector<256x2048xi32>
    %jit3A_346 = arith.constant 0xFF800000 : f32
    %broadcast_in_dim3A_347 = vector.broadcast %jit3A_346 : f32 to vector<256x2048xf32>
    %select_n3A_348 = arith.select %eq3A_345, %broadcast_in_dim3A_347, %select_n3A_323 : vector<256x2048xi1>, vector<256x2048xf32>
    %reduce_max3A_349 = arith.constant dense<0xFF800000> : vector<256xf32>
    %reduce_max3A_350 = vector.multi_reduction <maximumf>, %select_n3A_348, %reduce_max3A_349 [1] : vector<256x2048xf32> to vector<256xf32>
    %broadcast_in_dim3A_351 = vector.shape_cast %reduce_max3A_350 : vector<256xf32> to vector<256x1xf32>
    %eq3A_352 = vector.broadcast %broadcast_in_dim3A_351 : vector<256x1xf32> to vector<256x2048xf32>
    %eq3A_353 = arith.cmpf oeq, %select_n3A_348, %eq3A_352 : vector<256x2048xf32>
    %jit3A_354 = arith.constant 2048 : i32
    %broadcast_in_dim3A_355 = vector.broadcast %jit3A_354 : i32 to vector<256x2048xi32>
    %select_n3A_356 = arith.select %eq3A_353, %iota3A, %broadcast_in_dim3A_355 : vector<256x2048xi1>, vector<256x2048xi32>
    %reduce_min3A_357 = arith.constant dense<2147483647> : vector<256xi32>
    %reduce_min3A_358 = vector.multi_reduction <minsi>, %select_n3A_356, %reduce_min3A_357 [1] : vector<256x2048xi32> to vector<256xi32>
    %broadcast_in_dim3A_359 = vector.shape_cast %reduce_min3A_358 : vector<256xi32> to vector<256x1xi32>
    %squeeze3A_360 = vector.shape_cast %broadcast_in_dim3A_359 : vector<256x1xi32> to vector<256xi32>
    %add3A_361 = vector.broadcast %mul3A_23 : i32 to vector<256xi32>
    %add3A_362 = arith.addi %squeeze3A_360, %add3A_361 : vector<256xi32>
    %swap3A_363 = arith.constant 0 : index
    %swap3A_364 = arith.constant 0 : index
    %swap3A_365 = arith.constant 13 : index
    %swap3A_366 = vector.load %arg4[%swap3A_363, %swap3A_364, %swap3A_365] : memref<1x256x32xi32, #tpu.memory_space<vmem>>, vector<1x256x1xi32>
    %swap3A_367 = vector.shape_cast %swap3A_366 : vector<1x256x1xi32> to vector<256xi32>
    %swap3A_368 = vector.shape_cast %add3A_362 : vector<256xi32> to vector<1x256x1xi32>
    tpu.vector_store %arg4[%swap3A_363, %swap3A_364, %swap3A_365], %swap3A_368 {strides = array<i32>} : memref<1x256x32xi32, #tpu.memory_space<vmem>>, vector<1x256x1xi32>,
    %eq3A_369 = vector.broadcast %broadcast_in_dim3A_359 : vector<256x1xi32> to vector<256x2048xi32>
    %eq3A_370 = arith.cmpi eq, %iota3A, %eq3A_369 : vector<256x2048xi32>
    %jit3A_371 = arith.constant 0xFF800000 : f32
    %broadcast_in_dim3A_372 = vector.broadcast %jit3A_371 : f32 to vector<256x2048xf32>
    %select_n3A_373 = arith.select %eq3A_370, %broadcast_in_dim3A_372, %select_n3A_348 : vector<256x2048xi1>, vector<256x2048xf32>
    %reduce_max3A_374 = arith.constant dense<0xFF800000> : vector<256xf32>
    %reduce_max3A_375 = vector.multi_reduction <maximumf>, %select_n3A_373, %reduce_max3A_374 [1] : vector<256x2048xf32> to vector<256xf32>
    %broadcast_in_dim3A_376 = vector.shape_cast %reduce_max3A_375 : vector<256xf32> to vector<256x1xf32>
    %eq3A_377 = vector.broadcast %broadcast_in_dim3A_376 : vector<256x1xf32> to vector<256x2048xf32>
    %eq3A_378 = arith.cmpf oeq, %select_n3A_373, %eq3A_377 : vector<256x2048xf32>
    %jit3A_379 = arith.constant 2048 : i32
    %broadcast_in_dim3A_380 = vector.broadcast %jit3A_379 : i32 to vector<256x2048xi32>
    %select_n3A_381 = arith.select %eq3A_378, %iota3A, %broadcast_in_dim3A_380 : vector<256x2048xi1>, vector<256x2048xi32>
    %reduce_min3A_382 = arith.constant dense<2147483647> : vector<256xi32>
    %reduce_min3A_383 = vector.multi_reduction <minsi>, %select_n3A_381, %reduce_min3A_382 [1] : vector<256x2048xi32> to vector<256xi32>
    %broadcast_in_dim3A_384 = vector.shape_cast %reduce_min3A_383 : vector<256xi32> to vector<256x1xi32>
    %squeeze3A_385 = vector.shape_cast %broadcast_in_dim3A_384 : vector<256x1xi32> to vector<256xi32>
    %add3A_386 = vector.broadcast %mul3A_23 : i32 to vector<256xi32>
    %add3A_387 = arith.addi %squeeze3A_385, %add3A_386 : vector<256xi32>
    %swap3A_388 = arith.constant 0 : index
    %swap3A_389 = arith.constant 0 : index
    %swap3A_390 = arith.constant 14 : index
    %swap3A_391 = vector.load %arg4[%swap3A_388, %swap3A_389, %swap3A_390] : memref<1x256x32xi32, #tpu.memory_space<vmem>>, vector<1x256x1xi32>
    %swap3A_392 = vector.shape_cast %swap3A_391 : vector<1x256x1xi32> to vector<256xi32>
    %swap3A_393 = vector.shape_cast %add3A_387 : vector<256xi32> to vector<1x256x1xi32>
    tpu.vector_store %arg4[%swap3A_388, %swap3A_389, %swap3A_390], %swap3A_393 {strides = array<i32>} : memref<1x256x32xi32, #tpu.memory_space<vmem>>, vector<1x256x1xi32>,
    %eq3A_394 = vector.broadcast %broadcast_in_dim3A_384 : vector<256x1xi32> to vector<256x2048xi32>
    %eq3A_395 = arith.cmpi eq, %iota3A, %eq3A_394 : vector<256x2048xi32>
    %jit3A_396 = arith.constant 0xFF800000 : f32
    %broadcast_in_dim3A_397 = vector.broadcast %jit3A_396 : f32 to vector<256x2048xf32>
    %select_n3A_398 = arith.select %eq3A_395, %broadcast_in_dim3A_397, %select_n3A_373 : vector<256x2048xi1>, vector<256x2048xf32>
    %reduce_max3A_399 = arith.constant dense<0xFF800000> : vector<256xf32>
    %reduce_max3A_400 = vector.multi_reduction <maximumf>, %select_n3A_398, %reduce_max3A_399 [1] : vector<256x2048xf32> to vector<256xf32>
    %broadcast_in_dim3A_401 = vector.shape_cast %reduce_max3A_400 : vector<256xf32> to vector<256x1xf32>
    %eq3A_402 = vector.broadcast %broadcast_in_dim3A_401 : vector<256x1xf32> to vector<256x2048xf32>
    %eq3A_403 = arith.cmpf oeq, %select_n3A_398, %eq3A_402 : vector<256x2048xf32>
    %jit3A_404 = arith.constant 2048 : i32
    %broadcast_in_dim3A_405 = vector.broadcast %jit3A_404 : i32 to vector<256x2048xi32>
    %select_n3A_406 = arith.select %eq3A_403, %iota3A, %broadcast_in_dim3A_405 : vector<256x2048xi1>, vector<256x2048xi32>
    %reduce_min3A_407 = arith.constant dense<2147483647> : vector<256xi32>
    %reduce_min3A_408 = vector.multi_reduction <minsi>, %select_n3A_406, %reduce_min3A_407 [1] : vector<256x2048xi32> to vector<256xi32>
    %broadcast_in_dim3A_409 = vector.shape_cast %reduce_min3A_408 : vector<256xi32> to vector<256x1xi32>
    %squeeze3A_410 = vector.shape_cast %broadcast_in_dim3A_409 : vector<256x1xi32> to vector<256xi32>
    %add3A_411 = vector.broadcast %mul3A_23 : i32 to vector<256xi32>
    %add3A_412 = arith.addi %squeeze3A_410, %add3A_411 : vector<256xi32>
    %swap3A_413 = arith.constant 0 : index
    %swap3A_414 = arith.constant 0 : index
    %swap3A_415 = arith.constant 15 : index
    %swap3A_416 = vector.load %arg4[%swap3A_413, %swap3A_414, %swap3A_415] : memref<1x256x32xi32, #tpu.memory_space<vmem>>, vector<1x256x1xi32>
    %swap3A_417 = vector.shape_cast %swap3A_416 : vector<1x256x1xi32> to vector<256xi32>
    %swap3A_418 = vector.shape_cast %add3A_412 : vector<256xi32> to vector<1x256x1xi32>
    tpu.vector_store %arg4[%swap3A_413, %swap3A_414, %swap3A_415], %swap3A_418 {strides = array<i32>} : memref<1x256x32xi32, #tpu.memory_space<vmem>>, vector<1x256x1xi32>,
    %eq3A_419 = vector.broadcast %broadcast_in_dim3A_409 : vector<256x1xi32> to vector<256x2048xi32>
    %eq3A_420 = arith.cmpi eq, %iota3A, %eq3A_419 : vector<256x2048xi32>
    %jit3A_421 = arith.constant 0xFF800000 : f32
    %broadcast_in_dim3A_422 = vector.broadcast %jit3A_421 : f32 to vector<256x2048xf32>
    %select_n3A_423 = arith.select %eq3A_420, %broadcast_in_dim3A_422, %select_n3A_398 : vector<256x2048xi1>, vector<256x2048xf32>
    %reduce_max3A_424 = arith.constant dense<0xFF800000> : vector<256xf32>
    %reduce_max3A_425 = vector.multi_reduction <maximumf>, %select_n3A_423, %reduce_max3A_424 [1] : vector<256x2048xf32> to vector<256xf32>
    %broadcast_in_dim3A_426 = vector.shape_cast %reduce_max3A_425 : vector<256xf32> to vector<256x1xf32>
    %eq3A_427 = vector.broadcast %broadcast_in_dim3A_426 : vector<256x1xf32> to vector<256x2048xf32>
    %eq3A_428 = arith.cmpf oeq, %select_n3A_423, %eq3A_427 : vector<256x2048xf32>
    %jit3A_429 = arith.constant 2048 : i32
    %broadcast_in_dim3A_430 = vector.broadcast %jit3A_429 : i32 to vector<256x2048xi32>
    %select_n3A_431 = arith.select %eq3A_428, %iota3A, %broadcast_in_dim3A_430 : vector<256x2048xi1>, vector<256x2048xi32>
    %reduce_min3A_432 = arith.constant dense<2147483647> : vector<256xi32>
    %reduce_min3A_433 = vector.multi_reduction <minsi>, %select_n3A_431, %reduce_min3A_432 [1] : vector<256x2048xi32> to vector<256xi32>
    %broadcast_in_dim3A_434 = vector.shape_cast %reduce_min3A_433 : vector<256xi32> to vector<256x1xi32>
    %squeeze3A_435 = vector.shape_cast %broadcast_in_dim3A_434 : vector<256x1xi32> to vector<256xi32>
    %add3A_436 = vector.broadcast %mul3A_23 : i32 to vector<256xi32>
    %add3A_437 = arith.addi %squeeze3A_435, %add3A_436 : vector<256xi32>
    %swap3A_438 = arith.constant 0 : index
    %swap3A_439 = arith.constant 0 : index
    %swap3A_440 = arith.constant 16 : index
    %swap3A_441 = vector.load %arg4[%swap3A_438, %swap3A_439, %swap3A_440] : memref<1x256x32xi32, #tpu.memory_space<vmem>>, vector<1x256x1xi32>
    %swap3A_442 = vector.shape_cast %swap3A_441 : vector<1x256x1xi32> to vector<256xi32>
    %swap3A_443 = vector.shape_cast %add3A_437 : vector<256xi32> to vector<1x256x1xi32>
    tpu.vector_store %arg4[%swap3A_438, %swap3A_439, %swap3A_440], %swap3A_443 {strides = array<i32>} : memref<1x256x32xi32, #tpu.memory_space<vmem>>, vector<1x256x1xi32>,
    %eq3A_444 = vector.broadcast %broadcast_in_dim3A_434 : vector<256x1xi32> to vector<256x2048xi32>
    %eq3A_445 = arith.cmpi eq, %iota3A, %eq3A_444 : vector<256x2048xi32>
    %jit3A_446 = arith.constant 0xFF800000 : f32
    %broadcast_in_dim3A_447 = vector.broadcast %jit3A_446 : f32 to vector<256x2048xf32>
    %select_n3A_448 = arith.select %eq3A_445, %broadcast_in_dim3A_447, %select_n3A_423 : vector<256x2048xi1>, vector<256x2048xf32>
    %reduce_max3A_449 = arith.constant dense<0xFF800000> : vector<256xf32>
    %reduce_max3A_450 = vector.multi_reduction <maximumf>, %select_n3A_448, %reduce_max3A_449 [1] : vector<256x2048xf32> to vector<256xf32>
    %broadcast_in_dim3A_451 = vector.shape_cast %reduce_max3A_450 : vector<256xf32> to vector<256x1xf32>
    %eq3A_452 = vector.broadcast %broadcast_in_dim3A_451 : vector<256x1xf32> to vector<256x2048xf32>
    %eq3A_453 = arith.cmpf oeq, %select_n3A_448, %eq3A_452 : vector<256x2048xf32>
    %jit3A_454 = arith.constant 2048 : i32
    %broadcast_in_dim3A_455 = vector.broadcast %jit3A_454 : i32 to vector<256x2048xi32>
    %select_n3A_456 = arith.select %eq3A_453, %iota3A, %broadcast_in_dim3A_455 : vector<256x2048xi1>, vector<256x2048xi32>
    %reduce_min3A_457 = arith.constant dense<2147483647> : vector<256xi32>
    %reduce_min3A_458 = vector.multi_reduction <minsi>, %select_n3A_456, %reduce_min3A_457 [1] : vector<256x2048xi32> to vector<256xi32>
    %broadcast_in_dim3A_459 = vector.shape_cast %reduce_min3A_458 : vector<256xi32> to vector<256x1xi32>
    %squeeze3A_460 = vector.shape_cast %broadcast_in_dim3A_459 : vector<256x1xi32> to vector<256xi32>
    %add3A_461 = vector.broadcast %mul3A_23 : i32 to vector<256xi32>
    %add3A_462 = arith.addi %squeeze3A_460, %add3A_461 : vector<256xi32>
    %swap3A_463 = arith.constant 0 : index
    %swap3A_464 = arith.constant 0 : index
    %swap3A_465 = arith.constant 17 : index
    %swap3A_466 = vector.load %arg4[%swap3A_463, %swap3A_464, %swap3A_465] : memref<1x256x32xi32, #tpu.memory_space<vmem>>, vector<1x256x1xi32>
    %swap3A_467 = vector.shape_cast %swap3A_466 : vector<1x256x1xi32> to vector<256xi32>
    %swap3A_468 = vector.shape_cast %add3A_462 : vector<256xi32> to vector<1x256x1xi32>
    tpu.vector_store %arg4[%swap3A_463, %swap3A_464, %swap3A_465], %swap3A_468 {strides = array<i32>} : memref<1x256x32xi32, #tpu.memory_space<vmem>>, vector<1x256x1xi32>,
    %eq3A_469 = vector.broadcast %broadcast_in_dim3A_459 : vector<256x1xi32> to vector<256x2048xi32>
    %eq3A_470 = arith.cmpi eq, %iota3A, %eq3A_469 : vector<256x2048xi32>
    %jit3A_471 = arith.constant 0xFF800000 : f32
    %broadcast_in_dim3A_472 = vector.broadcast %jit3A_471 : f32 to vector<256x2048xf32>
    %select_n3A_473 = arith.select %eq3A_470, %broadcast_in_dim3A_472, %select_n3A_448 : vector<256x2048xi1>, vector<256x2048xf32>
    %reduce_max3A_474 = arith.constant dense<0xFF800000> : vector<256xf32>
    %reduce_max3A_475 = vector.multi_reduction <maximumf>, %select_n3A_473, %reduce_max3A_474 [1] : vector<256x2048xf32> to vector<256xf32>
    %broadcast_in_dim3A_476 = vector.shape_cast %reduce_max3A_475 : vector<256xf32> to vector<256x1xf32>
    %eq3A_477 = vector.broadcast %broadcast_in_dim3A_476 : vector<256x1xf32> to vector<256x2048xf32>
    %eq3A_478 = arith.cmpf oeq, %select_n3A_473, %eq3A_477 : vector<256x2048xf32>
    %jit3A_479 = arith.constant 2048 : i32
    %broadcast_in_dim3A_480 = vector.broadcast %jit3A_479 : i32 to vector<256x2048xi32>
    %select_n3A_481 = arith.select %eq3A_478, %iota3A, %broadcast_in_dim3A_480 : vector<256x2048xi1>, vector<256x2048xi32>
    %reduce_min3A_482 = arith.constant dense<2147483647> : vector<256xi32>
    %reduce_min3A_483 = vector.multi_reduction <minsi>, %select_n3A_481, %reduce_min3A_482 [1] : vector<256x2048xi32> to vector<256xi32>
    %broadcast_in_dim3A_484 = vector.shape_cast %reduce_min3A_483 : vector<256xi32> to vector<256x1xi32>
    %squeeze3A_485 = vector.shape_cast %broadcast_in_dim3A_484 : vector<256x1xi32> to vector<256xi32>
    %add3A_486 = vector.broadcast %mul3A_23 : i32 to vector<256xi32>
    %add3A_487 = arith.addi %squeeze3A_485, %add3A_486 : vector<256xi32>
    %swap3A_488 = arith.constant 0 : index
    %swap3A_489 = arith.constant 0 : index
    %swap3A_490 = arith.constant 18 : index
    %swap3A_491 = vector.load %arg4[%swap3A_488, %swap3A_489, %swap3A_490] : memref<1x256x32xi32, #tpu.memory_space<vmem>>, vector<1x256x1xi32>
    %swap3A_492 = vector.shape_cast %swap3A_491 : vector<1x256x1xi32> to vector<256xi32>
    %swap3A_493 = vector.shape_cast %add3A_487 : vector<256xi32> to vector<1x256x1xi32>
    tpu.vector_store %arg4[%swap3A_488, %swap3A_489, %swap3A_490], %swap3A_493 {strides = array<i32>} : memref<1x256x32xi32, #tpu.memory_space<vmem>>, vector<1x256x1xi32>,
    %eq3A_494 = vector.broadcast %broadcast_in_dim3A_484 : vector<256x1xi32> to vector<256x2048xi32>
    %eq3A_495 = arith.cmpi eq, %iota3A, %eq3A_494 : vector<256x2048xi32>
    %jit3A_496 = arith.constant 0xFF800000 : f32
    %broadcast_in_dim3A_497 = vector.broadcast %jit3A_496 : f32 to vector<256x2048xf32>
    %select_n3A_498 = arith.select %eq3A_495, %broadcast_in_dim3A_497, %select_n3A_473 : vector<256x2048xi1>, vector<256x2048xf32>
    %reduce_max3A_499 = arith.constant dense<0xFF800000> : vector<256xf32>
    %reduce_max3A_500 = vector.multi_reduction <maximumf>, %select_n3A_498, %reduce_max3A_499 [1] : vector<256x2048xf32> to vector<256xf32>
    %broadcast_in_dim3A_501 = vector.shape_cast %reduce_max3A_500 : vector<256xf32> to vector<256x1xf32>
    %eq3A_502 = vector.broadcast %broadcast_in_dim3A_501 : vector<256x1xf32> to vector<256x2048xf32>
    %eq3A_503 = arith.cmpf oeq, %select_n3A_498, %eq3A_502 : vector<256x2048xf32>
    %jit3A_504 = arith.constant 2048 : i32
    %broadcast_in_dim3A_505 = vector.broadcast %jit3A_504 : i32 to vector<256x2048xi32>
    %select_n3A_506 = arith.select %eq3A_503, %iota3A, %broadcast_in_dim3A_505 : vector<256x2048xi1>, vector<256x2048xi32>
    %reduce_min3A_507 = arith.constant dense<2147483647> : vector<256xi32>
    %reduce_min3A_508 = vector.multi_reduction <minsi>, %select_n3A_506, %reduce_min3A_507 [1] : vector<256x2048xi32> to vector<256xi32>
    %broadcast_in_dim3A_509 = vector.shape_cast %reduce_min3A_508 : vector<256xi32> to vector<256x1xi32>
    %squeeze3A_510 = vector.shape_cast %broadcast_in_dim3A_509 : vector<256x1xi32> to vector<256xi32>
    %add3A_511 = vector.broadcast %mul3A_23 : i32 to vector<256xi32>
    %add3A_512 = arith.addi %squeeze3A_510, %add3A_511 : vector<256xi32>
    %swap3A_513 = arith.constant 0 : index
    %swap3A_514 = arith.constant 0 : index
    %swap3A_515 = arith.constant 19 : index
    %swap3A_516 = vector.load %arg4[%swap3A_513, %swap3A_514, %swap3A_515] : memref<1x256x32xi32, #tpu.memory_space<vmem>>, vector<1x256x1xi32>
    %swap3A_517 = vector.shape_cast %swap3A_516 : vector<1x256x1xi32> to vector<256xi32>
    %swap3A_518 = vector.shape_cast %add3A_512 : vector<256xi32> to vector<1x256x1xi32>
    tpu.vector_store %arg4[%swap3A_513, %swap3A_514, %swap3A_515], %swap3A_518 {strides = array<i32>} : memref<1x256x32xi32, #tpu.memory_space<vmem>>, vector<1x256x1xi32>,
    %eq3A_519 = vector.broadcast %broadcast_in_dim3A_509 : vector<256x1xi32> to vector<256x2048xi32>
    %eq3A_520 = arith.cmpi eq, %iota3A, %eq3A_519 : vector<256x2048xi32>
    %jit3A_521 = arith.constant 0xFF800000 : f32
    %broadcast_in_dim3A_522 = vector.broadcast %jit3A_521 : f32 to vector<256x2048xf32>
    %select_n3A_523 = arith.select %eq3A_520, %broadcast_in_dim3A_522, %select_n3A_498 : vector<256x2048xi1>, vector<256x2048xf32>
    %reduce_max3A_524 = arith.constant dense<0xFF800000> : vector<256xf32>
    %reduce_max3A_525 = vector.multi_reduction <maximumf>, %select_n3A_523, %reduce_max3A_524 [1] : vector<256x2048xf32> to vector<256xf32>
    %broadcast_in_dim3A_526 = vector.shape_cast %reduce_max3A_525 : vector<256xf32> to vector<256x1xf32>
    %eq3A_527 = vector.broadcast %broadcast_in_dim3A_526 : vector<256x1xf32> to vector<256x2048xf32>
    %eq3A_528 = arith.cmpf oeq, %select_n3A_523, %eq3A_527 : vector<256x2048xf32>
    %jit3A_529 = arith.constant 2048 : i32
    %broadcast_in_dim3A_530 = vector.broadcast %jit3A_529 : i32 to vector<256x2048xi32>
    %select_n3A_531 = arith.select %eq3A_528, %iota3A, %broadcast_in_dim3A_530 : vector<256x2048xi1>, vector<256x2048xi32>
    %reduce_min3A_532 = arith.constant dense<2147483647> : vector<256xi32>
    %reduce_min3A_533 = vector.multi_reduction <minsi>, %select_n3A_531, %reduce_min3A_532 [1] : vector<256x2048xi32> to vector<256xi32>
    %broadcast_in_dim3A_534 = vector.shape_cast %reduce_min3A_533 : vector<256xi32> to vector<256x1xi32>
    %squeeze3A_535 = vector.shape_cast %broadcast_in_dim3A_534 : vector<256x1xi32> to vector<256xi32>
    %add3A_536 = vector.broadcast %mul3A_23 : i32 to vector<256xi32>
    %add3A_537 = arith.addi %squeeze3A_535, %add3A_536 : vector<256xi32>
    %swap3A_538 = arith.constant 0 : index
    %swap3A_539 = arith.constant 0 : index
    %swap3A_540 = arith.constant 20 : index
    %swap3A_541 = vector.load %arg4[%swap3A_538, %swap3A_539, %swap3A_540] : memref<1x256x32xi32, #tpu.memory_space<vmem>>, vector<1x256x1xi32>
    %swap3A_542 = vector.shape_cast %swap3A_541 : vector<1x256x1xi32> to vector<256xi32>
    %swap3A_543 = vector.shape_cast %add3A_537 : vector<256xi32> to vector<1x256x1xi32>
    tpu.vector_store %arg4[%swap3A_538, %swap3A_539, %swap3A_540], %swap3A_543 {strides = array<i32>} : memref<1x256x32xi32, #tpu.memory_space<vmem>>, vector<1x256x1xi32>,
    %eq3A_544 = vector.broadcast %broadcast_in_dim3A_534 : vector<256x1xi32> to vector<256x2048xi32>
    %eq3A_545 = arith.cmpi eq, %iota3A, %eq3A_544 : vector<256x2048xi32>
    %jit3A_546 = arith.constant 0xFF800000 : f32
    %broadcast_in_dim3A_547 = vector.broadcast %jit3A_546 : f32 to vector<256x2048xf32>
    %select_n3A_548 = arith.select %eq3A_545, %broadcast_in_dim3A_547, %select_n3A_523 : vector<256x2048xi1>, vector<256x2048xf32>
    %reduce_max3A_549 = arith.constant dense<0xFF800000> : vector<256xf32>
    %reduce_max3A_550 = vector.multi_reduction <maximumf>, %select_n3A_548, %reduce_max3A_549 [1] : vector<256x2048xf32> to vector<256xf32>
    %broadcast_in_dim3A_551 = vector.shape_cast %reduce_max3A_550 : vector<256xf32> to vector<256x1xf32>
    %eq3A_552 = vector.broadcast %broadcast_in_dim3A_551 : vector<256x1xf32> to vector<256x2048xf32>
    %eq3A_553 = arith.cmpf oeq, %select_n3A_548, %eq3A_552 : vector<256x2048xf32>
    %jit3A_554 = arith.constant 2048 : i32
    %broadcast_in_dim3A_555 = vector.broadcast %jit3A_554 : i32 to vector<256x2048xi32>
    %select_n3A_556 = arith.select %eq3A_553, %iota3A, %broadcast_in_dim3A_555 : vector<256x2048xi1>, vector<256x2048xi32>
    %reduce_min3A_557 = arith.constant dense<2147483647> : vector<256xi32>
    %reduce_min3A_558 = vector.multi_reduction <minsi>, %select_n3A_556, %reduce_min3A_557 [1] : vector<256x2048xi32> to vector<256xi32>
    %broadcast_in_dim3A_559 = vector.shape_cast %reduce_min3A_558 : vector<256xi32> to vector<256x1xi32>
    %squeeze3A_560 = vector.shape_cast %broadcast_in_dim3A_559 : vector<256x1xi32> to vector<256xi32>
    %add3A_561 = vector.broadcast %mul3A_23 : i32 to vector<256xi32>
    %add3A_562 = arith.addi %squeeze3A_560, %add3A_561 : vector<256xi32>
    %swap3A_563 = arith.constant 0 : index
    %swap3A_564 = arith.constant 0 : index
    %swap3A_565 = arith.constant 21 : index
    %swap3A_566 = vector.load %arg4[%swap3A_563, %swap3A_564, %swap3A_565] : memref<1x256x32xi32, #tpu.memory_space<vmem>>, vector<1x256x1xi32>
    %swap3A_567 = vector.shape_cast %swap3A_566 : vector<1x256x1xi32> to vector<256xi32>
    %swap3A_568 = vector.shape_cast %add3A_562 : vector<256xi32> to vector<1x256x1xi32>
    tpu.vector_store %arg4[%swap3A_563, %swap3A_564, %swap3A_565], %swap3A_568 {strides = array<i32>} : memref<1x256x32xi32, #tpu.memory_space<vmem>>, vector<1x256x1xi32>,
    %eq3A_569 = vector.broadcast %broadcast_in_dim3A_559 : vector<256x1xi32> to vector<256x2048xi32>
    %eq3A_570 = arith.cmpi eq, %iota3A, %eq3A_569 : vector<256x2048xi32>
    %jit3A_571 = arith.constant 0xFF800000 : f32
    %broadcast_in_dim3A_572 = vector.broadcast %jit3A_571 : f32 to vector<256x2048xf32>
    %select_n3A_573 = arith.select %eq3A_570, %broadcast_in_dim3A_572, %select_n3A_548 : vector<256x2048xi1>, vector<256x2048xf32>
    %reduce_max3A_574 = arith.constant dense<0xFF800000> : vector<256xf32>
    %reduce_max3A_575 = vector.multi_reduction <maximumf>, %select_n3A_573, %reduce_max3A_574 [1] : vector<256x2048xf32> to vector<256xf32>
    %broadcast_in_dim3A_576 = vector.shape_cast %reduce_max3A_575 : vector<256xf32> to vector<256x1xf32>
    %eq3A_577 = vector.broadcast %broadcast_in_dim3A_576 : vector<256x1xf32> to vector<256x2048xf32>
    %eq3A_578 = arith.cmpf oeq, %select_n3A_573, %eq3A_577 : vector<256x2048xf32>
    %jit3A_579 = arith.constant 2048 : i32
    %broadcast_in_dim3A_580 = vector.broadcast %jit3A_579 : i32 to vector<256x2048xi32>
    %select_n3A_581 = arith.select %eq3A_578, %iota3A, %broadcast_in_dim3A_580 : vector<256x2048xi1>, vector<256x2048xi32>
    %reduce_min3A_582 = arith.constant dense<2147483647> : vector<256xi32>
    %reduce_min3A_583 = vector.multi_reduction <minsi>, %select_n3A_581, %reduce_min3A_582 [1] : vector<256x2048xi32> to vector<256xi32>
    %broadcast_in_dim3A_584 = vector.shape_cast %reduce_min3A_583 : vector<256xi32> to vector<256x1xi32>
    %squeeze3A_585 = vector.shape_cast %broadcast_in_dim3A_584 : vector<256x1xi32> to vector<256xi32>
    %add3A_586 = vector.broadcast %mul3A_23 : i32 to vector<256xi32>
    %add3A_587 = arith.addi %squeeze3A_585, %add3A_586 : vector<256xi32>
    %swap3A_588 = arith.constant 0 : index
    %swap3A_589 = arith.constant 0 : index
    %swap3A_590 = arith.constant 22 : index
    %swap3A_591 = vector.load %arg4[%swap3A_588, %swap3A_589, %swap3A_590] : memref<1x256x32xi32, #tpu.memory_space<vmem>>, vector<1x256x1xi32>
    %swap3A_592 = vector.shape_cast %swap3A_591 : vector<1x256x1xi32> to vector<256xi32>
    %swap3A_593 = vector.shape_cast %add3A_587 : vector<256xi32> to vector<1x256x1xi32>
    tpu.vector_store %arg4[%swap3A_588, %swap3A_589, %swap3A_590], %swap3A_593 {strides = array<i32>} : memref<1x256x32xi32, #tpu.memory_space<vmem>>, vector<1x256x1xi32>,
    %eq3A_594 = vector.broadcast %broadcast_in_dim3A_584 : vector<256x1xi32> to vector<256x2048xi32>
    %eq3A_595 = arith.cmpi eq, %iota3A, %eq3A_594 : vector<256x2048xi32>
    %jit3A_596 = arith.constant 0xFF800000 : f32
    %broadcast_in_dim3A_597 = vector.broadcast %jit3A_596 : f32 to vector<256x2048xf32>
    %select_n3A_598 = arith.select %eq3A_595, %broadcast_in_dim3A_597, %select_n3A_573 : vector<256x2048xi1>, vector<256x2048xf32>
    %reduce_max3A_599 = arith.constant dense<0xFF800000> : vector<256xf32>
    %reduce_max3A_600 = vector.multi_reduction <maximumf>, %select_n3A_598, %reduce_max3A_599 [1] : vector<256x2048xf32> to vector<256xf32>
    %broadcast_in_dim3A_601 = vector.shape_cast %reduce_max3A_600 : vector<256xf32> to vector<256x1xf32>
    %eq3A_602 = vector.broadcast %broadcast_in_dim3A_601 : vector<256x1xf32> to vector<256x2048xf32>
    %eq3A_603 = arith.cmpf oeq, %select_n3A_598, %eq3A_602 : vector<256x2048xf32>
    %jit3A_604 = arith.constant 2048 : i32
    %broadcast_in_dim3A_605 = vector.broadcast %jit3A_604 : i32 to vector<256x2048xi32>
    %select_n3A_606 = arith.select %eq3A_603, %iota3A, %broadcast_in_dim3A_605 : vector<256x2048xi1>, vector<256x2048xi32>
    %reduce_min3A_607 = arith.constant dense<2147483647> : vector<256xi32>
    %reduce_min3A_608 = vector.multi_reduction <minsi>, %select_n3A_606, %reduce_min3A_607 [1] : vector<256x2048xi32> to vector<256xi32>
    %broadcast_in_dim3A_609 = vector.shape_cast %reduce_min3A_608 : vector<256xi32> to vector<256x1xi32>
    %squeeze3A_610 = vector.shape_cast %broadcast_in_dim3A_609 : vector<256x1xi32> to vector<256xi32>
    %add3A_611 = vector.broadcast %mul3A_23 : i32 to vector<256xi32>
    %add3A_612 = arith.addi %squeeze3A_610, %add3A_611 : vector<256xi32>
    %swap3A_613 = arith.constant 0 : index
    %swap3A_614 = arith.constant 0 : index
    %swap3A_615 = arith.constant 23 : index
    %swap3A_616 = vector.load %arg4[%swap3A_613, %swap3A_614, %swap3A_615] : memref<1x256x32xi32, #tpu.memory_space<vmem>>, vector<1x256x1xi32>
    %swap3A_617 = vector.shape_cast %swap3A_616 : vector<1x256x1xi32> to vector<256xi32>
    %swap3A_618 = vector.shape_cast %add3A_612 : vector<256xi32> to vector<1x256x1xi32>
    tpu.vector_store %arg4[%swap3A_613, %swap3A_614, %swap3A_615], %swap3A_618 {strides = array<i32>} : memref<1x256x32xi32, #tpu.memory_space<vmem>>, vector<1x256x1xi32>,
    %eq3A_619 = vector.broadcast %broadcast_in_dim3A_609 : vector<256x1xi32> to vector<256x2048xi32>
    %eq3A_620 = arith.cmpi eq, %iota3A, %eq3A_619 : vector<256x2048xi32>
    %jit3A_621 = arith.constant 0xFF800000 : f32
    %broadcast_in_dim3A_622 = vector.broadcast %jit3A_621 : f32 to vector<256x2048xf32>
    %select_n3A_623 = arith.select %eq3A_620, %broadcast_in_dim3A_622, %select_n3A_598 : vector<256x2048xi1>, vector<256x2048xf32>
    %reduce_max3A_624 = arith.constant dense<0xFF800000> : vector<256xf32>
    %reduce_max3A_625 = vector.multi_reduction <maximumf>, %select_n3A_623, %reduce_max3A_624 [1] : vector<256x2048xf32> to vector<256xf32>
    %broadcast_in_dim3A_626 = vector.shape_cast %reduce_max3A_625 : vector<256xf32> to vector<256x1xf32>
    %eq3A_627 = vector.broadcast %broadcast_in_dim3A_626 : vector<256x1xf32> to vector<256x2048xf32>
    %eq3A_628 = arith.cmpf oeq, %select_n3A_623, %eq3A_627 : vector<256x2048xf32>
    %jit3A_629 = arith.constant 2048 : i32
    %broadcast_in_dim3A_630 = vector.broadcast %jit3A_629 : i32 to vector<256x2048xi32>
    %select_n3A_631 = arith.select %eq3A_628, %iota3A, %broadcast_in_dim3A_630 : vector<256x2048xi1>, vector<256x2048xi32>
    %reduce_min3A_632 = arith.constant dense<2147483647> : vector<256xi32>
    %reduce_min3A_633 = vector.multi_reduction <minsi>, %select_n3A_631, %reduce_min3A_632 [1] : vector<256x2048xi32> to vector<256xi32>
    %broadcast_in_dim3A_634 = vector.shape_cast %reduce_min3A_633 : vector<256xi32> to vector<256x1xi32>
    %squeeze3A_635 = vector.shape_cast %broadcast_in_dim3A_634 : vector<256x1xi32> to vector<256xi32>
    %add3A_636 = vector.broadcast %mul3A_23 : i32 to vector<256xi32>
    %add3A_637 = arith.addi %squeeze3A_635, %add3A_636 : vector<256xi32>
    %swap3A_638 = arith.constant 0 : index
    %swap3A_639 = arith.constant 0 : index
    %swap3A_640 = arith.constant 24 : index
    %swap3A_641 = vector.load %arg4[%swap3A_638, %swap3A_639, %swap3A_640] : memref<1x256x32xi32, #tpu.memory_space<vmem>>, vector<1x256x1xi32>
    %swap3A_642 = vector.shape_cast %swap3A_641 : vector<1x256x1xi32> to vector<256xi32>
    %swap3A_643 = vector.shape_cast %add3A_637 : vector<256xi32> to vector<1x256x1xi32>
    tpu.vector_store %arg4[%swap3A_638, %swap3A_639, %swap3A_640], %swap3A_643 {strides = array<i32>} : memref<1x256x32xi32, #tpu.memory_space<vmem>>, vector<1x256x1xi32>,
    %eq3A_644 = vector.broadcast %broadcast_in_dim3A_634 : vector<256x1xi32> to vector<256x2048xi32>
    %eq3A_645 = arith.cmpi eq, %iota3A, %eq3A_644 : vector<256x2048xi32>
    %jit3A_646 = arith.constant 0xFF800000 : f32
    %broadcast_in_dim3A_647 = vector.broadcast %jit3A_646 : f32 to vector<256x2048xf32>
    %select_n3A_648 = arith.select %eq3A_645, %broadcast_in_dim3A_647, %select_n3A_623 : vector<256x2048xi1>, vector<256x2048xf32>
    %reduce_max3A_649 = arith.constant dense<0xFF800000> : vector<256xf32>
    %reduce_max3A_650 = vector.multi_reduction <maximumf>, %select_n3A_648, %reduce_max3A_649 [1] : vector<256x2048xf32> to vector<256xf32>
    %broadcast_in_dim3A_651 = vector.shape_cast %reduce_max3A_650 : vector<256xf32> to vector<256x1xf32>
    %eq3A_652 = vector.broadcast %broadcast_in_dim3A_651 : vector<256x1xf32> to vector<256x2048xf32>
    %eq3A_653 = arith.cmpf oeq, %select_n3A_648, %eq3A_652 : vector<256x2048xf32>
    %jit3A_654 = arith.constant 2048 : i32
    %broadcast_in_dim3A_655 = vector.broadcast %jit3A_654 : i32 to vector<256x2048xi32>
    %select_n3A_656 = arith.select %eq3A_653, %iota3A, %broadcast_in_dim3A_655 : vector<256x2048xi1>, vector<256x2048xi32>
    %reduce_min3A_657 = arith.constant dense<2147483647> : vector<256xi32>
    %reduce_min3A_658 = vector.multi_reduction <minsi>, %select_n3A_656, %reduce_min3A_657 [1] : vector<256x2048xi32> to vector<256xi32>
    %broadcast_in_dim3A_659 = vector.shape_cast %reduce_min3A_658 : vector<256xi32> to vector<256x1xi32>
    %squeeze3A_660 = vector.shape_cast %broadcast_in_dim3A_659 : vector<256x1xi32> to vector<256xi32>
    %add3A_661 = vector.broadcast %mul3A_23 : i32 to vector<256xi32>
    %add3A_662 = arith.addi %squeeze3A_660, %add3A_661 : vector<256xi32>
    %swap3A_663 = arith.constant 0 : index
    %swap3A_664 = arith.constant 0 : index
    %swap3A_665 = arith.constant 25 : index
    %swap3A_666 = vector.load %arg4[%swap3A_663, %swap3A_664, %swap3A_665] : memref<1x256x32xi32, #tpu.memory_space<vmem>>, vector<1x256x1xi32>
    %swap3A_667 = vector.shape_cast %swap3A_666 : vector<1x256x1xi32> to vector<256xi32>
    %swap3A_668 = vector.shape_cast %add3A_662 : vector<256xi32> to vector<1x256x1xi32>
    tpu.vector_store %arg4[%swap3A_663, %swap3A_664, %swap3A_665], %swap3A_668 {strides = array<i32>} : memref<1x256x32xi32, #tpu.memory_space<vmem>>, vector<1x256x1xi32>,
    %eq3A_669 = vector.broadcast %broadcast_in_dim3A_659 : vector<256x1xi32> to vector<256x2048xi32>
    %eq3A_670 = arith.cmpi eq, %iota3A, %eq3A_669 : vector<256x2048xi32>
    %jit3A_671 = arith.constant 0xFF800000 : f32
    %broadcast_in_dim3A_672 = vector.broadcast %jit3A_671 : f32 to vector<256x2048xf32>
    %select_n3A_673 = arith.select %eq3A_670, %broadcast_in_dim3A_672, %select_n3A_648 : vector<256x2048xi1>, vector<256x2048xf32>
    %reduce_max3A_674 = arith.constant dense<0xFF800000> : vector<256xf32>
    %reduce_max3A_675 = vector.multi_reduction <maximumf>, %select_n3A_673, %reduce_max3A_674 [1] : vector<256x2048xf32> to vector<256xf32>
    %broadcast_in_dim3A_676 = vector.shape_cast %reduce_max3A_675 : vector<256xf32> to vector<256x1xf32>
    %eq3A_677 = vector.broadcast %broadcast_in_dim3A_676 : vector<256x1xf32> to vector<256x2048xf32>
    %eq3A_678 = arith.cmpf oeq, %select_n3A_673, %eq3A_677 : vector<256x2048xf32>
    %jit3A_679 = arith.constant 2048 : i32
    %broadcast_in_dim3A_680 = vector.broadcast %jit3A_679 : i32 to vector<256x2048xi32>
    %select_n3A_681 = arith.select %eq3A_678, %iota3A, %broadcast_in_dim3A_680 : vector<256x2048xi1>, vector<256x2048xi32>
    %reduce_min3A_682 = arith.constant dense<2147483647> : vector<256xi32>
    %reduce_min3A_683 = vector.multi_reduction <minsi>, %select_n3A_681, %reduce_min3A_682 [1] : vector<256x2048xi32> to vector<256xi32>
    %broadcast_in_dim3A_684 = vector.shape_cast %reduce_min3A_683 : vector<256xi32> to vector<256x1xi32>
    %squeeze3A_685 = vector.shape_cast %broadcast_in_dim3A_684 : vector<256x1xi32> to vector<256xi32>
    %add3A_686 = vector.broadcast %mul3A_23 : i32 to vector<256xi32>
    %add3A_687 = arith.addi %squeeze3A_685, %add3A_686 : vector<256xi32>
    %swap3A_688 = arith.constant 0 : index
    %swap3A_689 = arith.constant 0 : index
    %swap3A_690 = arith.constant 26 : index
    %swap3A_691 = vector.load %arg4[%swap3A_688, %swap3A_689, %swap3A_690] : memref<1x256x32xi32, #tpu.memory_space<vmem>>, vector<1x256x1xi32>
    %swap3A_692 = vector.shape_cast %swap3A_691 : vector<1x256x1xi32> to vector<256xi32>
    %swap3A_693 = vector.shape_cast %add3A_687 : vector<256xi32> to vector<1x256x1xi32>
    tpu.vector_store %arg4[%swap3A_688, %swap3A_689, %swap3A_690], %swap3A_693 {strides = array<i32>} : memref<1x256x32xi32, #tpu.memory_space<vmem>>, vector<1x256x1xi32>,
    %eq3A_694 = vector.broadcast %broadcast_in_dim3A_684 : vector<256x1xi32> to vector<256x2048xi32>
    %eq3A_695 = arith.cmpi eq, %iota3A, %eq3A_694 : vector<256x2048xi32>
    %jit3A_696 = arith.constant 0xFF800000 : f32
    %broadcast_in_dim3A_697 = vector.broadcast %jit3A_696 : f32 to vector<256x2048xf32>
    %select_n3A_698 = arith.select %eq3A_695, %broadcast_in_dim3A_697, %select_n3A_673 : vector<256x2048xi1>, vector<256x2048xf32>
    %reduce_max3A_699 = arith.constant dense<0xFF800000> : vector<256xf32>
    %reduce_max3A_700 = vector.multi_reduction <maximumf>, %select_n3A_698, %reduce_max3A_699 [1] : vector<256x2048xf32> to vector<256xf32>
    %broadcast_in_dim3A_701 = vector.shape_cast %reduce_max3A_700 : vector<256xf32> to vector<256x1xf32>
    %eq3A_702 = vector.broadcast %broadcast_in_dim3A_701 : vector<256x1xf32> to vector<256x2048xf32>
    %eq3A_703 = arith.cmpf oeq, %select_n3A_698, %eq3A_702 : vector<256x2048xf32>
    %jit3A_704 = arith.constant 2048 : i32
    %broadcast_in_dim3A_705 = vector.broadcast %jit3A_704 : i32 to vector<256x2048xi32>
    %select_n3A_706 = arith.select %eq3A_703, %iota3A, %broadcast_in_dim3A_705 : vector<256x2048xi1>, vector<256x2048xi32>
    %reduce_min3A_707 = arith.constant dense<2147483647> : vector<256xi32>
    %reduce_min3A_708 = vector.multi_reduction <minsi>, %select_n3A_706, %reduce_min3A_707 [1] : vector<256x2048xi32> to vector<256xi32>
    %broadcast_in_dim3A_709 = vector.shape_cast %reduce_min3A_708 : vector<256xi32> to vector<256x1xi32>
    %squeeze3A_710 = vector.shape_cast %broadcast_in_dim3A_709 : vector<256x1xi32> to vector<256xi32>
    %add3A_711 = vector.broadcast %mul3A_23 : i32 to vector<256xi32>
    %add3A_712 = arith.addi %squeeze3A_710, %add3A_711 : vector<256xi32>
    %swap3A_713 = arith.constant 0 : index
    %swap3A_714 = arith.constant 0 : index
    %swap3A_715 = arith.constant 27 : index
    %swap3A_716 = vector.load %arg4[%swap3A_713, %swap3A_714, %swap3A_715] : memref<1x256x32xi32, #tpu.memory_space<vmem>>, vector<1x256x1xi32>
    %swap3A_717 = vector.shape_cast %swap3A_716 : vector<1x256x1xi32> to vector<256xi32>
    %swap3A_718 = vector.shape_cast %add3A_712 : vector<256xi32> to vector<1x256x1xi32>
    tpu.vector_store %arg4[%swap3A_713, %swap3A_714, %swap3A_715], %swap3A_718 {strides = array<i32>} : memref<1x256x32xi32, #tpu.memory_space<vmem>>, vector<1x256x1xi32>,
    %eq3A_719 = vector.broadcast %broadcast_in_dim3A_709 : vector<256x1xi32> to vector<256x2048xi32>
    %eq3A_720 = arith.cmpi eq, %iota3A, %eq3A_719 : vector<256x2048xi32>
    %jit3A_721 = arith.constant 0xFF800000 : f32
    %broadcast_in_dim3A_722 = vector.broadcast %jit3A_721 : f32 to vector<256x2048xf32>
    %select_n3A_723 = arith.select %eq3A_720, %broadcast_in_dim3A_722, %select_n3A_698 : vector<256x2048xi1>, vector<256x2048xf32>
    %reduce_max3A_724 = arith.constant dense<0xFF800000> : vector<256xf32>
    %reduce_max3A_725 = vector.multi_reduction <maximumf>, %select_n3A_723, %reduce_max3A_724 [1] : vector<256x2048xf32> to vector<256xf32>
    %broadcast_in_dim3A_726 = vector.shape_cast %reduce_max3A_725 : vector<256xf32> to vector<256x1xf32>
    %eq3A_727 = vector.broadcast %broadcast_in_dim3A_726 : vector<256x1xf32> to vector<256x2048xf32>
    %eq3A_728 = arith.cmpf oeq, %select_n3A_723, %eq3A_727 : vector<256x2048xf32>
    %jit3A_729 = arith.constant 2048 : i32
    %broadcast_in_dim3A_730 = vector.broadcast %jit3A_729 : i32 to vector<256x2048xi32>
    %select_n3A_731 = arith.select %eq3A_728, %iota3A, %broadcast_in_dim3A_730 : vector<256x2048xi1>, vector<256x2048xi32>
    %reduce_min3A_732 = arith.constant dense<2147483647> : vector<256xi32>
    %reduce_min3A_733 = vector.multi_reduction <minsi>, %select_n3A_731, %reduce_min3A_732 [1] : vector<256x2048xi32> to vector<256xi32>
    %broadcast_in_dim3A_734 = vector.shape_cast %reduce_min3A_733 : vector<256xi32> to vector<256x1xi32>
    %squeeze3A_735 = vector.shape_cast %broadcast_in_dim3A_734 : vector<256x1xi32> to vector<256xi32>
    %add3A_736 = vector.broadcast %mul3A_23 : i32 to vector<256xi32>
    %add3A_737 = arith.addi %squeeze3A_735, %add3A_736 : vector<256xi32>
    %swap3A_738 = arith.constant 0 : index
    %swap3A_739 = arith.constant 0 : index
    %swap3A_740 = arith.constant 28 : index
    %swap3A_741 = vector.load %arg4[%swap3A_738, %swap3A_739, %swap3A_740] : memref<1x256x32xi32, #tpu.memory_space<vmem>>, vector<1x256x1xi32>
    %swap3A_742 = vector.shape_cast %swap3A_741 : vector<1x256x1xi32> to vector<256xi32>
    %swap3A_743 = vector.shape_cast %add3A_737 : vector<256xi32> to vector<1x256x1xi32>
    tpu.vector_store %arg4[%swap3A_738, %swap3A_739, %swap3A_740], %swap3A_743 {strides = array<i32>} : memref<1x256x32xi32, #tpu.memory_space<vmem>>, vector<1x256x1xi32>,
    %eq3A_744 = vector.broadcast %broadcast_in_dim3A_734 : vector<256x1xi32> to vector<256x2048xi32>
    %eq3A_745 = arith.cmpi eq, %iota3A, %eq3A_744 : vector<256x2048xi32>
    %jit3A_746 = arith.constant 0xFF800000 : f32
    %broadcast_in_dim3A_747 = vector.broadcast %jit3A_746 : f32 to vector<256x2048xf32>
    %select_n3A_748 = arith.select %eq3A_745, %broadcast_in_dim3A_747, %select_n3A_723 : vector<256x2048xi1>, vector<256x2048xf32>
    %reduce_max3A_749 = arith.constant dense<0xFF800000> : vector<256xf32>
    %reduce_max3A_750 = vector.multi_reduction <maximumf>, %select_n3A_748, %reduce_max3A_749 [1] : vector<256x2048xf32> to vector<256xf32>
    %broadcast_in_dim3A_751 = vector.shape_cast %reduce_max3A_750 : vector<256xf32> to vector<256x1xf32>
    %eq3A_752 = vector.broadcast %broadcast_in_dim3A_751 : vector<256x1xf32> to vector<256x2048xf32>
    %eq3A_753 = arith.cmpf oeq, %select_n3A_748, %eq3A_752 : vector<256x2048xf32>
    %jit3A_754 = arith.constant 2048 : i32
    %broadcast_in_dim3A_755 = vector.broadcast %jit3A_754 : i32 to vector<256x2048xi32>
    %select_n3A_756 = arith.select %eq3A_753, %iota3A, %broadcast_in_dim3A_755 : vector<256x2048xi1>, vector<256x2048xi32>
    %reduce_min3A_757 = arith.constant dense<2147483647> : vector<256xi32>
    %reduce_min3A_758 = vector.multi_reduction <minsi>, %select_n3A_756, %reduce_min3A_757 [1] : vector<256x2048xi32> to vector<256xi32>
    %broadcast_in_dim3A_759 = vector.shape_cast %reduce_min3A_758 : vector<256xi32> to vector<256x1xi32>
    %squeeze3A_760 = vector.shape_cast %broadcast_in_dim3A_759 : vector<256x1xi32> to vector<256xi32>
    %add3A_761 = vector.broadcast %mul3A_23 : i32 to vector<256xi32>
    %add3A_762 = arith.addi %squeeze3A_760, %add3A_761 : vector<256xi32>
    %swap3A_763 = arith.constant 0 : index
    %swap3A_764 = arith.constant 0 : index
    %swap3A_765 = arith.constant 29 : index
    %swap3A_766 = vector.load %arg4[%swap3A_763, %swap3A_764, %swap3A_765] : memref<1x256x32xi32, #tpu.memory_space<vmem>>, vector<1x256x1xi32>
    %swap3A_767 = vector.shape_cast %swap3A_766 : vector<1x256x1xi32> to vector<256xi32>
    %swap3A_768 = vector.shape_cast %add3A_762 : vector<256xi32> to vector<1x256x1xi32>
    tpu.vector_store %arg4[%swap3A_763, %swap3A_764, %swap3A_765], %swap3A_768 {strides = array<i32>} : memref<1x256x32xi32, #tpu.memory_space<vmem>>, vector<1x256x1xi32>,
    return
  }
  func.func @transform_0(%arg0: i32, %arg1: i32) -> (i32, i32, i32) {
    %c0_i32 = arith.constant 0 : i32
    %c0_i32_0 = arith.constant 0 : i32
    return %arg0, %arg1, %c0_i32 : i32, i32, i32
  }
  func.func @transform_1(%arg0: i32, %arg1: i32) -> (i32, i32, i32) {
    %c0_i32 = arith.constant 0 : i32
    %c0_i32_0 = arith.constant 0 : i32
    %c0_i32_1 = arith.constant 0 : i32
    return %arg0, %c0_i32, %c0_i32_0 : i32, i32, i32
  }
  func.func @transform_2(%arg0: i32, %arg1: i32) -> (i32, i32, i32) {
    %c0_i32 = arith.constant 0 : i32
    %c0_i32_0 = arith.constant 0 : i32
    return %arg0, %arg1, %c0_i32 : i32, i32, i32
  }
}

module attributes {stable_mosaic.version = 14 : i64} {
  func.func @_cc_body(%arg0: i32, %arg1: i32, %arg2: i32, %arg3: memref<1x7680x8xf32, #tpu.memory_space<vmem>>, %arg4: memref<1x256x8xf32, #tpu.memory_space<vmem>>, %arg5: memref<16x64xf32, #tpu.memory_space<vmem>>, %arg6: memref<64x128xf32, #tpu.memory_space<vmem>>, %arg7: memref<1x256x128xf32, #tpu.memory_space<vmem>>, %arg8: memref<1x64xf32, #tpu.memory_space<vmem>>, %arg9: memref<1x64xf32, #tpu.memory_space<vmem>>, %arg10: memref<1x128xf32, #tpu.memory_space<vmem>>, %arg11: memref<1x128xf32, #tpu.memory_space<vmem>>) attributes {dimension_semantics = [#tpu.dimension_semantics<arbitrary>, #tpu.dimension_semantics<arbitrary>, #tpu.dimension_semantics<arbitrary>], iteration_bounds = array<i64: 3, 4, 8>, scalar_prefetch = 0 : i64, scratch_operands = 4 : i64, tpu.core_type = #tpu.core_type<tc>, window_params = [{transform_indices = @transform_0, window_bounds = array<i64: 1, 7680, 8>}, {transform_indices = @transform_1, window_bounds = array<i64: 1, 256, 8>}, {pipeline_mode = #tpu.pipeline_mode<synchronous>, transform_indices = @transform_2, window_bounds = array<i64: 16, 64>}, {pipeline_mode = #tpu.pipeline_mode<synchronous>, transform_indices = @transform_3, window_bounds = array<i64: 64, 128>}, {transform_indices = @transform_4, window_bounds = array<i64: 1, 256, 128>}]} {
    %eq3A = arith.constant 0 : i32
    %eq3A_0 = arith.cmpi eq, %arg0, %eq3A : i32
    %eq3A_1 = arith.constant 0 : i32
    %eq3A_2 = arith.cmpi eq, %arg1, %eq3A_1 : i32
    %and3A = arith.andi %eq3A_0, %eq3A_2 : i1
    %eq3A_3 = arith.constant 0 : i32
    %eq3A_4 = arith.cmpi eq, %arg2, %eq3A_3 : i32
    %and3A_5 = arith.andi %and3A, %eq3A_4 : i1
    %convert_element_type3A = arith.extui %and3A_5 : i1 to i32
    %cond3A = arith.constant 0 : i32
    %cond3A_6 = arith.cmpi ne, %convert_element_type3A, %cond3A : i32
    scf.if %cond3A_6 {
      %broadcast_in_dim3A_33 = arith.constant 0.000000e+00 : f32
      %broadcast_in_dim3A_34 = vector.broadcast %broadcast_in_dim3A_33 : f32 to vector<1x64xf32>
      %swap3A = arith.constant 0 : index
      %swap3A_35 = arith.constant 0 : index
      %swap3A_36 = vector.load %arg8[%swap3A, %swap3A_35] : memref<1x64xf32, #tpu.memory_space<vmem>>, vector<1x64xf32>
      tpu.vector_store %arg8[%swap3A, %swap3A_35], %broadcast_in_dim3A_34 {strides = array<i32>} : memref<1x64xf32, #tpu.memory_space<vmem>>, vector<1x64xf32>,
      %broadcast_in_dim3A_37 = arith.constant 0.000000e+00 : f32
      %broadcast_in_dim3A_38 = vector.broadcast %broadcast_in_dim3A_37 : f32 to vector<1x64xf32>
      %swap3A_39 = arith.constant 0 : index
      %swap3A_40 = arith.constant 0 : index
      %swap3A_41 = vector.load %arg9[%swap3A_39, %swap3A_40] : memref<1x64xf32, #tpu.memory_space<vmem>>, vector<1x64xf32>
      tpu.vector_store %arg9[%swap3A_39, %swap3A_40], %broadcast_in_dim3A_38 {strides = array<i32>} : memref<1x64xf32, #tpu.memory_space<vmem>>, vector<1x64xf32>,
      %broadcast_in_dim3A_42 = arith.constant 0.000000e+00 : f32
      %broadcast_in_dim3A_43 = vector.broadcast %broadcast_in_dim3A_42 : f32 to vector<1x128xf32>
      %swap3A_44 = arith.constant 0 : index
      %swap3A_45 = arith.constant 0 : index
      %swap3A_46 = vector.load %arg10[%swap3A_44, %swap3A_45] : memref<1x128xf32, #tpu.memory_space<vmem>>, vector<1x128xf32>
      tpu.vector_store %arg10[%swap3A_44, %swap3A_45], %broadcast_in_dim3A_43 {strides = array<i32>} : memref<1x128xf32, #tpu.memory_space<vmem>>, vector<1x128xf32>,
      %broadcast_in_dim3A_47 = arith.constant 0.000000e+00 : f32
      %broadcast_in_dim3A_48 = vector.broadcast %broadcast_in_dim3A_47 : f32 to vector<1x128xf32>
      %swap3A_49 = arith.constant 0 : index
      %swap3A_50 = arith.constant 0 : index
      %swap3A_51 = vector.load %arg11[%swap3A_49, %swap3A_50] : memref<1x128xf32, #tpu.memory_space<vmem>>, vector<1x128xf32>
      tpu.vector_store %arg11[%swap3A_49, %swap3A_50], %broadcast_in_dim3A_48 {strides = array<i32>} : memref<1x128xf32, #tpu.memory_space<vmem>>, vector<1x128xf32>,
    } else {
    }
    %get3A = arith.constant 0 : index
    %get3A_7 = arith.constant 0 : index
    %get3A_8 = arith.constant 0 : index
    %get3A_9 = vector.load %arg3[%get3A, %get3A_7, %get3A_8] : memref<1x7680x8xf32, #tpu.memory_space<vmem>>, vector<1x7680x8xf32>
    %get3A_10 = vector.shape_cast %get3A_9 : vector<1x7680x8xf32> to vector<7680x8xf32>
    %get3A_11 = arith.constant 0 : index
    %get3A_12 = arith.constant 0 : index
    %get3A_13 = arith.constant 0 : index
    %get3A_14 = vector.load %arg4[%get3A_11, %get3A_12, %get3A_13] : memref<1x256x8xf32, #tpu.memory_space<vmem>>, vector<1x256x8xf32>
    %get3A_15 = vector.shape_cast %get3A_14 : vector<1x256x8xf32> to vector<256x8xf32>
    %broadcast_in_dim3A = vector.shape_cast %get3A_15 : vector<256x8xf32> to vector<256x1x8xf32>
    %broadcast_in_dim3A_16 = vector.shape_cast %broadcast_in_dim3A : vector<256x1x8xf32> to vector<256x1x8xf32>
    %broadcast_in_dim3A_17 = vector.broadcast %broadcast_in_dim3A_16 : vector<256x1x8xf32> to vector<256x30x8xf32>
    %reshape3A = vector.shape_cast %broadcast_in_dim3A_17 : vector<256x30x8xf32> to vector<7680x8xf32>
    %sub3A = arith.subf %get3A_10, %reshape3A : vector<7680x8xf32>
    %concatenate3A = tpu.concatenate %sub3A, %reshape3A in 1 : vector<7680x8xf32>, vector<7680x8xf32> -> vector<7680x16xf32>
    %get3A_18 = arith.constant 0 : index
    %get3A_19 = arith.constant 0 : index
    %get3A_20 = vector.load %arg5[%get3A_18, %get3A_19] : memref<16x64xf32, #tpu.memory_space<vmem>>, vector<16x64xf32>
    %convert_element_type3A_21 = arith.truncf %concatenate3A : vector<7680x16xf32> to vector<7680x16xbf16>
    %convert_element_type3A_22 = arith.truncf %get3A_20 : vector<16x64xf32> to vector<16x64xbf16>
    %dot_general3A = arith.constant dense<0.000000e+00> : vector<7680x64xf32>
    %dot_general3A_23 = tpu.matmul %convert_element_type3A_21, %convert_element_type3A_22, %dot_general3A {dimension_numbers = #tpu.dot_dimension_numbers<[1], [0], [0], [1], [0, 0, 1, 1], [], []>, transpose_lhs_hint = false} : vector<7680x16xbf16>, vector<16x64xbf16>, vector<7680x64xf32> -> vector<7680x64xf32>
    %eq3A_24 = arith.constant 0 : i32
    %eq3A_25 = arith.cmpi eq, %arg0, %eq3A_24 : i32
    %convert_element_type3A_26 = arith.extui %eq3A_25 : i1 to i32
    %cond3A_27 = arith.constant 0 : i32
    %cond3A_28 = arith.cmpi ne, %convert_element_type3A_26, %cond3A_27 : i32
    scf.if %cond3A_28 {
      %get3A_33 = arith.constant 0 : index
      %get3A_34 = arith.constant 0 : index
      %get3A_35 = vector.load %arg8[%get3A_33, %get3A_34] : memref<1x64xf32, #tpu.memory_space<vmem>>, vector<1x64xf32>
      %reduce_sum3A = arith.constant dense<0.000000e+00> : vector<64xf32>
      %reduce_sum3A_36 = vector.multi_reduction <add>, %dot_general3A_23, %reduce_sum3A [0] : vector<7680x64xf32> to vector<64xf32>
      %reshape3A_37 = vector.shape_cast %reduce_sum3A_36 : vector<64xf32> to vector<1x64xf32>
      %add3A = arith.addf %get3A_35, %reshape3A_37 : vector<1x64xf32>
      %swap3A = arith.constant 0 : index
      %swap3A_38 = arith.constant 0 : index
      %swap3A_39 = vector.load %arg8[%swap3A, %swap3A_38] : memref<1x64xf32, #tpu.memory_space<vmem>>, vector<1x64xf32>
      tpu.vector_store %arg8[%swap3A, %swap3A_38], %add3A {strides = array<i32>} : memref<1x64xf32, #tpu.memory_space<vmem>>, vector<1x64xf32>,
      %get3A_40 = arith.constant 0 : index
      %get3A_41 = arith.constant 0 : index
      %get3A_42 = vector.load %arg9[%get3A_40, %get3A_41] : memref<1x64xf32, #tpu.memory_space<vmem>>, vector<1x64xf32>
      %mul3A = arith.mulf %dot_general3A_23, %dot_general3A_23 : vector<7680x64xf32>
      %reduce_sum3A_43 = arith.constant dense<0.000000e+00> : vector<64xf32>
      %reduce_sum3A_44 = vector.multi_reduction <add>, %mul3A, %reduce_sum3A_43 [0] : vector<7680x64xf32> to vector<64xf32>
      %reshape3A_45 = vector.shape_cast %reduce_sum3A_44 : vector<64xf32> to vector<1x64xf32>
      %add3A_46 = arith.addf %get3A_42, %reshape3A_45 : vector<1x64xf32>
      %swap3A_47 = arith.constant 0 : index
      %swap3A_48 = arith.constant 0 : index
      %swap3A_49 = vector.load %arg9[%swap3A_47, %swap3A_48] : memref<1x64xf32, #tpu.memory_space<vmem>>, vector<1x64xf32>
      tpu.vector_store %arg9[%swap3A_47, %swap3A_48], %add3A_46 {strides = array<i32>} : memref<1x64xf32, #tpu.memory_space<vmem>>, vector<1x64xf32>,
    } else {
    }
    %gt3A = arith.constant 0 : i32
    %gt3A_29 = arith.cmpi sgt, %arg0, %gt3A : i32
    %convert_element_type3A_30 = arith.extui %gt3A_29 : i1 to i32
    %cond3A_31 = arith.constant 0 : i32
    %cond3A_32 = arith.cmpi ne, %convert_element_type3A_30, %cond3A_31 : i32
    scf.if %cond3A_32 {
      %get3A_33 = arith.constant 0 : index
      %get3A_34 = arith.constant 0 : index
      %get3A_35 = vector.load %arg8[%get3A_33, %get3A_34] : memref<1x64xf32, #tpu.memory_space<vmem>>, vector<1x64xf32>
      %div3A = arith.constant 2.457600e+05 : f32
      %div3A_36 = vector.broadcast %div3A : f32 to vector<1x64xf32>
      %div3A_37 = arith.divf %get3A_35, %div3A_36 : vector<1x64xf32>
      %get3A_38 = arith.constant 0 : index
      %get3A_39 = arith.constant 0 : index
      %get3A_40 = vector.load %arg9[%get3A_38, %get3A_39] : memref<1x64xf32, #tpu.memory_space<vmem>>, vector<1x64xf32>
      %div3A_41 = arith.constant 2.457600e+05 : f32
      %div3A_42 = vector.broadcast %div3A_41 : f32 to vector<1x64xf32>
      %div3A_43 = arith.divf %get3A_40, %div3A_42 : vector<1x64xf32>
      %mul3A = arith.mulf %div3A_37, %div3A_37 : vector<1x64xf32>
      %sub3A_44 = arith.subf %div3A_43, %mul3A : vector<1x64xf32>
      %sub3A_45 = vector.broadcast %div3A_37 : vector<1x64xf32> to vector<7680x64xf32>
      %sub3A_46 = arith.subf %dot_general3A_23, %sub3A_45 : vector<7680x64xf32>
      %add3A = arith.constant 9.99999974E-6 : f32
      %add3A_47 = vector.broadcast %add3A : f32 to vector<1x64xf32>
      %add3A_48 = arith.addf %sub3A_44, %add3A_47 : vector<1x64xf32>
      %rsqrt3A = math.rsqrt %add3A_48 : vector<1x64xf32>
      %mul3A_49 = vector.broadcast %rsqrt3A : vector<1x64xf32> to vector<7680x64xf32>
      %mul3A_50 = arith.mulf %sub3A_46, %mul3A_49 : vector<7680x64xf32>
      %max3A = arith.constant 0.000000e+00 : f32
      %max3A_51 = vector.broadcast %max3A : f32 to vector<7680x64xf32>
      %max3A_52 = arith.maximumf %mul3A_50, %max3A_51 : vector<7680x64xf32>
      %get3A_53 = arith.constant 0 : index
      %get3A_54 = arith.constant 0 : index
      %get3A_55 = vector.load %arg6[%get3A_53, %get3A_54] : memref<64x128xf32, #tpu.memory_space<vmem>>, vector<64x128xf32>
      %convert_element_type3A_56 = arith.truncf %max3A_52 : vector<7680x64xf32> to vector<7680x64xbf16>
      %convert_element_type3A_57 = arith.truncf %get3A_55 : vector<64x128xf32> to vector<64x128xbf16>
      %dot_general3A_58 = arith.constant dense<0.000000e+00> : vector<7680x128xf32>
      %dot_general3A_59 = tpu.matmul %convert_element_type3A_56, %convert_element_type3A_57, %dot_general3A_58 {dimension_numbers = #tpu.dot_dimension_numbers<[1], [0], [0], [1], [0, 0, 1, 1], [], []>, transpose_lhs_hint = false} : vector<7680x64xbf16>, vector<64x128xbf16>, vector<7680x128xf32> -> vector<7680x128xf32>
      %eq3A_60 = arith.constant 1 : i32
      %eq3A_61 = arith.cmpi eq, %arg0, %eq3A_60 : i32
      %convert_element_type3A_62 = arith.extui %eq3A_61 : i1 to i32
      %cond3A_63 = arith.constant 0 : i32
      %cond3A_64 = arith.cmpi ne, %convert_element_type3A_62, %cond3A_63 : i32
      scf.if %cond3A_64 {
        %get3A_70 = arith.constant 0 : index
        %get3A_71 = arith.constant 0 : index
        %get3A_72 = vector.load %arg10[%get3A_70, %get3A_71] : memref<1x128xf32, #tpu.memory_space<vmem>>, vector<1x128xf32>
        %reduce_sum3A = arith.constant dense<0.000000e+00> : vector<128xf32>
        %reduce_sum3A_73 = vector.multi_reduction <add>, %dot_general3A_59, %reduce_sum3A [0] : vector<7680x128xf32> to vector<128xf32>
        %reshape3A_74 = vector.shape_cast %reduce_sum3A_73 : vector<128xf32> to vector<1x128xf32>
        %add3A_75 = arith.addf %get3A_72, %reshape3A_74 : vector<1x128xf32>
        %swap3A = arith.constant 0 : index
        %swap3A_76 = arith.constant 0 : index
        %swap3A_77 = vector.load %arg10[%swap3A, %swap3A_76] : memref<1x128xf32, #tpu.memory_space<vmem>>, vector<1x128xf32>
        tpu.vector_store %arg10[%swap3A, %swap3A_76], %add3A_75 {strides = array<i32>} : memref<1x128xf32, #tpu.memory_space<vmem>>, vector<1x128xf32>,
        %get3A_78 = arith.constant 0 : index
        %get3A_79 = arith.constant 0 : index
        %get3A_80 = vector.load %arg11[%get3A_78, %get3A_79] : memref<1x128xf32, #tpu.memory_space<vmem>>, vector<1x128xf32>
        %mul3A_81 = arith.mulf %dot_general3A_59, %dot_general3A_59 : vector<7680x128xf32>
        %reduce_sum3A_82 = arith.constant dense<0.000000e+00> : vector<128xf32>
        %reduce_sum3A_83 = vector.multi_reduction <add>, %mul3A_81, %reduce_sum3A_82 [0] : vector<7680x128xf32> to vector<128xf32>
        %reshape3A_84 = vector.shape_cast %reduce_sum3A_83 : vector<128xf32> to vector<1x128xf32>
        %add3A_85 = arith.addf %get3A_80, %reshape3A_84 : vector<1x128xf32>
        %swap3A_86 = arith.constant 0 : index
        %swap3A_87 = arith.constant 0 : index
        %swap3A_88 = vector.load %arg11[%swap3A_86, %swap3A_87] : memref<1x128xf32, #tpu.memory_space<vmem>>, vector<1x128xf32>
        tpu.vector_store %arg11[%swap3A_86, %swap3A_87], %add3A_85 {strides = array<i32>} : memref<1x128xf32, #tpu.memory_space<vmem>>, vector<1x128xf32>,
      } else {
      }
      %eq3A_65 = arith.constant 2 : i32
      %eq3A_66 = arith.cmpi eq, %arg0, %eq3A_65 : i32
      %convert_element_type3A_67 = arith.extui %eq3A_66 : i1 to i32
      %cond3A_68 = arith.constant 0 : i32
      %cond3A_69 = arith.cmpi ne, %convert_element_type3A_67, %cond3A_68 : i32
      scf.if %cond3A_69 {
        %get3A_70 = arith.constant 0 : index
        %get3A_71 = arith.constant 0 : index
        %get3A_72 = vector.load %arg10[%get3A_70, %get3A_71] : memref<1x128xf32, #tpu.memory_space<vmem>>, vector<1x128xf32>
        %div3A_73 = arith.constant 2.457600e+05 : f32
        %div3A_74 = vector.broadcast %div3A_73 : f32 to vector<1x128xf32>
        %div3A_75 = arith.divf %get3A_72, %div3A_74 : vector<1x128xf32>
        %get3A_76 = arith.constant 0 : index
        %get3A_77 = arith.constant 0 : index
        %get3A_78 = vector.load %arg11[%get3A_76, %get3A_77] : memref<1x128xf32, #tpu.memory_space<vmem>>, vector<1x128xf32>
        %div3A_79 = arith.constant 2.457600e+05 : f32
        %div3A_80 = vector.broadcast %div3A_79 : f32 to vector<1x128xf32>
        %div3A_81 = arith.divf %get3A_78, %div3A_80 : vector<1x128xf32>
        %mul3A_82 = arith.mulf %div3A_75, %div3A_75 : vector<1x128xf32>
        %sub3A_83 = arith.subf %div3A_81, %mul3A_82 : vector<1x128xf32>
        %sub3A_84 = vector.broadcast %div3A_75 : vector<1x128xf32> to vector<7680x128xf32>
        %sub3A_85 = arith.subf %dot_general3A_59, %sub3A_84 : vector<7680x128xf32>
        %add3A_86 = arith.constant 9.99999974E-6 : f32
        %add3A_87 = vector.broadcast %add3A_86 : f32 to vector<1x128xf32>
        %add3A_88 = arith.addf %sub3A_83, %add3A_87 : vector<1x128xf32>
        %rsqrt3A_89 = math.rsqrt %add3A_88 : vector<1x128xf32>
        %mul3A_90 = vector.broadcast %rsqrt3A_89 : vector<1x128xf32> to vector<7680x128xf32>
        %mul3A_91 = arith.mulf %sub3A_85, %mul3A_90 : vector<7680x128xf32>
        %max3A_92 = arith.constant 0.000000e+00 : f32
        %max3A_93 = vector.broadcast %max3A_92 : f32 to vector<7680x128xf32>
        %max3A_94 = arith.maximumf %mul3A_91, %max3A_93 : vector<7680x128xf32>
        %reshape3A_95 = vector.shape_cast %max3A_94 : vector<7680x128xf32> to vector<256x30x128xf32>
        %reduce_max3A = arith.constant dense<0xFF800000> : vector<256x128xf32>
        %reduce_max3A_96 = vector.multi_reduction <maximumf>, %reshape3A_95, %reduce_max3A [1] : vector<256x30x128xf32> to vector<256x128xf32>
        %swap3A = arith.constant 0 : index
        %swap3A_97 = arith.constant 0 : index
        %swap3A_98 = arith.constant 0 : index
        %swap3A_99 = vector.load %arg7[%swap3A, %swap3A_97, %swap3A_98] : memref<1x256x128xf32, #tpu.memory_space<vmem>>, vector<1x256x128xf32>
        %swap3A_100 = vector.shape_cast %swap3A_99 : vector<1x256x128xf32> to vector<256x128xf32>
        %swap3A_101 = vector.shape_cast %reduce_max3A_96 : vector<256x128xf32> to vector<1x256x128xf32>
        tpu.vector_store %arg7[%swap3A, %swap3A_97, %swap3A_98], %swap3A_101 {strides = array<i32>} : memref<1x256x128xf32, #tpu.memory_space<vmem>>, vector<1x256x128xf32>,
      } else {
      }
    } else {
    }
    return
  }
  func.func @transform_0(%arg0: i32, %arg1: i32, %arg2: i32) -> (i32, i32, i32) {
    %mul3A = arith.constant 8 : i32
    %mul3A_0 = arith.muli %arg1, %mul3A : i32
    %add3A = arith.addi %mul3A_0, %arg2 : i32
    %c0_i32 = arith.constant 0 : i32
    %c0_i32_1 = arith.constant 0 : i32
    %c0_i32_2 = arith.constant 0 : i32
    return %add3A, %c0_i32, %c0_i32_1 : i32, i32, i32
  }
  func.func @transform_1(%arg0: i32, %arg1: i32, %arg2: i32) -> (i32, i32, i32) {
    %c0_i32 = arith.constant 0 : i32
    %c0_i32_0 = arith.constant 0 : i32
    return %arg1, %arg2, %c0_i32 : i32, i32, i32
  }
  func.func @transform_2(%arg0: i32, %arg1: i32, %arg2: i32) -> (i32, i32) {
    %c0_i32 = arith.constant 0 : i32
    %c0_i32_0 = arith.constant 0 : i32
    %c0_i32_1 = arith.constant 0 : i32
    return %c0_i32, %c0_i32_0 : i32, i32
  }
  func.func @transform_3(%arg0: i32, %arg1: i32, %arg2: i32) -> (i32, i32) {
    %c0_i32 = arith.constant 0 : i32
    %c0_i32_0 = arith.constant 0 : i32
    %c0_i32_1 = arith.constant 0 : i32
    return %c0_i32, %c0_i32_0 : i32, i32
  }
  func.func @transform_4(%arg0: i32, %arg1: i32, %arg2: i32) -> (i32, i32, i32) {
    %c0_i32 = arith.constant 0 : i32
    %c0_i32_0 = arith.constant 0 : i32
    return %arg1, %arg2, %c0_i32 : i32, i32, i32
  }
}

module attributes {stable_mosaic.version = 14 : i64} {
  func.func @_pc_body(%arg0: i32, %arg1: i32, %arg2: i32, %arg3: memref<1x256x128xf32, #tpu.memory_space<vmem>>, %arg4: memref<128x1024xf32, #tpu.memory_space<vmem>>, %arg5: memref<1x8x1024xf32, #tpu.memory_space<vmem>>, %arg6: memref<1x1024xf32, #tpu.memory_space<vmem>>, %arg7: memref<1x1024xf32, #tpu.memory_space<vmem>>, %arg8: memref<1x1024xf32, #tpu.memory_space<vmem>>) attributes {dimension_semantics = [#tpu.dimension_semantics<arbitrary>, #tpu.dimension_semantics<arbitrary>, #tpu.dimension_semantics<arbitrary>], iteration_bounds = array<i64: 2, 4, 8>, scalar_prefetch = 0 : i64, scratch_operands = 3 : i64, tpu.core_type = #tpu.core_type<tc>, window_params = [{transform_indices = @transform_0, window_bounds = array<i64: 1, 256, 128>}, {pipeline_mode = #tpu.pipeline_mode<synchronous>, transform_indices = @transform_1, window_bounds = array<i64: 128, 1024>}, {transform_indices = @transform_2, window_bounds = array<i64: 1, 8, 1024>}]} {
    %eq3A = arith.constant 0 : i32
    %eq3A_0 = arith.cmpi eq, %arg0, %eq3A : i32
    %eq3A_1 = arith.constant 0 : i32
    %eq3A_2 = arith.cmpi eq, %arg1, %eq3A_1 : i32
    %and3A = arith.andi %eq3A_0, %eq3A_2 : i1
    %eq3A_3 = arith.constant 0 : i32
    %eq3A_4 = arith.cmpi eq, %arg2, %eq3A_3 : i32
    %and3A_5 = arith.andi %and3A, %eq3A_4 : i1
    %convert_element_type3A = arith.extui %and3A_5 : i1 to i32
    %cond3A = arith.constant 0 : i32
    %cond3A_6 = arith.cmpi ne, %convert_element_type3A, %cond3A : i32
    scf.if %cond3A_6 {
      %broadcast_in_dim3A = arith.constant 0.000000e+00 : f32
      %broadcast_in_dim3A_27 = vector.broadcast %broadcast_in_dim3A : f32 to vector<1x1024xf32>
      %swap3A = arith.constant 0 : index
      %swap3A_28 = arith.constant 0 : index
      %swap3A_29 = vector.load %arg6[%swap3A, %swap3A_28] : memref<1x1024xf32, #tpu.memory_space<vmem>>, vector<1x1024xf32>
      tpu.vector_store %arg6[%swap3A, %swap3A_28], %broadcast_in_dim3A_27 {strides = array<i32>} : memref<1x1024xf32, #tpu.memory_space<vmem>>, vector<1x1024xf32>,
      %broadcast_in_dim3A_30 = arith.constant 0.000000e+00 : f32
      %broadcast_in_dim3A_31 = vector.broadcast %broadcast_in_dim3A_30 : f32 to vector<1x1024xf32>
      %swap3A_32 = arith.constant 0 : index
      %swap3A_33 = arith.constant 0 : index
      %swap3A_34 = vector.load %arg7[%swap3A_32, %swap3A_33] : memref<1x1024xf32, #tpu.memory_space<vmem>>, vector<1x1024xf32>
      tpu.vector_store %arg7[%swap3A_32, %swap3A_33], %broadcast_in_dim3A_31 {strides = array<i32>} : memref<1x1024xf32, #tpu.memory_space<vmem>>, vector<1x1024xf32>,
    } else {
    }
    %get3A = arith.constant 0 : index
    %get3A_7 = arith.constant 0 : index
    %get3A_8 = arith.constant 0 : index
    %get3A_9 = vector.load %arg3[%get3A, %get3A_7, %get3A_8] : memref<1x256x128xf32, #tpu.memory_space<vmem>>, vector<1x256x128xf32>
    %get3A_10 = vector.shape_cast %get3A_9 : vector<1x256x128xf32> to vector<256x128xf32>
    %get3A_11 = arith.constant 0 : index
    %get3A_12 = arith.constant 0 : index
    %get3A_13 = vector.load %arg4[%get3A_11, %get3A_12] : memref<128x1024xf32, #tpu.memory_space<vmem>>, vector<128x1024xf32>
    %convert_element_type3A_14 = arith.truncf %get3A_10 : vector<256x128xf32> to vector<256x128xbf16>
    %convert_element_type3A_15 = arith.truncf %get3A_13 : vector<128x1024xf32> to vector<128x1024xbf16>
    %dot_general3A = arith.constant dense<0.000000e+00> : vector<256x1024xf32>
    %dot_general3A_16 = tpu.matmul %convert_element_type3A_14, %convert_element_type3A_15, %dot_general3A {dimension_numbers = #tpu.dot_dimension_numbers<[1], [0], [0], [1], [0, 0, 1, 1], [], []>, transpose_lhs_hint = false} : vector<256x128xbf16>, vector<128x1024xbf16>, vector<256x1024xf32> -> vector<256x1024xf32>
    %eq3A_17 = arith.constant 0 : i32
    %eq3A_18 = arith.cmpi eq, %arg0, %eq3A_17 : i32
    %convert_element_type3A_19 = arith.extui %eq3A_18 : i1 to i32
    %cond3A_20 = arith.constant 0 : i32
    %cond3A_21 = arith.cmpi ne, %convert_element_type3A_19, %cond3A_20 : i32
    scf.if %cond3A_21 {
      %get3A_27 = arith.constant 0 : index
      %get3A_28 = arith.constant 0 : index
      %get3A_29 = vector.load %arg6[%get3A_27, %get3A_28] : memref<1x1024xf32, #tpu.memory_space<vmem>>, vector<1x1024xf32>
      %reduce_sum3A = arith.constant dense<0.000000e+00> : vector<1024xf32>
      %reduce_sum3A_30 = vector.multi_reduction <add>, %dot_general3A_16, %reduce_sum3A [0] : vector<256x1024xf32> to vector<1024xf32>
      %reshape3A = vector.shape_cast %reduce_sum3A_30 : vector<1024xf32> to vector<1x1024xf32>
      %add3A = arith.addf %get3A_29, %reshape3A : vector<1x1024xf32>
      %swap3A = arith.constant 0 : index
      %swap3A_31 = arith.constant 0 : index
      %swap3A_32 = vector.load %arg6[%swap3A, %swap3A_31] : memref<1x1024xf32, #tpu.memory_space<vmem>>, vector<1x1024xf32>
      tpu.vector_store %arg6[%swap3A, %swap3A_31], %add3A {strides = array<i32>} : memref<1x1024xf32, #tpu.memory_space<vmem>>, vector<1x1024xf32>,
      %get3A_33 = arith.constant 0 : index
      %get3A_34 = arith.constant 0 : index
      %get3A_35 = vector.load %arg7[%get3A_33, %get3A_34] : memref<1x1024xf32, #tpu.memory_space<vmem>>, vector<1x1024xf32>
      %mul3A = arith.mulf %dot_general3A_16, %dot_general3A_16 : vector<256x1024xf32>
      %reduce_sum3A_36 = arith.constant dense<0.000000e+00> : vector<1024xf32>
      %reduce_sum3A_37 = vector.multi_reduction <add>, %mul3A, %reduce_sum3A_36 [0] : vector<256x1024xf32> to vector<1024xf32>
      %reshape3A_38 = vector.shape_cast %reduce_sum3A_37 : vector<1024xf32> to vector<1x1024xf32>
      %add3A_39 = arith.addf %get3A_35, %reshape3A_38 : vector<1x1024xf32>
      %swap3A_40 = arith.constant 0 : index
      %swap3A_41 = arith.constant 0 : index
      %swap3A_42 = vector.load %arg7[%swap3A_40, %swap3A_41] : memref<1x1024xf32, #tpu.memory_space<vmem>>, vector<1x1024xf32>
      tpu.vector_store %arg7[%swap3A_40, %swap3A_41], %add3A_39 {strides = array<i32>} : memref<1x1024xf32, #tpu.memory_space<vmem>>, vector<1x1024xf32>,
    } else {
    }
    %eq3A_22 = arith.constant 1 : i32
    %eq3A_23 = arith.cmpi eq, %arg0, %eq3A_22 : i32
    %convert_element_type3A_24 = arith.extui %eq3A_23 : i1 to i32
    %cond3A_25 = arith.constant 0 : i32
    %cond3A_26 = arith.cmpi ne, %convert_element_type3A_24, %cond3A_25 : i32
    scf.if %cond3A_26 {
      %get3A_27 = arith.constant 0 : index
      %get3A_28 = arith.constant 0 : index
      %get3A_29 = vector.load %arg6[%get3A_27, %get3A_28] : memref<1x1024xf32, #tpu.memory_space<vmem>>, vector<1x1024xf32>
      %div3A = arith.constant 8.192000e+03 : f32
      %div3A_30 = vector.broadcast %div3A : f32 to vector<1x1024xf32>
      %div3A_31 = arith.divf %get3A_29, %div3A_30 : vector<1x1024xf32>
      %get3A_32 = arith.constant 0 : index
      %get3A_33 = arith.constant 0 : index
      %get3A_34 = vector.load %arg7[%get3A_32, %get3A_33] : memref<1x1024xf32, #tpu.memory_space<vmem>>, vector<1x1024xf32>
      %div3A_35 = arith.constant 8.192000e+03 : f32
      %div3A_36 = vector.broadcast %div3A_35 : f32 to vector<1x1024xf32>
      %div3A_37 = arith.divf %get3A_34, %div3A_36 : vector<1x1024xf32>
      %mul3A = arith.mulf %div3A_31, %div3A_31 : vector<1x1024xf32>
      %sub3A = arith.subf %div3A_37, %mul3A : vector<1x1024xf32>
      %sub3A_38 = vector.broadcast %div3A_31 : vector<1x1024xf32> to vector<256x1024xf32>
      %sub3A_39 = arith.subf %dot_general3A_16, %sub3A_38 : vector<256x1024xf32>
      %add3A = arith.constant 9.99999974E-6 : f32
      %add3A_40 = vector.broadcast %add3A : f32 to vector<1x1024xf32>
      %add3A_41 = arith.addf %sub3A, %add3A_40 : vector<1x1024xf32>
      %rsqrt3A = math.rsqrt %add3A_41 : vector<1x1024xf32>
      %mul3A_42 = vector.broadcast %rsqrt3A : vector<1x1024xf32> to vector<256x1024xf32>
      %mul3A_43 = arith.mulf %sub3A_39, %mul3A_42 : vector<256x1024xf32>
      %max3A = arith.constant 0.000000e+00 : f32
      %max3A_44 = vector.broadcast %max3A : f32 to vector<256x1024xf32>
      %max3A_45 = arith.maximumf %mul3A_43, %max3A_44 : vector<256x1024xf32>
      %eq3A_46 = arith.constant 0 : i32
      %eq3A_47 = arith.cmpi eq, %arg2, %eq3A_46 : i32
      %convert_element_type3A_48 = arith.extui %eq3A_47 : i1 to i32
      %cond3A_49 = arith.constant 0 : i32
      %cond3A_50 = arith.cmpi ne, %convert_element_type3A_48, %cond3A_49 : i32
      scf.if %cond3A_50 {
        %broadcast_in_dim3A = arith.constant 0xFF800000 : f32
        %broadcast_in_dim3A_63 = vector.broadcast %broadcast_in_dim3A : f32 to vector<1x1024xf32>
        %swap3A_64 = arith.constant 0 : index
        %swap3A_65 = arith.constant 0 : index
        %swap3A_66 = vector.load %arg8[%swap3A_64, %swap3A_65] : memref<1x1024xf32, #tpu.memory_space<vmem>>, vector<1x1024xf32>
        tpu.vector_store %arg8[%swap3A_64, %swap3A_65], %broadcast_in_dim3A_63 {strides = array<i32>} : memref<1x1024xf32, #tpu.memory_space<vmem>>, vector<1x1024xf32>,
      } else {
      }
      %get3A_51 = arith.constant 0 : index
      %get3A_52 = arith.constant 0 : index
      %get3A_53 = vector.load %arg8[%get3A_51, %get3A_52] : memref<1x1024xf32, #tpu.memory_space<vmem>>, vector<1x1024xf32>
      %reduce_max3A = arith.constant dense<0xFF800000> : vector<1024xf32>
      %reduce_max3A_54 = vector.multi_reduction <maximumf>, %max3A_45, %reduce_max3A [0] : vector<256x1024xf32> to vector<1024xf32>
      %reshape3A = vector.shape_cast %reduce_max3A_54 : vector<1024xf32> to vector<1x1024xf32>
      %max3A_55 = arith.maximumf %get3A_53, %reshape3A : vector<1x1024xf32>
      %swap3A = arith.constant 0 : index
      %swap3A_56 = arith.constant 0 : index
      %swap3A_57 = vector.load %arg8[%swap3A, %swap3A_56] : memref<1x1024xf32, #tpu.memory_space<vmem>>, vector<1x1024xf32>
      tpu.vector_store %arg8[%swap3A, %swap3A_56], %max3A_55 {strides = array<i32>} : memref<1x1024xf32, #tpu.memory_space<vmem>>, vector<1x1024xf32>,
      %eq3A_58 = arith.constant 7 : i32
      %eq3A_59 = arith.cmpi eq, %arg2, %eq3A_58 : i32
      %convert_element_type3A_60 = arith.extui %eq3A_59 : i1 to i32
      %cond3A_61 = arith.constant 0 : i32
      %cond3A_62 = arith.cmpi ne, %convert_element_type3A_60, %cond3A_61 : i32
      scf.if %cond3A_62 {
        %get3A_63 = arith.constant 0 : index
        %get3A_64 = arith.constant 0 : index
        %get3A_65 = vector.load %arg8[%get3A_63, %get3A_64] : memref<1x1024xf32, #tpu.memory_space<vmem>>, vector<1x1024xf32>
        %broadcast_in_dim3A = vector.shape_cast %get3A_65 : vector<1x1024xf32> to vector<1x1024xf32>
        %broadcast_in_dim3A_66 = vector.broadcast %broadcast_in_dim3A : vector<1x1024xf32> to vector<8x1024xf32>
        %swap3A_67 = arith.constant 0 : index
        %swap3A_68 = arith.constant 0 : index
        %swap3A_69 = arith.constant 0 : index
        %swap3A_70 = vector.load %arg5[%swap3A_67, %swap3A_68, %swap3A_69] : memref<1x8x1024xf32, #tpu.memory_space<vmem>>, vector<1x8x1024xf32>
        %swap3A_71 = vector.shape_cast %swap3A_70 : vector<1x8x1024xf32> to vector<8x1024xf32>
        %swap3A_72 = vector.shape_cast %broadcast_in_dim3A_66 : vector<8x1024xf32> to vector<1x8x1024xf32>
        tpu.vector_store %arg5[%swap3A_67, %swap3A_68, %swap3A_69], %swap3A_72 {strides = array<i32>} : memref<1x8x1024xf32, #tpu.memory_space<vmem>>, vector<1x8x1024xf32>,
      } else {
      }
    } else {
    }
    return
  }
  func.func @transform_0(%arg0: i32, %arg1: i32, %arg2: i32) -> (i32, i32, i32) {
    %c0_i32 = arith.constant 0 : i32
    %c0_i32_0 = arith.constant 0 : i32
    return %arg1, %arg2, %c0_i32 : i32, i32, i32
  }
  func.func @transform_1(%arg0: i32, %arg1: i32, %arg2: i32) -> (i32, i32) {
    %c0_i32 = arith.constant 0 : i32
    %c0_i32_0 = arith.constant 0 : i32
    %c0_i32_1 = arith.constant 0 : i32
    return %c0_i32, %c0_i32_0 : i32, i32
  }
  func.func @transform_2(%arg0: i32, %arg1: i32, %arg2: i32) -> (i32, i32, i32) {
    %c0_i32 = arith.constant 0 : i32
    %c0_i32_0 = arith.constant 0 : i32
    %c0_i32_1 = arith.constant 0 : i32
    return %arg1, %c0_i32, %c0_i32_0 : i32, i32, i32
  }
}

module attributes {stable_mosaic.version = 14 : i64} {
  func.func @_fc_body(%arg0: memref<4x1024xf32, #tpu.memory_space<vmem>>, %arg1: memref<1024x512xf32, #tpu.memory_space<vmem>>, %arg2: memref<512x256xf32, #tpu.memory_space<vmem>>, %arg3: memref<256x128xf32, #tpu.memory_space<vmem>>, %arg4: memref<128xf32, #tpu.memory_space<vmem>>, %arg5: memref<4x128xf32, #tpu.memory_space<vmem>>) attributes {dimension_semantics = [], scalar_prefetch = 0 : i64, scratch_operands = 0 : i64, tpu.core_type = #tpu.core_type<tc>} {
    %get3A = arith.constant 0 : index
    %get3A_0 = arith.constant 0 : index
    %get3A_1 = vector.load %arg0[%get3A, %get3A_0] : memref<4x1024xf32, #tpu.memory_space<vmem>>, vector<4x1024xf32>
    %get3A_2 = arith.constant 0 : index
    %get3A_3 = arith.constant 0 : index
    %get3A_4 = vector.load %arg1[%get3A_2, %get3A_3] : memref<1024x512xf32, #tpu.memory_space<vmem>>, vector<1024x512xf32>
    %convert_element_type3A = arith.truncf %get3A_1 : vector<4x1024xf32> to vector<4x1024xbf16>
    %convert_element_type3A_5 = arith.truncf %get3A_4 : vector<1024x512xf32> to vector<1024x512xbf16>
    %dot_general3A = arith.constant dense<0.000000e+00> : vector<4x512xf32>
    %dot_general3A_6 = tpu.matmul %convert_element_type3A, %convert_element_type3A_5, %dot_general3A {dimension_numbers = #tpu.dot_dimension_numbers<[1], [0], [0], [1], [0, 0, 1, 1], [], []>, transpose_lhs_hint = false} : vector<4x1024xbf16>, vector<1024x512xbf16>, vector<4x512xf32> -> vector<4x512xf32>
    %reduce_sum3A = arith.constant dense<0.000000e+00> : vector<512xf32>
    %reduce_sum3A_7 = vector.multi_reduction <add>, %dot_general3A_6, %reduce_sum3A [0] : vector<4x512xf32> to vector<512xf32>
    %broadcast_in_dim3A = vector.shape_cast %reduce_sum3A_7 : vector<512xf32> to vector<1x512xf32>
    %div3A = arith.constant 4.000000e+00 : f32
    %div3A_8 = vector.broadcast %div3A : f32 to vector<1x512xf32>
    %div3A_9 = arith.divf %broadcast_in_dim3A, %div3A_8 : vector<1x512xf32>
    %mul3A = arith.mulf %dot_general3A_6, %dot_general3A_6 : vector<4x512xf32>
    %reduce_sum3A_10 = arith.constant dense<0.000000e+00> : vector<512xf32>
    %reduce_sum3A_11 = vector.multi_reduction <add>, %mul3A, %reduce_sum3A_10 [0] : vector<4x512xf32> to vector<512xf32>
    %broadcast_in_dim3A_12 = vector.shape_cast %reduce_sum3A_11 : vector<512xf32> to vector<1x512xf32>
    %div3A_13 = arith.constant 4.000000e+00 : f32
    %div3A_14 = vector.broadcast %div3A_13 : f32 to vector<1x512xf32>
    %div3A_15 = arith.divf %broadcast_in_dim3A_12, %div3A_14 : vector<1x512xf32>
    %mul3A_16 = arith.mulf %div3A_9, %div3A_9 : vector<1x512xf32>
    %sub3A = arith.subf %div3A_15, %mul3A_16 : vector<1x512xf32>
    %sub3A_17 = vector.broadcast %div3A_9 : vector<1x512xf32> to vector<4x512xf32>
    %sub3A_18 = arith.subf %dot_general3A_6, %sub3A_17 : vector<4x512xf32>
    %add3A = arith.constant 9.99999974E-6 : f32
    %add3A_19 = vector.broadcast %add3A : f32 to vector<1x512xf32>
    %add3A_20 = arith.addf %sub3A, %add3A_19 : vector<1x512xf32>
    %rsqrt3A = math.rsqrt %add3A_20 : vector<1x512xf32>
    %mul3A_21 = vector.broadcast %rsqrt3A : vector<1x512xf32> to vector<4x512xf32>
    %mul3A_22 = arith.mulf %sub3A_18, %mul3A_21 : vector<4x512xf32>
    %max3A = arith.constant 0.000000e+00 : f32
    %max3A_23 = vector.broadcast %max3A : f32 to vector<4x512xf32>
    %max3A_24 = arith.maximumf %mul3A_22, %max3A_23 : vector<4x512xf32>
    %get3A_25 = arith.constant 0 : index
    %get3A_26 = arith.constant 0 : index
    %get3A_27 = vector.load %arg2[%get3A_25, %get3A_26] : memref<512x256xf32, #tpu.memory_space<vmem>>, vector<512x256xf32>
    %convert_element_type3A_28 = arith.truncf %max3A_24 : vector<4x512xf32> to vector<4x512xbf16>
    %convert_element_type3A_29 = arith.truncf %get3A_27 : vector<512x256xf32> to vector<512x256xbf16>
    %dot_general3A_30 = arith.constant dense<0.000000e+00> : vector<4x256xf32>
    %dot_general3A_31 = tpu.matmul %convert_element_type3A_28, %convert_element_type3A_29, %dot_general3A_30 {dimension_numbers = #tpu.dot_dimension_numbers<[1], [0], [0], [1], [0, 0, 1, 1], [], []>, transpose_lhs_hint = false} : vector<4x512xbf16>, vector<512x256xbf16>, vector<4x256xf32> -> vector<4x256xf32>
    %reduce_sum3A_32 = arith.constant dense<0.000000e+00> : vector<256xf32>
    %reduce_sum3A_33 = vector.multi_reduction <add>, %dot_general3A_31, %reduce_sum3A_32 [0] : vector<4x256xf32> to vector<256xf32>
    %broadcast_in_dim3A_34 = vector.shape_cast %reduce_sum3A_33 : vector<256xf32> to vector<1x256xf32>
    %div3A_35 = arith.constant 4.000000e+00 : f32
    %div3A_36 = vector.broadcast %div3A_35 : f32 to vector<1x256xf32>
    %div3A_37 = arith.divf %broadcast_in_dim3A_34, %div3A_36 : vector<1x256xf32>
    %mul3A_38 = arith.mulf %dot_general3A_31, %dot_general3A_31 : vector<4x256xf32>
    %reduce_sum3A_39 = arith.constant dense<0.000000e+00> : vector<256xf32>
    %reduce_sum3A_40 = vector.multi_reduction <add>, %mul3A_38, %reduce_sum3A_39 [0] : vector<4x256xf32> to vector<256xf32>
    %broadcast_in_dim3A_41 = vector.shape_cast %reduce_sum3A_40 : vector<256xf32> to vector<1x256xf32>
    %div3A_42 = arith.constant 4.000000e+00 : f32
    %div3A_43 = vector.broadcast %div3A_42 : f32 to vector<1x256xf32>
    %div3A_44 = arith.divf %broadcast_in_dim3A_41, %div3A_43 : vector<1x256xf32>
    %mul3A_45 = arith.mulf %div3A_37, %div3A_37 : vector<1x256xf32>
    %sub3A_46 = arith.subf %div3A_44, %mul3A_45 : vector<1x256xf32>
    %sub3A_47 = vector.broadcast %div3A_37 : vector<1x256xf32> to vector<4x256xf32>
    %sub3A_48 = arith.subf %dot_general3A_31, %sub3A_47 : vector<4x256xf32>
    %add3A_49 = arith.constant 9.99999974E-6 : f32
    %add3A_50 = vector.broadcast %add3A_49 : f32 to vector<1x256xf32>
    %add3A_51 = arith.addf %sub3A_46, %add3A_50 : vector<1x256xf32>
    %rsqrt3A_52 = math.rsqrt %add3A_51 : vector<1x256xf32>
    %mul3A_53 = vector.broadcast %rsqrt3A_52 : vector<1x256xf32> to vector<4x256xf32>
    %mul3A_54 = arith.mulf %sub3A_48, %mul3A_53 : vector<4x256xf32>
    %max3A_55 = arith.constant 0.000000e+00 : f32
    %max3A_56 = vector.broadcast %max3A_55 : f32 to vector<4x256xf32>
    %max3A_57 = arith.maximumf %mul3A_54, %max3A_56 : vector<4x256xf32>
    %get3A_58 = arith.constant 0 : index
    %get3A_59 = arith.constant 0 : index
    %get3A_60 = vector.load %arg3[%get3A_58, %get3A_59] : memref<256x128xf32, #tpu.memory_space<vmem>>, vector<256x128xf32>
    %convert_element_type3A_61 = arith.truncf %max3A_57 : vector<4x256xf32> to vector<4x256xbf16>
    %convert_element_type3A_62 = arith.truncf %get3A_60 : vector<256x128xf32> to vector<256x128xbf16>
    %dot_general3A_63 = arith.constant dense<0.000000e+00> : vector<4x128xf32>
    %dot_general3A_64 = tpu.matmul %convert_element_type3A_61, %convert_element_type3A_62, %dot_general3A_63 {dimension_numbers = #tpu.dot_dimension_numbers<[1], [0], [0], [1], [0, 0, 1, 1], [], []>, transpose_lhs_hint = false} : vector<4x256xbf16>, vector<256x128xbf16>, vector<4x128xf32> -> vector<4x128xf32>
    %get3A_65 = arith.constant 0 : index
    %get3A_66 = vector.load %arg4[%get3A_65] : memref<128xf32, #tpu.memory_space<vmem>>, vector<128xf32>
    %broadcast_in_dim3A_67 = vector.shape_cast %get3A_66 : vector<128xf32> to vector<1x128xf32>
    %add3A_68 = vector.broadcast %broadcast_in_dim3A_67 : vector<1x128xf32> to vector<4x128xf32>
    %add3A_69 = arith.addf %dot_general3A_64, %add3A_68 : vector<4x128xf32>
    %swap3A = arith.constant 0 : index
    %swap3A_70 = arith.constant 0 : index
    %swap3A_71 = vector.load %arg5[%swap3A, %swap3A_70] : memref<4x128xf32, #tpu.memory_space<vmem>>, vector<4x128xf32>
    tpu.vector_store %arg5[%swap3A, %swap3A_70], %add3A_69 {strides = array<i32>} : memref<4x128xf32, #tpu.memory_space<vmem>>, vector<4x128xf32>,
    return
  }
}

module attributes {stable_mosaic.version = 14 : i64} {
  func.func @_applyt_body(%arg0: i32, %arg1: memref<1x2048x8xf32, #tpu.memory_space<vmem>>, %arg2: memref<1x8x8xf32, #tpu.memory_space<vmem>>, %arg3: memref<1x2048x8xf32, #tpu.memory_space<vmem>>) attributes {dimension_semantics = [#tpu.dimension_semantics<arbitrary>], iteration_bounds = array<i64: 4>, scalar_prefetch = 0 : i64, scratch_operands = 0 : i64, tpu.core_type = #tpu.core_type<tc>, window_params = [{transform_indices = @transform_0, window_bounds = array<i64: 1, 2048, 8>}, {transform_indices = @transform_1, window_bounds = array<i64: 1, 8, 8>}, {transform_indices = @transform_2, window_bounds = array<i64: 1, 2048, 8>}]} {
    %get3A = arith.constant 0 : index
    %get3A_0 = arith.constant 0 : index
    %get3A_1 = arith.constant 0 : index
    %get3A_2 = vector.load %arg1[%get3A, %get3A_0, %get3A_1] : memref<1x2048x8xf32, #tpu.memory_space<vmem>>, vector<1x2048x8xf32>
    %get3A_3 = vector.shape_cast %get3A_2 : vector<1x2048x8xf32> to vector<2048x8xf32>
    %get3A_4 = arith.constant 0 : index
    %get3A_5 = arith.constant 0 : index
    %get3A_6 = arith.constant 0 : index
    %get3A_7 = vector.load %arg2[%get3A_4, %get3A_5, %get3A_6] : memref<1x8x8xf32, #tpu.memory_space<vmem>>, vector<1x8x8xf32>
    %get3A_8 = vector.shape_cast %get3A_7 : vector<1x8x8xf32> to vector<8x8xf32>
    %convert_element_type3A = arith.truncf %get3A_3 : vector<2048x8xf32> to vector<2048x8xbf16>
    %convert_element_type3A_9 = arith.truncf %get3A_8 : vector<8x8xf32> to vector<8x8xbf16>
    %dot_general3A = arith.constant dense<0.000000e+00> : vector<2048x8xf32>
    %dot_general3A_10 = tpu.matmul %convert_element_type3A, %convert_element_type3A_9, %dot_general3A {dimension_numbers = #tpu.dot_dimension_numbers<[1], [0], [0], [1], [0, 0, 1, 1], [], []>, transpose_lhs_hint = false} : vector<2048x8xbf16>, vector<8x8xbf16>, vector<2048x8xf32> -> vector<2048x8xf32>
    %swap3A = arith.constant 0 : index
    %swap3A_11 = arith.constant 0 : index
    %swap3A_12 = arith.constant 0 : index
    %swap3A_13 = vector.load %arg3[%swap3A, %swap3A_11, %swap3A_12] : memref<1x2048x8xf32, #tpu.memory_space<vmem>>, vector<1x2048x8xf32>
    %swap3A_14 = vector.shape_cast %swap3A_13 : vector<1x2048x8xf32> to vector<2048x8xf32>
    %swap3A_15 = vector.shape_cast %dot_general3A_10 : vector<2048x8xf32> to vector<1x2048x8xf32>
    tpu.vector_store %arg3[%swap3A, %swap3A_11, %swap3A_12], %swap3A_15 {strides = array<i32>} : memref<1x2048x8xf32, #tpu.memory_space<vmem>>, vector<1x2048x8xf32>,
    return
  }
  func.func @transform_0(%arg0: i32) -> (i32, i32, i32) {
    %c0_i32 = arith.constant 0 : i32
    %c0_i32_0 = arith.constant 0 : i32
    %c0_i32_1 = arith.constant 0 : i32
    return %arg0, %c0_i32, %c0_i32_0 : i32, i32, i32
  }
  func.func @transform_1(%arg0: i32) -> (i32, i32, i32) {
    %c0_i32 = arith.constant 0 : i32
    %c0_i32_0 = arith.constant 0 : i32
    %c0_i32_1 = arith.constant 0 : i32
    return %arg0, %c0_i32, %c0_i32_0 : i32, i32, i32
  }
  func.func @transform_2(%arg0: i32) -> (i32, i32, i32) {
    %c0_i32 = arith.constant 0 : i32
    %c0_i32_0 = arith.constant 0 : i32
    %c0_i32_1 = arith.constant 0 : i32
    return %arg0, %c0_i32, %c0_i32_0 : i32, i32, i32
  }
}

module attributes {stable_mosaic.version = 14 : i64} {
  func.func @_cc_body(%arg0: i32, %arg1: i32, %arg2: i32, %arg3: memref<1x7680x8xf32, #tpu.memory_space<vmem>>, %arg4: memref<1x256x8xf32, #tpu.memory_space<vmem>>, %arg5: memref<16x64xf32, #tpu.memory_space<vmem>>, %arg6: memref<64x64xf32, #tpu.memory_space<vmem>>, %arg7: memref<1x256x128xf32, #tpu.memory_space<vmem>>, %arg8: memref<1x64xf32, #tpu.memory_space<vmem>>, %arg9: memref<1x64xf32, #tpu.memory_space<vmem>>, %arg10: memref<1x64xf32, #tpu.memory_space<vmem>>, %arg11: memref<1x64xf32, #tpu.memory_space<vmem>>) attributes {dimension_semantics = [#tpu.dimension_semantics<arbitrary>, #tpu.dimension_semantics<arbitrary>, #tpu.dimension_semantics<arbitrary>], iteration_bounds = array<i64: 3, 4, 8>, scalar_prefetch = 0 : i64, scratch_operands = 4 : i64, tpu.core_type = #tpu.core_type<tc>, window_params = [{transform_indices = @transform_0, window_bounds = array<i64: 1, 7680, 8>}, {transform_indices = @transform_1, window_bounds = array<i64: 1, 256, 8>}, {pipeline_mode = #tpu.pipeline_mode<synchronous>, transform_indices = @transform_2, window_bounds = array<i64: 16, 64>}, {pipeline_mode = #tpu.pipeline_mode<synchronous>, transform_indices = @transform_3, window_bounds = array<i64: 64, 64>}, {transform_indices = @transform_4, window_bounds = array<i64: 1, 256, 128>}]} {
    %eq3A = arith.constant 0 : i32
    %eq3A_0 = arith.cmpi eq, %arg0, %eq3A : i32
    %eq3A_1 = arith.constant 0 : i32
    %eq3A_2 = arith.cmpi eq, %arg1, %eq3A_1 : i32
    %and3A = arith.andi %eq3A_0, %eq3A_2 : i1
    %eq3A_3 = arith.constant 0 : i32
    %eq3A_4 = arith.cmpi eq, %arg2, %eq3A_3 : i32
    %and3A_5 = arith.andi %and3A, %eq3A_4 : i1
    %convert_element_type3A = arith.extui %and3A_5 : i1 to i32
    %cond3A = arith.constant 0 : i32
    %cond3A_6 = arith.cmpi ne, %convert_element_type3A, %cond3A : i32
    scf.if %cond3A_6 {
      %broadcast_in_dim3A_33 = arith.constant 0.000000e+00 : f32
      %broadcast_in_dim3A_34 = vector.broadcast %broadcast_in_dim3A_33 : f32 to vector<1x64xf32>
      %swap3A = arith.constant 0 : index
      %swap3A_35 = arith.constant 0 : index
      %swap3A_36 = vector.load %arg8[%swap3A, %swap3A_35] : memref<1x64xf32, #tpu.memory_space<vmem>>, vector<1x64xf32>
      tpu.vector_store %arg8[%swap3A, %swap3A_35], %broadcast_in_dim3A_34 {strides = array<i32>} : memref<1x64xf32, #tpu.memory_space<vmem>>, vector<1x64xf32>,
      %broadcast_in_dim3A_37 = arith.constant 0.000000e+00 : f32
      %broadcast_in_dim3A_38 = vector.broadcast %broadcast_in_dim3A_37 : f32 to vector<1x64xf32>
      %swap3A_39 = arith.constant 0 : index
      %swap3A_40 = arith.constant 0 : index
      %swap3A_41 = vector.load %arg9[%swap3A_39, %swap3A_40] : memref<1x64xf32, #tpu.memory_space<vmem>>, vector<1x64xf32>
      tpu.vector_store %arg9[%swap3A_39, %swap3A_40], %broadcast_in_dim3A_38 {strides = array<i32>} : memref<1x64xf32, #tpu.memory_space<vmem>>, vector<1x64xf32>,
      %broadcast_in_dim3A_42 = arith.constant 0.000000e+00 : f32
      %broadcast_in_dim3A_43 = vector.broadcast %broadcast_in_dim3A_42 : f32 to vector<1x64xf32>
      %swap3A_44 = arith.constant 0 : index
      %swap3A_45 = arith.constant 0 : index
      %swap3A_46 = vector.load %arg10[%swap3A_44, %swap3A_45] : memref<1x64xf32, #tpu.memory_space<vmem>>, vector<1x64xf32>
      tpu.vector_store %arg10[%swap3A_44, %swap3A_45], %broadcast_in_dim3A_43 {strides = array<i32>} : memref<1x64xf32, #tpu.memory_space<vmem>>, vector<1x64xf32>,
      %broadcast_in_dim3A_47 = arith.constant 0.000000e+00 : f32
      %broadcast_in_dim3A_48 = vector.broadcast %broadcast_in_dim3A_47 : f32 to vector<1x64xf32>
      %swap3A_49 = arith.constant 0 : index
      %swap3A_50 = arith.constant 0 : index
      %swap3A_51 = vector.load %arg11[%swap3A_49, %swap3A_50] : memref<1x64xf32, #tpu.memory_space<vmem>>, vector<1x64xf32>
      tpu.vector_store %arg11[%swap3A_49, %swap3A_50], %broadcast_in_dim3A_48 {strides = array<i32>} : memref<1x64xf32, #tpu.memory_space<vmem>>, vector<1x64xf32>,
    } else {
    }
    %get3A = arith.constant 0 : index
    %get3A_7 = arith.constant 0 : index
    %get3A_8 = arith.constant 0 : index
    %get3A_9 = vector.load %arg3[%get3A, %get3A_7, %get3A_8] : memref<1x7680x8xf32, #tpu.memory_space<vmem>>, vector<1x7680x8xf32>
    %get3A_10 = vector.shape_cast %get3A_9 : vector<1x7680x8xf32> to vector<7680x8xf32>
    %get3A_11 = arith.constant 0 : index
    %get3A_12 = arith.constant 0 : index
    %get3A_13 = arith.constant 0 : index
    %get3A_14 = vector.load %arg4[%get3A_11, %get3A_12, %get3A_13] : memref<1x256x8xf32, #tpu.memory_space<vmem>>, vector<1x256x8xf32>
    %get3A_15 = vector.shape_cast %get3A_14 : vector<1x256x8xf32> to vector<256x8xf32>
    %broadcast_in_dim3A = vector.shape_cast %get3A_15 : vector<256x8xf32> to vector<256x1x8xf32>
    %broadcast_in_dim3A_16 = vector.shape_cast %broadcast_in_dim3A : vector<256x1x8xf32> to vector<256x1x8xf32>
    %broadcast_in_dim3A_17 = vector.broadcast %broadcast_in_dim3A_16 : vector<256x1x8xf32> to vector<256x30x8xf32>
    %reshape3A = vector.shape_cast %broadcast_in_dim3A_17 : vector<256x30x8xf32> to vector<7680x8xf32>
    %sub3A = arith.subf %get3A_10, %reshape3A : vector<7680x8xf32>
    %concatenate3A = tpu.concatenate %sub3A, %reshape3A in 1 : vector<7680x8xf32>, vector<7680x8xf32> -> vector<7680x16xf32>
    %get3A_18 = arith.constant 0 : index
    %get3A_19 = arith.constant 0 : index
    %get3A_20 = vector.load %arg5[%get3A_18, %get3A_19] : memref<16x64xf32, #tpu.memory_space<vmem>>, vector<16x64xf32>
    %convert_element_type3A_21 = arith.truncf %concatenate3A : vector<7680x16xf32> to vector<7680x16xbf16>
    %convert_element_type3A_22 = arith.truncf %get3A_20 : vector<16x64xf32> to vector<16x64xbf16>
    %dot_general3A = arith.constant dense<0.000000e+00> : vector<7680x64xf32>
    %dot_general3A_23 = tpu.matmul %convert_element_type3A_21, %convert_element_type3A_22, %dot_general3A {dimension_numbers = #tpu.dot_dimension_numbers<[1], [0], [0], [1], [0, 0, 1, 1], [], []>, transpose_lhs_hint = false} : vector<7680x16xbf16>, vector<16x64xbf16>, vector<7680x64xf32> -> vector<7680x64xf32>
    %eq3A_24 = arith.constant 0 : i32
    %eq3A_25 = arith.cmpi eq, %arg0, %eq3A_24 : i32
    %convert_element_type3A_26 = arith.extui %eq3A_25 : i1 to i32
    %cond3A_27 = arith.constant 0 : i32
    %cond3A_28 = arith.cmpi ne, %convert_element_type3A_26, %cond3A_27 : i32
    scf.if %cond3A_28 {
      %get3A_33 = arith.constant 0 : index
      %get3A_34 = arith.constant 0 : index
      %get3A_35 = vector.load %arg8[%get3A_33, %get3A_34] : memref<1x64xf32, #tpu.memory_space<vmem>>, vector<1x64xf32>
      %reduce_sum3A = arith.constant dense<0.000000e+00> : vector<64xf32>
      %reduce_sum3A_36 = vector.multi_reduction <add>, %dot_general3A_23, %reduce_sum3A [0] : vector<7680x64xf32> to vector<64xf32>
      %reshape3A_37 = vector.shape_cast %reduce_sum3A_36 : vector<64xf32> to vector<1x64xf32>
      %add3A = arith.addf %get3A_35, %reshape3A_37 : vector<1x64xf32>
      %swap3A = arith.constant 0 : index
      %swap3A_38 = arith.constant 0 : index
      %swap3A_39 = vector.load %arg8[%swap3A, %swap3A_38] : memref<1x64xf32, #tpu.memory_space<vmem>>, vector<1x64xf32>
      tpu.vector_store %arg8[%swap3A, %swap3A_38], %add3A {strides = array<i32>} : memref<1x64xf32, #tpu.memory_space<vmem>>, vector<1x64xf32>,
      %get3A_40 = arith.constant 0 : index
      %get3A_41 = arith.constant 0 : index
      %get3A_42 = vector.load %arg9[%get3A_40, %get3A_41] : memref<1x64xf32, #tpu.memory_space<vmem>>, vector<1x64xf32>
      %mul3A = arith.mulf %dot_general3A_23, %dot_general3A_23 : vector<7680x64xf32>
      %reduce_sum3A_43 = arith.constant dense<0.000000e+00> : vector<64xf32>
      %reduce_sum3A_44 = vector.multi_reduction <add>, %mul3A, %reduce_sum3A_43 [0] : vector<7680x64xf32> to vector<64xf32>
      %reshape3A_45 = vector.shape_cast %reduce_sum3A_44 : vector<64xf32> to vector<1x64xf32>
      %add3A_46 = arith.addf %get3A_42, %reshape3A_45 : vector<1x64xf32>
      %swap3A_47 = arith.constant 0 : index
      %swap3A_48 = arith.constant 0 : index
      %swap3A_49 = vector.load %arg9[%swap3A_47, %swap3A_48] : memref<1x64xf32, #tpu.memory_space<vmem>>, vector<1x64xf32>
      tpu.vector_store %arg9[%swap3A_47, %swap3A_48], %add3A_46 {strides = array<i32>} : memref<1x64xf32, #tpu.memory_space<vmem>>, vector<1x64xf32>,
    } else {
    }
    %gt3A = arith.constant 0 : i32
    %gt3A_29 = arith.cmpi sgt, %arg0, %gt3A : i32
    %convert_element_type3A_30 = arith.extui %gt3A_29 : i1 to i32
    %cond3A_31 = arith.constant 0 : i32
    %cond3A_32 = arith.cmpi ne, %convert_element_type3A_30, %cond3A_31 : i32
    scf.if %cond3A_32 {
      %get3A_33 = arith.constant 0 : index
      %get3A_34 = arith.constant 0 : index
      %get3A_35 = vector.load %arg8[%get3A_33, %get3A_34] : memref<1x64xf32, #tpu.memory_space<vmem>>, vector<1x64xf32>
      %div3A = arith.constant 2.457600e+05 : f32
      %div3A_36 = vector.broadcast %div3A : f32 to vector<1x64xf32>
      %div3A_37 = arith.divf %get3A_35, %div3A_36 : vector<1x64xf32>
      %get3A_38 = arith.constant 0 : index
      %get3A_39 = arith.constant 0 : index
      %get3A_40 = vector.load %arg9[%get3A_38, %get3A_39] : memref<1x64xf32, #tpu.memory_space<vmem>>, vector<1x64xf32>
      %div3A_41 = arith.constant 2.457600e+05 : f32
      %div3A_42 = vector.broadcast %div3A_41 : f32 to vector<1x64xf32>
      %div3A_43 = arith.divf %get3A_40, %div3A_42 : vector<1x64xf32>
      %mul3A = arith.mulf %div3A_37, %div3A_37 : vector<1x64xf32>
      %sub3A_44 = arith.subf %div3A_43, %mul3A : vector<1x64xf32>
      %sub3A_45 = vector.broadcast %div3A_37 : vector<1x64xf32> to vector<7680x64xf32>
      %sub3A_46 = arith.subf %dot_general3A_23, %sub3A_45 : vector<7680x64xf32>
      %add3A = arith.constant 9.99999974E-6 : f32
      %add3A_47 = vector.broadcast %add3A : f32 to vector<1x64xf32>
      %add3A_48 = arith.addf %sub3A_44, %add3A_47 : vector<1x64xf32>
      %rsqrt3A = math.rsqrt %add3A_48 : vector<1x64xf32>
      %mul3A_49 = vector.broadcast %rsqrt3A : vector<1x64xf32> to vector<7680x64xf32>
      %mul3A_50 = arith.mulf %sub3A_46, %mul3A_49 : vector<7680x64xf32>
      %max3A = arith.constant 0.000000e+00 : f32
      %max3A_51 = vector.broadcast %max3A : f32 to vector<7680x64xf32>
      %max3A_52 = arith.maximumf %mul3A_50, %max3A_51 : vector<7680x64xf32>
      %get3A_53 = arith.constant 0 : index
      %get3A_54 = arith.constant 0 : index
      %get3A_55 = vector.load %arg6[%get3A_53, %get3A_54] : memref<64x64xf32, #tpu.memory_space<vmem>>, vector<64x64xf32>
      %convert_element_type3A_56 = arith.truncf %max3A_52 : vector<7680x64xf32> to vector<7680x64xbf16>
      %convert_element_type3A_57 = arith.truncf %get3A_55 : vector<64x64xf32> to vector<64x64xbf16>
      %dot_general3A_58 = arith.constant dense<0.000000e+00> : vector<7680x64xf32>
      %dot_general3A_59 = tpu.matmul %convert_element_type3A_56, %convert_element_type3A_57, %dot_general3A_58 {dimension_numbers = #tpu.dot_dimension_numbers<[1], [0], [0], [1], [0, 0, 1, 1], [], []>, transpose_lhs_hint = false} : vector<7680x64xbf16>, vector<64x64xbf16>, vector<7680x64xf32> -> vector<7680x64xf32>
      %eq3A_60 = arith.constant 1 : i32
      %eq3A_61 = arith.cmpi eq, %arg0, %eq3A_60 : i32
      %convert_element_type3A_62 = arith.extui %eq3A_61 : i1 to i32
      %cond3A_63 = arith.constant 0 : i32
      %cond3A_64 = arith.cmpi ne, %convert_element_type3A_62, %cond3A_63 : i32
      scf.if %cond3A_64 {
        %get3A_70 = arith.constant 0 : index
        %get3A_71 = arith.constant 0 : index
        %get3A_72 = vector.load %arg10[%get3A_70, %get3A_71] : memref<1x64xf32, #tpu.memory_space<vmem>>, vector<1x64xf32>
        %reduce_sum3A = arith.constant dense<0.000000e+00> : vector<64xf32>
        %reduce_sum3A_73 = vector.multi_reduction <add>, %dot_general3A_59, %reduce_sum3A [0] : vector<7680x64xf32> to vector<64xf32>
        %reshape3A_74 = vector.shape_cast %reduce_sum3A_73 : vector<64xf32> to vector<1x64xf32>
        %add3A_75 = arith.addf %get3A_72, %reshape3A_74 : vector<1x64xf32>
        %swap3A = arith.constant 0 : index
        %swap3A_76 = arith.constant 0 : index
        %swap3A_77 = vector.load %arg10[%swap3A, %swap3A_76] : memref<1x64xf32, #tpu.memory_space<vmem>>, vector<1x64xf32>
        tpu.vector_store %arg10[%swap3A, %swap3A_76], %add3A_75 {strides = array<i32>} : memref<1x64xf32, #tpu.memory_space<vmem>>, vector<1x64xf32>,
        %get3A_78 = arith.constant 0 : index
        %get3A_79 = arith.constant 0 : index
        %get3A_80 = vector.load %arg11[%get3A_78, %get3A_79] : memref<1x64xf32, #tpu.memory_space<vmem>>, vector<1x64xf32>
        %mul3A_81 = arith.mulf %dot_general3A_59, %dot_general3A_59 : vector<7680x64xf32>
        %reduce_sum3A_82 = arith.constant dense<0.000000e+00> : vector<64xf32>
        %reduce_sum3A_83 = vector.multi_reduction <add>, %mul3A_81, %reduce_sum3A_82 [0] : vector<7680x64xf32> to vector<64xf32>
        %reshape3A_84 = vector.shape_cast %reduce_sum3A_83 : vector<64xf32> to vector<1x64xf32>
        %add3A_85 = arith.addf %get3A_80, %reshape3A_84 : vector<1x64xf32>
        %swap3A_86 = arith.constant 0 : index
        %swap3A_87 = arith.constant 0 : index
        %swap3A_88 = vector.load %arg11[%swap3A_86, %swap3A_87] : memref<1x64xf32, #tpu.memory_space<vmem>>, vector<1x64xf32>
        tpu.vector_store %arg11[%swap3A_86, %swap3A_87], %add3A_85 {strides = array<i32>} : memref<1x64xf32, #tpu.memory_space<vmem>>, vector<1x64xf32>,
      } else {
      }
      %eq3A_65 = arith.constant 2 : i32
      %eq3A_66 = arith.cmpi eq, %arg0, %eq3A_65 : i32
      %convert_element_type3A_67 = arith.extui %eq3A_66 : i1 to i32
      %cond3A_68 = arith.constant 0 : i32
      %cond3A_69 = arith.cmpi ne, %convert_element_type3A_67, %cond3A_68 : i32
      scf.if %cond3A_69 {
        %get3A_70 = arith.constant 0 : index
        %get3A_71 = arith.constant 0 : index
        %get3A_72 = vector.load %arg10[%get3A_70, %get3A_71] : memref<1x64xf32, #tpu.memory_space<vmem>>, vector<1x64xf32>
        %div3A_73 = arith.constant 2.457600e+05 : f32
        %div3A_74 = vector.broadcast %div3A_73 : f32 to vector<1x64xf32>
        %div3A_75 = arith.divf %get3A_72, %div3A_74 : vector<1x64xf32>
        %get3A_76 = arith.constant 0 : index
        %get3A_77 = arith.constant 0 : index
        %get3A_78 = vector.load %arg11[%get3A_76, %get3A_77] : memref<1x64xf32, #tpu.memory_space<vmem>>, vector<1x64xf32>
        %div3A_79 = arith.constant 2.457600e+05 : f32
        %div3A_80 = vector.broadcast %div3A_79 : f32 to vector<1x64xf32>
        %div3A_81 = arith.divf %get3A_78, %div3A_80 : vector<1x64xf32>
        %mul3A_82 = arith.mulf %div3A_75, %div3A_75 : vector<1x64xf32>
        %sub3A_83 = arith.subf %div3A_81, %mul3A_82 : vector<1x64xf32>
        %sub3A_84 = vector.broadcast %div3A_75 : vector<1x64xf32> to vector<7680x64xf32>
        %sub3A_85 = arith.subf %dot_general3A_59, %sub3A_84 : vector<7680x64xf32>
        %add3A_86 = arith.constant 9.99999974E-6 : f32
        %add3A_87 = vector.broadcast %add3A_86 : f32 to vector<1x64xf32>
        %add3A_88 = arith.addf %sub3A_83, %add3A_87 : vector<1x64xf32>
        %rsqrt3A_89 = math.rsqrt %add3A_88 : vector<1x64xf32>
        %mul3A_90 = vector.broadcast %rsqrt3A_89 : vector<1x64xf32> to vector<7680x64xf32>
        %mul3A_91 = arith.mulf %sub3A_85, %mul3A_90 : vector<7680x64xf32>
        %max3A_92 = arith.constant 0.000000e+00 : f32
        %max3A_93 = vector.broadcast %max3A_92 : f32 to vector<7680x64xf32>
        %max3A_94 = arith.maximumf %mul3A_91, %max3A_93 : vector<7680x64xf32>
        %reshape3A_95 = vector.shape_cast %max3A_94 : vector<7680x64xf32> to vector<256x30x64xf32>
        %reduce_max3A = arith.constant dense<0xFF800000> : vector<256x64xf32>
        %reduce_max3A_96 = vector.multi_reduction <maximumf>, %reshape3A_95, %reduce_max3A [1] : vector<256x30x64xf32> to vector<256x64xf32>
        %reduce_sum3A = arith.constant dense<0.000000e+00> : vector<256x64xf32>
        %reduce_sum3A_97 = vector.multi_reduction <add>, %reshape3A_95, %reduce_sum3A [1] : vector<256x30x64xf32> to vector<256x64xf32>
        %div3A_98 = arith.constant 3.000000e+01 : f32
        %div3A_99 = vector.broadcast %div3A_98 : f32 to vector<256x64xf32>
        %div3A_100 = arith.divf %reduce_sum3A_97, %div3A_99 : vector<256x64xf32>
        %concatenate3A_101 = tpu.concatenate %reduce_max3A_96, %div3A_100 in 1 : vector<256x64xf32>, vector<256x64xf32> -> vector<256x128xf32>
        %swap3A = arith.constant 0 : index
        %swap3A_102 = arith.constant 0 : index
        %swap3A_103 = arith.constant 0 : index
        %swap3A_104 = vector.load %arg7[%swap3A, %swap3A_102, %swap3A_103] : memref<1x256x128xf32, #tpu.memory_space<vmem>>, vector<1x256x128xf32>
        %swap3A_105 = vector.shape_cast %swap3A_104 : vector<1x256x128xf32> to vector<256x128xf32>
        %swap3A_106 = vector.shape_cast %concatenate3A_101 : vector<256x128xf32> to vector<1x256x128xf32>
        tpu.vector_store %arg7[%swap3A, %swap3A_102, %swap3A_103], %swap3A_106 {strides = array<i32>} : memref<1x256x128xf32, #tpu.memory_space<vmem>>, vector<1x256x128xf32>,
      } else {
      }
    } else {
    }
    return
  }
  func.func @transform_0(%arg0: i32, %arg1: i32, %arg2: i32) -> (i32, i32, i32) {
    %mul3A = arith.constant 8 : i32
    %mul3A_0 = arith.muli %arg1, %mul3A : i32
    %add3A = arith.addi %mul3A_0, %arg2 : i32
    %c0_i32 = arith.constant 0 : i32
    %c0_i32_1 = arith.constant 0 : i32
    %c0_i32_2 = arith.constant 0 : i32
    return %add3A, %c0_i32, %c0_i32_1 : i32, i32, i32
  }
  func.func @transform_1(%arg0: i32, %arg1: i32, %arg2: i32) -> (i32, i32, i32) {
    %c0_i32 = arith.constant 0 : i32
    %c0_i32_0 = arith.constant 0 : i32
    return %arg1, %arg2, %c0_i32 : i32, i32, i32
  }
  func.func @transform_2(%arg0: i32, %arg1: i32, %arg2: i32) -> (i32, i32) {
    %c0_i32 = arith.constant 0 : i32
    %c0_i32_0 = arith.constant 0 : i32
    %c0_i32_1 = arith.constant 0 : i32
    return %c0_i32, %c0_i32_0 : i32, i32
  }
  func.func @transform_3(%arg0: i32, %arg1: i32, %arg2: i32) -> (i32, i32) {
    %c0_i32 = arith.constant 0 : i32
    %c0_i32_0 = arith.constant 0 : i32
    %c0_i32_1 = arith.constant 0 : i32
    return %c0_i32, %c0_i32_0 : i32, i32
  }
  func.func @transform_4(%arg0: i32, %arg1: i32, %arg2: i32) -> (i32, i32, i32) {
    %c0_i32 = arith.constant 0 : i32
    %c0_i32_0 = arith.constant 0 : i32
    return %arg1, %arg2, %c0_i32 : i32, i32, i32
  }
}

module attributes {stable_mosaic.version = 14 : i64} {
  func.func @_pc_body(%arg0: i32, %arg1: i32, %arg2: i32, %arg3: memref<1x256x128xf32, #tpu.memory_space<vmem>>, %arg4: memref<128x64xf32, #tpu.memory_space<vmem>>, %arg5: memref<1x256x64xf32, #tpu.memory_space<vmem>>, %arg6: memref<1x64xf32, #tpu.memory_space<vmem>>, %arg7: memref<1x64xf32, #tpu.memory_space<vmem>>) attributes {dimension_semantics = [#tpu.dimension_semantics<arbitrary>, #tpu.dimension_semantics<arbitrary>, #tpu.dimension_semantics<arbitrary>], iteration_bounds = array<i64: 2, 4, 8>, scalar_prefetch = 0 : i64, scratch_operands = 2 : i64, tpu.core_type = #tpu.core_type<tc>, window_params = [{transform_indices = @transform_0, window_bounds = array<i64: 1, 256, 128>}, {pipeline_mode = #tpu.pipeline_mode<synchronous>, transform_indices = @transform_1, window_bounds = array<i64: 128, 64>}, {transform_indices = @transform_2, window_bounds = array<i64: 1, 256, 64>}]} {
    %eq3A = arith.constant 0 : i32
    %eq3A_0 = arith.cmpi eq, %arg0, %eq3A : i32
    %eq3A_1 = arith.constant 0 : i32
    %eq3A_2 = arith.cmpi eq, %arg1, %eq3A_1 : i32
    %and3A = arith.andi %eq3A_0, %eq3A_2 : i1
    %eq3A_3 = arith.constant 0 : i32
    %eq3A_4 = arith.cmpi eq, %arg2, %eq3A_3 : i32
    %and3A_5 = arith.andi %and3A, %eq3A_4 : i1
    %convert_element_type3A = arith.extui %and3A_5 : i1 to i32
    %cond3A = arith.constant 0 : i32
    %cond3A_6 = arith.cmpi ne, %convert_element_type3A, %cond3A : i32
    scf.if %cond3A_6 {
      %broadcast_in_dim3A = arith.constant 0.000000e+00 : f32
      %broadcast_in_dim3A_27 = vector.broadcast %broadcast_in_dim3A : f32 to vector<1x64xf32>
      %swap3A = arith.constant 0 : index
      %swap3A_28 = arith.constant 0 : index
      %swap3A_29 = vector.load %arg6[%swap3A, %swap3A_28] : memref<1x64xf32, #tpu.memory_space<vmem>>, vector<1x64xf32>
      tpu.vector_store %arg6[%swap3A, %swap3A_28], %broadcast_in_dim3A_27 {strides = array<i32>} : memref<1x64xf32, #tpu.memory_space<vmem>>, vector<1x64xf32>,
      %broadcast_in_dim3A_30 = arith.constant 0.000000e+00 : f32
      %broadcast_in_dim3A_31 = vector.broadcast %broadcast_in_dim3A_30 : f32 to vector<1x64xf32>
      %swap3A_32 = arith.constant 0 : index
      %swap3A_33 = arith.constant 0 : index
      %swap3A_34 = vector.load %arg7[%swap3A_32, %swap3A_33] : memref<1x64xf32, #tpu.memory_space<vmem>>, vector<1x64xf32>
      tpu.vector_store %arg7[%swap3A_32, %swap3A_33], %broadcast_in_dim3A_31 {strides = array<i32>} : memref<1x64xf32, #tpu.memory_space<vmem>>, vector<1x64xf32>,
    } else {
    }
    %get3A = arith.constant 0 : index
    %get3A_7 = arith.constant 0 : index
    %get3A_8 = arith.constant 0 : index
    %get3A_9 = vector.load %arg3[%get3A, %get3A_7, %get3A_8] : memref<1x256x128xf32, #tpu.memory_space<vmem>>, vector<1x256x128xf32>
    %get3A_10 = vector.shape_cast %get3A_9 : vector<1x256x128xf32> to vector<256x128xf32>
    %get3A_11 = arith.constant 0 : index
    %get3A_12 = arith.constant 0 : index
    %get3A_13 = vector.load %arg4[%get3A_11, %get3A_12] : memref<128x64xf32, #tpu.memory_space<vmem>>, vector<128x64xf32>
    %convert_element_type3A_14 = arith.truncf %get3A_10 : vector<256x128xf32> to vector<256x128xbf16>
    %convert_element_type3A_15 = arith.truncf %get3A_13 : vector<128x64xf32> to vector<128x64xbf16>
    %dot_general3A = arith.constant dense<0.000000e+00> : vector<256x64xf32>
    %dot_general3A_16 = tpu.matmul %convert_element_type3A_14, %convert_element_type3A_15, %dot_general3A {dimension_numbers = #tpu.dot_dimension_numbers<[1], [0], [0], [1], [0, 0, 1, 1], [], []>, transpose_lhs_hint = false} : vector<256x128xbf16>, vector<128x64xbf16>, vector<256x64xf32> -> vector<256x64xf32>
    %eq3A_17 = arith.constant 0 : i32
    %eq3A_18 = arith.cmpi eq, %arg0, %eq3A_17 : i32
    %convert_element_type3A_19 = arith.extui %eq3A_18 : i1 to i32
    %cond3A_20 = arith.constant 0 : i32
    %cond3A_21 = arith.cmpi ne, %convert_element_type3A_19, %cond3A_20 : i32
    scf.if %cond3A_21 {
      %get3A_27 = arith.constant 0 : index
      %get3A_28 = arith.constant 0 : index
      %get3A_29 = vector.load %arg6[%get3A_27, %get3A_28] : memref<1x64xf32, #tpu.memory_space<vmem>>, vector<1x64xf32>
      %reduce_sum3A = arith.constant dense<0.000000e+00> : vector<64xf32>
      %reduce_sum3A_30 = vector.multi_reduction <add>, %dot_general3A_16, %reduce_sum3A [0] : vector<256x64xf32> to vector<64xf32>
      %reshape3A = vector.shape_cast %reduce_sum3A_30 : vector<64xf32> to vector<1x64xf32>
      %add3A = arith.addf %get3A_29, %reshape3A : vector<1x64xf32>
      %swap3A = arith.constant 0 : index
      %swap3A_31 = arith.constant 0 : index
      %swap3A_32 = vector.load %arg6[%swap3A, %swap3A_31] : memref<1x64xf32, #tpu.memory_space<vmem>>, vector<1x64xf32>
      tpu.vector_store %arg6[%swap3A, %swap3A_31], %add3A {strides = array<i32>} : memref<1x64xf32, #tpu.memory_space<vmem>>, vector<1x64xf32>,
      %get3A_33 = arith.constant 0 : index
      %get3A_34 = arith.constant 0 : index
      %get3A_35 = vector.load %arg7[%get3A_33, %get3A_34] : memref<1x64xf32, #tpu.memory_space<vmem>>, vector<1x64xf32>
      %mul3A = arith.mulf %dot_general3A_16, %dot_general3A_16 : vector<256x64xf32>
      %reduce_sum3A_36 = arith.constant dense<0.000000e+00> : vector<64xf32>
      %reduce_sum3A_37 = vector.multi_reduction <add>, %mul3A, %reduce_sum3A_36 [0] : vector<256x64xf32> to vector<64xf32>
      %reshape3A_38 = vector.shape_cast %reduce_sum3A_37 : vector<64xf32> to vector<1x64xf32>
      %add3A_39 = arith.addf %get3A_35, %reshape3A_38 : vector<1x64xf32>
      %swap3A_40 = arith.constant 0 : index
      %swap3A_41 = arith.constant 0 : index
      %swap3A_42 = vector.load %arg7[%swap3A_40, %swap3A_41] : memref<1x64xf32, #tpu.memory_space<vmem>>, vector<1x64xf32>
      tpu.vector_store %arg7[%swap3A_40, %swap3A_41], %add3A_39 {strides = array<i32>} : memref<1x64xf32, #tpu.memory_space<vmem>>, vector<1x64xf32>,
    } else {
    }
    %eq3A_22 = arith.constant 1 : i32
    %eq3A_23 = arith.cmpi eq, %arg0, %eq3A_22 : i32
    %convert_element_type3A_24 = arith.extui %eq3A_23 : i1 to i32
    %cond3A_25 = arith.constant 0 : i32
    %cond3A_26 = arith.cmpi ne, %convert_element_type3A_24, %cond3A_25 : i32
    scf.if %cond3A_26 {
      %get3A_27 = arith.constant 0 : index
      %get3A_28 = arith.constant 0 : index
      %get3A_29 = vector.load %arg6[%get3A_27, %get3A_28] : memref<1x64xf32, #tpu.memory_space<vmem>>, vector<1x64xf32>
      %div3A = arith.constant 8.192000e+03 : f32
      %div3A_30 = vector.broadcast %div3A : f32 to vector<1x64xf32>
      %div3A_31 = arith.divf %get3A_29, %div3A_30 : vector<1x64xf32>
      %get3A_32 = arith.constant 0 : index
      %get3A_33 = arith.constant 0 : index
      %get3A_34 = vector.load %arg7[%get3A_32, %get3A_33] : memref<1x64xf32, #tpu.memory_space<vmem>>, vector<1x64xf32>
      %div3A_35 = arith.constant 8.192000e+03 : f32
      %div3A_36 = vector.broadcast %div3A_35 : f32 to vector<1x64xf32>
      %div3A_37 = arith.divf %get3A_34, %div3A_36 : vector<1x64xf32>
      %mul3A = arith.mulf %div3A_31, %div3A_31 : vector<1x64xf32>
      %sub3A = arith.subf %div3A_37, %mul3A : vector<1x64xf32>
      %sub3A_38 = vector.broadcast %div3A_31 : vector<1x64xf32> to vector<256x64xf32>
      %sub3A_39 = arith.subf %dot_general3A_16, %sub3A_38 : vector<256x64xf32>
      %add3A = arith.constant 9.99999974E-6 : f32
      %add3A_40 = vector.broadcast %add3A : f32 to vector<1x64xf32>
      %add3A_41 = arith.addf %sub3A, %add3A_40 : vector<1x64xf32>
      %rsqrt3A = math.rsqrt %add3A_41 : vector<1x64xf32>
      %mul3A_42 = vector.broadcast %rsqrt3A : vector<1x64xf32> to vector<256x64xf32>
      %mul3A_43 = arith.mulf %sub3A_39, %mul3A_42 : vector<256x64xf32>
      %max3A = arith.constant 0.000000e+00 : f32
      %max3A_44 = vector.broadcast %max3A : f32 to vector<256x64xf32>
      %max3A_45 = arith.maximumf %mul3A_43, %max3A_44 : vector<256x64xf32>
      %swap3A = arith.constant 0 : index
      %swap3A_46 = arith.constant 0 : index
      %swap3A_47 = arith.constant 0 : index
      %swap3A_48 = vector.load %arg5[%swap3A, %swap3A_46, %swap3A_47] : memref<1x256x64xf32, #tpu.memory_space<vmem>>, vector<1x256x64xf32>
      %swap3A_49 = vector.shape_cast %swap3A_48 : vector<1x256x64xf32> to vector<256x64xf32>
      %swap3A_50 = vector.shape_cast %max3A_45 : vector<256x64xf32> to vector<1x256x64xf32>
      tpu.vector_store %arg5[%swap3A, %swap3A_46, %swap3A_47], %swap3A_50 {strides = array<i32>} : memref<1x256x64xf32, #tpu.memory_space<vmem>>, vector<1x256x64xf32>,
    } else {
    }
    return
  }
  func.func @transform_0(%arg0: i32, %arg1: i32, %arg2: i32) -> (i32, i32, i32) {
    %c0_i32 = arith.constant 0 : i32
    %c0_i32_0 = arith.constant 0 : i32
    return %arg1, %arg2, %c0_i32 : i32, i32, i32
  }
  func.func @transform_1(%arg0: i32, %arg1: i32, %arg2: i32) -> (i32, i32) {
    %c0_i32 = arith.constant 0 : i32
    %c0_i32_0 = arith.constant 0 : i32
    %c0_i32_1 = arith.constant 0 : i32
    return %c0_i32, %c0_i32_0 : i32, i32
  }
  func.func @transform_2(%arg0: i32, %arg1: i32, %arg2: i32) -> (i32, i32, i32) {
    %c0_i32 = arith.constant 0 : i32
    %c0_i32_0 = arith.constant 0 : i32
    return %arg1, %arg2, %c0_i32 : i32, i32, i32
  }
}

module attributes {stable_mosaic.version = 14 : i64} {
  func.func @_knn_body(%arg0: i32, %arg1: i32, %arg2: memref<1x256x64xf32, #tpu.memory_space<vmem>>, %arg3: memref<1x2048x64xf32, #tpu.memory_space<vmem>>, %arg4: memref<1x256x32xi32, #tpu.memory_space<vmem>>) attributes {dimension_semantics = [#tpu.dimension_semantics<arbitrary>, #tpu.dimension_semantics<arbitrary>], iteration_bounds = array<i64: 4, 8>, scalar_prefetch = 0 : i64, scratch_operands = 0 : i64, tpu.core_type = #tpu.core_type<tc>, window_params = [{transform_indices = @transform_0, window_bounds = array<i64: 1, 256, 64>}, {transform_indices = @transform_1, window_bounds = array<i64: 1, 2048, 64>}, {transform_indices = @transform_2, window_bounds = array<i64: 1, 256, 32>}]} {
    %get3A = arith.constant 0 : index
    %get3A_0 = arith.constant 0 : index
    %get3A_1 = arith.constant 0 : index
    %get3A_2 = vector.load %arg2[%get3A, %get3A_0, %get3A_1] : memref<1x256x64xf32, #tpu.memory_space<vmem>>, vector<1x256x64xf32>
    %get3A_3 = vector.shape_cast %get3A_2 : vector<1x256x64xf32> to vector<256x64xf32>
    %get3A_4 = arith.constant 0 : index
    %get3A_5 = arith.constant 0 : index
    %get3A_6 = arith.constant 0 : index
    %get3A_7 = vector.load %arg3[%get3A_4, %get3A_5, %get3A_6] : memref<1x2048x64xf32, #tpu.memory_space<vmem>>, vector<1x2048x64xf32>
    %get3A_8 = vector.shape_cast %get3A_7 : vector<1x2048x64xf32> to vector<2048x64xf32>
    %mul3A = arith.mulf %get3A_3, %get3A_3 : vector<256x64xf32>
    %reduce_sum3A = arith.constant dense<0.000000e+00> : vector<256xf32>
    %reduce_sum3A_9 = vector.multi_reduction <add>, %mul3A, %reduce_sum3A [1] : vector<256x64xf32> to vector<256xf32>
    %mul3A_10 = arith.mulf %get3A_8, %get3A_8 : vector<2048x64xf32>
    %reduce_sum3A_11 = arith.constant dense<0.000000e+00> : vector<2048xf32>
    %reduce_sum3A_12 = vector.multi_reduction <add>, %mul3A_10, %reduce_sum3A_11 [1] : vector<2048x64xf32> to vector<2048xf32>
    %convert_element_type3A = arith.truncf %get3A_3 : vector<256x64xf32> to vector<256x64xbf16>
    %convert_element_type3A_13 = arith.truncf %get3A_8 : vector<2048x64xf32> to vector<2048x64xbf16>
    %dot_general3A = arith.constant dense<0.000000e+00> : vector<256x2048xf32>
    %dot_general3A_14 = tpu.matmul %convert_element_type3A, %convert_element_type3A_13, %dot_general3A {dimension_numbers = #tpu.dot_dimension_numbers<[1], [1], [0], [0], [0, 0, 1, 0], [], []>, transpose_lhs_hint = false} : vector<256x64xbf16>, vector<2048x64xbf16>, vector<256x2048xf32> -> vector<256x2048xf32>
    %mul3A_15 = arith.constant 2.000000e+00 : f32
    %mul3A_16 = vector.broadcast %mul3A_15 : f32 to vector<256x2048xf32>
    %mul3A_17 = arith.mulf %mul3A_16, %dot_general3A_14 : vector<256x2048xf32>
    %broadcast_in_dim3A = vector.shape_cast %reduce_sum3A_9 : vector<256xf32> to vector<256x1xf32>
    %sub3A = vector.broadcast %broadcast_in_dim3A : vector<256x1xf32> to vector<256x2048xf32>
    %sub3A_18 = arith.subf %mul3A_17, %sub3A : vector<256x2048xf32>
    %broadcast_in_dim3A_19 = vector.shape_cast %reduce_sum3A_12 : vector<2048xf32> to vector<1x2048xf32>
    %sub3A_20 = vector.broadcast %broadcast_in_dim3A_19 : vector<1x2048xf32> to vector<256x2048xf32>
    %sub3A_21 = arith.subf %sub3A_18, %sub3A_20 : vector<256x2048xf32>
    %iota3A = tpu.iota {dimensions = array<i32: 1>} : vector<256x2048xi32>
    %mul3A_22 = arith.constant 2048 : i32
    %mul3A_23 = arith.muli %arg0, %mul3A_22 : i32
    %broadcast_in_dim3A_24 = arith.constant 0 : i32
    %broadcast_in_dim3A_25 = vector.broadcast %broadcast_in_dim3A_24 : i32 to vector<256x32xi32>
    %swap3A = arith.constant 0 : index
    %swap3A_26 = arith.constant 0 : index
    %swap3A_27 = arith.constant 0 : index
    %swap3A_28 = vector.load %arg4[%swap3A, %swap3A_26, %swap3A_27] : memref<1x256x32xi32, #tpu.memory_space<vmem>>, vector<1x256x32xi32>
    %swap3A_29 = vector.shape_cast %swap3A_28 : vector<1x256x32xi32> to vector<256x32xi32>
    %swap3A_30 = vector.shape_cast %broadcast_in_dim3A_25 : vector<256x32xi32> to vector<1x256x32xi32>
    tpu.vector_store %arg4[%swap3A, %swap3A_26, %swap3A_27], %swap3A_30 {strides = array<i32>} : memref<1x256x32xi32, #tpu.memory_space<vmem>>, vector<1x256x32xi32>,
    %reduce_max3A = arith.constant dense<0xFF800000> : vector<256xf32>
    %reduce_max3A_31 = vector.multi_reduction <maximumf>, %sub3A_21, %reduce_max3A [1] : vector<256x2048xf32> to vector<256xf32>
    %broadcast_in_dim3A_32 = vector.shape_cast %reduce_max3A_31 : vector<256xf32> to vector<256x1xf32>
    %eq3A = vector.broadcast %broadcast_in_dim3A_32 : vector<256x1xf32> to vector<256x2048xf32>
    %eq3A_33 = arith.cmpf oeq, %sub3A_21, %eq3A : vector<256x2048xf32>
    %jit3A = arith.constant 2048 : i32
    %broadcast_in_dim3A_34 = vector.broadcast %jit3A : i32 to vector<256x2048xi32>
    %select_n3A = arith.select %eq3A_33, %iota3A, %broadcast_in_dim3A_34 : vector<256x2048xi1>, vector<256x2048xi32>
    %reduce_min3A = arith.constant dense<2147483647> : vector<256xi32>
    %reduce_min3A_35 = vector.multi_reduction <minsi>, %select_n3A, %reduce_min3A [1] : vector<256x2048xi32> to vector<256xi32>
    %broadcast_in_dim3A_36 = vector.shape_cast %reduce_min3A_35 : vector<256xi32> to vector<256x1xi32>
    %squeeze3A = vector.shape_cast %broadcast_in_dim3A_36 : vector<256x1xi32> to vector<256xi32>
    %add3A = vector.broadcast %mul3A_23 : i32 to vector<256xi32>
    %add3A_37 = arith.addi %squeeze3A, %add3A : vector<256xi32>
    %swap3A_38 = arith.constant 0 : index
    %swap3A_39 = arith.constant 0 : index
    %swap3A_40 = arith.constant 0 : index
    %swap3A_41 = vector.load %arg4[%swap3A_38, %swap3A_39, %swap3A_40] : memref<1x256x32xi32, #tpu.memory_space<vmem>>, vector<1x256x1xi32>
    %swap3A_42 = vector.shape_cast %swap3A_41 : vector<1x256x1xi32> to vector<256xi32>
    %swap3A_43 = vector.shape_cast %add3A_37 : vector<256xi32> to vector<1x256x1xi32>
    tpu.vector_store %arg4[%swap3A_38, %swap3A_39, %swap3A_40], %swap3A_43 {strides = array<i32>} : memref<1x256x32xi32, #tpu.memory_space<vmem>>, vector<1x256x1xi32>,
    %eq3A_44 = vector.broadcast %broadcast_in_dim3A_36 : vector<256x1xi32> to vector<256x2048xi32>
    %eq3A_45 = arith.cmpi eq, %iota3A, %eq3A_44 : vector<256x2048xi32>
    %jit3A_46 = arith.constant 0xFF800000 : f32
    %broadcast_in_dim3A_47 = vector.broadcast %jit3A_46 : f32 to vector<256x2048xf32>
    %select_n3A_48 = arith.select %eq3A_45, %broadcast_in_dim3A_47, %sub3A_21 : vector<256x2048xi1>, vector<256x2048xf32>
    %reduce_max3A_49 = arith.constant dense<0xFF800000> : vector<256xf32>
    %reduce_max3A_50 = vector.multi_reduction <maximumf>, %select_n3A_48, %reduce_max3A_49 [1] : vector<256x2048xf32> to vector<256xf32>
    %broadcast_in_dim3A_51 = vector.shape_cast %reduce_max3A_50 : vector<256xf32> to vector<256x1xf32>
    %eq3A_52 = vector.broadcast %broadcast_in_dim3A_51 : vector<256x1xf32> to vector<256x2048xf32>
    %eq3A_53 = arith.cmpf oeq, %select_n3A_48, %eq3A_52 : vector<256x2048xf32>
    %jit3A_54 = arith.constant 2048 : i32
    %broadcast_in_dim3A_55 = vector.broadcast %jit3A_54 : i32 to vector<256x2048xi32>
    %select_n3A_56 = arith.select %eq3A_53, %iota3A, %broadcast_in_dim3A_55 : vector<256x2048xi1>, vector<256x2048xi32>
    %reduce_min3A_57 = arith.constant dense<2147483647> : vector<256xi32>
    %reduce_min3A_58 = vector.multi_reduction <minsi>, %select_n3A_56, %reduce_min3A_57 [1] : vector<256x2048xi32> to vector<256xi32>
    %broadcast_in_dim3A_59 = vector.shape_cast %reduce_min3A_58 : vector<256xi32> to vector<256x1xi32>
    %squeeze3A_60 = vector.shape_cast %broadcast_in_dim3A_59 : vector<256x1xi32> to vector<256xi32>
    %add3A_61 = vector.broadcast %mul3A_23 : i32 to vector<256xi32>
    %add3A_62 = arith.addi %squeeze3A_60, %add3A_61 : vector<256xi32>
    %swap3A_63 = arith.constant 0 : index
    %swap3A_64 = arith.constant 0 : index
    %swap3A_65 = arith.constant 1 : index
    %swap3A_66 = vector.load %arg4[%swap3A_63, %swap3A_64, %swap3A_65] : memref<1x256x32xi32, #tpu.memory_space<vmem>>, vector<1x256x1xi32>
    %swap3A_67 = vector.shape_cast %swap3A_66 : vector<1x256x1xi32> to vector<256xi32>
    %swap3A_68 = vector.shape_cast %add3A_62 : vector<256xi32> to vector<1x256x1xi32>
    tpu.vector_store %arg4[%swap3A_63, %swap3A_64, %swap3A_65], %swap3A_68 {strides = array<i32>} : memref<1x256x32xi32, #tpu.memory_space<vmem>>, vector<1x256x1xi32>,
    %eq3A_69 = vector.broadcast %broadcast_in_dim3A_59 : vector<256x1xi32> to vector<256x2048xi32>
    %eq3A_70 = arith.cmpi eq, %iota3A, %eq3A_69 : vector<256x2048xi32>
    %jit3A_71 = arith.constant 0xFF800000 : f32
    %broadcast_in_dim3A_72 = vector.broadcast %jit3A_71 : f32 to vector<256x2048xf32>
    %select_n3A_73 = arith.select %eq3A_70, %broadcast_in_dim3A_72, %select_n3A_48 : vector<256x2048xi1>, vector<256x2048xf32>
    %reduce_max3A_74 = arith.constant dense<0xFF800000> : vector<256xf32>
    %reduce_max3A_75 = vector.multi_reduction <maximumf>, %select_n3A_73, %reduce_max3A_74 [1] : vector<256x2048xf32> to vector<256xf32>
    %broadcast_in_dim3A_76 = vector.shape_cast %reduce_max3A_75 : vector<256xf32> to vector<256x1xf32>
    %eq3A_77 = vector.broadcast %broadcast_in_dim3A_76 : vector<256x1xf32> to vector<256x2048xf32>
    %eq3A_78 = arith.cmpf oeq, %select_n3A_73, %eq3A_77 : vector<256x2048xf32>
    %jit3A_79 = arith.constant 2048 : i32
    %broadcast_in_dim3A_80 = vector.broadcast %jit3A_79 : i32 to vector<256x2048xi32>
    %select_n3A_81 = arith.select %eq3A_78, %iota3A, %broadcast_in_dim3A_80 : vector<256x2048xi1>, vector<256x2048xi32>
    %reduce_min3A_82 = arith.constant dense<2147483647> : vector<256xi32>
    %reduce_min3A_83 = vector.multi_reduction <minsi>, %select_n3A_81, %reduce_min3A_82 [1] : vector<256x2048xi32> to vector<256xi32>
    %broadcast_in_dim3A_84 = vector.shape_cast %reduce_min3A_83 : vector<256xi32> to vector<256x1xi32>
    %squeeze3A_85 = vector.shape_cast %broadcast_in_dim3A_84 : vector<256x1xi32> to vector<256xi32>
    %add3A_86 = vector.broadcast %mul3A_23 : i32 to vector<256xi32>
    %add3A_87 = arith.addi %squeeze3A_85, %add3A_86 : vector<256xi32>
    %swap3A_88 = arith.constant 0 : index
    %swap3A_89 = arith.constant 0 : index
    %swap3A_90 = arith.constant 2 : index
    %swap3A_91 = vector.load %arg4[%swap3A_88, %swap3A_89, %swap3A_90] : memref<1x256x32xi32, #tpu.memory_space<vmem>>, vector<1x256x1xi32>
    %swap3A_92 = vector.shape_cast %swap3A_91 : vector<1x256x1xi32> to vector<256xi32>
    %swap3A_93 = vector.shape_cast %add3A_87 : vector<256xi32> to vector<1x256x1xi32>
    tpu.vector_store %arg4[%swap3A_88, %swap3A_89, %swap3A_90], %swap3A_93 {strides = array<i32>} : memref<1x256x32xi32, #tpu.memory_space<vmem>>, vector<1x256x1xi32>,
    %eq3A_94 = vector.broadcast %broadcast_in_dim3A_84 : vector<256x1xi32> to vector<256x2048xi32>
    %eq3A_95 = arith.cmpi eq, %iota3A, %eq3A_94 : vector<256x2048xi32>
    %jit3A_96 = arith.constant 0xFF800000 : f32
    %broadcast_in_dim3A_97 = vector.broadcast %jit3A_96 : f32 to vector<256x2048xf32>
    %select_n3A_98 = arith.select %eq3A_95, %broadcast_in_dim3A_97, %select_n3A_73 : vector<256x2048xi1>, vector<256x2048xf32>
    %reduce_max3A_99 = arith.constant dense<0xFF800000> : vector<256xf32>
    %reduce_max3A_100 = vector.multi_reduction <maximumf>, %select_n3A_98, %reduce_max3A_99 [1] : vector<256x2048xf32> to vector<256xf32>
    %broadcast_in_dim3A_101 = vector.shape_cast %reduce_max3A_100 : vector<256xf32> to vector<256x1xf32>
    %eq3A_102 = vector.broadcast %broadcast_in_dim3A_101 : vector<256x1xf32> to vector<256x2048xf32>
    %eq3A_103 = arith.cmpf oeq, %select_n3A_98, %eq3A_102 : vector<256x2048xf32>
    %jit3A_104 = arith.constant 2048 : i32
    %broadcast_in_dim3A_105 = vector.broadcast %jit3A_104 : i32 to vector<256x2048xi32>
    %select_n3A_106 = arith.select %eq3A_103, %iota3A, %broadcast_in_dim3A_105 : vector<256x2048xi1>, vector<256x2048xi32>
    %reduce_min3A_107 = arith.constant dense<2147483647> : vector<256xi32>
    %reduce_min3A_108 = vector.multi_reduction <minsi>, %select_n3A_106, %reduce_min3A_107 [1] : vector<256x2048xi32> to vector<256xi32>
    %broadcast_in_dim3A_109 = vector.shape_cast %reduce_min3A_108 : vector<256xi32> to vector<256x1xi32>
    %squeeze3A_110 = vector.shape_cast %broadcast_in_dim3A_109 : vector<256x1xi32> to vector<256xi32>
    %add3A_111 = vector.broadcast %mul3A_23 : i32 to vector<256xi32>
    %add3A_112 = arith.addi %squeeze3A_110, %add3A_111 : vector<256xi32>
    %swap3A_113 = arith.constant 0 : index
    %swap3A_114 = arith.constant 0 : index
    %swap3A_115 = arith.constant 3 : index
    %swap3A_116 = vector.load %arg4[%swap3A_113, %swap3A_114, %swap3A_115] : memref<1x256x32xi32, #tpu.memory_space<vmem>>, vector<1x256x1xi32>
    %swap3A_117 = vector.shape_cast %swap3A_116 : vector<1x256x1xi32> to vector<256xi32>
    %swap3A_118 = vector.shape_cast %add3A_112 : vector<256xi32> to vector<1x256x1xi32>
    tpu.vector_store %arg4[%swap3A_113, %swap3A_114, %swap3A_115], %swap3A_118 {strides = array<i32>} : memref<1x256x32xi32, #tpu.memory_space<vmem>>, vector<1x256x1xi32>,
    %eq3A_119 = vector.broadcast %broadcast_in_dim3A_109 : vector<256x1xi32> to vector<256x2048xi32>
    %eq3A_120 = arith.cmpi eq, %iota3A, %eq3A_119 : vector<256x2048xi32>
    %jit3A_121 = arith.constant 0xFF800000 : f32
    %broadcast_in_dim3A_122 = vector.broadcast %jit3A_121 : f32 to vector<256x2048xf32>
    %select_n3A_123 = arith.select %eq3A_120, %broadcast_in_dim3A_122, %select_n3A_98 : vector<256x2048xi1>, vector<256x2048xf32>
    %reduce_max3A_124 = arith.constant dense<0xFF800000> : vector<256xf32>
    %reduce_max3A_125 = vector.multi_reduction <maximumf>, %select_n3A_123, %reduce_max3A_124 [1] : vector<256x2048xf32> to vector<256xf32>
    %broadcast_in_dim3A_126 = vector.shape_cast %reduce_max3A_125 : vector<256xf32> to vector<256x1xf32>
    %eq3A_127 = vector.broadcast %broadcast_in_dim3A_126 : vector<256x1xf32> to vector<256x2048xf32>
    %eq3A_128 = arith.cmpf oeq, %select_n3A_123, %eq3A_127 : vector<256x2048xf32>
    %jit3A_129 = arith.constant 2048 : i32
    %broadcast_in_dim3A_130 = vector.broadcast %jit3A_129 : i32 to vector<256x2048xi32>
    %select_n3A_131 = arith.select %eq3A_128, %iota3A, %broadcast_in_dim3A_130 : vector<256x2048xi1>, vector<256x2048xi32>
    %reduce_min3A_132 = arith.constant dense<2147483647> : vector<256xi32>
    %reduce_min3A_133 = vector.multi_reduction <minsi>, %select_n3A_131, %reduce_min3A_132 [1] : vector<256x2048xi32> to vector<256xi32>
    %broadcast_in_dim3A_134 = vector.shape_cast %reduce_min3A_133 : vector<256xi32> to vector<256x1xi32>
    %squeeze3A_135 = vector.shape_cast %broadcast_in_dim3A_134 : vector<256x1xi32> to vector<256xi32>
    %add3A_136 = vector.broadcast %mul3A_23 : i32 to vector<256xi32>
    %add3A_137 = arith.addi %squeeze3A_135, %add3A_136 : vector<256xi32>
    %swap3A_138 = arith.constant 0 : index
    %swap3A_139 = arith.constant 0 : index
    %swap3A_140 = arith.constant 4 : index
    %swap3A_141 = vector.load %arg4[%swap3A_138, %swap3A_139, %swap3A_140] : memref<1x256x32xi32, #tpu.memory_space<vmem>>, vector<1x256x1xi32>
    %swap3A_142 = vector.shape_cast %swap3A_141 : vector<1x256x1xi32> to vector<256xi32>
    %swap3A_143 = vector.shape_cast %add3A_137 : vector<256xi32> to vector<1x256x1xi32>
    tpu.vector_store %arg4[%swap3A_138, %swap3A_139, %swap3A_140], %swap3A_143 {strides = array<i32>} : memref<1x256x32xi32, #tpu.memory_space<vmem>>, vector<1x256x1xi32>,
    %eq3A_144 = vector.broadcast %broadcast_in_dim3A_134 : vector<256x1xi32> to vector<256x2048xi32>
    %eq3A_145 = arith.cmpi eq, %iota3A, %eq3A_144 : vector<256x2048xi32>
    %jit3A_146 = arith.constant 0xFF800000 : f32
    %broadcast_in_dim3A_147 = vector.broadcast %jit3A_146 : f32 to vector<256x2048xf32>
    %select_n3A_148 = arith.select %eq3A_145, %broadcast_in_dim3A_147, %select_n3A_123 : vector<256x2048xi1>, vector<256x2048xf32>
    %reduce_max3A_149 = arith.constant dense<0xFF800000> : vector<256xf32>
    %reduce_max3A_150 = vector.multi_reduction <maximumf>, %select_n3A_148, %reduce_max3A_149 [1] : vector<256x2048xf32> to vector<256xf32>
    %broadcast_in_dim3A_151 = vector.shape_cast %reduce_max3A_150 : vector<256xf32> to vector<256x1xf32>
    %eq3A_152 = vector.broadcast %broadcast_in_dim3A_151 : vector<256x1xf32> to vector<256x2048xf32>
    %eq3A_153 = arith.cmpf oeq, %select_n3A_148, %eq3A_152 : vector<256x2048xf32>
    %jit3A_154 = arith.constant 2048 : i32
    %broadcast_in_dim3A_155 = vector.broadcast %jit3A_154 : i32 to vector<256x2048xi32>
    %select_n3A_156 = arith.select %eq3A_153, %iota3A, %broadcast_in_dim3A_155 : vector<256x2048xi1>, vector<256x2048xi32>
    %reduce_min3A_157 = arith.constant dense<2147483647> : vector<256xi32>
    %reduce_min3A_158 = vector.multi_reduction <minsi>, %select_n3A_156, %reduce_min3A_157 [1] : vector<256x2048xi32> to vector<256xi32>
    %broadcast_in_dim3A_159 = vector.shape_cast %reduce_min3A_158 : vector<256xi32> to vector<256x1xi32>
    %squeeze3A_160 = vector.shape_cast %broadcast_in_dim3A_159 : vector<256x1xi32> to vector<256xi32>
    %add3A_161 = vector.broadcast %mul3A_23 : i32 to vector<256xi32>
    %add3A_162 = arith.addi %squeeze3A_160, %add3A_161 : vector<256xi32>
    %swap3A_163 = arith.constant 0 : index
    %swap3A_164 = arith.constant 0 : index
    %swap3A_165 = arith.constant 5 : index
    %swap3A_166 = vector.load %arg4[%swap3A_163, %swap3A_164, %swap3A_165] : memref<1x256x32xi32, #tpu.memory_space<vmem>>, vector<1x256x1xi32>
    %swap3A_167 = vector.shape_cast %swap3A_166 : vector<1x256x1xi32> to vector<256xi32>
    %swap3A_168 = vector.shape_cast %add3A_162 : vector<256xi32> to vector<1x256x1xi32>
    tpu.vector_store %arg4[%swap3A_163, %swap3A_164, %swap3A_165], %swap3A_168 {strides = array<i32>} : memref<1x256x32xi32, #tpu.memory_space<vmem>>, vector<1x256x1xi32>,
    %eq3A_169 = vector.broadcast %broadcast_in_dim3A_159 : vector<256x1xi32> to vector<256x2048xi32>
    %eq3A_170 = arith.cmpi eq, %iota3A, %eq3A_169 : vector<256x2048xi32>
    %jit3A_171 = arith.constant 0xFF800000 : f32
    %broadcast_in_dim3A_172 = vector.broadcast %jit3A_171 : f32 to vector<256x2048xf32>
    %select_n3A_173 = arith.select %eq3A_170, %broadcast_in_dim3A_172, %select_n3A_148 : vector<256x2048xi1>, vector<256x2048xf32>
    %reduce_max3A_174 = arith.constant dense<0xFF800000> : vector<256xf32>
    %reduce_max3A_175 = vector.multi_reduction <maximumf>, %select_n3A_173, %reduce_max3A_174 [1] : vector<256x2048xf32> to vector<256xf32>
    %broadcast_in_dim3A_176 = vector.shape_cast %reduce_max3A_175 : vector<256xf32> to vector<256x1xf32>
    %eq3A_177 = vector.broadcast %broadcast_in_dim3A_176 : vector<256x1xf32> to vector<256x2048xf32>
    %eq3A_178 = arith.cmpf oeq, %select_n3A_173, %eq3A_177 : vector<256x2048xf32>
    %jit3A_179 = arith.constant 2048 : i32
    %broadcast_in_dim3A_180 = vector.broadcast %jit3A_179 : i32 to vector<256x2048xi32>
    %select_n3A_181 = arith.select %eq3A_178, %iota3A, %broadcast_in_dim3A_180 : vector<256x2048xi1>, vector<256x2048xi32>
    %reduce_min3A_182 = arith.constant dense<2147483647> : vector<256xi32>
    %reduce_min3A_183 = vector.multi_reduction <minsi>, %select_n3A_181, %reduce_min3A_182 [1] : vector<256x2048xi32> to vector<256xi32>
    %broadcast_in_dim3A_184 = vector.shape_cast %reduce_min3A_183 : vector<256xi32> to vector<256x1xi32>
    %squeeze3A_185 = vector.shape_cast %broadcast_in_dim3A_184 : vector<256x1xi32> to vector<256xi32>
    %add3A_186 = vector.broadcast %mul3A_23 : i32 to vector<256xi32>
    %add3A_187 = arith.addi %squeeze3A_185, %add3A_186 : vector<256xi32>
    %swap3A_188 = arith.constant 0 : index
    %swap3A_189 = arith.constant 0 : index
    %swap3A_190 = arith.constant 6 : index
    %swap3A_191 = vector.load %arg4[%swap3A_188, %swap3A_189, %swap3A_190] : memref<1x256x32xi32, #tpu.memory_space<vmem>>, vector<1x256x1xi32>
    %swap3A_192 = vector.shape_cast %swap3A_191 : vector<1x256x1xi32> to vector<256xi32>
    %swap3A_193 = vector.shape_cast %add3A_187 : vector<256xi32> to vector<1x256x1xi32>
    tpu.vector_store %arg4[%swap3A_188, %swap3A_189, %swap3A_190], %swap3A_193 {strides = array<i32>} : memref<1x256x32xi32, #tpu.memory_space<vmem>>, vector<1x256x1xi32>,
    %eq3A_194 = vector.broadcast %broadcast_in_dim3A_184 : vector<256x1xi32> to vector<256x2048xi32>
    %eq3A_195 = arith.cmpi eq, %iota3A, %eq3A_194 : vector<256x2048xi32>
    %jit3A_196 = arith.constant 0xFF800000 : f32
    %broadcast_in_dim3A_197 = vector.broadcast %jit3A_196 : f32 to vector<256x2048xf32>
    %select_n3A_198 = arith.select %eq3A_195, %broadcast_in_dim3A_197, %select_n3A_173 : vector<256x2048xi1>, vector<256x2048xf32>
    %reduce_max3A_199 = arith.constant dense<0xFF800000> : vector<256xf32>
    %reduce_max3A_200 = vector.multi_reduction <maximumf>, %select_n3A_198, %reduce_max3A_199 [1] : vector<256x2048xf32> to vector<256xf32>
    %broadcast_in_dim3A_201 = vector.shape_cast %reduce_max3A_200 : vector<256xf32> to vector<256x1xf32>
    %eq3A_202 = vector.broadcast %broadcast_in_dim3A_201 : vector<256x1xf32> to vector<256x2048xf32>
    %eq3A_203 = arith.cmpf oeq, %select_n3A_198, %eq3A_202 : vector<256x2048xf32>
    %jit3A_204 = arith.constant 2048 : i32
    %broadcast_in_dim3A_205 = vector.broadcast %jit3A_204 : i32 to vector<256x2048xi32>
    %select_n3A_206 = arith.select %eq3A_203, %iota3A, %broadcast_in_dim3A_205 : vector<256x2048xi1>, vector<256x2048xi32>
    %reduce_min3A_207 = arith.constant dense<2147483647> : vector<256xi32>
    %reduce_min3A_208 = vector.multi_reduction <minsi>, %select_n3A_206, %reduce_min3A_207 [1] : vector<256x2048xi32> to vector<256xi32>
    %broadcast_in_dim3A_209 = vector.shape_cast %reduce_min3A_208 : vector<256xi32> to vector<256x1xi32>
    %squeeze3A_210 = vector.shape_cast %broadcast_in_dim3A_209 : vector<256x1xi32> to vector<256xi32>
    %add3A_211 = vector.broadcast %mul3A_23 : i32 to vector<256xi32>
    %add3A_212 = arith.addi %squeeze3A_210, %add3A_211 : vector<256xi32>
    %swap3A_213 = arith.constant 0 : index
    %swap3A_214 = arith.constant 0 : index
    %swap3A_215 = arith.constant 7 : index
    %swap3A_216 = vector.load %arg4[%swap3A_213, %swap3A_214, %swap3A_215] : memref<1x256x32xi32, #tpu.memory_space<vmem>>, vector<1x256x1xi32>
    %swap3A_217 = vector.shape_cast %swap3A_216 : vector<1x256x1xi32> to vector<256xi32>
    %swap3A_218 = vector.shape_cast %add3A_212 : vector<256xi32> to vector<1x256x1xi32>
    tpu.vector_store %arg4[%swap3A_213, %swap3A_214, %swap3A_215], %swap3A_218 {strides = array<i32>} : memref<1x256x32xi32, #tpu.memory_space<vmem>>, vector<1x256x1xi32>,
    %eq3A_219 = vector.broadcast %broadcast_in_dim3A_209 : vector<256x1xi32> to vector<256x2048xi32>
    %eq3A_220 = arith.cmpi eq, %iota3A, %eq3A_219 : vector<256x2048xi32>
    %jit3A_221 = arith.constant 0xFF800000 : f32
    %broadcast_in_dim3A_222 = vector.broadcast %jit3A_221 : f32 to vector<256x2048xf32>
    %select_n3A_223 = arith.select %eq3A_220, %broadcast_in_dim3A_222, %select_n3A_198 : vector<256x2048xi1>, vector<256x2048xf32>
    %reduce_max3A_224 = arith.constant dense<0xFF800000> : vector<256xf32>
    %reduce_max3A_225 = vector.multi_reduction <maximumf>, %select_n3A_223, %reduce_max3A_224 [1] : vector<256x2048xf32> to vector<256xf32>
    %broadcast_in_dim3A_226 = vector.shape_cast %reduce_max3A_225 : vector<256xf32> to vector<256x1xf32>
    %eq3A_227 = vector.broadcast %broadcast_in_dim3A_226 : vector<256x1xf32> to vector<256x2048xf32>
    %eq3A_228 = arith.cmpf oeq, %select_n3A_223, %eq3A_227 : vector<256x2048xf32>
    %jit3A_229 = arith.constant 2048 : i32
    %broadcast_in_dim3A_230 = vector.broadcast %jit3A_229 : i32 to vector<256x2048xi32>
    %select_n3A_231 = arith.select %eq3A_228, %iota3A, %broadcast_in_dim3A_230 : vector<256x2048xi1>, vector<256x2048xi32>
    %reduce_min3A_232 = arith.constant dense<2147483647> : vector<256xi32>
    %reduce_min3A_233 = vector.multi_reduction <minsi>, %select_n3A_231, %reduce_min3A_232 [1] : vector<256x2048xi32> to vector<256xi32>
    %broadcast_in_dim3A_234 = vector.shape_cast %reduce_min3A_233 : vector<256xi32> to vector<256x1xi32>
    %squeeze3A_235 = vector.shape_cast %broadcast_in_dim3A_234 : vector<256x1xi32> to vector<256xi32>
    %add3A_236 = vector.broadcast %mul3A_23 : i32 to vector<256xi32>
    %add3A_237 = arith.addi %squeeze3A_235, %add3A_236 : vector<256xi32>
    %swap3A_238 = arith.constant 0 : index
    %swap3A_239 = arith.constant 0 : index
    %swap3A_240 = arith.constant 8 : index
    %swap3A_241 = vector.load %arg4[%swap3A_238, %swap3A_239, %swap3A_240] : memref<1x256x32xi32, #tpu.memory_space<vmem>>, vector<1x256x1xi32>
    %swap3A_242 = vector.shape_cast %swap3A_241 : vector<1x256x1xi32> to vector<256xi32>
    %swap3A_243 = vector.shape_cast %add3A_237 : vector<256xi32> to vector<1x256x1xi32>
    tpu.vector_store %arg4[%swap3A_238, %swap3A_239, %swap3A_240], %swap3A_243 {strides = array<i32>} : memref<1x256x32xi32, #tpu.memory_space<vmem>>, vector<1x256x1xi32>,
    %eq3A_244 = vector.broadcast %broadcast_in_dim3A_234 : vector<256x1xi32> to vector<256x2048xi32>
    %eq3A_245 = arith.cmpi eq, %iota3A, %eq3A_244 : vector<256x2048xi32>
    %jit3A_246 = arith.constant 0xFF800000 : f32
    %broadcast_in_dim3A_247 = vector.broadcast %jit3A_246 : f32 to vector<256x2048xf32>
    %select_n3A_248 = arith.select %eq3A_245, %broadcast_in_dim3A_247, %select_n3A_223 : vector<256x2048xi1>, vector<256x2048xf32>
    %reduce_max3A_249 = arith.constant dense<0xFF800000> : vector<256xf32>
    %reduce_max3A_250 = vector.multi_reduction <maximumf>, %select_n3A_248, %reduce_max3A_249 [1] : vector<256x2048xf32> to vector<256xf32>
    %broadcast_in_dim3A_251 = vector.shape_cast %reduce_max3A_250 : vector<256xf32> to vector<256x1xf32>
    %eq3A_252 = vector.broadcast %broadcast_in_dim3A_251 : vector<256x1xf32> to vector<256x2048xf32>
    %eq3A_253 = arith.cmpf oeq, %select_n3A_248, %eq3A_252 : vector<256x2048xf32>
    %jit3A_254 = arith.constant 2048 : i32
    %broadcast_in_dim3A_255 = vector.broadcast %jit3A_254 : i32 to vector<256x2048xi32>
    %select_n3A_256 = arith.select %eq3A_253, %iota3A, %broadcast_in_dim3A_255 : vector<256x2048xi1>, vector<256x2048xi32>
    %reduce_min3A_257 = arith.constant dense<2147483647> : vector<256xi32>
    %reduce_min3A_258 = vector.multi_reduction <minsi>, %select_n3A_256, %reduce_min3A_257 [1] : vector<256x2048xi32> to vector<256xi32>
    %broadcast_in_dim3A_259 = vector.shape_cast %reduce_min3A_258 : vector<256xi32> to vector<256x1xi32>
    %squeeze3A_260 = vector.shape_cast %broadcast_in_dim3A_259 : vector<256x1xi32> to vector<256xi32>
    %add3A_261 = vector.broadcast %mul3A_23 : i32 to vector<256xi32>
    %add3A_262 = arith.addi %squeeze3A_260, %add3A_261 : vector<256xi32>
    %swap3A_263 = arith.constant 0 : index
    %swap3A_264 = arith.constant 0 : index
    %swap3A_265 = arith.constant 9 : index
    %swap3A_266 = vector.load %arg4[%swap3A_263, %swap3A_264, %swap3A_265] : memref<1x256x32xi32, #tpu.memory_space<vmem>>, vector<1x256x1xi32>
    %swap3A_267 = vector.shape_cast %swap3A_266 : vector<1x256x1xi32> to vector<256xi32>
    %swap3A_268 = vector.shape_cast %add3A_262 : vector<256xi32> to vector<1x256x1xi32>
    tpu.vector_store %arg4[%swap3A_263, %swap3A_264, %swap3A_265], %swap3A_268 {strides = array<i32>} : memref<1x256x32xi32, #tpu.memory_space<vmem>>, vector<1x256x1xi32>,
    %eq3A_269 = vector.broadcast %broadcast_in_dim3A_259 : vector<256x1xi32> to vector<256x2048xi32>
    %eq3A_270 = arith.cmpi eq, %iota3A, %eq3A_269 : vector<256x2048xi32>
    %jit3A_271 = arith.constant 0xFF800000 : f32
    %broadcast_in_dim3A_272 = vector.broadcast %jit3A_271 : f32 to vector<256x2048xf32>
    %select_n3A_273 = arith.select %eq3A_270, %broadcast_in_dim3A_272, %select_n3A_248 : vector<256x2048xi1>, vector<256x2048xf32>
    %reduce_max3A_274 = arith.constant dense<0xFF800000> : vector<256xf32>
    %reduce_max3A_275 = vector.multi_reduction <maximumf>, %select_n3A_273, %reduce_max3A_274 [1] : vector<256x2048xf32> to vector<256xf32>
    %broadcast_in_dim3A_276 = vector.shape_cast %reduce_max3A_275 : vector<256xf32> to vector<256x1xf32>
    %eq3A_277 = vector.broadcast %broadcast_in_dim3A_276 : vector<256x1xf32> to vector<256x2048xf32>
    %eq3A_278 = arith.cmpf oeq, %select_n3A_273, %eq3A_277 : vector<256x2048xf32>
    %jit3A_279 = arith.constant 2048 : i32
    %broadcast_in_dim3A_280 = vector.broadcast %jit3A_279 : i32 to vector<256x2048xi32>
    %select_n3A_281 = arith.select %eq3A_278, %iota3A, %broadcast_in_dim3A_280 : vector<256x2048xi1>, vector<256x2048xi32>
    %reduce_min3A_282 = arith.constant dense<2147483647> : vector<256xi32>
    %reduce_min3A_283 = vector.multi_reduction <minsi>, %select_n3A_281, %reduce_min3A_282 [1] : vector<256x2048xi32> to vector<256xi32>
    %broadcast_in_dim3A_284 = vector.shape_cast %reduce_min3A_283 : vector<256xi32> to vector<256x1xi32>
    %squeeze3A_285 = vector.shape_cast %broadcast_in_dim3A_284 : vector<256x1xi32> to vector<256xi32>
    %add3A_286 = vector.broadcast %mul3A_23 : i32 to vector<256xi32>
    %add3A_287 = arith.addi %squeeze3A_285, %add3A_286 : vector<256xi32>
    %swap3A_288 = arith.constant 0 : index
    %swap3A_289 = arith.constant 0 : index
    %swap3A_290 = arith.constant 10 : index
    %swap3A_291 = vector.load %arg4[%swap3A_288, %swap3A_289, %swap3A_290] : memref<1x256x32xi32, #tpu.memory_space<vmem>>, vector<1x256x1xi32>
    %swap3A_292 = vector.shape_cast %swap3A_291 : vector<1x256x1xi32> to vector<256xi32>
    %swap3A_293 = vector.shape_cast %add3A_287 : vector<256xi32> to vector<1x256x1xi32>
    tpu.vector_store %arg4[%swap3A_288, %swap3A_289, %swap3A_290], %swap3A_293 {strides = array<i32>} : memref<1x256x32xi32, #tpu.memory_space<vmem>>, vector<1x256x1xi32>,
    %eq3A_294 = vector.broadcast %broadcast_in_dim3A_284 : vector<256x1xi32> to vector<256x2048xi32>
    %eq3A_295 = arith.cmpi eq, %iota3A, %eq3A_294 : vector<256x2048xi32>
    %jit3A_296 = arith.constant 0xFF800000 : f32
    %broadcast_in_dim3A_297 = vector.broadcast %jit3A_296 : f32 to vector<256x2048xf32>
    %select_n3A_298 = arith.select %eq3A_295, %broadcast_in_dim3A_297, %select_n3A_273 : vector<256x2048xi1>, vector<256x2048xf32>
    %reduce_max3A_299 = arith.constant dense<0xFF800000> : vector<256xf32>
    %reduce_max3A_300 = vector.multi_reduction <maximumf>, %select_n3A_298, %reduce_max3A_299 [1] : vector<256x2048xf32> to vector<256xf32>
    %broadcast_in_dim3A_301 = vector.shape_cast %reduce_max3A_300 : vector<256xf32> to vector<256x1xf32>
    %eq3A_302 = vector.broadcast %broadcast_in_dim3A_301 : vector<256x1xf32> to vector<256x2048xf32>
    %eq3A_303 = arith.cmpf oeq, %select_n3A_298, %eq3A_302 : vector<256x2048xf32>
    %jit3A_304 = arith.constant 2048 : i32
    %broadcast_in_dim3A_305 = vector.broadcast %jit3A_304 : i32 to vector<256x2048xi32>
    %select_n3A_306 = arith.select %eq3A_303, %iota3A, %broadcast_in_dim3A_305 : vector<256x2048xi1>, vector<256x2048xi32>
    %reduce_min3A_307 = arith.constant dense<2147483647> : vector<256xi32>
    %reduce_min3A_308 = vector.multi_reduction <minsi>, %select_n3A_306, %reduce_min3A_307 [1] : vector<256x2048xi32> to vector<256xi32>
    %broadcast_in_dim3A_309 = vector.shape_cast %reduce_min3A_308 : vector<256xi32> to vector<256x1xi32>
    %squeeze3A_310 = vector.shape_cast %broadcast_in_dim3A_309 : vector<256x1xi32> to vector<256xi32>
    %add3A_311 = vector.broadcast %mul3A_23 : i32 to vector<256xi32>
    %add3A_312 = arith.addi %squeeze3A_310, %add3A_311 : vector<256xi32>
    %swap3A_313 = arith.constant 0 : index
    %swap3A_314 = arith.constant 0 : index
    %swap3A_315 = arith.constant 11 : index
    %swap3A_316 = vector.load %arg4[%swap3A_313, %swap3A_314, %swap3A_315] : memref<1x256x32xi32, #tpu.memory_space<vmem>>, vector<1x256x1xi32>
    %swap3A_317 = vector.shape_cast %swap3A_316 : vector<1x256x1xi32> to vector<256xi32>
    %swap3A_318 = vector.shape_cast %add3A_312 : vector<256xi32> to vector<1x256x1xi32>
    tpu.vector_store %arg4[%swap3A_313, %swap3A_314, %swap3A_315], %swap3A_318 {strides = array<i32>} : memref<1x256x32xi32, #tpu.memory_space<vmem>>, vector<1x256x1xi32>,
    %eq3A_319 = vector.broadcast %broadcast_in_dim3A_309 : vector<256x1xi32> to vector<256x2048xi32>
    %eq3A_320 = arith.cmpi eq, %iota3A, %eq3A_319 : vector<256x2048xi32>
    %jit3A_321 = arith.constant 0xFF800000 : f32
    %broadcast_in_dim3A_322 = vector.broadcast %jit3A_321 : f32 to vector<256x2048xf32>
    %select_n3A_323 = arith.select %eq3A_320, %broadcast_in_dim3A_322, %select_n3A_298 : vector<256x2048xi1>, vector<256x2048xf32>
    %reduce_max3A_324 = arith.constant dense<0xFF800000> : vector<256xf32>
    %reduce_max3A_325 = vector.multi_reduction <maximumf>, %select_n3A_323, %reduce_max3A_324 [1] : vector<256x2048xf32> to vector<256xf32>
    %broadcast_in_dim3A_326 = vector.shape_cast %reduce_max3A_325 : vector<256xf32> to vector<256x1xf32>
    %eq3A_327 = vector.broadcast %broadcast_in_dim3A_326 : vector<256x1xf32> to vector<256x2048xf32>
    %eq3A_328 = arith.cmpf oeq, %select_n3A_323, %eq3A_327 : vector<256x2048xf32>
    %jit3A_329 = arith.constant 2048 : i32
    %broadcast_in_dim3A_330 = vector.broadcast %jit3A_329 : i32 to vector<256x2048xi32>
    %select_n3A_331 = arith.select %eq3A_328, %iota3A, %broadcast_in_dim3A_330 : vector<256x2048xi1>, vector<256x2048xi32>
    %reduce_min3A_332 = arith.constant dense<2147483647> : vector<256xi32>
    %reduce_min3A_333 = vector.multi_reduction <minsi>, %select_n3A_331, %reduce_min3A_332 [1] : vector<256x2048xi32> to vector<256xi32>
    %broadcast_in_dim3A_334 = vector.shape_cast %reduce_min3A_333 : vector<256xi32> to vector<256x1xi32>
    %squeeze3A_335 = vector.shape_cast %broadcast_in_dim3A_334 : vector<256x1xi32> to vector<256xi32>
    %add3A_336 = vector.broadcast %mul3A_23 : i32 to vector<256xi32>
    %add3A_337 = arith.addi %squeeze3A_335, %add3A_336 : vector<256xi32>
    %swap3A_338 = arith.constant 0 : index
    %swap3A_339 = arith.constant 0 : index
    %swap3A_340 = arith.constant 12 : index
    %swap3A_341 = vector.load %arg4[%swap3A_338, %swap3A_339, %swap3A_340] : memref<1x256x32xi32, #tpu.memory_space<vmem>>, vector<1x256x1xi32>
    %swap3A_342 = vector.shape_cast %swap3A_341 : vector<1x256x1xi32> to vector<256xi32>
    %swap3A_343 = vector.shape_cast %add3A_337 : vector<256xi32> to vector<1x256x1xi32>
    tpu.vector_store %arg4[%swap3A_338, %swap3A_339, %swap3A_340], %swap3A_343 {strides = array<i32>} : memref<1x256x32xi32, #tpu.memory_space<vmem>>, vector<1x256x1xi32>,
    %eq3A_344 = vector.broadcast %broadcast_in_dim3A_334 : vector<256x1xi32> to vector<256x2048xi32>
    %eq3A_345 = arith.cmpi eq, %iota3A, %eq3A_344 : vector<256x2048xi32>
    %jit3A_346 = arith.constant 0xFF800000 : f32
    %broadcast_in_dim3A_347 = vector.broadcast %jit3A_346 : f32 to vector<256x2048xf32>
    %select_n3A_348 = arith.select %eq3A_345, %broadcast_in_dim3A_347, %select_n3A_323 : vector<256x2048xi1>, vector<256x2048xf32>
    %reduce_max3A_349 = arith.constant dense<0xFF800000> : vector<256xf32>
    %reduce_max3A_350 = vector.multi_reduction <maximumf>, %select_n3A_348, %reduce_max3A_349 [1] : vector<256x2048xf32> to vector<256xf32>
    %broadcast_in_dim3A_351 = vector.shape_cast %reduce_max3A_350 : vector<256xf32> to vector<256x1xf32>
    %eq3A_352 = vector.broadcast %broadcast_in_dim3A_351 : vector<256x1xf32> to vector<256x2048xf32>
    %eq3A_353 = arith.cmpf oeq, %select_n3A_348, %eq3A_352 : vector<256x2048xf32>
    %jit3A_354 = arith.constant 2048 : i32
    %broadcast_in_dim3A_355 = vector.broadcast %jit3A_354 : i32 to vector<256x2048xi32>
    %select_n3A_356 = arith.select %eq3A_353, %iota3A, %broadcast_in_dim3A_355 : vector<256x2048xi1>, vector<256x2048xi32>
    %reduce_min3A_357 = arith.constant dense<2147483647> : vector<256xi32>
    %reduce_min3A_358 = vector.multi_reduction <minsi>, %select_n3A_356, %reduce_min3A_357 [1] : vector<256x2048xi32> to vector<256xi32>
    %broadcast_in_dim3A_359 = vector.shape_cast %reduce_min3A_358 : vector<256xi32> to vector<256x1xi32>
    %squeeze3A_360 = vector.shape_cast %broadcast_in_dim3A_359 : vector<256x1xi32> to vector<256xi32>
    %add3A_361 = vector.broadcast %mul3A_23 : i32 to vector<256xi32>
    %add3A_362 = arith.addi %squeeze3A_360, %add3A_361 : vector<256xi32>
    %swap3A_363 = arith.constant 0 : index
    %swap3A_364 = arith.constant 0 : index
    %swap3A_365 = arith.constant 13 : index
    %swap3A_366 = vector.load %arg4[%swap3A_363, %swap3A_364, %swap3A_365] : memref<1x256x32xi32, #tpu.memory_space<vmem>>, vector<1x256x1xi32>
    %swap3A_367 = vector.shape_cast %swap3A_366 : vector<1x256x1xi32> to vector<256xi32>
    %swap3A_368 = vector.shape_cast %add3A_362 : vector<256xi32> to vector<1x256x1xi32>
    tpu.vector_store %arg4[%swap3A_363, %swap3A_364, %swap3A_365], %swap3A_368 {strides = array<i32>} : memref<1x256x32xi32, #tpu.memory_space<vmem>>, vector<1x256x1xi32>,
    %eq3A_369 = vector.broadcast %broadcast_in_dim3A_359 : vector<256x1xi32> to vector<256x2048xi32>
    %eq3A_370 = arith.cmpi eq, %iota3A, %eq3A_369 : vector<256x2048xi32>
    %jit3A_371 = arith.constant 0xFF800000 : f32
    %broadcast_in_dim3A_372 = vector.broadcast %jit3A_371 : f32 to vector<256x2048xf32>
    %select_n3A_373 = arith.select %eq3A_370, %broadcast_in_dim3A_372, %select_n3A_348 : vector<256x2048xi1>, vector<256x2048xf32>
    %reduce_max3A_374 = arith.constant dense<0xFF800000> : vector<256xf32>
    %reduce_max3A_375 = vector.multi_reduction <maximumf>, %select_n3A_373, %reduce_max3A_374 [1] : vector<256x2048xf32> to vector<256xf32>
    %broadcast_in_dim3A_376 = vector.shape_cast %reduce_max3A_375 : vector<256xf32> to vector<256x1xf32>
    %eq3A_377 = vector.broadcast %broadcast_in_dim3A_376 : vector<256x1xf32> to vector<256x2048xf32>
    %eq3A_378 = arith.cmpf oeq, %select_n3A_373, %eq3A_377 : vector<256x2048xf32>
    %jit3A_379 = arith.constant 2048 : i32
    %broadcast_in_dim3A_380 = vector.broadcast %jit3A_379 : i32 to vector<256x2048xi32>
    %select_n3A_381 = arith.select %eq3A_378, %iota3A, %broadcast_in_dim3A_380 : vector<256x2048xi1>, vector<256x2048xi32>
    %reduce_min3A_382 = arith.constant dense<2147483647> : vector<256xi32>
    %reduce_min3A_383 = vector.multi_reduction <minsi>, %select_n3A_381, %reduce_min3A_382 [1] : vector<256x2048xi32> to vector<256xi32>
    %broadcast_in_dim3A_384 = vector.shape_cast %reduce_min3A_383 : vector<256xi32> to vector<256x1xi32>
    %squeeze3A_385 = vector.shape_cast %broadcast_in_dim3A_384 : vector<256x1xi32> to vector<256xi32>
    %add3A_386 = vector.broadcast %mul3A_23 : i32 to vector<256xi32>
    %add3A_387 = arith.addi %squeeze3A_385, %add3A_386 : vector<256xi32>
    %swap3A_388 = arith.constant 0 : index
    %swap3A_389 = arith.constant 0 : index
    %swap3A_390 = arith.constant 14 : index
    %swap3A_391 = vector.load %arg4[%swap3A_388, %swap3A_389, %swap3A_390] : memref<1x256x32xi32, #tpu.memory_space<vmem>>, vector<1x256x1xi32>
    %swap3A_392 = vector.shape_cast %swap3A_391 : vector<1x256x1xi32> to vector<256xi32>
    %swap3A_393 = vector.shape_cast %add3A_387 : vector<256xi32> to vector<1x256x1xi32>
    tpu.vector_store %arg4[%swap3A_388, %swap3A_389, %swap3A_390], %swap3A_393 {strides = array<i32>} : memref<1x256x32xi32, #tpu.memory_space<vmem>>, vector<1x256x1xi32>,
    %eq3A_394 = vector.broadcast %broadcast_in_dim3A_384 : vector<256x1xi32> to vector<256x2048xi32>
    %eq3A_395 = arith.cmpi eq, %iota3A, %eq3A_394 : vector<256x2048xi32>
    %jit3A_396 = arith.constant 0xFF800000 : f32
    %broadcast_in_dim3A_397 = vector.broadcast %jit3A_396 : f32 to vector<256x2048xf32>
    %select_n3A_398 = arith.select %eq3A_395, %broadcast_in_dim3A_397, %select_n3A_373 : vector<256x2048xi1>, vector<256x2048xf32>
    %reduce_max3A_399 = arith.constant dense<0xFF800000> : vector<256xf32>
    %reduce_max3A_400 = vector.multi_reduction <maximumf>, %select_n3A_398, %reduce_max3A_399 [1] : vector<256x2048xf32> to vector<256xf32>
    %broadcast_in_dim3A_401 = vector.shape_cast %reduce_max3A_400 : vector<256xf32> to vector<256x1xf32>
    %eq3A_402 = vector.broadcast %broadcast_in_dim3A_401 : vector<256x1xf32> to vector<256x2048xf32>
    %eq3A_403 = arith.cmpf oeq, %select_n3A_398, %eq3A_402 : vector<256x2048xf32>
    %jit3A_404 = arith.constant 2048 : i32
    %broadcast_in_dim3A_405 = vector.broadcast %jit3A_404 : i32 to vector<256x2048xi32>
    %select_n3A_406 = arith.select %eq3A_403, %iota3A, %broadcast_in_dim3A_405 : vector<256x2048xi1>, vector<256x2048xi32>
    %reduce_min3A_407 = arith.constant dense<2147483647> : vector<256xi32>
    %reduce_min3A_408 = vector.multi_reduction <minsi>, %select_n3A_406, %reduce_min3A_407 [1] : vector<256x2048xi32> to vector<256xi32>
    %broadcast_in_dim3A_409 = vector.shape_cast %reduce_min3A_408 : vector<256xi32> to vector<256x1xi32>
    %squeeze3A_410 = vector.shape_cast %broadcast_in_dim3A_409 : vector<256x1xi32> to vector<256xi32>
    %add3A_411 = vector.broadcast %mul3A_23 : i32 to vector<256xi32>
    %add3A_412 = arith.addi %squeeze3A_410, %add3A_411 : vector<256xi32>
    %swap3A_413 = arith.constant 0 : index
    %swap3A_414 = arith.constant 0 : index
    %swap3A_415 = arith.constant 15 : index
    %swap3A_416 = vector.load %arg4[%swap3A_413, %swap3A_414, %swap3A_415] : memref<1x256x32xi32, #tpu.memory_space<vmem>>, vector<1x256x1xi32>
    %swap3A_417 = vector.shape_cast %swap3A_416 : vector<1x256x1xi32> to vector<256xi32>
    %swap3A_418 = vector.shape_cast %add3A_412 : vector<256xi32> to vector<1x256x1xi32>
    tpu.vector_store %arg4[%swap3A_413, %swap3A_414, %swap3A_415], %swap3A_418 {strides = array<i32>} : memref<1x256x32xi32, #tpu.memory_space<vmem>>, vector<1x256x1xi32>,
    %eq3A_419 = vector.broadcast %broadcast_in_dim3A_409 : vector<256x1xi32> to vector<256x2048xi32>
    %eq3A_420 = arith.cmpi eq, %iota3A, %eq3A_419 : vector<256x2048xi32>
    %jit3A_421 = arith.constant 0xFF800000 : f32
    %broadcast_in_dim3A_422 = vector.broadcast %jit3A_421 : f32 to vector<256x2048xf32>
    %select_n3A_423 = arith.select %eq3A_420, %broadcast_in_dim3A_422, %select_n3A_398 : vector<256x2048xi1>, vector<256x2048xf32>
    %reduce_max3A_424 = arith.constant dense<0xFF800000> : vector<256xf32>
    %reduce_max3A_425 = vector.multi_reduction <maximumf>, %select_n3A_423, %reduce_max3A_424 [1] : vector<256x2048xf32> to vector<256xf32>
    %broadcast_in_dim3A_426 = vector.shape_cast %reduce_max3A_425 : vector<256xf32> to vector<256x1xf32>
    %eq3A_427 = vector.broadcast %broadcast_in_dim3A_426 : vector<256x1xf32> to vector<256x2048xf32>
    %eq3A_428 = arith.cmpf oeq, %select_n3A_423, %eq3A_427 : vector<256x2048xf32>
    %jit3A_429 = arith.constant 2048 : i32
    %broadcast_in_dim3A_430 = vector.broadcast %jit3A_429 : i32 to vector<256x2048xi32>
    %select_n3A_431 = arith.select %eq3A_428, %iota3A, %broadcast_in_dim3A_430 : vector<256x2048xi1>, vector<256x2048xi32>
    %reduce_min3A_432 = arith.constant dense<2147483647> : vector<256xi32>
    %reduce_min3A_433 = vector.multi_reduction <minsi>, %select_n3A_431, %reduce_min3A_432 [1] : vector<256x2048xi32> to vector<256xi32>
    %broadcast_in_dim3A_434 = vector.shape_cast %reduce_min3A_433 : vector<256xi32> to vector<256x1xi32>
    %squeeze3A_435 = vector.shape_cast %broadcast_in_dim3A_434 : vector<256x1xi32> to vector<256xi32>
    %add3A_436 = vector.broadcast %mul3A_23 : i32 to vector<256xi32>
    %add3A_437 = arith.addi %squeeze3A_435, %add3A_436 : vector<256xi32>
    %swap3A_438 = arith.constant 0 : index
    %swap3A_439 = arith.constant 0 : index
    %swap3A_440 = arith.constant 16 : index
    %swap3A_441 = vector.load %arg4[%swap3A_438, %swap3A_439, %swap3A_440] : memref<1x256x32xi32, #tpu.memory_space<vmem>>, vector<1x256x1xi32>
    %swap3A_442 = vector.shape_cast %swap3A_441 : vector<1x256x1xi32> to vector<256xi32>
    %swap3A_443 = vector.shape_cast %add3A_437 : vector<256xi32> to vector<1x256x1xi32>
    tpu.vector_store %arg4[%swap3A_438, %swap3A_439, %swap3A_440], %swap3A_443 {strides = array<i32>} : memref<1x256x32xi32, #tpu.memory_space<vmem>>, vector<1x256x1xi32>,
    %eq3A_444 = vector.broadcast %broadcast_in_dim3A_434 : vector<256x1xi32> to vector<256x2048xi32>
    %eq3A_445 = arith.cmpi eq, %iota3A, %eq3A_444 : vector<256x2048xi32>
    %jit3A_446 = arith.constant 0xFF800000 : f32
    %broadcast_in_dim3A_447 = vector.broadcast %jit3A_446 : f32 to vector<256x2048xf32>
    %select_n3A_448 = arith.select %eq3A_445, %broadcast_in_dim3A_447, %select_n3A_423 : vector<256x2048xi1>, vector<256x2048xf32>
    %reduce_max3A_449 = arith.constant dense<0xFF800000> : vector<256xf32>
    %reduce_max3A_450 = vector.multi_reduction <maximumf>, %select_n3A_448, %reduce_max3A_449 [1] : vector<256x2048xf32> to vector<256xf32>
    %broadcast_in_dim3A_451 = vector.shape_cast %reduce_max3A_450 : vector<256xf32> to vector<256x1xf32>
    %eq3A_452 = vector.broadcast %broadcast_in_dim3A_451 : vector<256x1xf32> to vector<256x2048xf32>
    %eq3A_453 = arith.cmpf oeq, %select_n3A_448, %eq3A_452 : vector<256x2048xf32>
    %jit3A_454 = arith.constant 2048 : i32
    %broadcast_in_dim3A_455 = vector.broadcast %jit3A_454 : i32 to vector<256x2048xi32>
    %select_n3A_456 = arith.select %eq3A_453, %iota3A, %broadcast_in_dim3A_455 : vector<256x2048xi1>, vector<256x2048xi32>
    %reduce_min3A_457 = arith.constant dense<2147483647> : vector<256xi32>
    %reduce_min3A_458 = vector.multi_reduction <minsi>, %select_n3A_456, %reduce_min3A_457 [1] : vector<256x2048xi32> to vector<256xi32>
    %broadcast_in_dim3A_459 = vector.shape_cast %reduce_min3A_458 : vector<256xi32> to vector<256x1xi32>
    %squeeze3A_460 = vector.shape_cast %broadcast_in_dim3A_459 : vector<256x1xi32> to vector<256xi32>
    %add3A_461 = vector.broadcast %mul3A_23 : i32 to vector<256xi32>
    %add3A_462 = arith.addi %squeeze3A_460, %add3A_461 : vector<256xi32>
    %swap3A_463 = arith.constant 0 : index
    %swap3A_464 = arith.constant 0 : index
    %swap3A_465 = arith.constant 17 : index
    %swap3A_466 = vector.load %arg4[%swap3A_463, %swap3A_464, %swap3A_465] : memref<1x256x32xi32, #tpu.memory_space<vmem>>, vector<1x256x1xi32>
    %swap3A_467 = vector.shape_cast %swap3A_466 : vector<1x256x1xi32> to vector<256xi32>
    %swap3A_468 = vector.shape_cast %add3A_462 : vector<256xi32> to vector<1x256x1xi32>
    tpu.vector_store %arg4[%swap3A_463, %swap3A_464, %swap3A_465], %swap3A_468 {strides = array<i32>} : memref<1x256x32xi32, #tpu.memory_space<vmem>>, vector<1x256x1xi32>,
    %eq3A_469 = vector.broadcast %broadcast_in_dim3A_459 : vector<256x1xi32> to vector<256x2048xi32>
    %eq3A_470 = arith.cmpi eq, %iota3A, %eq3A_469 : vector<256x2048xi32>
    %jit3A_471 = arith.constant 0xFF800000 : f32
    %broadcast_in_dim3A_472 = vector.broadcast %jit3A_471 : f32 to vector<256x2048xf32>
    %select_n3A_473 = arith.select %eq3A_470, %broadcast_in_dim3A_472, %select_n3A_448 : vector<256x2048xi1>, vector<256x2048xf32>
    %reduce_max3A_474 = arith.constant dense<0xFF800000> : vector<256xf32>
    %reduce_max3A_475 = vector.multi_reduction <maximumf>, %select_n3A_473, %reduce_max3A_474 [1] : vector<256x2048xf32> to vector<256xf32>
    %broadcast_in_dim3A_476 = vector.shape_cast %reduce_max3A_475 : vector<256xf32> to vector<256x1xf32>
    %eq3A_477 = vector.broadcast %broadcast_in_dim3A_476 : vector<256x1xf32> to vector<256x2048xf32>
    %eq3A_478 = arith.cmpf oeq, %select_n3A_473, %eq3A_477 : vector<256x2048xf32>
    %jit3A_479 = arith.constant 2048 : i32
    %broadcast_in_dim3A_480 = vector.broadcast %jit3A_479 : i32 to vector<256x2048xi32>
    %select_n3A_481 = arith.select %eq3A_478, %iota3A, %broadcast_in_dim3A_480 : vector<256x2048xi1>, vector<256x2048xi32>
    %reduce_min3A_482 = arith.constant dense<2147483647> : vector<256xi32>
    %reduce_min3A_483 = vector.multi_reduction <minsi>, %select_n3A_481, %reduce_min3A_482 [1] : vector<256x2048xi32> to vector<256xi32>
    %broadcast_in_dim3A_484 = vector.shape_cast %reduce_min3A_483 : vector<256xi32> to vector<256x1xi32>
    %squeeze3A_485 = vector.shape_cast %broadcast_in_dim3A_484 : vector<256x1xi32> to vector<256xi32>
    %add3A_486 = vector.broadcast %mul3A_23 : i32 to vector<256xi32>
    %add3A_487 = arith.addi %squeeze3A_485, %add3A_486 : vector<256xi32>
    %swap3A_488 = arith.constant 0 : index
    %swap3A_489 = arith.constant 0 : index
    %swap3A_490 = arith.constant 18 : index
    %swap3A_491 = vector.load %arg4[%swap3A_488, %swap3A_489, %swap3A_490] : memref<1x256x32xi32, #tpu.memory_space<vmem>>, vector<1x256x1xi32>
    %swap3A_492 = vector.shape_cast %swap3A_491 : vector<1x256x1xi32> to vector<256xi32>
    %swap3A_493 = vector.shape_cast %add3A_487 : vector<256xi32> to vector<1x256x1xi32>
    tpu.vector_store %arg4[%swap3A_488, %swap3A_489, %swap3A_490], %swap3A_493 {strides = array<i32>} : memref<1x256x32xi32, #tpu.memory_space<vmem>>, vector<1x256x1xi32>,
    %eq3A_494 = vector.broadcast %broadcast_in_dim3A_484 : vector<256x1xi32> to vector<256x2048xi32>
    %eq3A_495 = arith.cmpi eq, %iota3A, %eq3A_494 : vector<256x2048xi32>
    %jit3A_496 = arith.constant 0xFF800000 : f32
    %broadcast_in_dim3A_497 = vector.broadcast %jit3A_496 : f32 to vector<256x2048xf32>
    %select_n3A_498 = arith.select %eq3A_495, %broadcast_in_dim3A_497, %select_n3A_473 : vector<256x2048xi1>, vector<256x2048xf32>
    %reduce_max3A_499 = arith.constant dense<0xFF800000> : vector<256xf32>
    %reduce_max3A_500 = vector.multi_reduction <maximumf>, %select_n3A_498, %reduce_max3A_499 [1] : vector<256x2048xf32> to vector<256xf32>
    %broadcast_in_dim3A_501 = vector.shape_cast %reduce_max3A_500 : vector<256xf32> to vector<256x1xf32>
    %eq3A_502 = vector.broadcast %broadcast_in_dim3A_501 : vector<256x1xf32> to vector<256x2048xf32>
    %eq3A_503 = arith.cmpf oeq, %select_n3A_498, %eq3A_502 : vector<256x2048xf32>
    %jit3A_504 = arith.constant 2048 : i32
    %broadcast_in_dim3A_505 = vector.broadcast %jit3A_504 : i32 to vector<256x2048xi32>
    %select_n3A_506 = arith.select %eq3A_503, %iota3A, %broadcast_in_dim3A_505 : vector<256x2048xi1>, vector<256x2048xi32>
    %reduce_min3A_507 = arith.constant dense<2147483647> : vector<256xi32>
    %reduce_min3A_508 = vector.multi_reduction <minsi>, %select_n3A_506, %reduce_min3A_507 [1] : vector<256x2048xi32> to vector<256xi32>
    %broadcast_in_dim3A_509 = vector.shape_cast %reduce_min3A_508 : vector<256xi32> to vector<256x1xi32>
    %squeeze3A_510 = vector.shape_cast %broadcast_in_dim3A_509 : vector<256x1xi32> to vector<256xi32>
    %add3A_511 = vector.broadcast %mul3A_23 : i32 to vector<256xi32>
    %add3A_512 = arith.addi %squeeze3A_510, %add3A_511 : vector<256xi32>
    %swap3A_513 = arith.constant 0 : index
    %swap3A_514 = arith.constant 0 : index
    %swap3A_515 = arith.constant 19 : index
    %swap3A_516 = vector.load %arg4[%swap3A_513, %swap3A_514, %swap3A_515] : memref<1x256x32xi32, #tpu.memory_space<vmem>>, vector<1x256x1xi32>
    %swap3A_517 = vector.shape_cast %swap3A_516 : vector<1x256x1xi32> to vector<256xi32>
    %swap3A_518 = vector.shape_cast %add3A_512 : vector<256xi32> to vector<1x256x1xi32>
    tpu.vector_store %arg4[%swap3A_513, %swap3A_514, %swap3A_515], %swap3A_518 {strides = array<i32>} : memref<1x256x32xi32, #tpu.memory_space<vmem>>, vector<1x256x1xi32>,
    %eq3A_519 = vector.broadcast %broadcast_in_dim3A_509 : vector<256x1xi32> to vector<256x2048xi32>
    %eq3A_520 = arith.cmpi eq, %iota3A, %eq3A_519 : vector<256x2048xi32>
    %jit3A_521 = arith.constant 0xFF800000 : f32
    %broadcast_in_dim3A_522 = vector.broadcast %jit3A_521 : f32 to vector<256x2048xf32>
    %select_n3A_523 = arith.select %eq3A_520, %broadcast_in_dim3A_522, %select_n3A_498 : vector<256x2048xi1>, vector<256x2048xf32>
    %reduce_max3A_524 = arith.constant dense<0xFF800000> : vector<256xf32>
    %reduce_max3A_525 = vector.multi_reduction <maximumf>, %select_n3A_523, %reduce_max3A_524 [1] : vector<256x2048xf32> to vector<256xf32>
    %broadcast_in_dim3A_526 = vector.shape_cast %reduce_max3A_525 : vector<256xf32> to vector<256x1xf32>
    %eq3A_527 = vector.broadcast %broadcast_in_dim3A_526 : vector<256x1xf32> to vector<256x2048xf32>
    %eq3A_528 = arith.cmpf oeq, %select_n3A_523, %eq3A_527 : vector<256x2048xf32>
    %jit3A_529 = arith.constant 2048 : i32
    %broadcast_in_dim3A_530 = vector.broadcast %jit3A_529 : i32 to vector<256x2048xi32>
    %select_n3A_531 = arith.select %eq3A_528, %iota3A, %broadcast_in_dim3A_530 : vector<256x2048xi1>, vector<256x2048xi32>
    %reduce_min3A_532 = arith.constant dense<2147483647> : vector<256xi32>
    %reduce_min3A_533 = vector.multi_reduction <minsi>, %select_n3A_531, %reduce_min3A_532 [1] : vector<256x2048xi32> to vector<256xi32>
    %broadcast_in_dim3A_534 = vector.shape_cast %reduce_min3A_533 : vector<256xi32> to vector<256x1xi32>
    %squeeze3A_535 = vector.shape_cast %broadcast_in_dim3A_534 : vector<256x1xi32> to vector<256xi32>
    %add3A_536 = vector.broadcast %mul3A_23 : i32 to vector<256xi32>
    %add3A_537 = arith.addi %squeeze3A_535, %add3A_536 : vector<256xi32>
    %swap3A_538 = arith.constant 0 : index
    %swap3A_539 = arith.constant 0 : index
    %swap3A_540 = arith.constant 20 : index
    %swap3A_541 = vector.load %arg4[%swap3A_538, %swap3A_539, %swap3A_540] : memref<1x256x32xi32, #tpu.memory_space<vmem>>, vector<1x256x1xi32>
    %swap3A_542 = vector.shape_cast %swap3A_541 : vector<1x256x1xi32> to vector<256xi32>
    %swap3A_543 = vector.shape_cast %add3A_537 : vector<256xi32> to vector<1x256x1xi32>
    tpu.vector_store %arg4[%swap3A_538, %swap3A_539, %swap3A_540], %swap3A_543 {strides = array<i32>} : memref<1x256x32xi32, #tpu.memory_space<vmem>>, vector<1x256x1xi32>,
    %eq3A_544 = vector.broadcast %broadcast_in_dim3A_534 : vector<256x1xi32> to vector<256x2048xi32>
    %eq3A_545 = arith.cmpi eq, %iota3A, %eq3A_544 : vector<256x2048xi32>
    %jit3A_546 = arith.constant 0xFF800000 : f32
    %broadcast_in_dim3A_547 = vector.broadcast %jit3A_546 : f32 to vector<256x2048xf32>
    %select_n3A_548 = arith.select %eq3A_545, %broadcast_in_dim3A_547, %select_n3A_523 : vector<256x2048xi1>, vector<256x2048xf32>
    %reduce_max3A_549 = arith.constant dense<0xFF800000> : vector<256xf32>
    %reduce_max3A_550 = vector.multi_reduction <maximumf>, %select_n3A_548, %reduce_max3A_549 [1] : vector<256x2048xf32> to vector<256xf32>
    %broadcast_in_dim3A_551 = vector.shape_cast %reduce_max3A_550 : vector<256xf32> to vector<256x1xf32>
    %eq3A_552 = vector.broadcast %broadcast_in_dim3A_551 : vector<256x1xf32> to vector<256x2048xf32>
    %eq3A_553 = arith.cmpf oeq, %select_n3A_548, %eq3A_552 : vector<256x2048xf32>
    %jit3A_554 = arith.constant 2048 : i32
    %broadcast_in_dim3A_555 = vector.broadcast %jit3A_554 : i32 to vector<256x2048xi32>
    %select_n3A_556 = arith.select %eq3A_553, %iota3A, %broadcast_in_dim3A_555 : vector<256x2048xi1>, vector<256x2048xi32>
    %reduce_min3A_557 = arith.constant dense<2147483647> : vector<256xi32>
    %reduce_min3A_558 = vector.multi_reduction <minsi>, %select_n3A_556, %reduce_min3A_557 [1] : vector<256x2048xi32> to vector<256xi32>
    %broadcast_in_dim3A_559 = vector.shape_cast %reduce_min3A_558 : vector<256xi32> to vector<256x1xi32>
    %squeeze3A_560 = vector.shape_cast %broadcast_in_dim3A_559 : vector<256x1xi32> to vector<256xi32>
    %add3A_561 = vector.broadcast %mul3A_23 : i32 to vector<256xi32>
    %add3A_562 = arith.addi %squeeze3A_560, %add3A_561 : vector<256xi32>
    %swap3A_563 = arith.constant 0 : index
    %swap3A_564 = arith.constant 0 : index
    %swap3A_565 = arith.constant 21 : index
    %swap3A_566 = vector.load %arg4[%swap3A_563, %swap3A_564, %swap3A_565] : memref<1x256x32xi32, #tpu.memory_space<vmem>>, vector<1x256x1xi32>
    %swap3A_567 = vector.shape_cast %swap3A_566 : vector<1x256x1xi32> to vector<256xi32>
    %swap3A_568 = vector.shape_cast %add3A_562 : vector<256xi32> to vector<1x256x1xi32>
    tpu.vector_store %arg4[%swap3A_563, %swap3A_564, %swap3A_565], %swap3A_568 {strides = array<i32>} : memref<1x256x32xi32, #tpu.memory_space<vmem>>, vector<1x256x1xi32>,
    %eq3A_569 = vector.broadcast %broadcast_in_dim3A_559 : vector<256x1xi32> to vector<256x2048xi32>
    %eq3A_570 = arith.cmpi eq, %iota3A, %eq3A_569 : vector<256x2048xi32>
    %jit3A_571 = arith.constant 0xFF800000 : f32
    %broadcast_in_dim3A_572 = vector.broadcast %jit3A_571 : f32 to vector<256x2048xf32>
    %select_n3A_573 = arith.select %eq3A_570, %broadcast_in_dim3A_572, %select_n3A_548 : vector<256x2048xi1>, vector<256x2048xf32>
    %reduce_max3A_574 = arith.constant dense<0xFF800000> : vector<256xf32>
    %reduce_max3A_575 = vector.multi_reduction <maximumf>, %select_n3A_573, %reduce_max3A_574 [1] : vector<256x2048xf32> to vector<256xf32>
    %broadcast_in_dim3A_576 = vector.shape_cast %reduce_max3A_575 : vector<256xf32> to vector<256x1xf32>
    %eq3A_577 = vector.broadcast %broadcast_in_dim3A_576 : vector<256x1xf32> to vector<256x2048xf32>
    %eq3A_578 = arith.cmpf oeq, %select_n3A_573, %eq3A_577 : vector<256x2048xf32>
    %jit3A_579 = arith.constant 2048 : i32
    %broadcast_in_dim3A_580 = vector.broadcast %jit3A_579 : i32 to vector<256x2048xi32>
    %select_n3A_581 = arith.select %eq3A_578, %iota3A, %broadcast_in_dim3A_580 : vector<256x2048xi1>, vector<256x2048xi32>
    %reduce_min3A_582 = arith.constant dense<2147483647> : vector<256xi32>
    %reduce_min3A_583 = vector.multi_reduction <minsi>, %select_n3A_581, %reduce_min3A_582 [1] : vector<256x2048xi32> to vector<256xi32>
    %broadcast_in_dim3A_584 = vector.shape_cast %reduce_min3A_583 : vector<256xi32> to vector<256x1xi32>
    %squeeze3A_585 = vector.shape_cast %broadcast_in_dim3A_584 : vector<256x1xi32> to vector<256xi32>
    %add3A_586 = vector.broadcast %mul3A_23 : i32 to vector<256xi32>
    %add3A_587 = arith.addi %squeeze3A_585, %add3A_586 : vector<256xi32>
    %swap3A_588 = arith.constant 0 : index
    %swap3A_589 = arith.constant 0 : index
    %swap3A_590 = arith.constant 22 : index
    %swap3A_591 = vector.load %arg4[%swap3A_588, %swap3A_589, %swap3A_590] : memref<1x256x32xi32, #tpu.memory_space<vmem>>, vector<1x256x1xi32>
    %swap3A_592 = vector.shape_cast %swap3A_591 : vector<1x256x1xi32> to vector<256xi32>
    %swap3A_593 = vector.shape_cast %add3A_587 : vector<256xi32> to vector<1x256x1xi32>
    tpu.vector_store %arg4[%swap3A_588, %swap3A_589, %swap3A_590], %swap3A_593 {strides = array<i32>} : memref<1x256x32xi32, #tpu.memory_space<vmem>>, vector<1x256x1xi32>,
    %eq3A_594 = vector.broadcast %broadcast_in_dim3A_584 : vector<256x1xi32> to vector<256x2048xi32>
    %eq3A_595 = arith.cmpi eq, %iota3A, %eq3A_594 : vector<256x2048xi32>
    %jit3A_596 = arith.constant 0xFF800000 : f32
    %broadcast_in_dim3A_597 = vector.broadcast %jit3A_596 : f32 to vector<256x2048xf32>
    %select_n3A_598 = arith.select %eq3A_595, %broadcast_in_dim3A_597, %select_n3A_573 : vector<256x2048xi1>, vector<256x2048xf32>
    %reduce_max3A_599 = arith.constant dense<0xFF800000> : vector<256xf32>
    %reduce_max3A_600 = vector.multi_reduction <maximumf>, %select_n3A_598, %reduce_max3A_599 [1] : vector<256x2048xf32> to vector<256xf32>
    %broadcast_in_dim3A_601 = vector.shape_cast %reduce_max3A_600 : vector<256xf32> to vector<256x1xf32>
    %eq3A_602 = vector.broadcast %broadcast_in_dim3A_601 : vector<256x1xf32> to vector<256x2048xf32>
    %eq3A_603 = arith.cmpf oeq, %select_n3A_598, %eq3A_602 : vector<256x2048xf32>
    %jit3A_604 = arith.constant 2048 : i32
    %broadcast_in_dim3A_605 = vector.broadcast %jit3A_604 : i32 to vector<256x2048xi32>
    %select_n3A_606 = arith.select %eq3A_603, %iota3A, %broadcast_in_dim3A_605 : vector<256x2048xi1>, vector<256x2048xi32>
    %reduce_min3A_607 = arith.constant dense<2147483647> : vector<256xi32>
    %reduce_min3A_608 = vector.multi_reduction <minsi>, %select_n3A_606, %reduce_min3A_607 [1] : vector<256x2048xi32> to vector<256xi32>
    %broadcast_in_dim3A_609 = vector.shape_cast %reduce_min3A_608 : vector<256xi32> to vector<256x1xi32>
    %squeeze3A_610 = vector.shape_cast %broadcast_in_dim3A_609 : vector<256x1xi32> to vector<256xi32>
    %add3A_611 = vector.broadcast %mul3A_23 : i32 to vector<256xi32>
    %add3A_612 = arith.addi %squeeze3A_610, %add3A_611 : vector<256xi32>
    %swap3A_613 = arith.constant 0 : index
    %swap3A_614 = arith.constant 0 : index
    %swap3A_615 = arith.constant 23 : index
    %swap3A_616 = vector.load %arg4[%swap3A_613, %swap3A_614, %swap3A_615] : memref<1x256x32xi32, #tpu.memory_space<vmem>>, vector<1x256x1xi32>
    %swap3A_617 = vector.shape_cast %swap3A_616 : vector<1x256x1xi32> to vector<256xi32>
    %swap3A_618 = vector.shape_cast %add3A_612 : vector<256xi32> to vector<1x256x1xi32>
    tpu.vector_store %arg4[%swap3A_613, %swap3A_614, %swap3A_615], %swap3A_618 {strides = array<i32>} : memref<1x256x32xi32, #tpu.memory_space<vmem>>, vector<1x256x1xi32>,
    %eq3A_619 = vector.broadcast %broadcast_in_dim3A_609 : vector<256x1xi32> to vector<256x2048xi32>
    %eq3A_620 = arith.cmpi eq, %iota3A, %eq3A_619 : vector<256x2048xi32>
    %jit3A_621 = arith.constant 0xFF800000 : f32
    %broadcast_in_dim3A_622 = vector.broadcast %jit3A_621 : f32 to vector<256x2048xf32>
    %select_n3A_623 = arith.select %eq3A_620, %broadcast_in_dim3A_622, %select_n3A_598 : vector<256x2048xi1>, vector<256x2048xf32>
    %reduce_max3A_624 = arith.constant dense<0xFF800000> : vector<256xf32>
    %reduce_max3A_625 = vector.multi_reduction <maximumf>, %select_n3A_623, %reduce_max3A_624 [1] : vector<256x2048xf32> to vector<256xf32>
    %broadcast_in_dim3A_626 = vector.shape_cast %reduce_max3A_625 : vector<256xf32> to vector<256x1xf32>
    %eq3A_627 = vector.broadcast %broadcast_in_dim3A_626 : vector<256x1xf32> to vector<256x2048xf32>
    %eq3A_628 = arith.cmpf oeq, %select_n3A_623, %eq3A_627 : vector<256x2048xf32>
    %jit3A_629 = arith.constant 2048 : i32
    %broadcast_in_dim3A_630 = vector.broadcast %jit3A_629 : i32 to vector<256x2048xi32>
    %select_n3A_631 = arith.select %eq3A_628, %iota3A, %broadcast_in_dim3A_630 : vector<256x2048xi1>, vector<256x2048xi32>
    %reduce_min3A_632 = arith.constant dense<2147483647> : vector<256xi32>
    %reduce_min3A_633 = vector.multi_reduction <minsi>, %select_n3A_631, %reduce_min3A_632 [1] : vector<256x2048xi32> to vector<256xi32>
    %broadcast_in_dim3A_634 = vector.shape_cast %reduce_min3A_633 : vector<256xi32> to vector<256x1xi32>
    %squeeze3A_635 = vector.shape_cast %broadcast_in_dim3A_634 : vector<256x1xi32> to vector<256xi32>
    %add3A_636 = vector.broadcast %mul3A_23 : i32 to vector<256xi32>
    %add3A_637 = arith.addi %squeeze3A_635, %add3A_636 : vector<256xi32>
    %swap3A_638 = arith.constant 0 : index
    %swap3A_639 = arith.constant 0 : index
    %swap3A_640 = arith.constant 24 : index
    %swap3A_641 = vector.load %arg4[%swap3A_638, %swap3A_639, %swap3A_640] : memref<1x256x32xi32, #tpu.memory_space<vmem>>, vector<1x256x1xi32>
    %swap3A_642 = vector.shape_cast %swap3A_641 : vector<1x256x1xi32> to vector<256xi32>
    %swap3A_643 = vector.shape_cast %add3A_637 : vector<256xi32> to vector<1x256x1xi32>
    tpu.vector_store %arg4[%swap3A_638, %swap3A_639, %swap3A_640], %swap3A_643 {strides = array<i32>} : memref<1x256x32xi32, #tpu.memory_space<vmem>>, vector<1x256x1xi32>,
    %eq3A_644 = vector.broadcast %broadcast_in_dim3A_634 : vector<256x1xi32> to vector<256x2048xi32>
    %eq3A_645 = arith.cmpi eq, %iota3A, %eq3A_644 : vector<256x2048xi32>
    %jit3A_646 = arith.constant 0xFF800000 : f32
    %broadcast_in_dim3A_647 = vector.broadcast %jit3A_646 : f32 to vector<256x2048xf32>
    %select_n3A_648 = arith.select %eq3A_645, %broadcast_in_dim3A_647, %select_n3A_623 : vector<256x2048xi1>, vector<256x2048xf32>
    %reduce_max3A_649 = arith.constant dense<0xFF800000> : vector<256xf32>
    %reduce_max3A_650 = vector.multi_reduction <maximumf>, %select_n3A_648, %reduce_max3A_649 [1] : vector<256x2048xf32> to vector<256xf32>
    %broadcast_in_dim3A_651 = vector.shape_cast %reduce_max3A_650 : vector<256xf32> to vector<256x1xf32>
    %eq3A_652 = vector.broadcast %broadcast_in_dim3A_651 : vector<256x1xf32> to vector<256x2048xf32>
    %eq3A_653 = arith.cmpf oeq, %select_n3A_648, %eq3A_652 : vector<256x2048xf32>
    %jit3A_654 = arith.constant 2048 : i32
    %broadcast_in_dim3A_655 = vector.broadcast %jit3A_654 : i32 to vector<256x2048xi32>
    %select_n3A_656 = arith.select %eq3A_653, %iota3A, %broadcast_in_dim3A_655 : vector<256x2048xi1>, vector<256x2048xi32>
    %reduce_min3A_657 = arith.constant dense<2147483647> : vector<256xi32>
    %reduce_min3A_658 = vector.multi_reduction <minsi>, %select_n3A_656, %reduce_min3A_657 [1] : vector<256x2048xi32> to vector<256xi32>
    %broadcast_in_dim3A_659 = vector.shape_cast %reduce_min3A_658 : vector<256xi32> to vector<256x1xi32>
    %squeeze3A_660 = vector.shape_cast %broadcast_in_dim3A_659 : vector<256x1xi32> to vector<256xi32>
    %add3A_661 = vector.broadcast %mul3A_23 : i32 to vector<256xi32>
    %add3A_662 = arith.addi %squeeze3A_660, %add3A_661 : vector<256xi32>
    %swap3A_663 = arith.constant 0 : index
    %swap3A_664 = arith.constant 0 : index
    %swap3A_665 = arith.constant 25 : index
    %swap3A_666 = vector.load %arg4[%swap3A_663, %swap3A_664, %swap3A_665] : memref<1x256x32xi32, #tpu.memory_space<vmem>>, vector<1x256x1xi32>
    %swap3A_667 = vector.shape_cast %swap3A_666 : vector<1x256x1xi32> to vector<256xi32>
    %swap3A_668 = vector.shape_cast %add3A_662 : vector<256xi32> to vector<1x256x1xi32>
    tpu.vector_store %arg4[%swap3A_663, %swap3A_664, %swap3A_665], %swap3A_668 {strides = array<i32>} : memref<1x256x32xi32, #tpu.memory_space<vmem>>, vector<1x256x1xi32>,
    %eq3A_669 = vector.broadcast %broadcast_in_dim3A_659 : vector<256x1xi32> to vector<256x2048xi32>
    %eq3A_670 = arith.cmpi eq, %iota3A, %eq3A_669 : vector<256x2048xi32>
    %jit3A_671 = arith.constant 0xFF800000 : f32
    %broadcast_in_dim3A_672 = vector.broadcast %jit3A_671 : f32 to vector<256x2048xf32>
    %select_n3A_673 = arith.select %eq3A_670, %broadcast_in_dim3A_672, %select_n3A_648 : vector<256x2048xi1>, vector<256x2048xf32>
    %reduce_max3A_674 = arith.constant dense<0xFF800000> : vector<256xf32>
    %reduce_max3A_675 = vector.multi_reduction <maximumf>, %select_n3A_673, %reduce_max3A_674 [1] : vector<256x2048xf32> to vector<256xf32>
    %broadcast_in_dim3A_676 = vector.shape_cast %reduce_max3A_675 : vector<256xf32> to vector<256x1xf32>
    %eq3A_677 = vector.broadcast %broadcast_in_dim3A_676 : vector<256x1xf32> to vector<256x2048xf32>
    %eq3A_678 = arith.cmpf oeq, %select_n3A_673, %eq3A_677 : vector<256x2048xf32>
    %jit3A_679 = arith.constant 2048 : i32
    %broadcast_in_dim3A_680 = vector.broadcast %jit3A_679 : i32 to vector<256x2048xi32>
    %select_n3A_681 = arith.select %eq3A_678, %iota3A, %broadcast_in_dim3A_680 : vector<256x2048xi1>, vector<256x2048xi32>
    %reduce_min3A_682 = arith.constant dense<2147483647> : vector<256xi32>
    %reduce_min3A_683 = vector.multi_reduction <minsi>, %select_n3A_681, %reduce_min3A_682 [1] : vector<256x2048xi32> to vector<256xi32>
    %broadcast_in_dim3A_684 = vector.shape_cast %reduce_min3A_683 : vector<256xi32> to vector<256x1xi32>
    %squeeze3A_685 = vector.shape_cast %broadcast_in_dim3A_684 : vector<256x1xi32> to vector<256xi32>
    %add3A_686 = vector.broadcast %mul3A_23 : i32 to vector<256xi32>
    %add3A_687 = arith.addi %squeeze3A_685, %add3A_686 : vector<256xi32>
    %swap3A_688 = arith.constant 0 : index
    %swap3A_689 = arith.constant 0 : index
    %swap3A_690 = arith.constant 26 : index
    %swap3A_691 = vector.load %arg4[%swap3A_688, %swap3A_689, %swap3A_690] : memref<1x256x32xi32, #tpu.memory_space<vmem>>, vector<1x256x1xi32>
    %swap3A_692 = vector.shape_cast %swap3A_691 : vector<1x256x1xi32> to vector<256xi32>
    %swap3A_693 = vector.shape_cast %add3A_687 : vector<256xi32> to vector<1x256x1xi32>
    tpu.vector_store %arg4[%swap3A_688, %swap3A_689, %swap3A_690], %swap3A_693 {strides = array<i32>} : memref<1x256x32xi32, #tpu.memory_space<vmem>>, vector<1x256x1xi32>,
    %eq3A_694 = vector.broadcast %broadcast_in_dim3A_684 : vector<256x1xi32> to vector<256x2048xi32>
    %eq3A_695 = arith.cmpi eq, %iota3A, %eq3A_694 : vector<256x2048xi32>
    %jit3A_696 = arith.constant 0xFF800000 : f32
    %broadcast_in_dim3A_697 = vector.broadcast %jit3A_696 : f32 to vector<256x2048xf32>
    %select_n3A_698 = arith.select %eq3A_695, %broadcast_in_dim3A_697, %select_n3A_673 : vector<256x2048xi1>, vector<256x2048xf32>
    %reduce_max3A_699 = arith.constant dense<0xFF800000> : vector<256xf32>
    %reduce_max3A_700 = vector.multi_reduction <maximumf>, %select_n3A_698, %reduce_max3A_699 [1] : vector<256x2048xf32> to vector<256xf32>
    %broadcast_in_dim3A_701 = vector.shape_cast %reduce_max3A_700 : vector<256xf32> to vector<256x1xf32>
    %eq3A_702 = vector.broadcast %broadcast_in_dim3A_701 : vector<256x1xf32> to vector<256x2048xf32>
    %eq3A_703 = arith.cmpf oeq, %select_n3A_698, %eq3A_702 : vector<256x2048xf32>
    %jit3A_704 = arith.constant 2048 : i32
    %broadcast_in_dim3A_705 = vector.broadcast %jit3A_704 : i32 to vector<256x2048xi32>
    %select_n3A_706 = arith.select %eq3A_703, %iota3A, %broadcast_in_dim3A_705 : vector<256x2048xi1>, vector<256x2048xi32>
    %reduce_min3A_707 = arith.constant dense<2147483647> : vector<256xi32>
    %reduce_min3A_708 = vector.multi_reduction <minsi>, %select_n3A_706, %reduce_min3A_707 [1] : vector<256x2048xi32> to vector<256xi32>
    %broadcast_in_dim3A_709 = vector.shape_cast %reduce_min3A_708 : vector<256xi32> to vector<256x1xi32>
    %squeeze3A_710 = vector.shape_cast %broadcast_in_dim3A_709 : vector<256x1xi32> to vector<256xi32>
    %add3A_711 = vector.broadcast %mul3A_23 : i32 to vector<256xi32>
    %add3A_712 = arith.addi %squeeze3A_710, %add3A_711 : vector<256xi32>
    %swap3A_713 = arith.constant 0 : index
    %swap3A_714 = arith.constant 0 : index
    %swap3A_715 = arith.constant 27 : index
    %swap3A_716 = vector.load %arg4[%swap3A_713, %swap3A_714, %swap3A_715] : memref<1x256x32xi32, #tpu.memory_space<vmem>>, vector<1x256x1xi32>
    %swap3A_717 = vector.shape_cast %swap3A_716 : vector<1x256x1xi32> to vector<256xi32>
    %swap3A_718 = vector.shape_cast %add3A_712 : vector<256xi32> to vector<1x256x1xi32>
    tpu.vector_store %arg4[%swap3A_713, %swap3A_714, %swap3A_715], %swap3A_718 {strides = array<i32>} : memref<1x256x32xi32, #tpu.memory_space<vmem>>, vector<1x256x1xi32>,
    %eq3A_719 = vector.broadcast %broadcast_in_dim3A_709 : vector<256x1xi32> to vector<256x2048xi32>
    %eq3A_720 = arith.cmpi eq, %iota3A, %eq3A_719 : vector<256x2048xi32>
    %jit3A_721 = arith.constant 0xFF800000 : f32
    %broadcast_in_dim3A_722 = vector.broadcast %jit3A_721 : f32 to vector<256x2048xf32>
    %select_n3A_723 = arith.select %eq3A_720, %broadcast_in_dim3A_722, %select_n3A_698 : vector<256x2048xi1>, vector<256x2048xf32>
    %reduce_max3A_724 = arith.constant dense<0xFF800000> : vector<256xf32>
    %reduce_max3A_725 = vector.multi_reduction <maximumf>, %select_n3A_723, %reduce_max3A_724 [1] : vector<256x2048xf32> to vector<256xf32>
    %broadcast_in_dim3A_726 = vector.shape_cast %reduce_max3A_725 : vector<256xf32> to vector<256x1xf32>
    %eq3A_727 = vector.broadcast %broadcast_in_dim3A_726 : vector<256x1xf32> to vector<256x2048xf32>
    %eq3A_728 = arith.cmpf oeq, %select_n3A_723, %eq3A_727 : vector<256x2048xf32>
    %jit3A_729 = arith.constant 2048 : i32
    %broadcast_in_dim3A_730 = vector.broadcast %jit3A_729 : i32 to vector<256x2048xi32>
    %select_n3A_731 = arith.select %eq3A_728, %iota3A, %broadcast_in_dim3A_730 : vector<256x2048xi1>, vector<256x2048xi32>
    %reduce_min3A_732 = arith.constant dense<2147483647> : vector<256xi32>
    %reduce_min3A_733 = vector.multi_reduction <minsi>, %select_n3A_731, %reduce_min3A_732 [1] : vector<256x2048xi32> to vector<256xi32>
    %broadcast_in_dim3A_734 = vector.shape_cast %reduce_min3A_733 : vector<256xi32> to vector<256x1xi32>
    %squeeze3A_735 = vector.shape_cast %broadcast_in_dim3A_734 : vector<256x1xi32> to vector<256xi32>
    %add3A_736 = vector.broadcast %mul3A_23 : i32 to vector<256xi32>
    %add3A_737 = arith.addi %squeeze3A_735, %add3A_736 : vector<256xi32>
    %swap3A_738 = arith.constant 0 : index
    %swap3A_739 = arith.constant 0 : index
    %swap3A_740 = arith.constant 28 : index
    %swap3A_741 = vector.load %arg4[%swap3A_738, %swap3A_739, %swap3A_740] : memref<1x256x32xi32, #tpu.memory_space<vmem>>, vector<1x256x1xi32>
    %swap3A_742 = vector.shape_cast %swap3A_741 : vector<1x256x1xi32> to vector<256xi32>
    %swap3A_743 = vector.shape_cast %add3A_737 : vector<256xi32> to vector<1x256x1xi32>
    tpu.vector_store %arg4[%swap3A_738, %swap3A_739, %swap3A_740], %swap3A_743 {strides = array<i32>} : memref<1x256x32xi32, #tpu.memory_space<vmem>>, vector<1x256x1xi32>,
    %eq3A_744 = vector.broadcast %broadcast_in_dim3A_734 : vector<256x1xi32> to vector<256x2048xi32>
    %eq3A_745 = arith.cmpi eq, %iota3A, %eq3A_744 : vector<256x2048xi32>
    %jit3A_746 = arith.constant 0xFF800000 : f32
    %broadcast_in_dim3A_747 = vector.broadcast %jit3A_746 : f32 to vector<256x2048xf32>
    %select_n3A_748 = arith.select %eq3A_745, %broadcast_in_dim3A_747, %select_n3A_723 : vector<256x2048xi1>, vector<256x2048xf32>
    %reduce_max3A_749 = arith.constant dense<0xFF800000> : vector<256xf32>
    %reduce_max3A_750 = vector.multi_reduction <maximumf>, %select_n3A_748, %reduce_max3A_749 [1] : vector<256x2048xf32> to vector<256xf32>
    %broadcast_in_dim3A_751 = vector.shape_cast %reduce_max3A_750 : vector<256xf32> to vector<256x1xf32>
    %eq3A_752 = vector.broadcast %broadcast_in_dim3A_751 : vector<256x1xf32> to vector<256x2048xf32>
    %eq3A_753 = arith.cmpf oeq, %select_n3A_748, %eq3A_752 : vector<256x2048xf32>
    %jit3A_754 = arith.constant 2048 : i32
    %broadcast_in_dim3A_755 = vector.broadcast %jit3A_754 : i32 to vector<256x2048xi32>
    %select_n3A_756 = arith.select %eq3A_753, %iota3A, %broadcast_in_dim3A_755 : vector<256x2048xi1>, vector<256x2048xi32>
    %reduce_min3A_757 = arith.constant dense<2147483647> : vector<256xi32>
    %reduce_min3A_758 = vector.multi_reduction <minsi>, %select_n3A_756, %reduce_min3A_757 [1] : vector<256x2048xi32> to vector<256xi32>
    %broadcast_in_dim3A_759 = vector.shape_cast %reduce_min3A_758 : vector<256xi32> to vector<256x1xi32>
    %squeeze3A_760 = vector.shape_cast %broadcast_in_dim3A_759 : vector<256x1xi32> to vector<256xi32>
    %add3A_761 = vector.broadcast %mul3A_23 : i32 to vector<256xi32>
    %add3A_762 = arith.addi %squeeze3A_760, %add3A_761 : vector<256xi32>
    %swap3A_763 = arith.constant 0 : index
    %swap3A_764 = arith.constant 0 : index
    %swap3A_765 = arith.constant 29 : index
    %swap3A_766 = vector.load %arg4[%swap3A_763, %swap3A_764, %swap3A_765] : memref<1x256x32xi32, #tpu.memory_space<vmem>>, vector<1x256x1xi32>
    %swap3A_767 = vector.shape_cast %swap3A_766 : vector<1x256x1xi32> to vector<256xi32>
    %swap3A_768 = vector.shape_cast %add3A_762 : vector<256xi32> to vector<1x256x1xi32>
    tpu.vector_store %arg4[%swap3A_763, %swap3A_764, %swap3A_765], %swap3A_768 {strides = array<i32>} : memref<1x256x32xi32, #tpu.memory_space<vmem>>, vector<1x256x1xi32>,
    return
  }
  func.func @transform_0(%arg0: i32, %arg1: i32) -> (i32, i32, i32) {
    %c0_i32 = arith.constant 0 : i32
    %c0_i32_0 = arith.constant 0 : i32
    return %arg0, %arg1, %c0_i32 : i32, i32, i32
  }
  func.func @transform_1(%arg0: i32, %arg1: i32) -> (i32, i32, i32) {
    %c0_i32 = arith.constant 0 : i32
    %c0_i32_0 = arith.constant 0 : i32
    %c0_i32_1 = arith.constant 0 : i32
    return %arg0, %c0_i32, %c0_i32_0 : i32, i32, i32
  }
  func.func @transform_2(%arg0: i32, %arg1: i32) -> (i32, i32, i32) {
    %c0_i32 = arith.constant 0 : i32
    %c0_i32_0 = arith.constant 0 : i32
    return %arg0, %arg1, %c0_i32 : i32, i32, i32
  }
}

module attributes {stable_mosaic.version = 14 : i64} {
  func.func @_c1_body(%arg0: i32, %arg1: i32, %arg2: i32, %arg3: memref<1x7680x64xf32, #tpu.memory_space<vmem>>, %arg4: memref<1x256x64xf32, #tpu.memory_space<vmem>>, %arg5: memref<128x64xf32, #tpu.memory_space<vmem>>, %arg6: memref<1x256x128xf32, #tpu.memory_space<vmem>>, %arg7: memref<1x64xf32, #tpu.memory_space<vmem>>, %arg8: memref<1x64xf32, #tpu.memory_space<vmem>>) attributes {dimension_semantics = [#tpu.dimension_semantics<arbitrary>, #tpu.dimension_semantics<arbitrary>, #tpu.dimension_semantics<arbitrary>], iteration_bounds = array<i64: 2, 4, 8>, scalar_prefetch = 0 : i64, scratch_operands = 2 : i64, tpu.core_type = #tpu.core_type<tc>, window_params = [{transform_indices = @transform_0, window_bounds = array<i64: 1, 7680, 64>}, {transform_indices = @transform_1, window_bounds = array<i64: 1, 256, 64>}, {pipeline_mode = #tpu.pipeline_mode<synchronous>, transform_indices = @transform_2, window_bounds = array<i64: 128, 64>}, {transform_indices = @transform_3, window_bounds = array<i64: 1, 256, 128>}]} {
    %eq3A = arith.constant 0 : i32
    %eq3A_0 = arith.cmpi eq, %arg0, %eq3A : i32
    %eq3A_1 = arith.constant 0 : i32
    %eq3A_2 = arith.cmpi eq, %arg1, %eq3A_1 : i32
    %and3A = arith.andi %eq3A_0, %eq3A_2 : i1
    %eq3A_3 = arith.constant 0 : i32
    %eq3A_4 = arith.cmpi eq, %arg2, %eq3A_3 : i32
    %and3A_5 = arith.andi %and3A, %eq3A_4 : i1
    %convert_element_type3A = arith.extui %and3A_5 : i1 to i32
    %cond3A = arith.constant 0 : i32
    %cond3A_6 = arith.cmpi ne, %convert_element_type3A, %cond3A : i32
    scf.if %cond3A_6 {
      %broadcast_in_dim3A_34 = arith.constant 0.000000e+00 : f32
      %broadcast_in_dim3A_35 = vector.broadcast %broadcast_in_dim3A_34 : f32 to vector<1x64xf32>
      %swap3A = arith.constant 0 : index
      %swap3A_36 = arith.constant 0 : index
      %swap3A_37 = vector.load %arg7[%swap3A, %swap3A_36] : memref<1x64xf32, #tpu.memory_space<vmem>>, vector<1x64xf32>
      tpu.vector_store %arg7[%swap3A, %swap3A_36], %broadcast_in_dim3A_35 {strides = array<i32>} : memref<1x64xf32, #tpu.memory_space<vmem>>, vector<1x64xf32>,
      %broadcast_in_dim3A_38 = arith.constant 0.000000e+00 : f32
      %broadcast_in_dim3A_39 = vector.broadcast %broadcast_in_dim3A_38 : f32 to vector<1x64xf32>
      %swap3A_40 = arith.constant 0 : index
      %swap3A_41 = arith.constant 0 : index
      %swap3A_42 = vector.load %arg8[%swap3A_40, %swap3A_41] : memref<1x64xf32, #tpu.memory_space<vmem>>, vector<1x64xf32>
      tpu.vector_store %arg8[%swap3A_40, %swap3A_41], %broadcast_in_dim3A_39 {strides = array<i32>} : memref<1x64xf32, #tpu.memory_space<vmem>>, vector<1x64xf32>,
    } else {
    }
    %get3A = arith.constant 0 : index
    %get3A_7 = arith.constant 0 : index
    %get3A_8 = arith.constant 0 : index
    %get3A_9 = vector.load %arg3[%get3A, %get3A_7, %get3A_8] : memref<1x7680x64xf32, #tpu.memory_space<vmem>>, vector<1x7680x64xf32>
    %get3A_10 = vector.shape_cast %get3A_9 : vector<1x7680x64xf32> to vector<7680x64xf32>
    %get3A_11 = arith.constant 0 : index
    %get3A_12 = arith.constant 0 : index
    %get3A_13 = arith.constant 0 : index
    %get3A_14 = vector.load %arg4[%get3A_11, %get3A_12, %get3A_13] : memref<1x256x64xf32, #tpu.memory_space<vmem>>, vector<1x256x64xf32>
    %get3A_15 = vector.shape_cast %get3A_14 : vector<1x256x64xf32> to vector<256x64xf32>
    %broadcast_in_dim3A = vector.shape_cast %get3A_15 : vector<256x64xf32> to vector<256x1x64xf32>
    %broadcast_in_dim3A_16 = vector.shape_cast %broadcast_in_dim3A : vector<256x1x64xf32> to vector<256x1x64xf32>
    %broadcast_in_dim3A_17 = vector.broadcast %broadcast_in_dim3A_16 : vector<256x1x64xf32> to vector<256x30x64xf32>
    %reshape3A = vector.shape_cast %broadcast_in_dim3A_17 : vector<256x30x64xf32> to vector<7680x64xf32>
    %sub3A = arith.subf %get3A_10, %reshape3A : vector<7680x64xf32>
    %concatenate3A = tpu.concatenate %sub3A, %reshape3A in 1 : vector<7680x64xf32>, vector<7680x64xf32> -> vector<7680x128xf32>
    %get3A_18 = arith.constant 0 : index
    %get3A_19 = arith.constant 0 : index
    %get3A_20 = vector.load %arg5[%get3A_18, %get3A_19] : memref<128x64xf32, #tpu.memory_space<vmem>>, vector<128x64xf32>
    %convert_element_type3A_21 = arith.truncf %concatenate3A : vector<7680x128xf32> to vector<7680x128xbf16>
    %convert_element_type3A_22 = arith.truncf %get3A_20 : vector<128x64xf32> to vector<128x64xbf16>
    %dot_general3A = arith.constant dense<0.000000e+00> : vector<7680x64xf32>
    %dot_general3A_23 = tpu.matmul %convert_element_type3A_21, %convert_element_type3A_22, %dot_general3A {dimension_numbers = #tpu.dot_dimension_numbers<[1], [0], [0], [1], [0, 0, 1, 1], [], []>, transpose_lhs_hint = false} : vector<7680x128xbf16>, vector<128x64xbf16>, vector<7680x64xf32> -> vector<7680x64xf32>
    %eq3A_24 = arith.constant 0 : i32
    %eq3A_25 = arith.cmpi eq, %arg0, %eq3A_24 : i32
    %convert_element_type3A_26 = arith.extui %eq3A_25 : i1 to i32
    %cond3A_27 = arith.constant 0 : i32
    %cond3A_28 = arith.cmpi ne, %convert_element_type3A_26, %cond3A_27 : i32
    scf.if %cond3A_28 {
      %get3A_34 = arith.constant 0 : index
      %get3A_35 = arith.constant 0 : index
      %get3A_36 = vector.load %arg7[%get3A_34, %get3A_35] : memref<1x64xf32, #tpu.memory_space<vmem>>, vector<1x64xf32>
      %reduce_sum3A = arith.constant dense<0.000000e+00> : vector<64xf32>
      %reduce_sum3A_37 = vector.multi_reduction <add>, %dot_general3A_23, %reduce_sum3A [0] : vector<7680x64xf32> to vector<64xf32>
      %reshape3A_38 = vector.shape_cast %reduce_sum3A_37 : vector<64xf32> to vector<1x64xf32>
      %add3A = arith.addf %get3A_36, %reshape3A_38 : vector<1x64xf32>
      %swap3A = arith.constant 0 : index
      %swap3A_39 = arith.constant 0 : index
      %swap3A_40 = vector.load %arg7[%swap3A, %swap3A_39] : memref<1x64xf32, #tpu.memory_space<vmem>>, vector<1x64xf32>
      tpu.vector_store %arg7[%swap3A, %swap3A_39], %add3A {strides = array<i32>} : memref<1x64xf32, #tpu.memory_space<vmem>>, vector<1x64xf32>,
      %get3A_41 = arith.constant 0 : index
      %get3A_42 = arith.constant 0 : index
      %get3A_43 = vector.load %arg8[%get3A_41, %get3A_42] : memref<1x64xf32, #tpu.memory_space<vmem>>, vector<1x64xf32>
      %mul3A = arith.mulf %dot_general3A_23, %dot_general3A_23 : vector<7680x64xf32>
      %reduce_sum3A_44 = arith.constant dense<0.000000e+00> : vector<64xf32>
      %reduce_sum3A_45 = vector.multi_reduction <add>, %mul3A, %reduce_sum3A_44 [0] : vector<7680x64xf32> to vector<64xf32>
      %reshape3A_46 = vector.shape_cast %reduce_sum3A_45 : vector<64xf32> to vector<1x64xf32>
      %add3A_47 = arith.addf %get3A_43, %reshape3A_46 : vector<1x64xf32>
      %swap3A_48 = arith.constant 0 : index
      %swap3A_49 = arith.constant 0 : index
      %swap3A_50 = vector.load %arg8[%swap3A_48, %swap3A_49] : memref<1x64xf32, #tpu.memory_space<vmem>>, vector<1x64xf32>
      tpu.vector_store %arg8[%swap3A_48, %swap3A_49], %add3A_47 {strides = array<i32>} : memref<1x64xf32, #tpu.memory_space<vmem>>, vector<1x64xf32>,
    } else {
    }
    %eq3A_29 = arith.constant 1 : i32
    %eq3A_30 = arith.cmpi eq, %arg0, %eq3A_29 : i32
    %convert_element_type3A_31 = arith.extui %eq3A_30 : i1 to i32
    %cond3A_32 = arith.constant 0 : i32
    %cond3A_33 = arith.cmpi ne, %convert_element_type3A_31, %cond3A_32 : i32
    scf.if %cond3A_33 {
      %get3A_34 = arith.constant 0 : index
      %get3A_35 = arith.constant 0 : index
      %get3A_36 = vector.load %arg7[%get3A_34, %get3A_35] : memref<1x64xf32, #tpu.memory_space<vmem>>, vector<1x64xf32>
      %div3A = arith.constant 2.457600e+05 : f32
      %div3A_37 = vector.broadcast %div3A : f32 to vector<1x64xf32>
      %div3A_38 = arith.divf %get3A_36, %div3A_37 : vector<1x64xf32>
      %get3A_39 = arith.constant 0 : index
      %get3A_40 = arith.constant 0 : index
      %get3A_41 = vector.load %arg8[%get3A_39, %get3A_40] : memref<1x64xf32, #tpu.memory_space<vmem>>, vector<1x64xf32>
      %div3A_42 = arith.constant 2.457600e+05 : f32
      %div3A_43 = vector.broadcast %div3A_42 : f32 to vector<1x64xf32>
      %div3A_44 = arith.divf %get3A_41, %div3A_43 : vector<1x64xf32>
      %mul3A = arith.mulf %div3A_38, %div3A_38 : vector<1x64xf32>
      %sub3A_45 = arith.subf %div3A_44, %mul3A : vector<1x64xf32>
      %sub3A_46 = vector.broadcast %div3A_38 : vector<1x64xf32> to vector<7680x64xf32>
      %sub3A_47 = arith.subf %dot_general3A_23, %sub3A_46 : vector<7680x64xf32>
      %add3A = arith.constant 9.99999974E-6 : f32
      %add3A_48 = vector.broadcast %add3A : f32 to vector<1x64xf32>
      %add3A_49 = arith.addf %sub3A_45, %add3A_48 : vector<1x64xf32>
      %rsqrt3A = math.rsqrt %add3A_49 : vector<1x64xf32>
      %mul3A_50 = vector.broadcast %rsqrt3A : vector<1x64xf32> to vector<7680x64xf32>
      %mul3A_51 = arith.mulf %sub3A_47, %mul3A_50 : vector<7680x64xf32>
      %max3A = arith.constant 0.000000e+00 : f32
      %max3A_52 = vector.broadcast %max3A : f32 to vector<7680x64xf32>
      %max3A_53 = arith.maximumf %mul3A_51, %max3A_52 : vector<7680x64xf32>
      %reshape3A_54 = vector.shape_cast %max3A_53 : vector<7680x64xf32> to vector<256x30x64xf32>
      %reduce_max3A = arith.constant dense<0xFF800000> : vector<256x64xf32>
      %reduce_max3A_55 = vector.multi_reduction <maximumf>, %reshape3A_54, %reduce_max3A [1] : vector<256x30x64xf32> to vector<256x64xf32>
      %reduce_sum3A = arith.constant dense<0.000000e+00> : vector<256x64xf32>
      %reduce_sum3A_56 = vector.multi_reduction <add>, %reshape3A_54, %reduce_sum3A [1] : vector<256x30x64xf32> to vector<256x64xf32>
      %div3A_57 = arith.constant 3.000000e+01 : f32
      %div3A_58 = vector.broadcast %div3A_57 : f32 to vector<256x64xf32>
      %div3A_59 = arith.divf %reduce_sum3A_56, %div3A_58 : vector<256x64xf32>
      %concatenate3A_60 = tpu.concatenate %reduce_max3A_55, %div3A_59 in 1 : vector<256x64xf32>, vector<256x64xf32> -> vector<256x128xf32>
      %swap3A = arith.constant 0 : index
      %swap3A_61 = arith.constant 0 : index
      %swap3A_62 = arith.constant 0 : index
      %swap3A_63 = vector.load %arg6[%swap3A, %swap3A_61, %swap3A_62] : memref<1x256x128xf32, #tpu.memory_space<vmem>>, vector<1x256x128xf32>
      %swap3A_64 = vector.shape_cast %swap3A_63 : vector<1x256x128xf32> to vector<256x128xf32>
      %swap3A_65 = vector.shape_cast %concatenate3A_60 : vector<256x128xf32> to vector<1x256x128xf32>
      tpu.vector_store %arg6[%swap3A, %swap3A_61, %swap3A_62], %swap3A_65 {strides = array<i32>} : memref<1x256x128xf32, #tpu.memory_space<vmem>>, vector<1x256x128xf32>,
    } else {
    }
    return
  }
  func.func @transform_0(%arg0: i32, %arg1: i32, %arg2: i32) -> (i32, i32, i32) {
    %mul3A = arith.constant 8 : i32
    %mul3A_0 = arith.muli %arg1, %mul3A : i32
    %add3A = arith.addi %mul3A_0, %arg2 : i32
    %c0_i32 = arith.constant 0 : i32
    %c0_i32_1 = arith.constant 0 : i32
    %c0_i32_2 = arith.constant 0 : i32
    return %add3A, %c0_i32, %c0_i32_1 : i32, i32, i32
  }
  func.func @transform_1(%arg0: i32, %arg1: i32, %arg2: i32) -> (i32, i32, i32) {
    %c0_i32 = arith.constant 0 : i32
    %c0_i32_0 = arith.constant 0 : i32
    return %arg1, %arg2, %c0_i32 : i32, i32, i32
  }
  func.func @transform_2(%arg0: i32, %arg1: i32, %arg2: i32) -> (i32, i32) {
    %c0_i32 = arith.constant 0 : i32
    %c0_i32_0 = arith.constant 0 : i32
    %c0_i32_1 = arith.constant 0 : i32
    return %c0_i32, %c0_i32_0 : i32, i32
  }
  func.func @transform_3(%arg0: i32, %arg1: i32, %arg2: i32) -> (i32, i32, i32) {
    %c0_i32 = arith.constant 0 : i32
    %c0_i32_0 = arith.constant 0 : i32
    return %arg1, %arg2, %c0_i32 : i32, i32, i32
  }
}

module attributes {stable_mosaic.version = 14 : i64} {
  func.func @_ohe_body(%arg0: memref<4x16xf32, #tpu.memory_space<vmem>>, %arg1: memref<16x128xf32, #tpu.memory_space<vmem>>, %arg2: memref<4x128xf32, #tpu.memory_space<vmem>>) attributes {dimension_semantics = [], scalar_prefetch = 0 : i64, scratch_operands = 0 : i64, tpu.core_type = #tpu.core_type<tc>} {
    %get3A = arith.constant 0 : index
    %get3A_0 = arith.constant 0 : index
    %get3A_1 = vector.load %arg0[%get3A, %get3A_0] : memref<4x16xf32, #tpu.memory_space<vmem>>, vector<4x16xf32>
    %get3A_2 = arith.constant 0 : index
    %get3A_3 = arith.constant 0 : index
    %get3A_4 = vector.load %arg1[%get3A_2, %get3A_3] : memref<16x128xf32, #tpu.memory_space<vmem>>, vector<16x128xf32>
    %convert_element_type3A = arith.truncf %get3A_1 : vector<4x16xf32> to vector<4x16xbf16>
    %convert_element_type3A_5 = arith.truncf %get3A_4 : vector<16x128xf32> to vector<16x128xbf16>
    %dot_general3A = arith.constant dense<0.000000e+00> : vector<4x128xf32>
    %dot_general3A_6 = tpu.matmul %convert_element_type3A, %convert_element_type3A_5, %dot_general3A {dimension_numbers = #tpu.dot_dimension_numbers<[1], [0], [0], [1], [0, 0, 1, 1], [], []>, transpose_lhs_hint = false} : vector<4x16xbf16>, vector<16x128xbf16>, vector<4x128xf32> -> vector<4x128xf32>
    %reduce_sum3A = arith.constant dense<0.000000e+00> : vector<128xf32>
    %reduce_sum3A_7 = vector.multi_reduction <add>, %dot_general3A_6, %reduce_sum3A [0] : vector<4x128xf32> to vector<128xf32>
    %broadcast_in_dim3A = vector.shape_cast %reduce_sum3A_7 : vector<128xf32> to vector<1x128xf32>
    %div3A = arith.constant 4.000000e+00 : f32
    %div3A_8 = vector.broadcast %div3A : f32 to vector<1x128xf32>
    %div3A_9 = arith.divf %broadcast_in_dim3A, %div3A_8 : vector<1x128xf32>
    %mul3A = arith.mulf %dot_general3A_6, %dot_general3A_6 : vector<4x128xf32>
    %reduce_sum3A_10 = arith.constant dense<0.000000e+00> : vector<128xf32>
    %reduce_sum3A_11 = vector.multi_reduction <add>, %mul3A, %reduce_sum3A_10 [0] : vector<4x128xf32> to vector<128xf32>
    %broadcast_in_dim3A_12 = vector.shape_cast %reduce_sum3A_11 : vector<128xf32> to vector<1x128xf32>
    %div3A_13 = arith.constant 4.000000e+00 : f32
    %div3A_14 = vector.broadcast %div3A_13 : f32 to vector<1x128xf32>
    %div3A_15 = arith.divf %broadcast_in_dim3A_12, %div3A_14 : vector<1x128xf32>
    %mul3A_16 = arith.mulf %div3A_9, %div3A_9 : vector<1x128xf32>
    %sub3A = arith.subf %div3A_15, %mul3A_16 : vector<1x128xf32>
    %sub3A_17 = vector.broadcast %div3A_9 : vector<1x128xf32> to vector<4x128xf32>
    %sub3A_18 = arith.subf %dot_general3A_6, %sub3A_17 : vector<4x128xf32>
    %add3A = arith.constant 9.99999974E-6 : f32
    %add3A_19 = vector.broadcast %add3A : f32 to vector<1x128xf32>
    %add3A_20 = arith.addf %sub3A, %add3A_19 : vector<1x128xf32>
    %rsqrt3A = math.rsqrt %add3A_20 : vector<1x128xf32>
    %mul3A_21 = vector.broadcast %rsqrt3A : vector<1x128xf32> to vector<4x128xf32>
    %mul3A_22 = arith.mulf %sub3A_18, %mul3A_21 : vector<4x128xf32>
    %max3A = arith.constant 0.000000e+00 : f32
    %max3A_23 = vector.broadcast %max3A : f32 to vector<4x128xf32>
    %max3A_24 = arith.maximumf %mul3A_22, %max3A_23 : vector<4x128xf32>
    %swap3A = arith.constant 0 : index
    %swap3A_25 = arith.constant 0 : index
    %swap3A_26 = vector.load %arg2[%swap3A, %swap3A_25] : memref<4x128xf32, #tpu.memory_space<vmem>>, vector<4x128xf32>
    tpu.vector_store %arg2[%swap3A, %swap3A_25], %max3A_24 {strides = array<i32>} : memref<4x128xf32, #tpu.memory_space<vmem>>, vector<4x128xf32>,
    return
  }
}

module attributes {stable_mosaic.version = 14 : i64} {
  func.func @_mlp_body(%arg0: i32, %arg1: i32, %arg2: i32, %arg3: memref<1x256x64xf32, #tpu.memory_space<vmem>>, %arg4: memref<1x256x64xf32, #tpu.memory_space<vmem>>, %arg5: memref<1x256x64xf32, #tpu.memory_space<vmem>>, %arg6: memref<192x1024xf32, #tpu.memory_space<vmem>>, %arg7: memref<1x256x1024xf32, #tpu.memory_space<vmem>>, %arg8: memref<1x8x1024xf32, #tpu.memory_space<vmem>>, %arg9: memref<1x1024xf32, #tpu.memory_space<vmem>>, %arg10: memref<1x1024xf32, #tpu.memory_space<vmem>>, %arg11: memref<1x1024xf32, #tpu.memory_space<vmem>>) attributes {dimension_semantics = [#tpu.dimension_semantics<arbitrary>, #tpu.dimension_semantics<arbitrary>, #tpu.dimension_semantics<arbitrary>], iteration_bounds = array<i64: 2, 4, 8>, scalar_prefetch = 0 : i64, scratch_operands = 3 : i64, tpu.core_type = #tpu.core_type<tc>, window_params = [{transform_indices = @transform_0, window_bounds = array<i64: 1, 256, 64>}, {transform_indices = @transform_1, window_bounds = array<i64: 1, 256, 64>}, {transform_indices = @transform_2, window_bounds = array<i64: 1, 256, 64>}, {pipeline_mode = #tpu.pipeline_mode<synchronous>, transform_indices = @transform_3, window_bounds = array<i64: 192, 1024>}, {transform_indices = @transform_4, window_bounds = array<i64: 1, 256, 1024>}, {transform_indices = @transform_5, window_bounds = array<i64: 1, 8, 1024>}]} {
    %eq3A = arith.constant 0 : i32
    %eq3A_0 = arith.cmpi eq, %arg0, %eq3A : i32
    %eq3A_1 = arith.constant 0 : i32
    %eq3A_2 = arith.cmpi eq, %arg1, %eq3A_1 : i32
    %and3A = arith.andi %eq3A_0, %eq3A_2 : i1
    %eq3A_3 = arith.constant 0 : i32
    %eq3A_4 = arith.cmpi eq, %arg2, %eq3A_3 : i32
    %and3A_5 = arith.andi %and3A, %eq3A_4 : i1
    %convert_element_type3A = arith.extui %and3A_5 : i1 to i32
    %cond3A = arith.constant 0 : i32
    %cond3A_6 = arith.cmpi ne, %convert_element_type3A, %cond3A : i32
    scf.if %cond3A_6 {
      %broadcast_in_dim3A = arith.constant 0.000000e+00 : f32
      %broadcast_in_dim3A_37 = vector.broadcast %broadcast_in_dim3A : f32 to vector<1x1024xf32>
      %swap3A = arith.constant 0 : index
      %swap3A_38 = arith.constant 0 : index
      %swap3A_39 = vector.load %arg9[%swap3A, %swap3A_38] : memref<1x1024xf32, #tpu.memory_space<vmem>>, vector<1x1024xf32>
      tpu.vector_store %arg9[%swap3A, %swap3A_38], %broadcast_in_dim3A_37 {strides = array<i32>} : memref<1x1024xf32, #tpu.memory_space<vmem>>, vector<1x1024xf32>,
      %broadcast_in_dim3A_40 = arith.constant 0.000000e+00 : f32
      %broadcast_in_dim3A_41 = vector.broadcast %broadcast_in_dim3A_40 : f32 to vector<1x1024xf32>
      %swap3A_42 = arith.constant 0 : index
      %swap3A_43 = arith.constant 0 : index
      %swap3A_44 = vector.load %arg10[%swap3A_42, %swap3A_43] : memref<1x1024xf32, #tpu.memory_space<vmem>>, vector<1x1024xf32>
      tpu.vector_store %arg10[%swap3A_42, %swap3A_43], %broadcast_in_dim3A_41 {strides = array<i32>} : memref<1x1024xf32, #tpu.memory_space<vmem>>, vector<1x1024xf32>,
    } else {
    }
    %get3A = arith.constant 0 : index
    %get3A_7 = arith.constant 0 : index
    %get3A_8 = arith.constant 0 : index
    %get3A_9 = vector.load %arg3[%get3A, %get3A_7, %get3A_8] : memref<1x256x64xf32, #tpu.memory_space<vmem>>, vector<1x256x64xf32>
    %get3A_10 = vector.shape_cast %get3A_9 : vector<1x256x64xf32> to vector<256x64xf32>
    %get3A_11 = arith.constant 0 : index
    %get3A_12 = arith.constant 0 : index
    %get3A_13 = arith.constant 0 : index
    %get3A_14 = vector.load %arg4[%get3A_11, %get3A_12, %get3A_13] : memref<1x256x64xf32, #tpu.memory_space<vmem>>, vector<1x256x64xf32>
    %get3A_15 = vector.shape_cast %get3A_14 : vector<1x256x64xf32> to vector<256x64xf32>
    %get3A_16 = arith.constant 0 : index
    %get3A_17 = arith.constant 0 : index
    %get3A_18 = arith.constant 0 : index
    %get3A_19 = vector.load %arg5[%get3A_16, %get3A_17, %get3A_18] : memref<1x256x64xf32, #tpu.memory_space<vmem>>, vector<1x256x64xf32>
    %get3A_20 = vector.shape_cast %get3A_19 : vector<1x256x64xf32> to vector<256x64xf32>
    %concatenate3A = tpu.concatenate %get3A_10, %get3A_15, %get3A_20 in 1 : vector<256x64xf32>, vector<256x64xf32>, vector<256x64xf32> -> vector<256x192xf32>
    %get3A_21 = arith.constant 0 : index
    %get3A_22 = arith.constant 0 : index
    %get3A_23 = vector.load %arg6[%get3A_21, %get3A_22] : memref<192x1024xf32, #tpu.memory_space<vmem>>, vector<192x1024xf32>
    %convert_element_type3A_24 = arith.truncf %concatenate3A : vector<256x192xf32> to vector<256x192xbf16>
    %convert_element_type3A_25 = arith.truncf %get3A_23 : vector<192x1024xf32> to vector<192x1024xbf16>
    %dot_general3A = arith.constant dense<0.000000e+00> : vector<256x1024xf32>
    %dot_general3A_26 = tpu.matmul %convert_element_type3A_24, %convert_element_type3A_25, %dot_general3A {dimension_numbers = #tpu.dot_dimension_numbers<[1], [0], [0], [1], [0, 0, 1, 1], [], []>, transpose_lhs_hint = false} : vector<256x192xbf16>, vector<192x1024xbf16>, vector<256x1024xf32> -> vector<256x1024xf32>
    %eq3A_27 = arith.constant 0 : i32
    %eq3A_28 = arith.cmpi eq, %arg0, %eq3A_27 : i32
    %convert_element_type3A_29 = arith.extui %eq3A_28 : i1 to i32
    %cond3A_30 = arith.constant 0 : i32
    %cond3A_31 = arith.cmpi ne, %convert_element_type3A_29, %cond3A_30 : i32
    scf.if %cond3A_31 {
      %get3A_37 = arith.constant 0 : index
      %get3A_38 = arith.constant 0 : index
      %get3A_39 = vector.load %arg9[%get3A_37, %get3A_38] : memref<1x1024xf32, #tpu.memory_space<vmem>>, vector<1x1024xf32>
      %reduce_sum3A = arith.constant dense<0.000000e+00> : vector<1024xf32>
      %reduce_sum3A_40 = vector.multi_reduction <add>, %dot_general3A_26, %reduce_sum3A [0] : vector<256x1024xf32> to vector<1024xf32>
      %reshape3A = vector.shape_cast %reduce_sum3A_40 : vector<1024xf32> to vector<1x1024xf32>
      %add3A = arith.addf %get3A_39, %reshape3A : vector<1x1024xf32>
      %swap3A = arith.constant 0 : index
      %swap3A_41 = arith.constant 0 : index
      %swap3A_42 = vector.load %arg9[%swap3A, %swap3A_41] : memref<1x1024xf32, #tpu.memory_space<vmem>>, vector<1x1024xf32>
      tpu.vector_store %arg9[%swap3A, %swap3A_41], %add3A {strides = array<i32>} : memref<1x1024xf32, #tpu.memory_space<vmem>>, vector<1x1024xf32>,
      %get3A_43 = arith.constant 0 : index
      %get3A_44 = arith.constant 0 : index
      %get3A_45 = vector.load %arg10[%get3A_43, %get3A_44] : memref<1x1024xf32, #tpu.memory_space<vmem>>, vector<1x1024xf32>
      %mul3A = arith.mulf %dot_general3A_26, %dot_general3A_26 : vector<256x1024xf32>
      %reduce_sum3A_46 = arith.constant dense<0.000000e+00> : vector<1024xf32>
      %reduce_sum3A_47 = vector.multi_reduction <add>, %mul3A, %reduce_sum3A_46 [0] : vector<256x1024xf32> to vector<1024xf32>
      %reshape3A_48 = vector.shape_cast %reduce_sum3A_47 : vector<1024xf32> to vector<1x1024xf32>
      %add3A_49 = arith.addf %get3A_45, %reshape3A_48 : vector<1x1024xf32>
      %swap3A_50 = arith.constant 0 : index
      %swap3A_51 = arith.constant 0 : index
      %swap3A_52 = vector.load %arg10[%swap3A_50, %swap3A_51] : memref<1x1024xf32, #tpu.memory_space<vmem>>, vector<1x1024xf32>
      tpu.vector_store %arg10[%swap3A_50, %swap3A_51], %add3A_49 {strides = array<i32>} : memref<1x1024xf32, #tpu.memory_space<vmem>>, vector<1x1024xf32>,
    } else {
    }
    %eq3A_32 = arith.constant 1 : i32
    %eq3A_33 = arith.cmpi eq, %arg0, %eq3A_32 : i32
    %convert_element_type3A_34 = arith.extui %eq3A_33 : i1 to i32
    %cond3A_35 = arith.constant 0 : i32
    %cond3A_36 = arith.cmpi ne, %convert_element_type3A_34, %cond3A_35 : i32
    scf.if %cond3A_36 {
      %get3A_37 = arith.constant 0 : index
      %get3A_38 = arith.constant 0 : index
      %get3A_39 = vector.load %arg9[%get3A_37, %get3A_38] : memref<1x1024xf32, #tpu.memory_space<vmem>>, vector<1x1024xf32>
      %div3A = arith.constant 8.192000e+03 : f32
      %div3A_40 = vector.broadcast %div3A : f32 to vector<1x1024xf32>
      %div3A_41 = arith.divf %get3A_39, %div3A_40 : vector<1x1024xf32>
      %get3A_42 = arith.constant 0 : index
      %get3A_43 = arith.constant 0 : index
      %get3A_44 = vector.load %arg10[%get3A_42, %get3A_43] : memref<1x1024xf32, #tpu.memory_space<vmem>>, vector<1x1024xf32>
      %div3A_45 = arith.constant 8.192000e+03 : f32
      %div3A_46 = vector.broadcast %div3A_45 : f32 to vector<1x1024xf32>
      %div3A_47 = arith.divf %get3A_44, %div3A_46 : vector<1x1024xf32>
      %mul3A = arith.mulf %div3A_41, %div3A_41 : vector<1x1024xf32>
      %sub3A = arith.subf %div3A_47, %mul3A : vector<1x1024xf32>
      %sub3A_48 = vector.broadcast %div3A_41 : vector<1x1024xf32> to vector<256x1024xf32>
      %sub3A_49 = arith.subf %dot_general3A_26, %sub3A_48 : vector<256x1024xf32>
      %add3A = arith.constant 9.99999974E-6 : f32
      %add3A_50 = vector.broadcast %add3A : f32 to vector<1x1024xf32>
      %add3A_51 = arith.addf %sub3A, %add3A_50 : vector<1x1024xf32>
      %rsqrt3A = math.rsqrt %add3A_51 : vector<1x1024xf32>
      %mul3A_52 = vector.broadcast %rsqrt3A : vector<1x1024xf32> to vector<256x1024xf32>
      %mul3A_53 = arith.mulf %sub3A_49, %mul3A_52 : vector<256x1024xf32>
      %max3A = arith.constant 0.000000e+00 : f32
      %max3A_54 = vector.broadcast %max3A : f32 to vector<256x1024xf32>
      %max3A_55 = arith.maximumf %mul3A_53, %max3A_54 : vector<256x1024xf32>
      %swap3A = arith.constant 0 : index
      %swap3A_56 = arith.constant 0 : index
      %swap3A_57 = arith.constant 0 : index
      %swap3A_58 = vector.load %arg7[%swap3A, %swap3A_56, %swap3A_57] : memref<1x256x1024xf32, #tpu.memory_space<vmem>>, vector<1x256x1024xf32>
      %swap3A_59 = vector.shape_cast %swap3A_58 : vector<1x256x1024xf32> to vector<256x1024xf32>
      %swap3A_60 = vector.shape_cast %max3A_55 : vector<256x1024xf32> to vector<1x256x1024xf32>
      tpu.vector_store %arg7[%swap3A, %swap3A_56, %swap3A_57], %swap3A_60 {strides = array<i32>} : memref<1x256x1024xf32, #tpu.memory_space<vmem>>, vector<1x256x1024xf32>,
      %eq3A_61 = arith.constant 0 : i32
      %eq3A_62 = arith.cmpi eq, %arg2, %eq3A_61 : i32
      %convert_element_type3A_63 = arith.extui %eq3A_62 : i1 to i32
      %cond3A_64 = arith.constant 0 : i32
      %cond3A_65 = arith.cmpi ne, %convert_element_type3A_63, %cond3A_64 : i32
      scf.if %cond3A_65 {
        %broadcast_in_dim3A = arith.constant 0xFF800000 : f32
        %broadcast_in_dim3A_79 = vector.broadcast %broadcast_in_dim3A : f32 to vector<1x1024xf32>
        %swap3A_80 = arith.constant 0 : index
        %swap3A_81 = arith.constant 0 : index
        %swap3A_82 = vector.load %arg11[%swap3A_80, %swap3A_81] : memref<1x1024xf32, #tpu.memory_space<vmem>>, vector<1x1024xf32>
        tpu.vector_store %arg11[%swap3A_80, %swap3A_81], %broadcast_in_dim3A_79 {strides = array<i32>} : memref<1x1024xf32, #tpu.memory_space<vmem>>, vector<1x1024xf32>,
      } else {
      }
      %get3A_66 = arith.constant 0 : index
      %get3A_67 = arith.constant 0 : index
      %get3A_68 = vector.load %arg11[%get3A_66, %get3A_67] : memref<1x1024xf32, #tpu.memory_space<vmem>>, vector<1x1024xf32>
      %reduce_max3A = arith.constant dense<0xFF800000> : vector<1024xf32>
      %reduce_max3A_69 = vector.multi_reduction <maximumf>, %max3A_55, %reduce_max3A [0] : vector<256x1024xf32> to vector<1024xf32>
      %reshape3A = vector.shape_cast %reduce_max3A_69 : vector<1024xf32> to vector<1x1024xf32>
      %max3A_70 = arith.maximumf %get3A_68, %reshape3A : vector<1x1024xf32>
      %swap3A_71 = arith.constant 0 : index
      %swap3A_72 = arith.constant 0 : index
      %swap3A_73 = vector.load %arg11[%swap3A_71, %swap3A_72] : memref<1x1024xf32, #tpu.memory_space<vmem>>, vector<1x1024xf32>
      tpu.vector_store %arg11[%swap3A_71, %swap3A_72], %max3A_70 {strides = array<i32>} : memref<1x1024xf32, #tpu.memory_space<vmem>>, vector<1x1024xf32>,
      %eq3A_74 = arith.constant 7 : i32
      %eq3A_75 = arith.cmpi eq, %arg2, %eq3A_74 : i32
      %convert_element_type3A_76 = arith.extui %eq3A_75 : i1 to i32
      %cond3A_77 = arith.constant 0 : i32
      %cond3A_78 = arith.cmpi ne, %convert_element_type3A_76, %cond3A_77 : i32
      scf.if %cond3A_78 {
        %get3A_79 = arith.constant 0 : index
        %get3A_80 = arith.constant 0 : index
        %get3A_81 = vector.load %arg11[%get3A_79, %get3A_80] : memref<1x1024xf32, #tpu.memory_space<vmem>>, vector<1x1024xf32>
        %broadcast_in_dim3A = vector.shape_cast %get3A_81 : vector<1x1024xf32> to vector<1x1024xf32>
        %broadcast_in_dim3A_82 = vector.broadcast %broadcast_in_dim3A : vector<1x1024xf32> to vector<8x1024xf32>
        %swap3A_83 = arith.constant 0 : index
        %swap3A_84 = arith.constant 0 : index
        %swap3A_85 = arith.constant 0 : index
        %swap3A_86 = vector.load %arg8[%swap3A_83, %swap3A_84, %swap3A_85] : memref<1x8x1024xf32, #tpu.memory_space<vmem>>, vector<1x8x1024xf32>
        %swap3A_87 = vector.shape_cast %swap3A_86 : vector<1x8x1024xf32> to vector<8x1024xf32>
        %swap3A_88 = vector.shape_cast %broadcast_in_dim3A_82 : vector<8x1024xf32> to vector<1x8x1024xf32>
        tpu.vector_store %arg8[%swap3A_83, %swap3A_84, %swap3A_85], %swap3A_88 {strides = array<i32>} : memref<1x8x1024xf32, #tpu.memory_space<vmem>>, vector<1x8x1024xf32>,
      } else {
      }
    } else {
    }
    return
  }
  func.func @transform_0(%arg0: i32, %arg1: i32, %arg2: i32) -> (i32, i32, i32) {
    %c0_i32 = arith.constant 0 : i32
    %c0_i32_0 = arith.constant 0 : i32
    return %arg1, %arg2, %c0_i32 : i32, i32, i32
  }
  func.func @transform_1(%arg0: i32, %arg1: i32, %arg2: i32) -> (i32, i32, i32) {
    %c0_i32 = arith.constant 0 : i32
    %c0_i32_0 = arith.constant 0 : i32
    return %arg1, %arg2, %c0_i32 : i32, i32, i32
  }
  func.func @transform_2(%arg0: i32, %arg1: i32, %arg2: i32) -> (i32, i32, i32) {
    %c0_i32 = arith.constant 0 : i32
    %c0_i32_0 = arith.constant 0 : i32
    return %arg1, %arg2, %c0_i32 : i32, i32, i32
  }
  func.func @transform_3(%arg0: i32, %arg1: i32, %arg2: i32) -> (i32, i32) {
    %c0_i32 = arith.constant 0 : i32
    %c0_i32_0 = arith.constant 0 : i32
    %c0_i32_1 = arith.constant 0 : i32
    return %c0_i32, %c0_i32_0 : i32, i32
  }
  func.func @transform_4(%arg0: i32, %arg1: i32, %arg2: i32) -> (i32, i32, i32) {
    %c0_i32 = arith.constant 0 : i32
    %c0_i32_0 = arith.constant 0 : i32
    return %arg1, %arg2, %c0_i32 : i32, i32, i32
  }
  func.func @transform_5(%arg0: i32, %arg1: i32, %arg2: i32) -> (i32, i32, i32) {
    %c0_i32 = arith.constant 0 : i32
    %c0_i32_0 = arith.constant 0 : i32
    %c0_i32_1 = arith.constant 0 : i32
    return %arg1, %c0_i32, %c0_i32_0 : i32, i32, i32
  }
}

</mosaic_0001>

<sc_bundles>
// kernel: kernel.22.cloned.1.call-start
scs
__scs_entry_jumppad:
0x0: {  	(pc) =	sbr.rel $0x88, $3  }
0x1: {  	(tag) =	ssettag $0x0;
	lr =	simm.s32 $0x1  }
0x2: {  	[smem:$0x3F8F] =	sst lr;
	_ =	strace $0xD0000000  }
0x3: {  	_ = 	snop  }
0x4: {  	_ = 	snop  }
0x5: {  	_ = 	snop  }
0x6: {  	_ = 	snop  }
0x7: {  	_ = 	snop  }
__scs_overlays_trampoline_lowered:
0x8: {  	[smem:$0x3F9E] =	sst s0  }
0x9: {  	[smem:$0x3F9F] =	sst s1  }
0xa: {  	[smem:$0x3FA0] =	sst s2  }
0xb: {  	[smem:$0x3FA1] =	sst s3  }
0xc: {  	[smem:$0x3FA2] =	sst s4  }
0xd: {  	[smem:$0x3FA3] =	sst s5  }
0xe: {  	[smem:$0x3FA4] =	sst s6  }
0xf: {  	[smem:$0x3FA5] =	sst s7  }
0x10: {  	[smem:$0x3FA6] =	sst s8  }
0x11: {  	[smem:$0x3FA7] =	sst s9;
	s0 =	simm.s32 @!p0 $0x0  }
0x12: {  	s1 =	sld [smem:$0x3F8D];
	s0 =	simm.s32 @p0 $0x1  }
0x13: {  	[smem:$0x3FA8] =	sst s0;
	s0 =	simm.s32 @!p1 $0x0  }
0x14: {  	s2 =	sld [smem:$0x3F8C];
	s0 =	simm.s32 @p1 $0x1  }
0x15: {  	[smem:$0x3FA9] =	sst s0;
	s0 =	simm.s32 @!p2 $0x0  }
0x16: {  	s3 =	sld [smem:$0x3FDB];
	s0 =	simm.s32 @p2 $0x1  }
0x17: {  	s4 =	simm.s32 $0x1BF5;
	[smem:$0x3FAB] =	sst s0  }
0x18: {  	s0 =	sld [smem:$0x3F8E];
	_ =	swait.ge [sflag:s4], $0x0  }
0x19: {  	s7 =	sld [smem:$0x3F8F]  }
0x1a: {  	s8 =	sadd.s32 $0xFFFFE003, lr  }
0x1b: {  	s9 =	sadd.s32 $0xFFFFFEF7, lr;
	s5 =	simm.s32 $0xFFFFFFFF;
	p2 =	slt.u32 s8, $0xFFFFF086  }
0x1c: {  	p1 =	slt.u32 s9, $0xF7A;
	s5 =	simm.s32 @!p2 $0x0  }
0x1d: {  	s5 =	simm.s32 @p1 $0x1;
	p0 =	seq.s32 s7, s2  }
0x1e: {  	s7 =	smul.u32 @!p0 $0xF7A, s2;
	p2 =	seq.s32 @!p0 s5, $0x0  }
0x1f: {  	s9 =	smul.u32 $0xF7A, s1;
	s8 =	simm.s32 @!p0 $0x1BF5;
	p2 =	por !p2, p0  }
0x20: {  	[sflag:s8] =	ssyncset.s32 @!p0 $0xFFFFF086;
	s6 =	sadd.s32 @!p0 s3, s7;
	s7 =	simm.s32 @!p0 $0x108  }
0x21: {  	s3 =	sadd.s32 s3, s9;
	s6 =	sadd.s32 @!p0 $0x88, s6;
	s7 =	simm.s32 @p2 $0x1082  }
0x22: {  	[simem:s7], [sflag:s8] =	dma.local @!p0 [hbm:s6], $0xF7A  }
0x23: {  	s9 =	sor.u32 $0xD0000000, s2;
	s6 =	simm.s32 $0x108;
	_ =	swait.ge @!p0 [sflag:s8], $0x0  }
0x24: {  	s3 =	sadd.s32 $0x88, s3;
	s6 =	simm.s32 @!p1 $0x1082;
	[sflag:s4] =	ssyncset.s32 $0xFFFFF086  }
0x25: {  	[simem:s6], [sflag:s4] =	dma.local [hbm:s3], $0xF7A  }
0x26: {  	[smem:$0x3F8F] =	sst s1;
	(tag) =	ssettag s2;
	_ =	strace s9  }
0x27: {  	s1 =	sld [smem:$0x3F9F]  }
0x28: {  	s2 =	sld [smem:$0x3FA0]  }
0x29: {  	s4 =	sld [smem:$0x3FA2]  }
0x2a: {  	p0 =	seq.s32 s5, $0x0;
	s5 =	sld [smem:$0x3FA3]  }
0x2b: {  	s6 =	sld [smem:$0x3FA4]  }
0x2c: {  	s7 =	sld [smem:$0x3FA5]  }
0x2d: {  	s3 =	simm.s32 $0x108;
	s8 =	sld [smem:$0x3FA6]  }
0x2e: {  	s3 =	simm.s32 @!p0 $0x1082;
	s9 =	sld [smem:$0x3FA7]  }
0x2f: {  	lr =	sadd.s32 s0, s3;
	s0 =	sld [smem:$0x3F9E]  }
0x30: {  	s3 =	sld [smem:$0x3FA1]  }
0x31: {  	[smem:$0x3FAA] =	sst s10  }
0x32: {  	s10 =	sld [smem:$0x3FA8];
	_ =	sdelay $0x3  }
0x33: {  	p0 =	seq.s32 s10, $0x1;
	s10 =	sld [smem:$0x3FAA];
	_ =	sdelay $0x3  }
0x34: {  	[smem:$0x3FAA] =	sst s10  }
0x35: {  	s10 =	sld [smem:$0x3FA9];
	_ =	sdelay $0x3  }
0x36: {  	p1 =	seq.s32 s10, $0x1;
	s10 =	sld [smem:$0x3FAA];
	_ =	sdelay $0x3  }
0x37: {  	[smem:$0x3FAA] =	sst s10  }
0x38: {  	s10 =	sld [smem:$0x3FAB]  }
0x39: {  	_ = 	snop;
	(pc) =	sbr.ind lr, $3  }
0x3a: {  	_ = 	snop  }
0x3b: {  	_ = 	snop  }
0x3c: {  	p2 =	seq.s32 s10, $0x1;
	s10 =	sld [smem:$0x3FAA]  }
0x3d: {  	_ =	shalt  }
0x3e: {  	_ =	shalt  }
0x3f: {  	_ =	shalt  }
0x40: {  	_ =	shalt  }
0x41: {  	_ =	shalt  }
0x42: {  	_ =	shalt  }
0x43: {  	_ =	shalt  }
0x44: {  	_ =	shalt  }
0x45: {  	_ =	shalt  }
0x46: {  	_ =	shalt  }
0x47: {  	_ =	shalt  }
0x48: {  	_ =	shalt  }
0x49: {  	_ =	shalt  }
0x4a: {  	_ =	shalt  }
0x4b: {  	_ =	shalt  }
0x4c: {  	_ =	shalt  }
0x4d: {  	_ =	shalt  }
0x4e: {  	_ =	shalt  }
0x4f: {  	_ =	shalt  }
0x50: {  	_ =	shalt  }
0x51: {  	_ =	shalt  }
0x52: {  	_ =	shalt  }
0x53: {  	_ =	shalt  }
0x54: {  	_ =	shalt  }
0x55: {  	_ =	shalt  }
0x56: {  	_ =	shalt  }
0x57: {  	_ =	shalt  }
0x58: {  	_ =	shalt  }
0x59: {  	_ =	shalt  }
0x5a: {  	_ =	shalt  }
0x5b: {  	_ =	shalt  }
0x5c: {  	_ =	shalt  }
0x5d: {  	_ =	shalt  }
0x5e: {  	_ =	shalt  }
0x5f: {  	_ =	shalt  }
0x60: {  	_ =	shalt  }
0x61: {  	_ =	shalt  }
0x62: {  	_ =	shalt  }
0x63: {  	_ =	shalt  }
0x64: {  	_ =	shalt  }
0x65: {  	_ =	shalt  }
0x66: {  	_ =	shalt  }
0x67: {  	_ =	shalt  }
0x68: {  	_ =	shalt  }
0x69: {  	_ =	shalt  }
0x6a: {  	_ =	shalt  }
0x6b: {  	_ =	shalt  }
0x6c: {  	_ =	shalt  }
0x6d: {  	_ =	shalt  }
0x6e: {  	_ =	shalt  }
0x6f: {  	_ =	shalt  }
0x70: {  	_ =	shalt  }
0x71: {  	_ =	shalt  }
0x72: {  	_ =	shalt  }
0x73: {  	_ =	shalt  }
0x74: {  	_ =	shalt  }
0x75: {  	_ =	shalt  }
0x76: {  	_ =	shalt  }
0x77: {  	_ =	shalt  }
0x78: {  	_ =	shalt  }
0x79: {  	_ =	shalt  }
0x7a: {  	_ =	shalt  }
0x7b: {  	_ =	shalt  }
0x7c: {  	_ =	shalt  }
0x7d: {  	_ =	shalt  }
0x7e: {  	_ =	shalt  }
0x7f: {  	_ =	shalt  }
0x80: {  	_ =	shalt  }
0x81: {  	_ =	shalt  }
0x82: {  	_ =	shalt  }
0x83: {  	_ =	shalt  }
0x84: {  	_ =	shalt  }
0x85: {  	_ =	shalt  }
0x86: {  	_ =	shalt  }
0x87: {  	_ =	shalt  }
.Lfunc_end0:
.L_simem_size_0:
called_computation.1_lowered:
.L_overlay_start_0:
0x88: {  	s2 =	sld [smem:$0x3FD9]  }
0x89: {  	s3 =	sld [smem:$0x3FFE];
	_ =	sdelay $0x1  }
0x8a: {  	s1 =	srdreg.scid  }
0x8b: {  	s0 =	sand.u32 $0x1, s1  }
0x8c: {  	s14 =	sshll.u32 s0, $0xA;
	s2 =	sadd.s32 s3, s2  }
0x8d: {  	s2 =	sadd.s32 s2, s14  }
0x8e: {  	[smem:$0x3FB6] =	sst s2  }
0x8f: {  	_ = 	snop  }
0x90: {  	s2 =	sld [smem:$0x3FD0];
	_ =	sdelay $0x2  }
0x91: {  	s15 =	simm.s32 $0xA;
	s4 =	simm.s32 $0x10  }
0x92: {  	[smem:s4], [sflag:s15] =	dma.local [hbm:s2], $0x1  }
0x93: {  	_ =	swait.eq [sflag:s15], $0x1  }
0x94: {  	[sflag:s15] =	ssyncset.done $0x0  }
0x95: {  	[sflag:s15] =	ssyncadd.s32 $0xFFFFFFFF  }
0x96: {  	s16 =	sld [smem:$0x11];
	(tm) =	ssettm $0x1  }
0x97: {  	s17 =	sld [smem:$0x3FFB];
	_ =	sdelay $0x3  }
0x98: {  	_ =	strace s17  }
0x99: {  	s3 =	sld [smem:$0x3FFC];
	_ =	sdelay $0x3  }
0x9a: {  	_ =	strace s3  }
0x9b: {  	s3 =	sld [smem:$0x3FFD];
	_ =	sdelay $0x3  }
0x9c: {  	_ =	strace s3  }
0x9d: {  	_ =	strace $0x8FFFFFFF  }
0x9e: {  	s18 =	sld [smem:$0x3FDB];
	_ =	sdelay $0x1  }
0x9f: {  	s19 =	simm.s32 $_scs_section_size  }
0xa0: {  	s5 =	simm.s32 $_size__tile_overlayer_lowered;
	s6 =	simm.s32 $_tile_overlayer_lowered  }
0xa1: {  	s22 =	simm.s32 $0x1BFF;
	s21 =	sshll.u32 s6, $0x1;
	s3 =	sadd.s32 s19, s18  }
0xa2: {  	s7 =	simm.s32 $0x0;
	s20 =	sshll.u32 s5, $0x1;
	s5 =	sadd.s32 s21, s3  }
0xa3: {  	[timem:s7], [sflag:s22] =	dma.local [hbm:s5], s20  }
0xa4: {  	_ =	swait.ge [sflag:s22], s20  }
0xa5: {  	s4 =	ssub.s32 $0x0, s20;
	[sflag:s22] =	ssyncset.done $0x0  }
0xa6: {  	[sflag:s22] =	ssyncadd.s32 s4;
	_ =	sdelay $0x1  }
0xa7: {  	s23 =	simm.s32 $0x1B8B  }
0xa8: {  	_ =	swait.ge [sflag:s23], $0x1  }
0xa9: {  	[sflag:s23] =	ssyncset.done $0x0  }
0xaa: {  	s25 =	simm.s32 $0x1B8E;
	s24 =	sld [smem:$0x3FFE];
	[sflag:s23] =	ssyncadd.s32 $0xFFFFFFFF  }
0xab: {  	s26 =	simm.s32 $execute0_lowered;
	[smem:$0x3FD2] =	sst s25  }
0xac: {  	s5 =	sshll.u32 s26, $0x1;
	_ =	strace $0x80000046;
	[dreg:$0x1] =	wrdreg $0xFFFFFFFF  }
0xad: {  	s28 =	simm.s32 $_size_execute0_lowered;
	s3 =	sadd.s32 s3, s5;
	[dreg:$0x0] =	wrdreg $0x0  }
0xae: {  	s5 =	sshll.u32 s28, $0x1;
	[dreg:$0x2] =	wrdreg s3  }
0xaf: {  	[dreg:$0x3] =	wrdreg s5  }
0xb0: {  	[dreg:$0x4] =	wrdreg $0xC0  }
0xb1: {  	_ =	task [dreg:s7], $0x5FFFF  }
0xb2: {  	[dreg:$0x1] =	wrdreg $0xFFFFFFFF  }
0xb3: {  	[dreg:$0x0] =	wrdreg $0x60  }
0xb4: {  	[dreg:$0x2] =	wrdreg s24  }
0xb5: {  	[dreg:$0x3] =	wrdreg s16  }
0xb6: {  	[dreg:$0x4] =	wrdreg $0x9  }
0xb7: {  	_ =	task.clear_ibuf [dreg:s7], $0x5FFFF;
	_ =	strace $0x90000046  }
0xb8: {  	s29 =	simm.s32 $0x9;
	_ =	strace $0x80000048  }
0xb9: {  	_ =	swait.ge [sflag:s29], $0x1  }
0xba: {  	[sflag:s29] =	ssyncadd.s32 $0xFFFFFFFF  }
0xbb: {  	_ =	strace $0x90000048  }
0xbc: {  	_ =	sfence  }
0xbd: {  	s30 =	sld [smem:$0x0];
	_ =	sdelay $0x2  }
0xbe: {  	s31 =	sshll.u32 s1, $0xD;
	s1 =	sshrl.u32 s1, $0x2  }
0xbf: {  	s3 =	sand.u32 $0x4000, s31;
	s1 =	sadd.s32 s1, s30  }
0xc0: {  	s0 =	sor.u32 s3, s0;
	s1 =	sshll.u32 s1, $0x11  }
0xc1: {  	s0 =	sor.u32 s1, s0  }
0xc2: {  	s0 =	sadd.s32 $0x8F2B, s0  }
0xc3: {  	[sflag:s0] =	ssyncadd.remote.s32 $0x1  }
0xc4: {  	_ =	sfence.sel $0xFFFF  }
0xc5: {  	[dreg:$0x0] =	wrdreg $0xFFFFFFFF;
	(pc) =	sbr.abs _section_cstart, $3  }
0xc6: {  	[dreg:$0x1] =	wrdreg $0xFFFFFFFF  }
0xc7: {  	_ =	task.clear_ibuf [dreg:s7], $0x2FFFF;
	_ =	strace $0x9FFFFFFF  }
0xc8: {  	(tm) =	ssettm $0x7FFFFFFF  }
0xc9: {  	_ =	shalt  }
tec
execute0_lowered:
.L_overlay_start_1:
0x0: {  	(tag) =	ssettag $0x1  }
0x1: {  	s1 =	srdreg.scid;
	s0 =	stileid.u32  }
0x2: {  	s6 =	sand.u32 $0x1, s1;
	s30 =	sshll.u32 s0, $0x1  }
0x3: {  	s5 =	rddreg [dreg:$0x0];
	s8 =	sor.u32 s6, s30  }
0x4: {  	s9 =	rddreg [dreg:$0x1];
	s2 =	simm.s32 $0x0;
	s3 =	smul.u32 $0x3C0, s8  }
0x5: {  	[smem:$0x7FF] =	sst s2  }
0x6: {  	s1 =	rddreg [dreg:$0x2];
	_ =	strace $0x80000047;
	s3 =	sadd.s32 s3, s5  }
0x7: {  	s10 =	ssub.s32 $0x2, s6;
	s4 =	sadd.s32 $0x6E00, s3;
	s3 =	simm.s32 $0x2  }
0x8: {  	[tilespmem:s2], [sflag:$0x2] =	stream.linear.gather [hbm4b:s4+s2], $0x1E00, $0x38;
	[tilespmem:$0x10E00] =	vst v63  }
0x9: {  	s7 =	simm.s32 $0x1;
	s11 =	sshrl.u32 s10, $0x1;
	_ =	swait.ge [sflag:s3], $0x1E00  }
0xa: {  	s6 =	simm.s32 $0x1E00;
	s10 =	ssub.s32 s10, s11;
	[sflag:s3] =	ssyncset.done $0x0  }
0xb: {  	s5 =	sadd.s32 $0x4E00, s5;
	s31 =	smax.u32 s10, $0x1;
	[sflag:s3] =	ssyncadd.s32 $0xFFFFE200  }
0xc: {  	[tilespmem:s6], [sflag:$0x1] =	stream.indirect.gather [hbm4b:s5+s6], $0x8, s2, s6, $0xb8;
	[tilespmem:$0x10E00] =	vst v63  }
0xd: {  	s8 =	smul.u32 $0x1E00, s8;
	p0 =	sne.s32 s31, $0x1;
	_ =	swait.ge [sflag:s7], $0xF000  }
.Ltmp0:
0xe: {  	[sflag:s7] =	ssyncset.done $0x0;
	(pc) =	sbr.rel @!p0 .LBB2_2-.Ltmp0, $4  }
0xf: {  	s8 =	sadd.s32 s9, s8;
	[sflag:s7] =	ssyncadd.s32 $0xFFFF1000  }
0x10: {  	[hbm4b:s8+s2] =	stream.linear.scatter [tilespmem:s6], [sflag:$0x2], $0xF000, $0x38;
	[tilespmem:$0x10E00] =	vst v63  }
0x11: {  	_ =	swait.ge [sflag:s3], $0xF000  }
0x12: {  	s9 =	sadd.s32 $0xFFFFFFFF, s31;
	[sflag:s3] =	ssyncset.done $0x0  }
.LBB2_1:
0x13: {  	p0 =	sne.s32 s9, $0x1;
	s9 =	sadd.s32 $0xFFFFFFFF, s9;
	[sflag:s3] =	ssyncadd.s32 $0xFFFF1000  }
0x14: {  	[tilespmem:s2], [sflag:$0x2] =	stream.linear.gather [hbm4b:s4+s2], $0x1E00, $0x38;
	[tilespmem:$0x10E00] =	vst v63  }
0x15: {  	_ =	swait.ge [sflag:s3], $0x1E00  }
0x16: {  	[sflag:s3] =	ssyncset.done $0x0  }
0x17: {  	[sflag:s3] =	ssyncadd.s32 $0xFFFFE200  }
0x18: {  	[tilespmem:s6], [sflag:$0x1] =	stream.indirect.gather [hbm4b:s5+s6], $0x8, s2, s6, $0xb8;
	[tilespmem:$0x10E00] =	vst v63  }
0x19: {  	_ =	swait.ge [sflag:s7], $0xF000  }
.Ltmp1:
0x1a: {  	[sflag:s7] =	ssyncset.done $0x0;
	(pc) =	sbr.rel @p0 .LBB2_1-.Ltmp1, $4  }
0x1b: {  	[sflag:s7] =	ssyncadd.s32 $0xFFFF1000  }
0x1c: {  	[hbm4b:s8+s2] =	stream.linear.scatter [tilespmem:s6], [sflag:$0x2], $0xF000, $0x38;
	[tilespmem:$0x10E00] =	vst v63  }
0x1d: {  	_ =	swait.ge [sflag:s3], $0xF000  }
0x1e: {  	[sflag:s3] =	ssyncset.done $0x0  }
.LBB2_2:
0x1f: {  	[sflag:s3] =	ssyncadd.s32 $0xFFFF1000  }
0x20: {  	_ =	sfence.sel $0x180000  }
0x21: {  	[bflag:$0x0] =	sbarrier.arrive $0xFFFF  }
0x22: {  	p0 =	sne.s32 s0, $0x0;
	_ =	strace $0x90000047  }
0x23: {  	s0 =	sadd.s32 @!p0 $0x100000, s1;
	[bflag:$0x2] =	sbarrier.arrive $0xFFFF  }
0x24: {  	[sflag:s0] =	ssyncadd.tile.s32 @!p0 $0x1;
	_ =	shalt  }
.Lfunc_end2:
_tile_overlayer_lowered:
.L_overlay_start_2:
0x25: {  	(tag) =	ssettag $0x2  }
0x26: {  	s0 =	rddreg [dreg:$0x0];
	s2 =	stileid.u32  }
0x27: {  	s1 =	rddreg [dreg:$0x1];
	p0 =	sne.s32 s2, $0x0  }
0x28: {  	s3 =	rddreg [dreg:$0x2];
	[bflag:$0x3] =	sbarrier.arrive $0xFFFF;
	s2 =	simm.s32 @!p0 $0x1C02  }
0x29: {  	[timem:s3], [sflag:s2] =	dma.local @!p0 [hbm:s0], s1  }
0x2a: {  	s0 =	simm.s32 @!p0 $0x2  }
0x2b: {  	_ =	swait.ge @!p0 [sflag:s0], s1  }
0x2c: {  	s1 =	ssub.s32 @!p0 $0x0, s1;
	[sflag:s0] =	ssyncset.done @!p0 $0x0  }
0x2d: {  	[sflag:s0] =	ssyncadd.s32 @!p0 s1  }
0x2e: {  	[bflag:$0x3] =	sbarrier.arrive $0xFFFF  }
0x2f: {  	_ =	shalt  }

// kernel: kernel.25.cloned.1.call-start
scs
__scs_entry_jumppad:
0x0: {  	(pc) =	sbr.rel $0x88, $3  }
0x1: {  	(tag) =	ssettag $0x0;
	lr =	simm.s32 $0x1  }
0x2: {  	[smem:$0x3F8F] =	sst lr;
	_ =	strace $0xD0000000  }
0x3: {  	_ = 	snop  }
0x4: {  	_ = 	snop  }
0x5: {  	_ = 	snop  }
0x6: {  	_ = 	snop  }
0x7: {  	_ = 	snop  }
__scs_overlays_trampoline_lowered:
0x8: {  	[smem:$0x3F9E] =	sst s0  }
0x9: {  	[smem:$0x3F9F] =	sst s1  }
0xa: {  	[smem:$0x3FA0] =	sst s2  }
0xb: {  	[smem:$0x3FA1] =	sst s3  }
0xc: {  	[smem:$0x3FA2] =	sst s4  }
0xd: {  	[smem:$0x3FA3] =	sst s5  }
0xe: {  	[smem:$0x3FA4] =	sst s6  }
0xf: {  	[smem:$0x3FA5] =	sst s7  }
0x10: {  	[smem:$0x3FA6] =	sst s8  }
0x11: {  	[smem:$0x3FA7] =	sst s9;
	s0 =	simm.s32 @!p0 $0x0  }
0x12: {  	s1 =	sld [smem:$0x3F8D];
	s0 =	simm.s32 @p0 $0x1  }
0x13: {  	[smem:$0x3FA8] =	sst s0;
	s0 =	simm.s32 @!p1 $0x0  }
0x14: {  	s2 =	sld [smem:$0x3F8C];
	s0 =	simm.s32 @p1 $0x1  }
0x15: {  	[smem:$0x3FA9] =	sst s0;
	s0 =	simm.s32 @!p2 $0x0  }
0x16: {  	s3 =	sld [smem:$0x3FDB];
	s0 =	simm.s32 @p2 $0x1  }
0x17: {  	s4 =	simm.s32 $0x1BF5;
	[smem:$0x3FAB] =	sst s0  }
0x18: {  	s0 =	sld [smem:$0x3F8E];
	_ =	swait.ge [sflag:s4], $0x0  }
0x19: {  	s7 =	sld [smem:$0x3F8F]  }
0x1a: {  	s8 =	sadd.s32 $0xFFFFE003, lr  }
0x1b: {  	s9 =	sadd.s32 $0xFFFFFEF7, lr;
	s5 =	simm.s32 $0xFFFFFFFF;
	p2 =	slt.u32 s8, $0xFFFFF086  }
0x1c: {  	p1 =	slt.u32 s9, $0xF7A;
	s5 =	simm.s32 @!p2 $0x0  }
0x1d: {  	s5 =	simm.s32 @p1 $0x1;
	p0 =	seq.s32 s7, s2  }
0x1e: {  	s7 =	smul.u32 @!p0 $0xF7A, s2;
	p2 =	seq.s32 @!p0 s5, $0x0  }
0x1f: {  	s9 =	smul.u32 $0xF7A, s1;
	s8 =	simm.s32 @!p0 $0x1BF5;
	p2 =	por !p2, p0  }
0x20: {  	[sflag:s8] =	ssyncset.s32 @!p0 $0xFFFFF086;
	s6 =	sadd.s32 @!p0 s3, s7;
	s7 =	simm.s32 @!p0 $0x108  }
0x21: {  	s3 =	sadd.s32 s3, s9;
	s6 =	sadd.s32 @!p0 $0x88, s6;
	s7 =	simm.s32 @p2 $0x1082  }
0x22: {  	[simem:s7], [sflag:s8] =	dma.local @!p0 [hbm:s6], $0xF7A  }
0x23: {  	s9 =	sor.u32 $0xD0000000, s2;
	s6 =	simm.s32 $0x108;
	_ =	swait.ge @!p0 [sflag:s8], $0x0  }
0x24: {  	s3 =	sadd.s32 $0x88, s3;
	s6 =	simm.s32 @!p1 $0x1082;
	[sflag:s4] =	ssyncset.s32 $0xFFFFF086  }
0x25: {  	[simem:s6], [sflag:s4] =	dma.local [hbm:s3], $0xF7A  }
0x26: {  	[smem:$0x3F8F] =	sst s1;
	(tag) =	ssettag s2;
	_ =	strace s9  }
0x27: {  	s1 =	sld [smem:$0x3F9F]  }
0x28: {  	s2 =	sld [smem:$0x3FA0]  }
0x29: {  	s4 =	sld [smem:$0x3FA2]  }
0x2a: {  	p0 =	seq.s32 s5, $0x0;
	s5 =	sld [smem:$0x3FA3]  }
0x2b: {  	s6 =	sld [smem:$0x3FA4]  }
0x2c: {  	s7 =	sld [smem:$0x3FA5]  }
0x2d: {  	s3 =	simm.s32 $0x108;
	s8 =	sld [smem:$0x3FA6]  }
0x2e: {  	s3 =	simm.s32 @!p0 $0x1082;
	s9 =	sld [smem:$0x3FA7]  }
0x2f: {  	lr =	sadd.s32 s0, s3;
	s0 =	sld [smem:$0x3F9E]  }
0x30: {  	s3 =	sld [smem:$0x3FA1]  }
0x31: {  	[smem:$0x3FAA] =	sst s10  }
0x32: {  	s10 =	sld [smem:$0x3FA8];
	_ =	sdelay $0x3  }
0x33: {  	p0 =	seq.s32 s10, $0x1;
	s10 =	sld [smem:$0x3FAA];
	_ =	sdelay $0x3  }
0x34: {  	[smem:$0x3FAA] =	sst s10  }
0x35: {  	s10 =	sld [smem:$0x3FA9];
	_ =	sdelay $0x3  }
0x36: {  	p1 =	seq.s32 s10, $0x1;
	s10 =	sld [smem:$0x3FAA];
	_ =	sdelay $0x3  }
0x37: {  	[smem:$0x3FAA] =	sst s10  }
0x38: {  	s10 =	sld [smem:$0x3FAB]  }
0x39: {  	_ = 	snop;
	(pc) =	sbr.ind lr, $3  }
0x3a: {  	_ = 	snop  }
0x3b: {  	_ = 	snop  }
0x3c: {  	p2 =	seq.s32 s10, $0x1;
	s10 =	sld [smem:$0x3FAA]  }
0x3d: {  	_ =	shalt  }
0x3e: {  	_ =	shalt  }
0x3f: {  	_ =	shalt  }
0x40: {  	_ =	shalt  }
0x41: {  	_ =	shalt  }
0x42: {  	_ =	shalt  }
0x43: {  	_ =	shalt  }
0x44: {  	_ =	shalt  }
0x45: {  	_ =	shalt  }
0x46: {  	_ =	shalt  }
0x47: {  	_ =	shalt  }
0x48: {  	_ =	shalt  }
0x49: {  	_ =	shalt  }
0x4a: {  	_ =	shalt  }
0x4b: {  	_ =	shalt  }
0x4c: {  	_ =	shalt  }
0x4d: {  	_ =	shalt  }
0x4e: {  	_ =	shalt  }
0x4f: {  	_ =	shalt  }
0x50: {  	_ =	shalt  }
0x51: {  	_ =	shalt  }
0x52: {  	_ =	shalt  }
0x53: {  	_ =	shalt  }
0x54: {  	_ =	shalt  }
0x55: {  	_ =	shalt  }
0x56: {  	_ =	shalt  }
0x57: {  	_ =	shalt  }
0x58: {  	_ =	shalt  }
0x59: {  	_ =	shalt  }
0x5a: {  	_ =	shalt  }
0x5b: {  	_ =	shalt  }
0x5c: {  	_ =	shalt  }
0x5d: {  	_ =	shalt  }
0x5e: {  	_ =	shalt  }
0x5f: {  	_ =	shalt  }
0x60: {  	_ =	shalt  }
0x61: {  	_ =	shalt  }
0x62: {  	_ =	shalt  }
0x63: {  	_ =	shalt  }
0x64: {  	_ =	shalt  }
0x65: {  	_ =	shalt  }
0x66: {  	_ =	shalt  }
0x67: {  	_ =	shalt  }
0x68: {  	_ =	shalt  }
0x69: {  	_ =	shalt  }
0x6a: {  	_ =	shalt  }
0x6b: {  	_ =	shalt  }
0x6c: {  	_ =	shalt  }
0x6d: {  	_ =	shalt  }
0x6e: {  	_ =	shalt  }
0x6f: {  	_ =	shalt  }
0x70: {  	_ =	shalt  }
0x71: {  	_ =	shalt  }
0x72: {  	_ =	shalt  }
0x73: {  	_ =	shalt  }
0x74: {  	_ =	shalt  }
0x75: {  	_ =	shalt  }
0x76: {  	_ =	shalt  }
0x77: {  	_ =	shalt  }
0x78: {  	_ =	shalt  }
0x79: {  	_ =	shalt  }
0x7a: {  	_ =	shalt  }
0x7b: {  	_ =	shalt  }
0x7c: {  	_ =	shalt  }
0x7d: {  	_ =	shalt  }
0x7e: {  	_ =	shalt  }
0x7f: {  	_ =	shalt  }
0x80: {  	_ =	shalt  }
0x81: {  	_ =	shalt  }
0x82: {  	_ =	shalt  }
0x83: {  	_ =	shalt  }
0x84: {  	_ =	shalt  }
0x85: {  	_ =	shalt  }
0x86: {  	_ =	shalt  }
0x87: {  	_ =	shalt  }
.Lfunc_end0:
.L_simem_size_0:
called_computation.2_lowered:
.L_overlay_start_0:
0x88: {  	s2 =	sld [smem:$0x3FD9]  }
0x89: {  	s3 =	sld [smem:$0x3FFE];
	_ =	sdelay $0x1  }
0x8a: {  	s1 =	srdreg.scid  }
0x8b: {  	s0 =	sand.u32 $0x1, s1  }
0x8c: {  	s14 =	sshll.u32 s0, $0xA;
	s2 =	sadd.s32 s3, s2  }
0x8d: {  	s2 =	sadd.s32 s2, s14  }
0x8e: {  	[smem:$0x3FB6] =	sst s2  }
0x8f: {  	_ = 	snop  }
0x90: {  	s2 =	sld [smem:$0x3FD0];
	_ =	sdelay $0x2  }
0x91: {  	s15 =	simm.s32 $0xA;
	s4 =	simm.s32 $0x10  }
0x92: {  	[smem:s4], [sflag:s15] =	dma.local [hbm:s2], $0x1  }
0x93: {  	_ =	swait.eq [sflag:s15], $0x1  }
0x94: {  	[sflag:s15] =	ssyncset.done $0x0  }
0x95: {  	[sflag:s15] =	ssyncadd.s32 $0xFFFFFFFF  }
0x96: {  	s16 =	sld [smem:$0x11];
	(tm) =	ssettm $0x1  }
0x97: {  	s17 =	sld [smem:$0x3FFB];
	_ =	sdelay $0x3  }
0x98: {  	_ =	strace s17  }
0x99: {  	s3 =	sld [smem:$0x3FFC];
	_ =	sdelay $0x3  }
0x9a: {  	_ =	strace s3  }
0x9b: {  	s3 =	sld [smem:$0x3FFD];
	_ =	sdelay $0x3  }
0x9c: {  	_ =	strace s3  }
0x9d: {  	_ =	strace $0x8FFFFFFF  }
0x9e: {  	s18 =	sld [smem:$0x3FDB];
	_ =	sdelay $0x1  }
0x9f: {  	s19 =	simm.s32 $_scs_section_size  }
0xa0: {  	s5 =	simm.s32 $_size__tile_overlayer_lowered;
	s6 =	simm.s32 $_tile_overlayer_lowered  }
0xa1: {  	s22 =	simm.s32 $0x1BFF;
	s21 =	sshll.u32 s6, $0x1;
	s3 =	sadd.s32 s19, s18  }
0xa2: {  	s7 =	simm.s32 $0x0;
	s20 =	sshll.u32 s5, $0x1;
	s5 =	sadd.s32 s21, s3  }
0xa3: {  	[timem:s7], [sflag:s22] =	dma.local [hbm:s5], s20  }
0xa4: {  	_ =	swait.ge [sflag:s22], s20  }
0xa5: {  	s4 =	ssub.s32 $0x0, s20;
	[sflag:s22] =	ssyncset.done $0x0  }
0xa6: {  	[sflag:s22] =	ssyncadd.s32 s4;
	_ =	sdelay $0x1  }
0xa7: {  	s23 =	simm.s32 $0x1B8B  }
0xa8: {  	_ =	swait.ge [sflag:s23], $0x1  }
0xa9: {  	[sflag:s23] =	ssyncset.done $0x0  }
0xaa: {  	s25 =	simm.s32 $0x1B8E;
	s24 =	sld [smem:$0x3FFE];
	[sflag:s23] =	ssyncadd.s32 $0xFFFFFFFF  }
0xab: {  	s26 =	simm.s32 $execute0_lowered;
	[smem:$0x3FD2] =	sst s25  }
0xac: {  	s5 =	sshll.u32 s26, $0x1;
	_ =	strace $0x80000049;
	[dreg:$0x1] =	wrdreg $0xFFFFFFFF  }
0xad: {  	s28 =	simm.s32 $_size_execute0_lowered;
	s3 =	sadd.s32 s3, s5;
	[dreg:$0x0] =	wrdreg $0x0  }
0xae: {  	s5 =	sshll.u32 s28, $0x1;
	[dreg:$0x2] =	wrdreg s3  }
0xaf: {  	[dreg:$0x3] =	wrdreg s5  }
0xb0: {  	[dreg:$0x4] =	wrdreg $0xC0  }
0xb1: {  	_ =	task [dreg:s7], $0x5FFFF  }
0xb2: {  	[dreg:$0x1] =	wrdreg $0xFFFFFFFF  }
0xb3: {  	[dreg:$0x0] =	wrdreg $0x60  }
0xb4: {  	[dreg:$0x2] =	wrdreg s24  }
0xb5: {  	[dreg:$0x3] =	wrdreg s16  }
0xb6: {  	[dreg:$0x4] =	wrdreg $0x9  }
0xb7: {  	_ =	task.clear_ibuf [dreg:s7], $0x5FFFF;
	_ =	strace $0x90000049  }
0xb8: {  	s29 =	simm.s32 $0x9;
	_ =	strace $0x8000004B  }
0xb9: {  	_ =	swait.ge [sflag:s29], $0x1  }
0xba: {  	[sflag:s29] =	ssyncadd.s32 $0xFFFFFFFF  }
0xbb: {  	_ =	strace $0x9000004B  }
0xbc: {  	_ =	sfence  }
0xbd: {  	s30 =	sld [smem:$0x0];
	_ =	sdelay $0x2  }
0xbe: {  	s31 =	sshll.u32 s1, $0xD;
	s1 =	sshrl.u32 s1, $0x2  }
0xbf: {  	s3 =	sand.u32 $0x4000, s31;
	s1 =	sadd.s32 s1, s30  }
0xc0: {  	s0 =	sor.u32 s3, s0;
	s1 =	sshll.u32 s1, $0x11  }
0xc1: {  	s0 =	sor.u32 s1, s0  }
0xc2: {  	s0 =	sadd.s32 $0x8F2B, s0  }
0xc3: {  	[sflag:s0] =	ssyncadd.remote.s32 $0x1  }
0xc4: {  	_ =	sfence.sel $0xFFFF  }
0xc5: {  	[dreg:$0x0] =	wrdreg $0xFFFFFFFF;
	(pc) =	sbr.abs _section_cstart, $3  }
0xc6: {  	[dreg:$0x1] =	wrdreg $0xFFFFFFFF  }
0xc7: {  	_ =	task.clear_ibuf [dreg:s7], $0x2FFFF;
	_ =	strace $0x9FFFFFFF  }
0xc8: {  	(tm) =	ssettm $0x7FFFFFFF  }
0xc9: {  	_ =	shalt  }
tec
execute0_lowered:
.L_overlay_start_1:
0x0: {  	(tag) =	ssettag $0x1  }
0x1: {  	s1 =	srdreg.scid;
	s0 =	stileid.u32  }
0x2: {  	s6 =	sand.u32 $0x1, s1;
	s30 =	sshll.u32 s0, $0x1  }
0x3: {  	s5 =	rddreg [dreg:$0x0];
	s8 =	sor.u32 s6, s30  }
0x4: {  	s9 =	rddreg [dreg:$0x1];
	s2 =	simm.s32 $0x0;
	s3 =	smul.u32 $0x3C0, s8  }
0x5: {  	[smem:$0x7FF] =	sst s2  }
0x6: {  	s1 =	rddreg [dreg:$0x2];
	_ =	strace $0x8000004A;
	s3 =	sadd.s32 s3, s5  }
0x7: {  	s10 =	ssub.s32 $0x2, s6;
	s4 =	sadd.s32 $0x6E00, s3;
	s3 =	simm.s32 $0x2  }
0x8: {  	[tilespmem:s2], [sflag:$0x2] =	stream.linear.gather [hbm4b:s4+s2], $0x1E00, $0x38;
	[tilespmem:$0x10E00] =	vst v63  }
0x9: {  	s7 =	simm.s32 $0x1;
	s11 =	sshrl.u32 s10, $0x1;
	_ =	swait.ge [sflag:s3], $0x1E00  }
0xa: {  	s6 =	simm.s32 $0x1E00;
	s10 =	ssub.s32 s10, s11;
	[sflag:s3] =	ssyncset.done $0x0  }
0xb: {  	s5 =	sadd.s32 $0x4E00, s5;
	s31 =	smax.u32 s10, $0x1;
	[sflag:s3] =	ssyncadd.s32 $0xFFFFE200  }
0xc: {  	[tilespmem:s6], [sflag:$0x1] =	stream.indirect.gather [hbm4b:s5+s6], $0x8, s2, s6, $0xb8;
	[tilespmem:$0x10E00] =	vst v63  }
0xd: {  	s8 =	smul.u32 $0x1E00, s8;
	p0 =	sne.s32 s31, $0x1;
	_ =	swait.ge [sflag:s7], $0xF000  }
.Ltmp0:
0xe: {  	[sflag:s7] =	ssyncset.done $0x0;
	(pc) =	sbr.rel @!p0 .LBB2_2-.Ltmp0, $4  }
0xf: {  	s8 =	sadd.s32 s9, s8;
	[sflag:s7] =	ssyncadd.s32 $0xFFFF1000  }
0x10: {  	[hbm4b:s8+s2] =	stream.linear.scatter [tilespmem:s6], [sflag:$0x2], $0xF000, $0x38;
	[tilespmem:$0x10E00] =	vst v63  }
0x11: {  	_ =	swait.ge [sflag:s3], $0xF000  }
0x12: {  	s9 =	sadd.s32 $0xFFFFFFFF, s31;
	[sflag:s3] =	ssyncset.done $0x0  }
.LBB2_1:
0x13: {  	p0 =	sne.s32 s9, $0x1;
	s9 =	sadd.s32 $0xFFFFFFFF, s9;
	[sflag:s3] =	ssyncadd.s32 $0xFFFF1000  }
0x14: {  	[tilespmem:s2], [sflag:$0x2] =	stream.linear.gather [hbm4b:s4+s2], $0x1E00, $0x38;
	[tilespmem:$0x10E00] =	vst v63  }
0x15: {  	_ =	swait.ge [sflag:s3], $0x1E00  }
0x16: {  	[sflag:s3] =	ssyncset.done $0x0  }
0x17: {  	[sflag:s3] =	ssyncadd.s32 $0xFFFFE200  }
0x18: {  	[tilespmem:s6], [sflag:$0x1] =	stream.indirect.gather [hbm4b:s5+s6], $0x8, s2, s6, $0xb8;
	[tilespmem:$0x10E00] =	vst v63  }
0x19: {  	_ =	swait.ge [sflag:s7], $0xF000  }
.Ltmp1:
0x1a: {  	[sflag:s7] =	ssyncset.done $0x0;
	(pc) =	sbr.rel @p0 .LBB2_1-.Ltmp1, $4  }
0x1b: {  	[sflag:s7] =	ssyncadd.s32 $0xFFFF1000  }
0x1c: {  	[hbm4b:s8+s2] =	stream.linear.scatter [tilespmem:s6], [sflag:$0x2], $0xF000, $0x38;
	[tilespmem:$0x10E00] =	vst v63  }
0x1d: {  	_ =	swait.ge [sflag:s3], $0xF000  }
0x1e: {  	[sflag:s3] =	ssyncset.done $0x0  }
.LBB2_2:
0x1f: {  	[sflag:s3] =	ssyncadd.s32 $0xFFFF1000  }
0x20: {  	_ =	sfence.sel $0x180000  }
0x21: {  	[bflag:$0x0] =	sbarrier.arrive $0xFFFF  }
0x22: {  	p0 =	sne.s32 s0, $0x0;
	_ =	strace $0x9000004A  }
0x23: {  	s0 =	sadd.s32 @!p0 $0x100000, s1;
	[bflag:$0x2] =	sbarrier.arrive $0xFFFF  }
0x24: {  	[sflag:s0] =	ssyncadd.tile.s32 @!p0 $0x1;
	_ =	shalt  }
.Lfunc_end2:
_tile_overlayer_lowered:
.L_overlay_start_2:
0x25: {  	(tag) =	ssettag $0x2  }
0x26: {  	s0 =	rddreg [dreg:$0x0];
	s2 =	stileid.u32  }
0x27: {  	s1 =	rddreg [dreg:$0x1];
	p0 =	sne.s32 s2, $0x0  }
0x28: {  	s3 =	rddreg [dreg:$0x2];
	[bflag:$0x3] =	sbarrier.arrive $0xFFFF;
	s2 =	simm.s32 @!p0 $0x1C02  }
0x29: {  	[timem:s3], [sflag:s2] =	dma.local @!p0 [hbm:s0], s1  }
0x2a: {  	s0 =	simm.s32 @!p0 $0x2  }
0x2b: {  	_ =	swait.ge @!p0 [sflag:s0], s1  }
0x2c: {  	s1 =	ssub.s32 @!p0 $0x0, s1;
	[sflag:s0] =	ssyncset.done @!p0 $0x0  }
0x2d: {  	[sflag:s0] =	ssyncadd.s32 @!p0 s1  }
0x2e: {  	[bflag:$0x3] =	sbarrier.arrive $0xFFFF  }
0x2f: {  	_ =	shalt  }

// kernel: kernel.28.cloned.1.call-start
scs
__scs_entry_jumppad:
0x0: {  	(pc) =	sbr.rel $0x88, $3  }
0x1: {  	(tag) =	ssettag $0x0;
	lr =	simm.s32 $0x1  }
0x2: {  	[smem:$0x3F8F] =	sst lr;
	_ =	strace $0xD0000000  }
0x3: {  	_ = 	snop  }
0x4: {  	_ = 	snop  }
0x5: {  	_ = 	snop  }
0x6: {  	_ = 	snop  }
0x7: {  	_ = 	snop  }
__scs_overlays_trampoline_lowered:
0x8: {  	[smem:$0x3F9E] =	sst s0  }
0x9: {  	[smem:$0x3F9F] =	sst s1  }
0xa: {  	[smem:$0x3FA0] =	sst s2  }
0xb: {  	[smem:$0x3FA1] =	sst s3  }
0xc: {  	[smem:$0x3FA2] =	sst s4  }
0xd: {  	[smem:$0x3FA3] =	sst s5  }
0xe: {  	[smem:$0x3FA4] =	sst s6  }
0xf: {  	[smem:$0x3FA5] =	sst s7  }
0x10: {  	[smem:$0x3FA6] =	sst s8  }
0x11: {  	[smem:$0x3FA7] =	sst s9;
	s0 =	simm.s32 @!p0 $0x0  }
0x12: {  	s1 =	sld [smem:$0x3F8D];
	s0 =	simm.s32 @p0 $0x1  }
0x13: {  	[smem:$0x3FA8] =	sst s0;
	s0 =	simm.s32 @!p1 $0x0  }
0x14: {  	s2 =	sld [smem:$0x3F8C];
	s0 =	simm.s32 @p1 $0x1  }
0x15: {  	[smem:$0x3FA9] =	sst s0;
	s0 =	simm.s32 @!p2 $0x0  }
0x16: {  	s3 =	sld [smem:$0x3FDB];
	s0 =	simm.s32 @p2 $0x1  }
0x17: {  	s4 =	simm.s32 $0x1BF5;
	[smem:$0x3FAB] =	sst s0  }
0x18: {  	s0 =	sld [smem:$0x3F8E];
	_ =	swait.ge [sflag:s4], $0x0  }
0x19: {  	s7 =	sld [smem:$0x3F8F]  }
0x1a: {  	s8 =	sadd.s32 $0xFFFFE003, lr  }
0x1b: {  	s9 =	sadd.s32 $0xFFFFFEF7, lr;
	s5 =	simm.s32 $0xFFFFFFFF;
	p2 =	slt.u32 s8, $0xFFFFF086  }
0x1c: {  	p1 =	slt.u32 s9, $0xF7A;
	s5 =	simm.s32 @!p2 $0x0  }
0x1d: {  	s5 =	simm.s32 @p1 $0x1;
	p0 =	seq.s32 s7, s2  }
0x1e: {  	s7 =	smul.u32 @!p0 $0xF7A, s2;
	p2 =	seq.s32 @!p0 s5, $0x0  }
0x1f: {  	s9 =	smul.u32 $0xF7A, s1;
	s8 =	simm.s32 @!p0 $0x1BF5;
	p2 =	por !p2, p0  }
0x20: {  	[sflag:s8] =	ssyncset.s32 @!p0 $0xFFFFF086;
	s6 =	sadd.s32 @!p0 s3, s7;
	s7 =	simm.s32 @!p0 $0x108  }
0x21: {  	s3 =	sadd.s32 s3, s9;
	s6 =	sadd.s32 @!p0 $0x88, s6;
	s7 =	simm.s32 @p2 $0x1082  }
0x22: {  	[simem:s7], [sflag:s8] =	dma.local @!p0 [hbm:s6], $0xF7A  }
0x23: {  	s9 =	sor.u32 $0xD0000000, s2;
	s6 =	simm.s32 $0x108;
	_ =	swait.ge @!p0 [sflag:s8], $0x0  }
0x24: {  	s3 =	sadd.s32 $0x88, s3;
	s6 =	simm.s32 @!p1 $0x1082;
	[sflag:s4] =	ssyncset.s32 $0xFFFFF086  }
0x25: {  	[simem:s6], [sflag:s4] =	dma.local [hbm:s3], $0xF7A  }
0x26: {  	[smem:$0x3F8F] =	sst s1;
	(tag) =	ssettag s2;
	_ =	strace s9  }
0x27: {  	s1 =	sld [smem:$0x3F9F]  }
0x28: {  	s2 =	sld [smem:$0x3FA0]  }
0x29: {  	s4 =	sld [smem:$0x3FA2]  }
0x2a: {  	p0 =	seq.s32 s5, $0x0;
	s5 =	sld [smem:$0x3FA3]  }
0x2b: {  	s6 =	sld [smem:$0x3FA4]  }
0x2c: {  	s7 =	sld [smem:$0x3FA5]  }
0x2d: {  	s3 =	simm.s32 $0x108;
	s8 =	sld [smem:$0x3FA6]  }
0x2e: {  	s3 =	simm.s32 @!p0 $0x1082;
	s9 =	sld [smem:$0x3FA7]  }
0x2f: {  	lr =	sadd.s32 s0, s3;
	s0 =	sld [smem:$0x3F9E]  }
0x30: {  	s3 =	sld [smem:$0x3FA1]  }
0x31: {  	[smem:$0x3FAA] =	sst s10  }
0x32: {  	s10 =	sld [smem:$0x3FA8];
	_ =	sdelay $0x3  }
0x33: {  	p0 =	seq.s32 s10, $0x1;
	s10 =	sld [smem:$0x3FAA];
	_ =	sdelay $0x3  }
0x34: {  	[smem:$0x3FAA] =	sst s10  }
0x35: {  	s10 =	sld [smem:$0x3FA9];
	_ =	sdelay $0x3  }
0x36: {  	p1 =	seq.s32 s10, $0x1;
	s10 =	sld [smem:$0x3FAA];
	_ =	sdelay $0x3  }
0x37: {  	[smem:$0x3FAA] =	sst s10  }
0x38: {  	s10 =	sld [smem:$0x3FAB]  }
0x39: {  	_ = 	snop;
	(pc) =	sbr.ind lr, $3  }
0x3a: {  	_ = 	snop  }
0x3b: {  	_ = 	snop  }
0x3c: {  	p2 =	seq.s32 s10, $0x1;
	s10 =	sld [smem:$0x3FAA]  }
0x3d: {  	_ =	shalt  }
0x3e: {  	_ =	shalt  }
0x3f: {  	_ =	shalt  }
0x40: {  	_ =	shalt  }
0x41: {  	_ =	shalt  }
0x42: {  	_ =	shalt  }
0x43: {  	_ =	shalt  }
0x44: {  	_ =	shalt  }
0x45: {  	_ =	shalt  }
0x46: {  	_ =	shalt  }
0x47: {  	_ =	shalt  }
0x48: {  	_ =	shalt  }
0x49: {  	_ =	shalt  }
0x4a: {  	_ =	shalt  }
0x4b: {  	_ =	shalt  }
0x4c: {  	_ =	shalt  }
0x4d: {  	_ =	shalt  }
0x4e: {  	_ =	shalt  }
0x4f: {  	_ =	shalt  }
0x50: {  	_ =	shalt  }
0x51: {  	_ =	shalt  }
0x52: {  	_ =	shalt  }
0x53: {  	_ =	shalt  }
0x54: {  	_ =	shalt  }
0x55: {  	_ =	shalt  }
0x56: {  	_ =	shalt  }
0x57: {  	_ =	shalt  }
0x58: {  	_ =	shalt  }
0x59: {  	_ =	shalt  }
0x5a: {  	_ =	shalt  }
0x5b: {  	_ =	shalt  }
0x5c: {  	_ =	shalt  }
0x5d: {  	_ =	shalt  }
0x5e: {  	_ =	shalt  }
0x5f: {  	_ =	shalt  }
0x60: {  	_ =	shalt  }
0x61: {  	_ =	shalt  }
0x62: {  	_ =	shalt  }
0x63: {  	_ =	shalt  }
0x64: {  	_ =	shalt  }
0x65: {  	_ =	shalt  }
0x66: {  	_ =	shalt  }
0x67: {  	_ =	shalt  }
0x68: {  	_ =	shalt  }
0x69: {  	_ =	shalt  }
0x6a: {  	_ =	shalt  }
0x6b: {  	_ =	shalt  }
0x6c: {  	_ =	shalt  }
0x6d: {  	_ =	shalt  }
0x6e: {  	_ =	shalt  }
0x6f: {  	_ =	shalt  }
0x70: {  	_ =	shalt  }
0x71: {  	_ =	shalt  }
0x72: {  	_ =	shalt  }
0x73: {  	_ =	shalt  }
0x74: {  	_ =	shalt  }
0x75: {  	_ =	shalt  }
0x76: {  	_ =	shalt  }
0x77: {  	_ =	shalt  }
0x78: {  	_ =	shalt  }
0x79: {  	_ =	shalt  }
0x7a: {  	_ =	shalt  }
0x7b: {  	_ =	shalt  }
0x7c: {  	_ =	shalt  }
0x7d: {  	_ =	shalt  }
0x7e: {  	_ =	shalt  }
0x7f: {  	_ =	shalt  }
0x80: {  	_ =	shalt  }
0x81: {  	_ =	shalt  }
0x82: {  	_ =	shalt  }
0x83: {  	_ =	shalt  }
0x84: {  	_ =	shalt  }
0x85: {  	_ =	shalt  }
0x86: {  	_ =	shalt  }
0x87: {  	_ =	shalt  }
.Lfunc_end0:
.L_simem_size_0:
called_computation.3_lowered:
.L_overlay_start_0:
0x88: {  	s2 =	sld [smem:$0x3FD9]  }
0x89: {  	s3 =	sld [smem:$0x3FFE];
	_ =	sdelay $0x1  }
0x8a: {  	s1 =	srdreg.scid  }
0x8b: {  	s0 =	sand.u32 $0x1, s1  }
0x8c: {  	s14 =	sshll.u32 s0, $0xA;
	s2 =	sadd.s32 s3, s2  }
0x8d: {  	s2 =	sadd.s32 s2, s14  }
0x8e: {  	[smem:$0x3FB6] =	sst s2  }
0x8f: {  	_ = 	snop  }
0x90: {  	s2 =	sld [smem:$0x3FD0];
	_ =	sdelay $0x2  }
0x91: {  	s15 =	simm.s32 $0xA;
	s4 =	simm.s32 $0x10  }
0x92: {  	[smem:s4], [sflag:s15] =	dma.local [hbm:s2], $0x1  }
0x93: {  	_ =	swait.eq [sflag:s15], $0x1  }
0x94: {  	[sflag:s15] =	ssyncset.done $0x0  }
0x95: {  	[sflag:s15] =	ssyncadd.s32 $0xFFFFFFFF  }
0x96: {  	s16 =	sld [smem:$0x11];
	(tm) =	ssettm $0x1  }
0x97: {  	s17 =	sld [smem:$0x3FFB];
	_ =	sdelay $0x3  }
0x98: {  	_ =	strace s17  }
0x99: {  	s3 =	sld [smem:$0x3FFC];
	_ =	sdelay $0x3  }
0x9a: {  	_ =	strace s3  }
0x9b: {  	s3 =	sld [smem:$0x3FFD];
	_ =	sdelay $0x3  }
0x9c: {  	_ =	strace s3  }
0x9d: {  	_ =	strace $0x8FFFFFFF  }
0x9e: {  	s18 =	sld [smem:$0x3FDB];
	_ =	sdelay $0x1  }
0x9f: {  	s19 =	simm.s32 $_scs_section_size  }
0xa0: {  	s5 =	simm.s32 $_size__tile_overlayer_lowered;
	s6 =	simm.s32 $_tile_overlayer_lowered  }
0xa1: {  	s22 =	simm.s32 $0x1BFF;
	s21 =	sshll.u32 s6, $0x1;
	s3 =	sadd.s32 s19, s18  }
0xa2: {  	s7 =	simm.s32 $0x0;
	s20 =	sshll.u32 s5, $0x1;
	s5 =	sadd.s32 s21, s3  }
0xa3: {  	[timem:s7], [sflag:s22] =	dma.local [hbm:s5], s20  }
0xa4: {  	_ =	swait.ge [sflag:s22], s20  }
0xa5: {  	s4 =	ssub.s32 $0x0, s20;
	[sflag:s22] =	ssyncset.done $0x0  }
0xa6: {  	[sflag:s22] =	ssyncadd.s32 s4;
	_ =	sdelay $0x1  }
0xa7: {  	s23 =	simm.s32 $0x1B8B  }
0xa8: {  	_ =	swait.ge [sflag:s23], $0x1  }
0xa9: {  	[sflag:s23] =	ssyncset.done $0x0  }
0xaa: {  	s25 =	simm.s32 $0x1B8E;
	s24 =	sld [smem:$0x3FFE];
	[sflag:s23] =	ssyncadd.s32 $0xFFFFFFFF  }
0xab: {  	s26 =	simm.s32 $execute0_lowered;
	[smem:$0x3FD2] =	sst s25  }
0xac: {  	s5 =	sshll.u32 s26, $0x1;
	_ =	strace $0x8000004C;
	[dreg:$0x1] =	wrdreg $0xFFFFFFFF  }
0xad: {  	s28 =	simm.s32 $_size_execute0_lowered;
	s3 =	sadd.s32 s3, s5;
	[dreg:$0x0] =	wrdreg $0x0  }
0xae: {  	s5 =	sshll.u32 s28, $0x1;
	[dreg:$0x2] =	wrdreg s3  }
0xaf: {  	[dreg:$0x3] =	wrdreg s5  }
0xb0: {  	[dreg:$0x4] =	wrdreg $0xC0  }
0xb1: {  	_ =	task [dreg:s7], $0x5FFFF  }
0xb2: {  	[dreg:$0x1] =	wrdreg $0xFFFFFFFF  }
0xb3: {  	[dreg:$0x0] =	wrdreg $0x60  }
0xb4: {  	[dreg:$0x2] =	wrdreg s24  }
0xb5: {  	[dreg:$0x3] =	wrdreg s16  }
0xb6: {  	[dreg:$0x4] =	wrdreg $0x9  }
0xb7: {  	_ =	task.clear_ibuf [dreg:s7], $0x5FFFF;
	_ =	strace $0x9000004C  }
0xb8: {  	s29 =	simm.s32 $0x9;
	_ =	strace $0x8000004E  }
0xb9: {  	_ =	swait.ge [sflag:s29], $0x1  }
0xba: {  	[sflag:s29] =	ssyncadd.s32 $0xFFFFFFFF  }
0xbb: {  	_ =	strace $0x9000004E  }
0xbc: {  	_ =	sfence  }
0xbd: {  	s30 =	sld [smem:$0x0];
	_ =	sdelay $0x2  }
0xbe: {  	s31 =	sshll.u32 s1, $0xD;
	s1 =	sshrl.u32 s1, $0x2  }
0xbf: {  	s3 =	sand.u32 $0x4000, s31;
	s1 =	sadd.s32 s1, s30  }
0xc0: {  	s0 =	sor.u32 s3, s0;
	s1 =	sshll.u32 s1, $0x11  }
0xc1: {  	s0 =	sor.u32 s1, s0  }
0xc2: {  	s0 =	sadd.s32 $0x8F2B, s0  }
0xc3: {  	[sflag:s0] =	ssyncadd.remote.s32 $0x1  }
0xc4: {  	_ =	sfence.sel $0xFFFF  }
0xc5: {  	[dreg:$0x0] =	wrdreg $0xFFFFFFFF;
	(pc) =	sbr.abs _section_cstart, $3  }
0xc6: {  	[dreg:$0x1] =	wrdreg $0xFFFFFFFF  }
0xc7: {  	_ =	task.clear_ibuf [dreg:s7], $0x2FFFF;
	_ =	strace $0x9FFFFFFF  }
0xc8: {  	(tm) =	ssettm $0x7FFFFFFF  }
0xc9: {  	_ =	shalt  }
tec
execute0_lowered:
.L_overlay_start_1:
0x0: {  	(tag) =	ssettag $0x1  }
0x1: {  	s1 =	srdreg.scid;
	s0 =	stileid.u32  }
0x2: {  	s17 =	sand.u32 $0x1, s1;
	s30 =	sshll.u32 s0, $0x1  }
0x3: {  	s5 =	rddreg [dreg:$0x0];
	s8 =	sor.u32 s17, s30  }
0x4: {  	s16 =	rddreg [dreg:$0x1];
	s18 =	smul.u32 $0x1E00, s8  }
0x5: {  	s2 =	simm.s32 $0x0;
	s1 =	rddreg [dreg:$0x2]  }
0x6: {  	[smem:$0x7FF] =	sst s2;
	s15 =	sadd.s32 $0x34E00, s5;
	s3 =	sshrl.u32 s18, $0x3  }
0x7: {  	_ =	strace $0x8000004D;
	s4 =	sadd.s32 s15, s3;
	s3 =	simm.s32 $0x2  }
0x8: {  	[tilespmem:s2], [sflag:$0x2] =	stream.linear.gather [hbm4b:s4+s2], $0x600, $0x38;
	[tilespmem:$0x18600] =	vst v63  }
0x9: {  	_ =	swait.ge [sflag:s3], $0x600  }
0xa: {  	s6 =	simm.s32 $0x600;
	[sflag:s3] =	ssyncset.done $0x0  }
0xb: {  	s7 =	simm.s32 $0x1;
	s5 =	sadd.s32 $0x24E00, s5;
	[sflag:s3] =	ssyncadd.s32 $0xFFFFFA00  }
0xc: {  	[tilespmem:s6], [sflag:$0x1] =	stream.indirect.gather [hbm4b:s5+s6], $0x40, s2, s6, $0xb8;
	[tilespmem:$0x18600] =	vst v63  }
0xd: {  	s8 =	smul.u32 $0xF000, s8;
	_ =	swait.ge [sflag:s7], $0x18000  }
0xe: {  	[sflag:s7] =	ssyncset.done $0x0  }
0xf: {  	s8 =	sadd.s32 s16, s8;
	[sflag:s7] =	ssyncadd.s32 $0xFFFE8000  }
0x10: {  	[hbm4b:s8+s2] =	stream.linear.scatter [tilespmem:s6], [sflag:$0x2], $0x18000, $0x38;
	[tilespmem:$0x18600] =	vst v63  }
0x11: {  	s10 =	sadd.s32 $0x600, s18;
	_ =	swait.ge [sflag:s3], $0x18000  }
0x12: {  	s9 =	sshrl.u32 s10, $0x3;
	[sflag:s3] =	ssyncset.done $0x0  }
0x13: {  	s9 =	sadd.s32 s15, s9;
	[sflag:s3] =	ssyncadd.s32 $0xFFFE8000  }
0x14: {  	[tilespmem:s2], [sflag:$0x2] =	stream.linear.gather [hbm4b:s9+s2], $0x600, $0x38;
	[tilespmem:$0x18600] =	vst v63  }
0x15: {  	_ =	swait.ge [sflag:s3], $0x600  }
0x16: {  	[sflag:s3] =	ssyncset.done $0x0  }
0x17: {  	[sflag:s3] =	ssyncadd.s32 $0xFFFFFA00  }
0x18: {  	[tilespmem:s6], [sflag:$0x1] =	stream.indirect.gather [hbm4b:s5+s6], $0x40, s2, s6, $0xb8;
	[tilespmem:$0x18600] =	vst v63  }
0x19: {  	_ =	swait.ge [sflag:s7], $0x18000  }
0x1a: {  	s10 =	sshll.u32 s10, $0x3;
	[sflag:s7] =	ssyncset.done $0x0  }
0x1b: {  	s10 =	sadd.s32 s16, s10;
	[sflag:s7] =	ssyncadd.s32 $0xFFFE8000  }
0x1c: {  	[hbm4b:s10+s2] =	stream.linear.scatter [tilespmem:s6], [sflag:$0x2], $0x18000, $0x38;
	[tilespmem:$0x18600] =	vst v63  }
0x1d: {  	s12 =	sadd.s32 $0xC00, s18;
	_ =	swait.ge [sflag:s3], $0x18000  }
0x1e: {  	s11 =	sshrl.u32 s12, $0x3;
	[sflag:s3] =	ssyncset.done $0x0  }
0x1f: {  	s11 =	sadd.s32 s15, s11;
	[sflag:s3] =	ssyncadd.s32 $0xFFFE8000  }
0x20: {  	[tilespmem:s2], [sflag:$0x2] =	stream.linear.gather [hbm4b:s11+s2], $0x600, $0x38;
	[tilespmem:$0x18600] =	vst v63  }
0x21: {  	_ =	swait.ge [sflag:s3], $0x600  }
0x22: {  	[sflag:s3] =	ssyncset.done $0x0  }
0x23: {  	[sflag:s3] =	ssyncadd.s32 $0xFFFFFA00  }
0x24: {  	[tilespmem:s6], [sflag:$0x1] =	stream.indirect.gather [hbm4b:s5+s6], $0x40, s2, s6, $0xb8;
	[tilespmem:$0x18600] =	vst v63  }
0x25: {  	_ =	swait.ge [sflag:s7], $0x18000  }
0x26: {  	s12 =	sshll.u32 s12, $0x3;
	[sflag:s7] =	ssyncset.done $0x0  }
0x27: {  	s12 =	sadd.s32 s16, s12;
	[sflag:s7] =	ssyncadd.s32 $0xFFFE8000  }
0x28: {  	[hbm4b:s12+s2] =	stream.linear.scatter [tilespmem:s6], [sflag:$0x2], $0x18000, $0x38;
	[tilespmem:$0x18600] =	vst v63  }
0x29: {  	s14 =	sadd.s32 $0x1200, s18;
	_ =	swait.ge [sflag:s3], $0x18000  }
0x2a: {  	s13 =	sshrl.u32 s14, $0x3;
	[sflag:s3] =	ssyncset.done $0x0  }
0x2b: {  	s13 =	sadd.s32 s15, s13;
	[sflag:s3] =	ssyncadd.s32 $0xFFFE8000  }
0x2c: {  	[tilespmem:s2], [sflag:$0x2] =	stream.linear.gather [hbm4b:s13+s2], $0x600, $0x38;
	[tilespmem:$0x18600] =	vst v63  }
0x2d: {  	_ =	swait.ge [sflag:s3], $0x600  }
0x2e: {  	[sflag:s3] =	ssyncset.done $0x0  }
0x2f: {  	[sflag:s3] =	ssyncadd.s32 $0xFFFFFA00  }
0x30: {  	[tilespmem:s6], [sflag:$0x1] =	stream.indirect.gather [hbm4b:s5+s6], $0x40, s2, s6, $0xb8;
	[tilespmem:$0x18600] =	vst v63  }
0x31: {  	_ =	swait.ge [sflag:s7], $0x18000  }
0x32: {  	s14 =	sshll.u32 s14, $0x3;
	[sflag:s7] =	ssyncset.done $0x0  }
0x33: {  	s14 =	sadd.s32 s16, s14;
	[sflag:s7] =	ssyncadd.s32 $0xFFFE8000  }
0x34: {  	[hbm4b:s14+s2] =	stream.linear.scatter [tilespmem:s6], [sflag:$0x2], $0x18000, $0x38;
	[tilespmem:$0x18600] =	vst v63  }
0x35: {  	s18 =	sadd.s32 $0x1800, s18;
	_ =	swait.ge [sflag:s3], $0x18000  }
0x36: {  	s19 =	sshrl.u32 s18, $0x3;
	[sflag:s3] =	ssyncset.done $0x0  }
0x37: {  	s17 =	ssub.s32 $0x2, s17;
	s15 =	sadd.s32 s15, s19;
	[sflag:s3] =	ssyncadd.s32 $0xFFFE8000  }
0x38: {  	[tilespmem:s2], [sflag:$0x2] =	stream.linear.gather [hbm4b:s15+s2], $0x600, $0x38;
	[tilespmem:$0x18600] =	vst v63  }
0x39: {  	s31 =	sshrl.u32 s17, $0x1;
	_ =	swait.ge [sflag:s3], $0x600  }
0x3a: {  	s17 =	ssub.s32 s17, s31;
	[sflag:s3] =	ssyncset.done $0x0  }
0x3b: {  	s17 =	smax.u32 s17, $0x1;
	[sflag:s3] =	ssyncadd.s32 $0xFFFFFA00  }
0x3c: {  	[tilespmem:s6], [sflag:$0x1] =	stream.indirect.gather [hbm4b:s5+s6], $0x40, s2, s6, $0xb8;
	[tilespmem:$0x18600] =	vst v63  }
0x3d: {  	p0 =	sne.s32 s17, $0x1;
	_ =	swait.ge [sflag:s7], $0x18000  }
.Ltmp0:
0x3e: {  	s18 =	sshll.u32 s18, $0x3;
	[sflag:s7] =	ssyncset.done $0x0;
	(pc) =	sbr.rel @!p0 .LBB2_2-.Ltmp0, $4  }
0x3f: {  	s16 =	sadd.s32 s16, s18;
	[sflag:s7] =	ssyncadd.s32 $0xFFFE8000  }
0x40: {  	[hbm4b:s16+s2] =	stream.linear.scatter [tilespmem:s6], [sflag:$0x2], $0x18000, $0x38;
	[tilespmem:$0x18600] =	vst v63  }
0x41: {  	_ =	swait.ge [sflag:s3], $0x18000  }
0x42: {  	s17 =	sadd.s32 $0xFFFFFFFF, s17;
	[sflag:s3] =	ssyncset.done $0x0  }
.LBB2_1:
0x43: {  	p0 =	sne.s32 s17, $0x1;
	s17 =	sadd.s32 $0xFFFFFFFF, s17;
	[sflag:s3] =	ssyncadd.s32 $0xFFFE8000  }
0x44: {  	[tilespmem:s2], [sflag:$0x2] =	stream.linear.gather [hbm4b:s4+s2], $0x600, $0x38;
	[tilespmem:$0x18600] =	vst v63  }
0x45: {  	_ =	swait.ge [sflag:s3], $0x600  }
0x46: {  	[sflag:s3] =	ssyncset.done $0x0  }
0x47: {  	[sflag:s3] =	ssyncadd.s32 $0xFFFFFA00  }
0x48: {  	[tilespmem:s6], [sflag:$0x1] =	stream.indirect.gather [hbm4b:s5+s6], $0x40, s2, s6, $0xb8;
	[tilespmem:$0x18600] =	vst v63  }
0x49: {  	_ =	swait.ge [sflag:s7], $0x18000  }
0x4a: {  	[sflag:s7] =	ssyncset.done $0x0  }
0x4b: {  	[sflag:s7] =	ssyncadd.s32 $0xFFFE8000  }
0x4c: {  	[hbm4b:s8+s2] =	stream.linear.scatter [tilespmem:s6], [sflag:$0x2], $0x18000, $0x38;
	[tilespmem:$0x18600] =	vst v63  }
0x4d: {  	_ =	swait.ge [sflag:s3], $0x18000  }
0x4e: {  	[sflag:s3] =	ssyncset.done $0x0  }
0x4f: {  	[sflag:s3] =	ssyncadd.s32 $0xFFFE8000  }
0x50: {  	[tilespmem:s2], [sflag:$0x2] =	stream.linear.gather [hbm4b:s9+s2], $0x600, $0x38;
	[tilespmem:$0x18600] =	vst v63  }
0x51: {  	_ =	swait.ge [sflag:s3], $0x600  }
0x52: {  	[sflag:s3] =	ssyncset.done $0x0  }
0x53: {  	[sflag:s3] =	ssyncadd.s32 $0xFFFFFA00  }
0x54: {  	[tilespmem:s6], [sflag:$0x1] =	stream.indirect.gather [hbm4b:s5+s6], $0x40, s2, s6, $0xb8;
	[tilespmem:$0x18600] =	vst v63  }
0x55: {  	_ =	swait.ge [sflag:s7], $0x18000  }
0x56: {  	[sflag:s7] =	ssyncset.done $0x0  }
0x57: {  	[sflag:s7] =	ssyncadd.s32 $0xFFFE8000  }
0x58: {  	[hbm4b:s10+s2] =	stream.linear.scatter [tilespmem:s6], [sflag:$0x2], $0x18000, $0x38;
	[tilespmem:$0x18600] =	vst v63  }
0x59: {  	_ =	swait.ge [sflag:s3], $0x18000  }
0x5a: {  	[sflag:s3] =	ssyncset.done $0x0  }
0x5b: {  	[sflag:s3] =	ssyncadd.s32 $0xFFFE8000  }
0x5c: {  	[tilespmem:s2], [sflag:$0x2] =	stream.linear.gather [hbm4b:s11+s2], $0x600, $0x38;
	[tilespmem:$0x18600] =	vst v63  }
0x5d: {  	_ =	swait.ge [sflag:s3], $0x600  }
0x5e: {  	[sflag:s3] =	ssyncset.done $0x0  }
0x5f: {  	[sflag:s3] =	ssyncadd.s32 $0xFFFFFA00  }
0x60: {  	[tilespmem:s6], [sflag:$0x1] =	stream.indirect.gather [hbm4b:s5+s6], $0x40, s2, s6, $0xb8;
	[tilespmem:$0x18600] =	vst v63  }
0x61: {  	_ =	swait.ge [sflag:s7], $0x18000  }
0x62: {  	[sflag:s7] =	ssyncset.done $0x0  }
0x63: {  	[sflag:s7] =	ssyncadd.s32 $0xFFFE8000  }
0x64: {  	[hbm4b:s12+s2] =	stream.linear.scatter [tilespmem:s6], [sflag:$0x2], $0x18000, $0x38;
	[tilespmem:$0x18600] =	vst v63  }
0x65: {  	_ =	swait.ge [sflag:s3], $0x18000  }
0x66: {  	[sflag:s3] =	ssyncset.done $0x0  }
0x67: {  	[sflag:s3] =	ssyncadd.s32 $0xFFFE8000  }
0x68: {  	[tilespmem:s2], [sflag:$0x2] =	stream.linear.gather [hbm4b:s13+s2], $0x600, $0x38;
	[tilespmem:$0x18600] =	vst v63  }
0x69: {  	_ =	swait.ge [sflag:s3], $0x600  }
0x6a: {  	[sflag:s3] =	ssyncset.done $0x0  }
0x6b: {  	[sflag:s3] =	ssyncadd.s32 $0xFFFFFA00  }
0x6c: {  	[tilespmem:s6], [sflag:$0x1] =	stream.indirect.gather [hbm4b:s5+s6], $0x40, s2, s6, $0xb8;
	[tilespmem:$0x18600] =	vst v63  }
0x6d: {  	_ =	swait.ge [sflag:s7], $0x18000  }
0x6e: {  	[sflag:s7] =	ssyncset.done $0x0  }
0x6f: {  	[sflag:s7] =	ssyncadd.s32 $0xFFFE8000  }
0x70: {  	[hbm4b:s14+s2] =	stream.linear.scatter [tilespmem:s6], [sflag:$0x2], $0x18000, $0x38;
	[tilespmem:$0x18600] =	vst v63  }
0x71: {  	_ =	swait.ge [sflag:s3], $0x18000  }
0x72: {  	[sflag:s3] =	ssyncset.done $0x0  }
0x73: {  	[sflag:s3] =	ssyncadd.s32 $0xFFFE8000  }
0x74: {  	[tilespmem:s2], [sflag:$0x2] =	stream.linear.gather [hbm4b:s15+s2], $0x600, $0x38;
	[tilespmem:$0x18600] =	vst v63  }
0x75: {  	_ =	swait.ge [sflag:s3], $0x600  }
0x76: {  	[sflag:s3] =	ssyncset.done $0x0  }
0x77: {  	[sflag:s3] =	ssyncadd.s32 $0xFFFFFA00  }
0x78: {  	[tilespmem:s6], [sflag:$0x1] =	stream.indirect.gather [hbm4b:s5+s6], $0x40, s2, s6, $0xb8;
	[tilespmem:$0x18600] =	vst v63  }
0x79: {  	_ =	swait.ge [sflag:s7], $0x18000  }
.Ltmp1:
0x7a: {  	[sflag:s7] =	ssyncset.done $0x0;
	(pc) =	sbr.rel @p0 .LBB2_1-.Ltmp1, $4  }
0x7b: {  	[sflag:s7] =	ssyncadd.s32 $0xFFFE8000  }
0x7c: {  	[hbm4b:s16+s2] =	stream.linear.scatter [tilespmem:s6], [sflag:$0x2], $0x18000, $0x38;
	[tilespmem:$0x18600] =	vst v63  }
0x7d: {  	_ =	swait.ge [sflag:s3], $0x18000  }
0x7e: {  	[sflag:s3] =	ssyncset.done $0x0  }
.LBB2_2:
0x7f: {  	[sflag:s3] =	ssyncadd.s32 $0xFFFE8000  }
0x80: {  	_ =	sfence.sel $0x180000  }
0x81: {  	[bflag:$0x0] =	sbarrier.arrive $0xFFFF  }
0x82: {  	p0 =	sne.s32 s0, $0x0;
	_ =	strace $0x9000004D  }
0x83: {  	s0 =	sadd.s32 @!p0 $0x100000, s1;
	[bflag:$0x2] =	sbarrier.arrive $0xFFFF  }
0x84: {  	[sflag:s0] =	ssyncadd.tile.s32 @!p0 $0x1;
	_ =	shalt  }
.Lfunc_end2:
_tile_overlayer_lowered:
.L_overlay_start_2:
0x85: {  	(tag) =	ssettag $0x2  }
0x86: {  	s0 =	rddreg [dreg:$0x0];
	s2 =	stileid.u32  }
0x87: {  	s1 =	rddreg [dreg:$0x1];
	p0 =	sne.s32 s2, $0x0  }
0x88: {  	s3 =	rddreg [dreg:$0x2];
	[bflag:$0x3] =	sbarrier.arrive $0xFFFF;
	s2 =	simm.s32 @!p0 $0x1C02  }
0x89: {  	[timem:s3], [sflag:s2] =	dma.local @!p0 [hbm:s0], s1  }
0x8a: {  	s0 =	simm.s32 @!p0 $0x2  }
0x8b: {  	_ =	swait.ge @!p0 [sflag:s0], s1  }
0x8c: {  	s1 =	ssub.s32 @!p0 $0x0, s1;
	[sflag:s0] =	ssyncset.done @!p0 $0x0  }
0x8d: {  	[sflag:s0] =	ssyncadd.s32 @!p0 s1  }
0x8e: {  	[bflag:$0x3] =	sbarrier.arrive $0xFFFF  }
0x8f: {  	_ =	shalt  }

// kernel: kernel.31.cloned.1.call-start
scs
__scs_entry_jumppad:
0x0: {  	(pc) =	sbr.rel $0x88, $3  }
0x1: {  	(tag) =	ssettag $0x0;
	lr =	simm.s32 $0x1  }
0x2: {  	[smem:$0x3F8F] =	sst lr;
	_ =	strace $0xD0000000  }
0x3: {  	_ = 	snop  }
0x4: {  	_ = 	snop  }
0x5: {  	_ = 	snop  }
0x6: {  	_ = 	snop  }
0x7: {  	_ = 	snop  }
__scs_overlays_trampoline_lowered:
0x8: {  	[smem:$0x3F9E] =	sst s0  }
0x9: {  	[smem:$0x3F9F] =	sst s1  }
0xa: {  	[smem:$0x3FA0] =	sst s2  }
0xb: {  	[smem:$0x3FA1] =	sst s3  }
0xc: {  	[smem:$0x3FA2] =	sst s4  }
0xd: {  	[smem:$0x3FA3] =	sst s5  }
0xe: {  	[smem:$0x3FA4] =	sst s6  }
0xf: {  	[smem:$0x3FA5] =	sst s7  }
0x10: {  	[smem:$0x3FA6] =	sst s8  }
0x11: {  	[smem:$0x3FA7] =	sst s9;
	s0 =	simm.s32 @!p0 $0x0  }
0x12: {  	s1 =	sld [smem:$0x3F8D];
	s0 =	simm.s32 @p0 $0x1  }
0x13: {  	[smem:$0x3FA8] =	sst s0;
	s0 =	simm.s32 @!p1 $0x0  }
0x14: {  	s2 =	sld [smem:$0x3F8C];
	s0 =	simm.s32 @p1 $0x1  }
0x15: {  	[smem:$0x3FA9] =	sst s0;
	s0 =	simm.s32 @!p2 $0x0  }
0x16: {  	s3 =	sld [smem:$0x3FDB];
	s0 =	simm.s32 @p2 $0x1  }
0x17: {  	s4 =	simm.s32 $0x1BF5;
	[smem:$0x3FAB] =	sst s0  }
0x18: {  	s0 =	sld [smem:$0x3F8E];
	_ =	swait.ge [sflag:s4], $0x0  }
0x19: {  	s7 =	sld [smem:$0x3F8F]  }
0x1a: {  	s8 =	sadd.s32 $0xFFFFE003, lr  }
0x1b: {  	s9 =	sadd.s32 $0xFFFFFEF7, lr;
	s5 =	simm.s32 $0xFFFFFFFF;
	p2 =	slt.u32 s8, $0xFFFFF086  }
0x1c: {  	p1 =	slt.u32 s9, $0xF7A;
	s5 =	simm.s32 @!p2 $0x0  }
0x1d: {  	s5 =	simm.s32 @p1 $0x1;
	p0 =	seq.s32 s7, s2  }
0x1e: {  	s7 =	smul.u32 @!p0 $0xF7A, s2;
	p2 =	seq.s32 @!p0 s5, $0x0  }
0x1f: {  	s9 =	smul.u32 $0xF7A, s1;
	s8 =	simm.s32 @!p0 $0x1BF5;
	p2 =	por !p2, p0  }
0x20: {  	[sflag:s8] =	ssyncset.s32 @!p0 $0xFFFFF086;
	s6 =	sadd.s32 @!p0 s3, s7;
	s7 =	simm.s32 @!p0 $0x108  }
0x21: {  	s3 =	sadd.s32 s3, s9;
	s6 =	sadd.s32 @!p0 $0x88, s6;
	s7 =	simm.s32 @p2 $0x1082  }
0x22: {  	[simem:s7], [sflag:s8] =	dma.local @!p0 [hbm:s6], $0xF7A  }
0x23: {  	s9 =	sor.u32 $0xD0000000, s2;
	s6 =	simm.s32 $0x108;
	_ =	swait.ge @!p0 [sflag:s8], $0x0  }
0x24: {  	s3 =	sadd.s32 $0x88, s3;
	s6 =	simm.s32 @!p1 $0x1082;
	[sflag:s4] =	ssyncset.s32 $0xFFFFF086  }
0x25: {  	[simem:s6], [sflag:s4] =	dma.local [hbm:s3], $0xF7A  }
0x26: {  	[smem:$0x3F8F] =	sst s1;
	(tag) =	ssettag s2;
	_ =	strace s9  }
0x27: {  	s1 =	sld [smem:$0x3F9F]  }
0x28: {  	s2 =	sld [smem:$0x3FA0]  }
0x29: {  	s4 =	sld [smem:$0x3FA2]  }
0x2a: {  	p0 =	seq.s32 s5, $0x0;
	s5 =	sld [smem:$0x3FA3]  }
0x2b: {  	s6 =	sld [smem:$0x3FA4]  }
0x2c: {  	s7 =	sld [smem:$0x3FA5]  }
0x2d: {  	s3 =	simm.s32 $0x108;
	s8 =	sld [smem:$0x3FA6]  }
0x2e: {  	s3 =	simm.s32 @!p0 $0x1082;
	s9 =	sld [smem:$0x3FA7]  }
0x2f: {  	lr =	sadd.s32 s0, s3;
	s0 =	sld [smem:$0x3F9E]  }
0x30: {  	s3 =	sld [smem:$0x3FA1]  }
0x31: {  	[smem:$0x3FAA] =	sst s10  }
0x32: {  	s10 =	sld [smem:$0x3FA8];
	_ =	sdelay $0x3  }
0x33: {  	p0 =	seq.s32 s10, $0x1;
	s10 =	sld [smem:$0x3FAA];
	_ =	sdelay $0x3  }
0x34: {  	[smem:$0x3FAA] =	sst s10  }
0x35: {  	s10 =	sld [smem:$0x3FA9];
	_ =	sdelay $0x3  }
0x36: {  	p1 =	seq.s32 s10, $0x1;
	s10 =	sld [smem:$0x3FAA];
	_ =	sdelay $0x3  }
0x37: {  	[smem:$0x3FAA] =	sst s10  }
0x38: {  	s10 =	sld [smem:$0x3FAB]  }
0x39: {  	_ = 	snop;
	(pc) =	sbr.ind lr, $3  }
0x3a: {  	_ = 	snop  }
0x3b: {  	_ = 	snop  }
0x3c: {  	p2 =	seq.s32 s10, $0x1;
	s10 =	sld [smem:$0x3FAA]  }
0x3d: {  	_ =	shalt  }
0x3e: {  	_ =	shalt  }
0x3f: {  	_ =	shalt  }
0x40: {  	_ =	shalt  }
0x41: {  	_ =	shalt  }
0x42: {  	_ =	shalt  }
0x43: {  	_ =	shalt  }
0x44: {  	_ =	shalt  }
0x45: {  	_ =	shalt  }
0x46: {  	_ =	shalt  }
0x47: {  	_ =	shalt  }
0x48: {  	_ =	shalt  }
0x49: {  	_ =	shalt  }
0x4a: {  	_ =	shalt  }
0x4b: {  	_ =	shalt  }
0x4c: {  	_ =	shalt  }
0x4d: {  	_ =	shalt  }
0x4e: {  	_ =	shalt  }
0x4f: {  	_ =	shalt  }
0x50: {  	_ =	shalt  }
0x51: {  	_ =	shalt  }
0x52: {  	_ =	shalt  }
0x53: {  	_ =	shalt  }
0x54: {  	_ =	shalt  }
0x55: {  	_ =	shalt  }
0x56: {  	_ =	shalt  }
0x57: {  	_ =	shalt  }
0x58: {  	_ =	shalt  }
0x59: {  	_ =	shalt  }
0x5a: {  	_ =	shalt  }
0x5b: {  	_ =	shalt  }
0x5c: {  	_ =	shalt  }
0x5d: {  	_ =	shalt  }
0x5e: {  	_ =	shalt  }
0x5f: {  	_ =	shalt  }
0x60: {  	_ =	shalt  }
0x61: {  	_ =	shalt  }
0x62: {  	_ =	shalt  }
0x63: {  	_ =	shalt  }
0x64: {  	_ =	shalt  }
0x65: {  	_ =	shalt  }
0x66: {  	_ =	shalt  }
0x67: {  	_ =	shalt  }
0x68: {  	_ =	shalt  }
0x69: {  	_ =	shalt  }
0x6a: {  	_ =	shalt  }
0x6b: {  	_ =	shalt  }
0x6c: {  	_ =	shalt  }
0x6d: {  	_ =	shalt  }
0x6e: {  	_ =	shalt  }
0x6f: {  	_ =	shalt  }
0x70: {  	_ =	shalt  }
0x71: {  	_ =	shalt  }
0x72: {  	_ =	shalt  }
0x73: {  	_ =	shalt  }
0x74: {  	_ =	shalt  }
0x75: {  	_ =	shalt  }
0x76: {  	_ =	shalt  }
0x77: {  	_ =	shalt  }
0x78: {  	_ =	shalt  }
0x79: {  	_ =	shalt  }
0x7a: {  	_ =	shalt  }
0x7b: {  	_ =	shalt  }
0x7c: {  	_ =	shalt  }
0x7d: {  	_ =	shalt  }
0x7e: {  	_ =	shalt  }
0x7f: {  	_ =	shalt  }
0x80: {  	_ =	shalt  }
0x81: {  	_ =	shalt  }
0x82: {  	_ =	shalt  }
0x83: {  	_ =	shalt  }
0x84: {  	_ =	shalt  }
0x85: {  	_ =	shalt  }
0x86: {  	_ =	shalt  }
0x87: {  	_ =	shalt  }
.Lfunc_end0:
.L_simem_size_0:
called_computation.4_lowered:
.L_overlay_start_0:
0x88: {  	s2 =	sld [smem:$0x3FD9]  }
0x89: {  	s3 =	sld [smem:$0x3FFE];
	_ =	sdelay $0x1  }
0x8a: {  	s1 =	srdreg.scid  }
0x8b: {  	s0 =	sand.u32 $0x1, s1  }
0x8c: {  	s14 =	sshll.u32 s0, $0xA;
	s2 =	sadd.s32 s3, s2  }
0x8d: {  	s2 =	sadd.s32 s2, s14  }
0x8e: {  	[smem:$0x3FB6] =	sst s2  }
0x8f: {  	_ = 	snop  }
0x90: {  	s2 =	sld [smem:$0x3FD0];
	_ =	sdelay $0x2  }
0x91: {  	s15 =	simm.s32 $0xA;
	s4 =	simm.s32 $0x10  }
0x92: {  	[smem:s4], [sflag:s15] =	dma.local [hbm:s2], $0x1  }
0x93: {  	_ =	swait.eq [sflag:s15], $0x1  }
0x94: {  	[sflag:s15] =	ssyncset.done $0x0  }
0x95: {  	[sflag:s15] =	ssyncadd.s32 $0xFFFFFFFF  }
0x96: {  	s16 =	sld [smem:$0x11];
	(tm) =	ssettm $0x1  }
0x97: {  	s17 =	sld [smem:$0x3FFB];
	_ =	sdelay $0x3  }
0x98: {  	_ =	strace s17  }
0x99: {  	s3 =	sld [smem:$0x3FFC];
	_ =	sdelay $0x3  }
0x9a: {  	_ =	strace s3  }
0x9b: {  	s3 =	sld [smem:$0x3FFD];
	_ =	sdelay $0x3  }
0x9c: {  	_ =	strace s3  }
0x9d: {  	_ =	strace $0x8FFFFFFF  }
0x9e: {  	s18 =	sld [smem:$0x3FDB];
	_ =	sdelay $0x1  }
0x9f: {  	s19 =	simm.s32 $_scs_section_size  }
0xa0: {  	s5 =	simm.s32 $_size__tile_overlayer_lowered;
	s6 =	simm.s32 $_tile_overlayer_lowered  }
0xa1: {  	s22 =	simm.s32 $0x1BFF;
	s21 =	sshll.u32 s6, $0x1;
	s3 =	sadd.s32 s19, s18  }
0xa2: {  	s7 =	simm.s32 $0x0;
	s20 =	sshll.u32 s5, $0x1;
	s5 =	sadd.s32 s21, s3  }
0xa3: {  	[timem:s7], [sflag:s22] =	dma.local [hbm:s5], s20  }
0xa4: {  	_ =	swait.ge [sflag:s22], s20  }
0xa5: {  	s4 =	ssub.s32 $0x0, s20;
	[sflag:s22] =	ssyncset.done $0x0  }
0xa6: {  	[sflag:s22] =	ssyncadd.s32 s4;
	_ =	sdelay $0x1  }
0xa7: {  	s23 =	simm.s32 $0x1B8B  }
0xa8: {  	_ =	swait.ge [sflag:s23], $0x1  }
0xa9: {  	[sflag:s23] =	ssyncset.done $0x0  }
0xaa: {  	s25 =	simm.s32 $0x1B8E;
	s24 =	sld [smem:$0x3FFE];
	[sflag:s23] =	ssyncadd.s32 $0xFFFFFFFF  }
0xab: {  	s26 =	simm.s32 $execute0_lowered;
	[smem:$0x3FD2] =	sst s25  }
0xac: {  	s5 =	sshll.u32 s26, $0x1;
	_ =	strace $0x8000004F;
	[dreg:$0x1] =	wrdreg $0xFFFFFFFF  }
0xad: {  	s28 =	simm.s32 $_size_execute0_lowered;
	s3 =	sadd.s32 s3, s5;
	[dreg:$0x0] =	wrdreg $0x0  }
0xae: {  	s5 =	sshll.u32 s28, $0x1;
	[dreg:$0x2] =	wrdreg s3  }
0xaf: {  	[dreg:$0x3] =	wrdreg s5  }
0xb0: {  	[dreg:$0x4] =	wrdreg $0xC0  }
0xb1: {  	_ =	task [dreg:s7], $0x5FFFF  }
0xb2: {  	[dreg:$0x1] =	wrdreg $0xFFFFFFFF  }
0xb3: {  	[dreg:$0x0] =	wrdreg $0x60  }
0xb4: {  	[dreg:$0x2] =	wrdreg s24  }
0xb5: {  	[dreg:$0x3] =	wrdreg s16  }
0xb6: {  	[dreg:$0x4] =	wrdreg $0x9  }
0xb7: {  	_ =	task.clear_ibuf [dreg:s7], $0x5FFFF;
	_ =	strace $0x9000004F  }
0xb8: {  	s29 =	simm.s32 $0x9;
	_ =	strace $0x80000051  }
0xb9: {  	_ =	swait.ge [sflag:s29], $0x1  }
0xba: {  	[sflag:s29] =	ssyncadd.s32 $0xFFFFFFFF  }
0xbb: {  	_ =	strace $0x90000051  }
0xbc: {  	_ =	sfence  }
0xbd: {  	s30 =	sld [smem:$0x0];
	_ =	sdelay $0x2  }
0xbe: {  	s31 =	sshll.u32 s1, $0xD;
	s1 =	sshrl.u32 s1, $0x2  }
0xbf: {  	s3 =	sand.u32 $0x4000, s31;
	s1 =	sadd.s32 s1, s30  }
0xc0: {  	s0 =	sor.u32 s3, s0;
	s1 =	sshll.u32 s1, $0x11  }
0xc1: {  	s0 =	sor.u32 s1, s0  }
0xc2: {  	s0 =	sadd.s32 $0x8F2B, s0  }
0xc3: {  	[sflag:s0] =	ssyncadd.remote.s32 $0x1  }
0xc4: {  	_ =	sfence.sel $0xFFFF  }
0xc5: {  	[dreg:$0x0] =	wrdreg $0xFFFFFFFF;
	(pc) =	sbr.abs _section_cstart, $3  }
0xc6: {  	[dreg:$0x1] =	wrdreg $0xFFFFFFFF  }
0xc7: {  	_ =	task.clear_ibuf [dreg:s7], $0x2FFFF;
	_ =	strace $0x9FFFFFFF  }
0xc8: {  	(tm) =	ssettm $0x7FFFFFFF  }
0xc9: {  	_ =	shalt  }
tec
execute0_lowered:
.L_overlay_start_1:
0x0: {  	(tag) =	ssettag $0x1  }
0x1: {  	s1 =	srdreg.scid;
	s0 =	stileid.u32  }
0x2: {  	s17 =	sand.u32 $0x1, s1;
	s30 =	sshll.u32 s0, $0x1  }
0x3: {  	s5 =	rddreg [dreg:$0x0];
	s8 =	sor.u32 s17, s30  }
0x4: {  	s16 =	rddreg [dreg:$0x1];
	s18 =	smul.u32 $0x1E00, s8  }
0x5: {  	s2 =	simm.s32 $0x0;
	s1 =	rddreg [dreg:$0x2]  }
0x6: {  	[smem:$0x7FF] =	sst s2;
	s15 =	sadd.s32 $0x34E00, s5;
	s3 =	sshrl.u32 s18, $0x3  }
0x7: {  	_ =	strace $0x80000050;
	s4 =	sadd.s32 s15, s3;
	s3 =	simm.s32 $0x2  }
0x8: {  	[tilespmem:s2], [sflag:$0x2] =	stream.linear.gather [hbm4b:s4+s2], $0x600, $0x38;
	[tilespmem:$0x18600] =	vst v63  }
0x9: {  	_ =	swait.ge [sflag:s3], $0x600  }
0xa: {  	s6 =	simm.s32 $0x600;
	[sflag:s3] =	ssyncset.done $0x0  }
0xb: {  	s7 =	simm.s32 $0x1;
	s5 =	sadd.s32 $0x24E00, s5;
	[sflag:s3] =	ssyncadd.s32 $0xFFFFFA00  }
0xc: {  	[tilespmem:s6], [sflag:$0x1] =	stream.indirect.gather [hbm4b:s5+s6], $0x40, s2, s6, $0xb8;
	[tilespmem:$0x18600] =	vst v63  }
0xd: {  	s8 =	smul.u32 $0xF000, s8;
	_ =	swait.ge [sflag:s7], $0x18000  }
0xe: {  	[sflag:s7] =	ssyncset.done $0x0  }
0xf: {  	s8 =	sadd.s32 s16, s8;
	[sflag:s7] =	ssyncadd.s32 $0xFFFE8000  }
0x10: {  	[hbm4b:s8+s2] =	stream.linear.scatter [tilespmem:s6], [sflag:$0x2], $0x18000, $0x38;
	[tilespmem:$0x18600] =	vst v63  }
0x11: {  	s10 =	sadd.s32 $0x600, s18;
	_ =	swait.ge [sflag:s3], $0x18000  }
0x12: {  	s9 =	sshrl.u32 s10, $0x3;
	[sflag:s3] =	ssyncset.done $0x0  }
0x13: {  	s9 =	sadd.s32 s15, s9;
	[sflag:s3] =	ssyncadd.s32 $0xFFFE8000  }
0x14: {  	[tilespmem:s2], [sflag:$0x2] =	stream.linear.gather [hbm4b:s9+s2], $0x600, $0x38;
	[tilespmem:$0x18600] =	vst v63  }
0x15: {  	_ =	swait.ge [sflag:s3], $0x600  }
0x16: {  	[sflag:s3] =	ssyncset.done $0x0  }
0x17: {  	[sflag:s3] =	ssyncadd.s32 $0xFFFFFA00  }
0x18: {  	[tilespmem:s6], [sflag:$0x1] =	stream.indirect.gather [hbm4b:s5+s6], $0x40, s2, s6, $0xb8;
	[tilespmem:$0x18600] =	vst v63  }
0x19: {  	_ =	swait.ge [sflag:s7], $0x18000  }
0x1a: {  	s10 =	sshll.u32 s10, $0x3;
	[sflag:s7] =	ssyncset.done $0x0  }
0x1b: {  	s10 =	sadd.s32 s16, s10;
	[sflag:s7] =	ssyncadd.s32 $0xFFFE8000  }
0x1c: {  	[hbm4b:s10+s2] =	stream.linear.scatter [tilespmem:s6], [sflag:$0x2], $0x18000, $0x38;
	[tilespmem:$0x18600] =	vst v63  }
0x1d: {  	s12 =	sadd.s32 $0xC00, s18;
	_ =	swait.ge [sflag:s3], $0x18000  }
0x1e: {  	s11 =	sshrl.u32 s12, $0x3;
	[sflag:s3] =	ssyncset.done $0x0  }
0x1f: {  	s11 =	sadd.s32 s15, s11;
	[sflag:s3] =	ssyncadd.s32 $0xFFFE8000  }
0x20: {  	[tilespmem:s2], [sflag:$0x2] =	stream.linear.gather [hbm4b:s11+s2], $0x600, $0x38;
	[tilespmem:$0x18600] =	vst v63  }
0x21: {  	_ =	swait.ge [sflag:s3], $0x600  }
0x22: {  	[sflag:s3] =	ssyncset.done $0x0  }
0x23: {  	[sflag:s3] =	ssyncadd.s32 $0xFFFFFA00  }
0x24: {  	[tilespmem:s6], [sflag:$0x1] =	stream.indirect.gather [hbm4b:s5+s6], $0x40, s2, s6, $0xb8;
	[tilespmem:$0x18600] =	vst v63  }
0x25: {  	_ =	swait.ge [sflag:s7], $0x18000  }
0x26: {  	s12 =	sshll.u32 s12, $0x3;
	[sflag:s7] =	ssyncset.done $0x0  }
0x27: {  	s12 =	sadd.s32 s16, s12;
	[sflag:s7] =	ssyncadd.s32 $0xFFFE8000  }
0x28: {  	[hbm4b:s12+s2] =	stream.linear.scatter [tilespmem:s6], [sflag:$0x2], $0x18000, $0x38;
	[tilespmem:$0x18600] =	vst v63  }
0x29: {  	s14 =	sadd.s32 $0x1200, s18;
	_ =	swait.ge [sflag:s3], $0x18000  }
0x2a: {  	s13 =	sshrl.u32 s14, $0x3;
	[sflag:s3] =	ssyncset.done $0x0  }
0x2b: {  	s13 =	sadd.s32 s15, s13;
	[sflag:s3] =	ssyncadd.s32 $0xFFFE8000  }
0x2c: {  	[tilespmem:s2], [sflag:$0x2] =	stream.linear.gather [hbm4b:s13+s2], $0x600, $0x38;
	[tilespmem:$0x18600] =	vst v63  }
0x2d: {  	_ =	swait.ge [sflag:s3], $0x600  }
0x2e: {  	[sflag:s3] =	ssyncset.done $0x0  }
0x2f: {  	[sflag:s3] =	ssyncadd.s32 $0xFFFFFA00  }
0x30: {  	[tilespmem:s6], [sflag:$0x1] =	stream.indirect.gather [hbm4b:s5+s6], $0x40, s2, s6, $0xb8;
	[tilespmem:$0x18600] =	vst v63  }
0x31: {  	_ =	swait.ge [sflag:s7], $0x18000  }
0x32: {  	s14 =	sshll.u32 s14, $0x3;
	[sflag:s7] =	ssyncset.done $0x0  }
0x33: {  	s14 =	sadd.s32 s16, s14;
	[sflag:s7] =	ssyncadd.s32 $0xFFFE8000  }
0x34: {  	[hbm4b:s14+s2] =	stream.linear.scatter [tilespmem:s6], [sflag:$0x2], $0x18000, $0x38;
	[tilespmem:$0x18600] =	vst v63  }
0x35: {  	s18 =	sadd.s32 $0x1800, s18;
	_ =	swait.ge [sflag:s3], $0x18000  }
0x36: {  	s19 =	sshrl.u32 s18, $0x3;
	[sflag:s3] =	ssyncset.done $0x0  }
0x37: {  	s17 =	ssub.s32 $0x2, s17;
	s15 =	sadd.s32 s15, s19;
	[sflag:s3] =	ssyncadd.s32 $0xFFFE8000  }
0x38: {  	[tilespmem:s2], [sflag:$0x2] =	stream.linear.gather [hbm4b:s15+s2], $0x600, $0x38;
	[tilespmem:$0x18600] =	vst v63  }
0x39: {  	s31 =	sshrl.u32 s17, $0x1;
	_ =	swait.ge [sflag:s3], $0x600  }
0x3a: {  	s17 =	ssub.s32 s17, s31;
	[sflag:s3] =	ssyncset.done $0x0  }
0x3b: {  	s17 =	smax.u32 s17, $0x1;
	[sflag:s3] =	ssyncadd.s32 $0xFFFFFA00  }
0x3c: {  	[tilespmem:s6], [sflag:$0x1] =	stream.indirect.gather [hbm4b:s5+s6], $0x40, s2, s6, $0xb8;
	[tilespmem:$0x18600] =	vst v63  }
0x3d: {  	p0 =	sne.s32 s17, $0x1;
	_ =	swait.ge [sflag:s7], $0x18000  }
.Ltmp0:
0x3e: {  	s18 =	sshll.u32 s18, $0x3;
	[sflag:s7] =	ssyncset.done $0x0;
	(pc) =	sbr.rel @!p0 .LBB2_2-.Ltmp0, $4  }
0x3f: {  	s16 =	sadd.s32 s16, s18;
	[sflag:s7] =	ssyncadd.s32 $0xFFFE8000  }
0x40: {  	[hbm4b:s16+s2] =	stream.linear.scatter [tilespmem:s6], [sflag:$0x2], $0x18000, $0x38;
	[tilespmem:$0x18600] =	vst v63  }
0x41: {  	_ =	swait.ge [sflag:s3], $0x18000  }
0x42: {  	s17 =	sadd.s32 $0xFFFFFFFF, s17;
	[sflag:s3] =	ssyncset.done $0x0  }
.LBB2_1:
0x43: {  	p0 =	sne.s32 s17, $0x1;
	s17 =	sadd.s32 $0xFFFFFFFF, s17;
	[sflag:s3] =	ssyncadd.s32 $0xFFFE8000  }
0x44: {  	[tilespmem:s2], [sflag:$0x2] =	stream.linear.gather [hbm4b:s4+s2], $0x600, $0x38;
	[tilespmem:$0x18600] =	vst v63  }
0x45: {  	_ =	swait.ge [sflag:s3], $0x600  }
0x46: {  	[sflag:s3] =	ssyncset.done $0x0  }
0x47: {  	[sflag:s3] =	ssyncadd.s32 $0xFFFFFA00  }
0x48: {  	[tilespmem:s6], [sflag:$0x1] =	stream.indirect.gather [hbm4b:s5+s6], $0x40, s2, s6, $0xb8;
	[tilespmem:$0x18600] =	vst v63  }
0x49: {  	_ =	swait.ge [sflag:s7], $0x18000  }
0x4a: {  	[sflag:s7] =	ssyncset.done $0x0  }
0x4b: {  	[sflag:s7] =	ssyncadd.s32 $0xFFFE8000  }
0x4c: {  	[hbm4b:s8+s2] =	stream.linear.scatter [tilespmem:s6], [sflag:$0x2], $0x18000, $0x38;
	[tilespmem:$0x18600] =	vst v63  }
0x4d: {  	_ =	swait.ge [sflag:s3], $0x18000  }
0x4e: {  	[sflag:s3] =	ssyncset.done $0x0  }
0x4f: {  	[sflag:s3] =	ssyncadd.s32 $0xFFFE8000  }
0x50: {  	[tilespmem:s2], [sflag:$0x2] =	stream.linear.gather [hbm4b:s9+s2], $0x600, $0x38;
	[tilespmem:$0x18600] =	vst v63  }
0x51: {  	_ =	swait.ge [sflag:s3], $0x600  }
0x52: {  	[sflag:s3] =	ssyncset.done $0x0  }
0x53: {  	[sflag:s3] =	ssyncadd.s32 $0xFFFFFA00  }
0x54: {  	[tilespmem:s6], [sflag:$0x1] =	stream.indirect.gather [hbm4b:s5+s6], $0x40, s2, s6, $0xb8;
	[tilespmem:$0x18600] =	vst v63  }
0x55: {  	_ =	swait.ge [sflag:s7], $0x18000  }
0x56: {  	[sflag:s7] =	ssyncset.done $0x0  }
0x57: {  	[sflag:s7] =	ssyncadd.s32 $0xFFFE8000  }
0x58: {  	[hbm4b:s10+s2] =	stream.linear.scatter [tilespmem:s6], [sflag:$0x2], $0x18000, $0x38;
	[tilespmem:$0x18600] =	vst v63  }
0x59: {  	_ =	swait.ge [sflag:s3], $0x18000  }
0x5a: {  	[sflag:s3] =	ssyncset.done $0x0  }
0x5b: {  	[sflag:s3] =	ssyncadd.s32 $0xFFFE8000  }
0x5c: {  	[tilespmem:s2], [sflag:$0x2] =	stream.linear.gather [hbm4b:s11+s2], $0x600, $0x38;
	[tilespmem:$0x18600] =	vst v63  }
0x5d: {  	_ =	swait.ge [sflag:s3], $0x600  }
0x5e: {  	[sflag:s3] =	ssyncset.done $0x0  }
0x5f: {  	[sflag:s3] =	ssyncadd.s32 $0xFFFFFA00  }
0x60: {  	[tilespmem:s6], [sflag:$0x1] =	stream.indirect.gather [hbm4b:s5+s6], $0x40, s2, s6, $0xb8;
	[tilespmem:$0x18600] =	vst v63  }
0x61: {  	_ =	swait.ge [sflag:s7], $0x18000  }
0x62: {  	[sflag:s7] =	ssyncset.done $0x0  }
0x63: {  	[sflag:s7] =	ssyncadd.s32 $0xFFFE8000  }
0x64: {  	[hbm4b:s12+s2] =	stream.linear.scatter [tilespmem:s6], [sflag:$0x2], $0x18000, $0x38;
	[tilespmem:$0x18600] =	vst v63  }
0x65: {  	_ =	swait.ge [sflag:s3], $0x18000  }
0x66: {  	[sflag:s3] =	ssyncset.done $0x0  }
0x67: {  	[sflag:s3] =	ssyncadd.s32 $0xFFFE8000  }
0x68: {  	[tilespmem:s2], [sflag:$0x2] =	stream.linear.gather [hbm4b:s13+s2], $0x600, $0x38;
	[tilespmem:$0x18600] =	vst v63  }
0x69: {  	_ =	swait.ge [sflag:s3], $0x600  }
0x6a: {  	[sflag:s3] =	ssyncset.done $0x0  }
0x6b: {  	[sflag:s3] =	ssyncadd.s32 $0xFFFFFA00  }
0x6c: {  	[tilespmem:s6], [sflag:$0x1] =	stream.indirect.gather [hbm4b:s5+s6], $0x40, s2, s6, $0xb8;
	[tilespmem:$0x18600] =	vst v63  }
0x6d: {  	_ =	swait.ge [sflag:s7], $0x18000  }
0x6e: {  	[sflag:s7] =	ssyncset.done $0x0  }
0x6f: {  	[sflag:s7] =	ssyncadd.s32 $0xFFFE8000  }
0x70: {  	[hbm4b:s14+s2] =	stream.linear.scatter [tilespmem:s6], [sflag:$0x2], $0x18000, $0x38;
	[tilespmem:$0x18600] =	vst v63  }
0x71: {  	_ =	swait.ge [sflag:s3], $0x18000  }
0x72: {  	[sflag:s3] =	ssyncset.done $0x0  }
0x73: {  	[sflag:s3] =	ssyncadd.s32 $0xFFFE8000  }
0x74: {  	[tilespmem:s2], [sflag:$0x2] =	stream.linear.gather [hbm4b:s15+s2], $0x600, $0x38;
	[tilespmem:$0x18600] =	vst v63  }
0x75: {  	_ =	swait.ge [sflag:s3], $0x600  }
0x76: {  	[sflag:s3] =	ssyncset.done $0x0  }
0x77: {  	[sflag:s3] =	ssyncadd.s32 $0xFFFFFA00  }
0x78: {  	[tilespmem:s6], [sflag:$0x1] =	stream.indirect.gather [hbm4b:s5+s6], $0x40, s2, s6, $0xb8;
	[tilespmem:$0x18600] =	vst v63  }
0x79: {  	_ =	swait.ge [sflag:s7], $0x18000  }
.Ltmp1:
0x7a: {  	[sflag:s7] =	ssyncset.done $0x0;
	(pc) =	sbr.rel @p0 .LBB2_1-.Ltmp1, $4  }
0x7b: {  	[sflag:s7] =	ssyncadd.s32 $0xFFFE8000  }
0x7c: {  	[hbm4b:s16+s2] =	stream.linear.scatter [tilespmem:s6], [sflag:$0x2], $0x18000, $0x38;
	[tilespmem:$0x18600] =	vst v63  }
0x7d: {  	_ =	swait.ge [sflag:s3], $0x18000  }
0x7e: {  	[sflag:s3] =	ssyncset.done $0x0  }
.LBB2_2:
0x7f: {  	[sflag:s3] =	ssyncadd.s32 $0xFFFE8000  }
0x80: {  	_ =	sfence.sel $0x180000  }
0x81: {  	[bflag:$0x0] =	sbarrier.arrive $0xFFFF  }
0x82: {  	p0 =	sne.s32 s0, $0x0;
	_ =	strace $0x90000050  }
0x83: {  	s0 =	sadd.s32 @!p0 $0x100000, s1;
	[bflag:$0x2] =	sbarrier.arrive $0xFFFF  }
0x84: {  	[sflag:s0] =	ssyncadd.tile.s32 @!p0 $0x1;
	_ =	shalt  }
.Lfunc_end2:
_tile_overlayer_lowered:
.L_overlay_start_2:
0x85: {  	(tag) =	ssettag $0x2  }
0x86: {  	s0 =	rddreg [dreg:$0x0];
	s2 =	stileid.u32  }
0x87: {  	s1 =	rddreg [dreg:$0x1];
	p0 =	sne.s32 s2, $0x0  }
0x88: {  	s3 =	rddreg [dreg:$0x2];
	[bflag:$0x3] =	sbarrier.arrive $0xFFFF;
	s2 =	simm.s32 @!p0 $0x1C02  }
0x89: {  	[timem:s3], [sflag:s2] =	dma.local @!p0 [hbm:s0], s1  }
0x8a: {  	s0 =	simm.s32 @!p0 $0x2  }
0x8b: {  	_ =	swait.ge @!p0 [sflag:s0], s1  }
0x8c: {  	s1 =	ssub.s32 @!p0 $0x0, s1;
	[sflag:s0] =	ssyncset.done @!p0 $0x0  }
0x8d: {  	[sflag:s0] =	ssyncadd.s32 @!p0 s1  }
0x8e: {  	[bflag:$0x3] =	sbarrier.arrive $0xFFFF  }
0x8f: {  	_ =	shalt  }

// kernel: sparse-core-data-format-call.cloned.1.call-start
scs
called_computation_lowered:
.L_overlay_start_0:
0x0: {  	s1 =	sld [smem:$0x3FD9]  }
0x1: {  	s2 =	sld [smem:$0x3FFE];
	_ =	sdelay $0x1  }
0x2: {  	s3 =	srdreg.scid  }
0x3: {  	s0 =	sand.u32 $0x1, s3  }
0x4: {  	s17 =	sshll.u32 s0, $0xA;
	s1 =	sadd.s32 s2, s1  }
0x5: {  	s1 =	sadd.s32 s1, s17  }
0x6: {  	[smem:$0x3FB6] =	sst s1  }
0x7: {  	_ = 	snop  }
0x8: {  	(tm) =	ssettm $0x1  }
0x9: {  	s18 =	sld [smem:$0x3FFB];
	_ =	sdelay $0x3  }
0xa: {  	_ =	strace s18  }
0xb: {  	s1 =	sld [smem:$0x3FFC];
	_ =	sdelay $0x3  }
0xc: {  	_ =	strace s1  }
0xd: {  	s1 =	sld [smem:$0x3FFD];
	_ =	sdelay $0x3  }
0xe: {  	_ =	strace s1  }
0xf: {  	_ =	strace $0x8FFFFFFF  }
0x10: {  	s19 =	sld [smem:$0x3FDB];
	_ =	sdelay $0x1  }
0x11: {  	s20 =	simm.s32 $_scs_section_size  }
0x12: {  	s4 =	simm.s32 $_size__tile_overlayer_lowered;
	s5 =	simm.s32 $_tile_overlayer_lowered  }
0x13: {  	s23 =	simm.s32 $0x1BFF;
	s22 =	sshll.u32 s5, $0x1;
	s1 =	sadd.s32 s20, s19  }
0x14: {  	s6 =	simm.s32 $0x0;
	s21 =	sshll.u32 s4, $0x1;
	s4 =	sadd.s32 s22, s1  }
0x15: {  	[timem:s6], [sflag:s23] =	dma.local [hbm:s4], s21  }
0x16: {  	_ =	swait.ge [sflag:s23], s21  }
0x17: {  	s2 =	ssub.s32 $0x0, s21;
	[sflag:s23] =	ssyncset.done $0x0  }
0x18: {  	[sflag:s23] =	ssyncadd.s32 s2;
	_ =	sdelay $0x1  }
0x19: {  	s24 =	simm.s32 $0x1B8B  }
0x1a: {  	_ =	swait.ge [sflag:s24], $0x1  }
0x1b: {  	[sflag:s24] =	ssyncset.done $0x0  }
0x1c: {  	s26 =	simm.s32 $0x1B8E;
	s25 =	sld [smem:$0x3FFE];
	[sflag:s24] =	ssyncadd.s32 $0xFFFFFFFF  }
0x1d: {  	s27 =	simm.s32 $execute0_lowered;
	[smem:$0x3FD2] =	sst s26  }
0x1e: {  	s4 =	sshll.u32 s27, $0x1;
	_ =	strace $0x80000052;
	[dreg:$0x1] =	wrdreg $0xFFFFFFFF  }
0x1f: {  	s28 =	simm.s32 $_size_execute0_lowered;
	s1 =	sadd.s32 s1, s4;
	[dreg:$0x0] =	wrdreg $0x0  }
0x20: {  	s4 =	sshll.u32 s28, $0x1;
	[dreg:$0x2] =	wrdreg s1  }
0x21: {  	[dreg:$0x3] =	wrdreg s4  }
0x22: {  	[dreg:$0x4] =	wrdreg $0xC0  }
0x23: {  	_ =	task [dreg:s6], $0x5FFFF  }
0x24: {  	[dreg:$0x1] =	wrdreg $0xFFFFFFFF  }
0x25: {  	[dreg:$0x0] =	wrdreg $0x60  }
0x26: {  	[dreg:$0x2] =	wrdreg s25  }
0x27: {  	[dreg:$0x3] =	wrdreg $0x9  }
0x28: {  	_ =	task.clear_ibuf [dreg:s6], $0x4FFFF;
	_ =	strace $0x90000052  }
0x29: {  	s29 =	simm.s32 $0x9;
	_ =	strace $0x80000054  }
0x2a: {  	_ =	swait.ge [sflag:s29], $0x1  }
0x2b: {  	[sflag:s29] =	ssyncadd.s32 $0xFFFFFFFF  }
0x2c: {  	_ =	strace $0x90000054  }
0x2d: {  	_ =	sfence  }
0x2e: {  	s30 =	sld [smem:$0x0];
	_ =	sdelay $0x2  }
0x2f: {  	s31 =	sshll.u32 s3, $0xD;
	s3 =	sshrl.u32 s3, $0x2  }
0x30: {  	s2 =	sand.u32 $0x4000, s31;
	s1 =	sadd.s32 s3, s30  }
0x31: {  	s0 =	sor.u32 s2, s0;
	s1 =	sshll.u32 s1, $0x11  }
0x32: {  	s0 =	sor.u32 s1, s0  }
0x33: {  	s0 =	sadd.s32 $0x8F2B, s0  }
0x34: {  	[sflag:s0] =	ssyncadd.remote.s32 $0x1  }
0x35: {  	_ =	sfence.sel $0xFFFF  }
0x36: {  	[dreg:$0x0] =	wrdreg $0xFFFFFFFF;
	(pc) =	sbr.abs _section_cstart, $3  }
0x37: {  	[dreg:$0x1] =	wrdreg $0xFFFFFFFF  }
0x38: {  	_ =	task.clear_ibuf [dreg:s6], $0x2FFFF;
	_ =	strace $0x9FFFFFFF  }
0x39: {  	(tm) =	ssettm $0x7FFFFFFF  }
tec
execute0_lowered:
.L_overlay_start_1:
0x0: {  	(tag) =	ssettag $0x1  }
0x1: {  	s0 =	stileid.u32;
	s1 =	srdreg.scid  }
0x2: {  	s4 =	rddreg [dreg:$0x0];
	s7 =	simm.s32 $0x1;
	s31 =	simm.s32 $0x2  }
0x3: {  	s14 =	simm.s32 $0x0;
	s2 =	sshll.u32 s0, $0x5;
	s1 =	sshll.u32 s1, $0x9  }
0x4: {  	s9 =	simm.s32 $0x800;
	s15 =	simm.s32 $0x0;
	s1 =	sor.u32 s2, s1  }
0x5: {  	s16 =	simm.s32 $0x0;
	s10 =	simm.s32 $0x0;
	s2 =	sand.u32 $0x380, s1  }
0x6: {  	s13 =	simm.s32 $0x0;
	s3 =	sadd.s32 $0x7C800, s4;
	s5 =	ssub.s32 $0x800, s2  }
0x7: {  	s4 =	sadd.s32 $0x17C800, s4;
	s1 =	rddreg [dreg:$0x1];
	s6 =	sand.u32 $0x380, s5  }
.Ltmp0:
0x8: {  	_ =	strace $0x80000053;
	p0 =	sne.s32 s6, $0x0;
	(pc) =	sbr.rel .LBB1_1-.Ltmp0, $4  }
0x9: {  	s11 =	smov.u32 s2;
	s8 =	sshrl.u32 s5, $0xA;
	s7 =	simm.s32 @!p0 $0x0  }
0xa: {  	s5 =	sand.u32 $0x3, s0;
	s6 =	simm.s32 $0x1;
	s7 =	sadd.s32 s7, s8  }
0xb: {  	s12 =	smov.u32 s5;
	[sflag:s6] =	ssyncpa.u1 $0x0;
	s7 =	sshll.u32 s7, $0x3  }
0xc: {  	p0 =	por $0x0, $0x0;
	[sflag:s31] =	ssyncpa.u1 $0x0;
	s8 =	sor.u32 $0x1, s7  }
.LBB1_4:
0xd: {  	v5 =	vld [tilespmem:s20+$0xFFFFFFD0];
	[tilespmem:s19+$0x2040 ss:$0x81] =	vst.msk $0xffff, v1  }
0xe: {  	v58 =	vld [tilespmem:s20+$0xFFFFFFE0];
	[tilespmem:s19+$0x2850 ss:$0x81] =	vst.msk $0xffff, v2  }
0xf: {  	s21 =	sshra.s32 s21, $0x2;
	v59 =	vld [tilespmem:s20+$0xFFFFFFF0];
	[tilespmem:s19+$0x3060 ss:$0x81] =	vst.msk $0xffff, v3  }
0x10: {  	v60 =	vld [tilespmem:s20+$0x0];
	[tilespmem:s19+$0x0 ss:$0x81] =	vst.msk $0xffff, v0;
	s18 =	sadd.s32 s21, s18  }
0x11: {  	v61 =	vld [tilespmem:s20+$0x10];
	[tilespmem:s18+$0x3870 ss:$0x81] =	vst.msk $0xffff, v4  }
0x12: {  	v62 =	vld [tilespmem:s20+$0x20];
	[tilespmem:s18+$0x810 ss:$0x81] =	vst.msk $0xffff, v5  }
0x13: {  	v63 =	vld [tilespmem:s20+$0xFFFFFFC0];
	[tilespmem:s18+$0x1020 ss:$0x81] =	vst.msk $0xffff, v58  }
0x14: {  	[tilespmem:s18+$0x1830 ss:$0x81] =	vst.msk $0xffff, v59  }
0x15: {  	s16 =	sshll.u32 s16, $0x12;
	s14 =	sshll.u32 s14, $0x8;
	[tilespmem:s18+$0x2040 ss:$0x81] =	vst.msk $0xffff, v60  }
0x16: {  	s30 =	sshrl.u32 s15, $0x3;
	s31 =	sand.u32 $0x7, s15;
	s16 =	sadd.s32 s4, s16;
	[tilespmem:s18+$0x2850 ss:$0x81] =	vst.msk $0xffff, v61  }
0x17: {  	s19 =	sand.u32 $0xFF, s30;
	s15 =	sshll.u32 s31, $0x12;
	s14 =	sadd.s32 s14, s16;
	[tilespmem:s18+$0x3060 ss:$0x81] =	vst.msk $0xffff, v62  }
0x18: {  	s15 =	sor.u32 $0x80, s15;
	s14 =	sadd.s32 s19, s14;
	[tilespmem:s18+$0x0 ss:$0x81] =	vst.msk $0xffff, v63  }
0x19: {  	[hbm4b:s14+s15] =	stream.strided.scatter [tilespmem:s17], [sflag:$0x2], $0x4000, s9, s15, $0x20;
	[tilespmem:$0x10100] =	vst v63  }
.LBB1_5:
0x1a: {  	s17 =	sadd.s32 $0x80, s10  }
0x1b: {  	s14 =	sadd.s32 $0x400, s11;
	s18 =	smov.u32 s11;
	p2 =	sgt.s32 s17, $0x3FF  }
0x1c: {  	s18 =	smov.u32 @p2 s14  }
0x1d: {  	s20 =	smov.u32 s12;
	s14 =	sadd.s32 $0x4, s12;
	p3 =	sgt.s32 s18, $0x7FF  }
0x1e: {  	s20 =	smov.u32 @p3 s14  }
0x1f: {  	s17 =	simm.s32 @p2 $0x0;
	p2 =	sgt.s32 s20, $0x3  }
0x20: {  	p1 =	slt.u32 s13, $0x2;
	s20 =	smov.u32 @p2 s5;
	p2 =	sne.s32 s13, s8  }
.Ltmp1:
0x21: {  	s19 =	simm.s32 @!p1 $0x2;
	(pc) =	sbr.rel @!p2 .LBB1_6-.Ltmp1, $4  }
0x22: {  	s15 =	smov.u32 s11;
	s16 =	smov.u32 s12;
	_ =	swait.ge @!p1 [sflag:s19], $0x4000  }
0x23: {  	p0 =	por !p0, !p0;
	[sflag:s19] =	ssyncset.done @!p1 $0x0;
	s18 =	smov.u32 @p3 s2  }
0x24: {  	s14 =	smov.u32 s10;
	[sflag:s19] =	ssyncadd.s32 @!p1 $0xFFFFC000;
	s10 =	smov.u32 s17  }
0x25: {  	s11 =	smov.u32 s18;
	s13 =	sadd.s32 $0x1, s13;
	s12 =	smov.u32 s20  }
.LBB1_1:
0x26: {  	p1 =	sge.u32 s13, s7  }
0x27: {  	s31 =	sadd.s32 $0xFFFFFFFF, s13;
	s17 =	sshll.u32 @!p1 s11, $0x7  }
0x28: {  	s18 =	sxor.u32 @!p1 $0xFFFFFFFF, s13;
	s19 =	sand.u32 @!p1 $0x78, s10;
	s20 =	sand.u32 @!p1 $0x380, s17  }
0x29: {  	s18 =	sshll.u32 @!p1 s18, $0xE;
	s19 =	sor.u32 @!p1 s19, s20;
	s20 =	sshll.u32 @!p1 s12, $0x12  }
0x2a: {  	s17 =	sand.u32 @!p1 $0x3FC00, s17;
	s19 =	sshrl.u32 @!p1 s19, $0x3;
	s20 =	sadd.s32 @!p1 s3, s20  }
0x2b: {  	s17 =	sadd.s32 @!p1 s10, s17;
	s19 =	sadd.s32 @!p1 s19, s20;
	s20 =	sand.u32 @!p1 $0x7, s10  }
0x2c: {  	s18 =	sand.u32 @!p1 $0x4000, s18;
	s17 =	sand.u32 @!p1 $0x3FF80, s17;
	s20 =	sshll.u32 @!p1 s20, $0x12  }
0x2d: {  	s17 =	sadd.s32 @!p1 s17, s19;
	s19 =	sor.u32 @!p1 $0x400, s20;
	s20 =	simm.s32 @!p1 $0x2000  }
0x2e: {  	[tilespmem:s18], [sflag:$0x1] =	stream.strided.gather @!p1 [hbm4b:s17+s19], $0x4000, s20, s19, $0x38;
	[tilespmem:$0x10100] =	vst v63  }
0x2f: {  	p1 =	sge.u32 s31, s7  }
.Ltmp2:
0x30: {  	_ = 	snop;
	(pc) =	sbr.rel @p1 .LBB1_5-.Ltmp2, $1  }
0x31: {  	_ =	sdelay $0x3  }
0x32: {  	s17 =	simm.s32 $0x1  }
0x33: {  	_ =	swait.ge [sflag:s6], $0x4000;
	s17 =	simm.s32 @!p0 $0x0  }
0x34: {  	[sflag:s6] =	ssyncset.done $0x0;
	s18 =	sshll.u32 s17, $0xE  }
0x35: {  	[sflag:s6] =	ssyncadd.s32 $0xFFFFC000;
	s20 =	sor.u32 $0x40, s18  }
0x36: {  	s17 =	smul.u32 $0x10200, s17;
	v0 =	vld [tilespmem:s20+$0x30]  }
0x37: {  	v3 =	vld [tilespmem:s20+$0xFFFFFFD0]  }
0x38: {  	s17 =	sshrl.u32 s17, $0x2;
	v4 =	vld [tilespmem:s20+$0xFFFFFFE0]  }
0x39: {  	v5 =	vld [tilespmem:s20+$0xFFFFFFF0];
	s18 =	sor.u32 $0x8000, s17  }
0x3a: {  	s31 =	sand.u32 $0x1, s13;
	v1 =	vld [tilespmem:s20+$0x0];
	s19 =	sadd.s32 $0x0, s18  }
0x3b: {  	v2 =	vld [tilespmem:s20+$0x10];
	s17 =	smul.u32 $0x10200, s31;
	[tilespmem:s19+$0x3870 ss:$0x81] =	vst.msk $0xffff, v0  }
0x3c: {  	[tilespmem:s19+$0x810 ss:$0x81] =	vst.msk $0xffff, v3;
	v3 =	vld [tilespmem:s20+$0x20]  }
0x3d: {  	s17 =	sshrl.u32 s17, $0x2;
	v0 =	vld [tilespmem:s20+$0xFFFFFFC0];
	[tilespmem:s19+$0x1020 ss:$0x81] =	vst.msk $0xffff, v4;
	s20 =	sadd.s32 $0x80, s20  }
0x3e: {  	s21 =	simm.s32 $0x4;
	s22 =	simm.s32 $0x8;
	s17 =	sor.u32 $0x8000, s17;
	[tilespmem:s19+$0x1830 ss:$0x81] =	vst.msk $0xffff, v5;
	v4 =	vld [tilespmem:s20+$0x30]  }
.LBB1_3:
0x3f: {  	p1 =	sne.s32 s22, $0x1FC;
	v5 =	vld [tilespmem:s20+$0xFFFFFFD0];
	[tilespmem:s19+$0x2040 ss:$0x81] =	vst.msk $0xffff, v1  }
0x40: {  	v6 =	vld [tilespmem:s20+$0xFFFFFFE0];
	[tilespmem:s19+$0x2850 ss:$0x81] =	vst.msk $0xffff, v2  }
0x41: {  	s23 =	sshra.s32 s21, $0x2;
	s21 =	smov.u32 s22;
	v7 =	vld [tilespmem:s20+$0xFFFFFFF0];
	[tilespmem:s19+$0x3060 ss:$0x81] =	vst.msk $0xffff, v3  }
.Ltmp3:
0x42: {  	v1 =	vld [tilespmem:s20+$0x0];
	[tilespmem:s19+$0x0 ss:$0x81] =	vst.msk $0xffff, v0;
	s19 =	sadd.s32 s23, s18;
	(pc) =	sbr.rel @p1 .LBB1_3-.Ltmp3, $4  }
0x43: {  	v2 =	vld [tilespmem:s20+$0x10];
	[tilespmem:s19+$0x3870 ss:$0x81] =	vst.msk $0xffff, v4  }
0x44: {  	[tilespmem:s19+$0x810 ss:$0x81] =	vst.msk $0xffff, v5;
	v3 =	vld [tilespmem:s20+$0x20]  }
0x45: {  	v0 =	vld [tilespmem:s20+$0xFFFFFFC0];
	[tilespmem:s19+$0x1020 ss:$0x81] =	vst.msk $0xffff, v6;
	s20 =	sadd.s32 $0x80, s20  }
0x46: {  	s22 =	sadd.s32 $0x4, s22;
	v4 =	vld [tilespmem:s20+$0x30];
	[tilespmem:s19+$0x1830 ss:$0x81] =	vst.msk $0xffff, v7  }
.Ltmp4:
0x47: {  	_ = 	snop;
	(pc) =	sbr.rel .LBB1_4-.Ltmp4, $1  }
0x48: {  	_ =	sdelay $0x3  }
.LBB1_6:
0x49: {  	_ =	sfence.sel $0x180000  }
0x4a: {  	s2 =	simm.s32 $0x1;
	[bflag:$0x0] =	sbarrier.arrive $0xFFFF  }
0x4b: {  	s31 =	simm.s32 $0x2;
	[sflag:s2] =	ssyncpa.u1 $0x1  }
0x4c: {  	[sflag:s31] =	ssyncpa.u1 $0x1  }
0x4d: {  	p0 =	sne.s32 s0, $0x0;
	_ =	strace $0x90000053  }
0x4e: {  	s0 =	sadd.s32 @!p0 $0x100000, s1;
	[bflag:$0x2] =	sbarrier.arrive $0xFFFF  }
0x4f: {  	[sflag:s0] =	ssyncadd.tile.s32 @!p0 $0x1;
	_ =	shalt  }
.Lfunc_end1:
_tile_overlayer_lowered:
.L_overlay_start_2:
0x50: {  	(tag) =	ssettag $0x2  }
0x51: {  	s0 =	rddreg [dreg:$0x0];
	s2 =	stileid.u32  }
0x52: {  	s1 =	rddreg [dreg:$0x1];
	p0 =	sne.s32 s2, $0x0  }
0x53: {  	s3 =	rddreg [dreg:$0x2];
	[bflag:$0x3] =	sbarrier.arrive $0xFFFF;
	s2 =	simm.s32 @!p0 $0x1C01  }
0x54: {  	[timem:s3], [sflag:s2] =	dma.local @!p0 [hbm:s0], s1  }
0x55: {  	s0 =	simm.s32 @!p0 $0x1  }
0x56: {  	_ =	swait.ge @!p0 [sflag:s0], s1  }
0x57: {  	s1 =	ssub.s32 @!p0 $0x0, s1;
	[sflag:s0] =	ssyncset.done @!p0 $0x0  }
0x58: {  	[sflag:s0] =	ssyncadd.s32 @!p0 s1  }
0x59: {  	[bflag:$0x3] =	sbarrier.arrive $0xFFFF  }
0x5a: {  	_ =	shalt  }

</sc_bundles>
